<compile_context>
chip_gen: v7x
topology: tpu7x:2x2x1
jax: 0.10.2.dev20260603
libtpu: 0.0.44.dev20260713+nightly
codegen_flags: <defaults>
</compile_context>

<pallas_src>
import functools

import jax
import jax.numpy as jnp
from jax import lax
from jax.experimental import pallas as pl
from jax.experimental.pallas import tpu as pltpu
from jax.experimental.pallas import tpu_sc as plsc

_NC = 2
_NS = 16
_NW = _NC * _NS



def _make_deg(E, NP):
    EC = E // _NW
    K = 80
    STEPS = EC // K
    NPS = NP // _NS
    mesh = plsc.VectorSubcoreMesh(core_axis_name="c", subcore_axis_name="s")

    @functools.partial(
        pl.kernel,
        out_type=jax.ShapeDtypeStruct((_NC, 1, NP), jnp.float32),
        mesh=mesh,
        scratch_types=[
            pltpu.VMEM((K,), jnp.int32),
            pltpu.VMEM((K,), jnp.float32),
            pltpu.VMEM((NPS,), jnp.float32),
            pltpu.VMEM_SHARED((NP,), jnp.float32),
        ],
    )
    def k(dst_hbm, deg_out, idv, onesv, dbuf, acc):
        c = lax.axis_index("c")
        s = lax.axis_index("s")
        wid = s * _NC + c

        for j in range(K // 16):
            onesv[pl.ds(j * 16, 16)] = jnp.ones((16,), jnp.float32)

        def zero(i, carry):
            dbuf[pl.ds(i * 16, 16)] = jnp.zeros((16,), jnp.float32)
            return carry
        lax.fori_loop(0, NPS // 16, zero, 0)
        pltpu.sync_copy(dbuf, acc.at[pl.ds(s * NPS, NPS)])
        plsc.subcore_barrier()

        def body(i, carry):
            off = wid * EC + i * K
            pltpu.sync_copy(dst_hbm.at[pl.ds(off, K)], idv)
            pltpu.sync_copy(onesv, acc.at[idv], add=True)
            return carry
        lax.fori_loop(0, STEPS, body, 0)

        plsc.subcore_barrier()
        pltpu.sync_copy(acc.at[pl.ds(s * NPS, NPS)], dbuf)
        pltpu.sync_copy(dbuf, deg_out.at[c, 0, pl.ds(s * NPS, NPS)])

    return k


def _make_spmm(E, NV2, F):
    EC = E // _NW
    K = 80
    STEPS = EC // K
    RPT = NV2 // _NS
    DR = 128
    mesh = plsc.VectorSubcoreMesh(core_axis_name="c", subcore_axis_name="s")

    @functools.partial(
        pl.kernel,
        out_type=jax.ShapeDtypeStruct((_NC, NV2, F), jnp.float32),
        mesh=mesh,
        scratch_types=[
            pltpu.VMEM((K,), jnp.int32),
            pltpu.VMEM((K,), jnp.int32),
            pltpu.VMEM((K,), jnp.int32),
            pltpu.VMEM((K,), jnp.int32),
            pltpu.VMEM((K, F), jnp.float32),
            pltpu.VMEM((DR, F), jnp.float32),
            pltpu.VMEM_SHARED((NV2, F), jnp.float32),
            pltpu.SemaphoreType.DMA,
        ],
    )
    def k(m_hbm, src_hbm, dst_hbm, out_hbm, isv0, isv1, idv0, idv1,
          rows, dbuf, acc, sem):
        c = lax.axis_index("c")
        s = lax.axis_index("s")
        wid = s * _NC + c

        def zero(i, carry):
            r = i // (F // 16)
            j = i - r * (F // 16)
            dbuf[r, pl.ds(j * 16, 16)] = jnp.zeros((16,), jnp.float32)
            return carry
        lax.fori_loop(0, DR * (F // 16), zero, 0)

        r0 = s * RPT
        for b in range(RPT // DR):
            pltpu.sync_copy(dbuf, acc.at[pl.ds(r0 + b * DR, DR)])
        plsc.subcore_barrier()

        eb = wid * EC

        pltpu.sync_copy(src_hbm.at[pl.ds(eb, K)], isv0)

        def nxt(i):
            return eb + lax.min(i, STEPS - 1) * K

        def step2(g, carry):
            i = 2 * g
            d = pltpu.async_copy(m_hbm.at[isv0], rows, sem)
            pltpu.sync_copy(dst_hbm.at[pl.ds(eb + i * K, K)], idv0)
            pltpu.sync_copy(src_hbm.at[pl.ds(nxt(i + 1), K)], isv1)
            d.wait()
            pltpu.sync_copy(rows, acc.at[idv0], add=True)
            d = pltpu.async_copy(m_hbm.at[isv1], rows, sem)
            pltpu.sync_copy(dst_hbm.at[pl.ds(eb + (i + 1) * K, K)], idv1)
            pltpu.sync_copy(src_hbm.at[pl.ds(nxt(i + 2), K)], isv0)
            d.wait()
            pltpu.sync_copy(rows, acc.at[idv1], add=True)
            return carry
        lax.fori_loop(0, STEPS // 2, step2, 0)

        d = pltpu.async_copy(m_hbm.at[isv0], rows, sem)
        pltpu.sync_copy(dst_hbm.at[pl.ds(eb + (STEPS - 1) * K, K)], idv0)
        d.wait()
        pltpu.sync_copy(rows, acc.at[idv0], add=True)

        plsc.subcore_barrier()
        for b in range(RPT // DR):
            rr = r0 + b * DR
            pltpu.sync_copy(acc.at[pl.ds(rr, DR)], dbuf)
            pltpu.sync_copy(dbuf, out_hbm.at[c, pl.ds(rr, DR)])

    return k



def _rsqrt_body(d0_ref, d1_ref, o_ref):
    o_ref[...] = 1.0 / jnp.sqrt(d0_ref[...] + d1_ref[...] + 1.0)


def _dinv_tc(deg0, deg1):
    return pl.pallas_call(
        _rsqrt_body,
        out_shape=jax.ShapeDtypeStruct(deg0.shape, jnp.float32),
    )(deg0, deg1)


def _mm1_body(x_ref, dv_ref, w_ref, we_ref, be_ref, m_ref, re_ref):
    xb = x_ref[...]
    m_ref[...] = jnp.dot(xb, w_ref[...],
                         preferred_element_type=jnp.float32) * dv_ref[...]
    re_ref[...] = jnp.maximum(
        jnp.dot(xb, we_ref[...], preferred_element_type=jnp.float32)
        + be_ref[...], 0.0)


def _mm1_tc(x, dinv_b, W, We, be_r):
    N, F = x.shape
    R = 1000
    grid = (N // R,)
    blk = pl.BlockSpec((R, F), lambda i: (i, 0))
    wblk = pl.BlockSpec((F, F), lambda i: (0, 0))
    return pl.pallas_call(
        _mm1_body,
        grid=grid,
        in_specs=[blk, blk, wblk, wblk, pl.BlockSpec((1, F), lambda i: (0, 0))],
        out_specs=[blk, blk],
        out_shape=[jax.ShapeDtypeStruct((N, F), jnp.float32)] * 2,
    )(x, dinv_b, W, We, be_r)


def _comb_body(a0_ref, a1_ref, m_ref, re_ref, dv_ref, b_ref, w2_ref,
               h_ref, m2_ref):
    dv = dv_ref[...]
    s = (a0_ref[0] + a1_ref[0] + m_ref[...]) * dv + b_ref[...]
    h = jnp.maximum(s, 0.0) + re_ref[...]
    h_ref[...] = h
    m2_ref[...] = jnp.dot(h, w2_ref[...],
                          preferred_element_type=jnp.float32) * dv


def _comb_tc(acc, m, re, dinv_b, b_r, W2):
    N, F = m.shape
    R = 1000
    blk = pl.BlockSpec((R, F), lambda i: (i, 0))
    ablk0 = pl.BlockSpec((1, R, F), lambda i: (0, i, 0))
    ablk1 = pl.BlockSpec((1, R, F), lambda i: (1, i, 0))
    return pl.pallas_call(
        _comb_body,
        grid=(N // R,),
        in_specs=[ablk0, ablk1, blk, blk, blk,
                  pl.BlockSpec((1, F), lambda i: (0, 0)),
                  pl.BlockSpec((F, F), lambda i: (0, 0))],
        out_specs=[blk, blk],
        out_shape=[jax.ShapeDtypeStruct((N, F), jnp.float32)] * 2,
    )(acc, acc, m, re, dinv_b, b_r, W2)


def _final_body(a0_ref, a1_ref, m2_ref, h_ref, b2_ref,
                a0s_ref, a1s_ref, m2s_ref, hs_ref, b2s_ref,
                dv_ref, batch_ref, wf_ref, bf_ref, o_ref,
                seg_ref, cnt_ref):
    i = pl.program_id(0)
    n = pl.num_programs(0)
    G = seg_ref.shape[0]
    R = h_ref.shape[0]

    @pl.when(i == 0)
    def _():
        seg_ref[...] = jnp.zeros_like(seg_ref)
        cnt_ref[...] = jnp.zeros_like(cnt_ref)

    dv = dv_ref[...]
    h2 = jnp.maximum((a0_ref[0] + a1_ref[0] + m2_ref[...]) * dv
                     + b2_ref[...], 0.0) + h_ref[...]
    h2s = jnp.maximum((a0s_ref[0] + a1s_ref[0] + m2s_ref[...]) * dv
                      + b2s_ref[...], 0.0) + hs_ref[...]
    ht = h2 + h2s

    b = batch_ref[0]
    gid = lax.broadcasted_iota(jnp.int32, (G, R), 0)
    oh = (gid == jnp.broadcast_to(b, (G, R))).astype(jnp.float32)
    seg_ref[...] += jnp.dot(oh, ht, preferred_element_type=jnp.float32,
                         precision=lax.Precision.HIGHEST)
    cnt_ref[...] += jnp.broadcast_to(
        jnp.sum(oh, axis=1, keepdims=True), cnt_ref.shape)

    @pl.when(i == n - 1)
    def _():
        pooled = seg_ref[...] / jnp.maximum(cnt_ref[...], 1.0)
        pooled = pooled.astype(jnp.bfloat16).astype(jnp.float32)
        wf = wf_ref[...].astype(jnp.bfloat16).astype(jnp.float32)
        pred = jnp.sum(pooled * wf, axis=1, keepdims=True)
        o_ref[...] = pred + bf_ref[0, 0]


def _final_tc(acc2, m2, h, b2_r, acc2s, m2s, hs, b2s_r,
              dinv_b, batch3, wf_r, bf_b, G):
    N, F = h.shape
    R = 1000
    blk = pl.BlockSpec((R, F), lambda i: (i, 0))
    cblk = pl.BlockSpec((1, F), lambda i: (0, 0))
    ablk0 = pl.BlockSpec((1, R, F), lambda i: (0, i, 0))
    ablk1 = pl.BlockSpec((1, R, F), lambda i: (1, i, 0))
    return pl.pallas_call(
        _final_body,
        grid=(N // R,),
        in_specs=[ablk0, ablk1, blk, blk, cblk,
                  ablk0, ablk1, blk, blk, cblk,
                  blk,
                  pl.BlockSpec((1, 1, R), lambda i: (i, 0, 0)),
                  cblk, cblk],
        out_specs=pl.BlockSpec((G, 1), lambda i: (0, 0)),
        out_shape=jax.ShapeDtypeStruct((G, 1), jnp.float32),
        scratch_shapes=[pltpu.VMEM((G, F), jnp.float32),
                        pltpu.VMEM((G, F), jnp.float32)],
    )(acc2, acc2, m2, h, b2_r, acc2s, acc2s, m2s, hs, b2s_r, dinv_b, batch3,
      wf_r, bf_b)



def kernel(x, x_SC, edge_index, edge_weight, batch,
           W1, b1, W2, b2, We, be,
           W1s, b1s, W2s, b2s, Wes, bes,
           Wf, bf):
    N, F = x.shape
    E = edge_index.shape[1]
    G = 64
    NP = 10240

    src = edge_index[0].astype(jnp.int32)
    dst = edge_index[1].astype(jnp.int32)

    deg3 = _make_deg(E, NP)(dst)
    dinv80 = _dinv_tc(deg3[0, 0].reshape(NP // F, F),
                      deg3[1, 0].reshape(NP // F, F))
    dinv_b = jnp.broadcast_to(
        dinv80.reshape(NP)[:N][:, None], (N, F))

    spmm = _make_spmm(E, NP, F)

    m1, re1 = _mm1_tc(x, dinv_b, W1, We, be.reshape(1, F))
    m1s, re1s = _mm1_tc(x_SC, dinv_b, W1s, Wes, bes.reshape(1, F))

    acc1 = spmm(m1, src, dst)
    acc1s = spmm(m1s, src, dst)

    h1, m2 = _comb_tc(acc1, m1, re1, dinv_b, b1.reshape(1, F), W2)
    h1s, m2s = _comb_tc(acc1s, m1s, re1s, dinv_b, b1s.reshape(1, F), W2s)

    acc2 = spmm(m2, src, dst)
    acc2s = spmm(m2s, src, dst)

    batch3 = batch.astype(jnp.int32).reshape(N // 1000, 1, 1000)
    out = _final_tc(acc2, m2, h1, b2.reshape(1, F),
                    acc2s, m2s, h1s, b2s.reshape(1, F),
                    dinv_b, batch3, Wf.reshape(1, F),
                    jnp.broadcast_to(bf.reshape(1, 1), (1, F)), G)
    return out

# --- scband reference (transcript-rebuilt; emitter-appended) ---
"""Pipeline reference for scband-gin-pyg-43997644981011 (READ-ONLY COPY).

The authoritative reference and input builder live on the scoring server;
editing this copy changes nothing except your own understanding.
"""

import jax, jax.numpy as jnp
import numpy as np

N = 10000
E = 320000
D = 128
H = 128
G = 64


def gcn_conv(x, edge_index, W, b, num_nodes):
    # PyG GCNConv with add_self_loops=True, normalize=True
    src = edge_index[0]
    dst = edge_index[1]
    loop = jnp.arange(num_nodes, dtype=src.dtype)
    src = jnp.concatenate([src, loop])
    dst = jnp.concatenate([dst, loop])
    ones = jnp.ones(src.shape[0], dtype=x.dtype)
    deg = jnp.zeros((num_nodes,), x.dtype).at[dst].add(ones)
    dinv = jnp.where(deg > 0, 1.0 / jnp.sqrt(deg), 0.0)
    norm = dinv[src] * dinv[dst]
    h = x @ W
    msg = h[src] * norm[:, None]
    out = jnp.zeros((num_nodes, W.shape[1]), x.dtype).at[dst].add(msg)
    return out + b


def setup_inputs(seed: int = 0) -> dict:
    key = jax.random.key(seed)
    ks = jax.random.split(key, 24)
    x = jax.random.normal(ks[0], (N, D), dtype=jnp.float32)
    x_SC = jax.random.normal(ks[1], (N, D), dtype=jnp.float32)
    edge_index = jax.random.randint(ks[2], (2, E), 0, N, dtype=jnp.int64)
    edge_weight = jax.random.uniform(ks[3], (E,), dtype=jnp.float32)
    batch = jnp.sort(jax.random.randint(ks[4], (N,), 0, G, dtype=jnp.int64))
    s = 0.05
    W1 = s * jax.random.normal(ks[5], (D, H), dtype=jnp.float32)
    b1 = jnp.zeros((H,), jnp.float32)
    W2 = s * jax.random.normal(ks[6], (H, H), dtype=jnp.float32)
    b2 = jnp.zeros((H,), jnp.float32)
    We = s * jax.random.normal(ks[7], (D, H), dtype=jnp.float32)
    be = jnp.zeros((H,), jnp.float32)
    W1s = s * jax.random.normal(ks[8], (D, H), dtype=jnp.float32)
    b1s = jnp.zeros((H,), jnp.float32)
    W2s = s * jax.random.normal(ks[9], (H, H), dtype=jnp.float32)
    b2s = jnp.zeros((H,), jnp.float32)
    Wes = s * jax.random.normal(ks[10], (D, H), dtype=jnp.float32)
    bes = jnp.zeros((H,), jnp.float32)
    Wf = s * jax.random.normal(ks[11], (H, 1), dtype=jnp.float32)
    bf = jnp.zeros((1,), jnp.float32)
    return {
        "x": x, "x_SC": x_SC, "edge_index": edge_index, "edge_weight": edge_weight,
        "batch": batch,
        "W1": W1, "b1": b1, "W2": W2, "b2": b2, "We": We, "be": be,
        "W1s": W1s, "b1s": b1s, "W2s": W2s, "b2s": b2s, "Wes": Wes, "bes": bes,
        "Wf": Wf, "bf": bf,
    }


def reference(x, x_SC, edge_index, edge_weight, batch,
              W1, b1, W2, b2, We, be,
              W1s, b1s, W2s, b2s, Wes, bes,
              Wf, bf):
    # edge_weight is unpacked but unused in the original forward (GCNConv called
    # without it); dropout p=0.0 so it is the identity.
    h = jax.nn.relu(gcn_conv(x, edge_index, W1, b1, N)) + jax.nn.relu(x @ We + be)
    h = jax.nn.relu(gcn_conv(h, edge_index, W2, b2, N)) + h
    hs = jax.nn.relu(gcn_conv(x_SC, edge_index, W1s, b1s, N)) + jax.nn.relu(x_SC @ Wes + bes)
    hs = jax.nn.relu(gcn_conv(hs, edge_index, W2s, b2s, N)) + hs
    h = h + hs
    # global_mean_pool
    sums = jnp.zeros((G, H), h.dtype).at[batch].add(h)
    counts = jnp.zeros((G,), h.dtype).at[batch].add(jnp.ones((N,), h.dtype))
    pooled = sums / jnp.maximum(counts, 1.0)[:, None]
    predict = pooled @ Wf + bf
    return predict

if __name__ == "__main__":
    import jax
    _d = setup_inputs()
    print(jax.jit(kernel)(*tuple(_d.values())))

</pallas_src>

<mosaic_0001>
#map = affine_map<(d0, d1) -> (0, 0)>
#map1 = affine_map<(d0, d1) -> (0)>
#map2 = affine_map<(d0, d1) -> (0, 0, 0)>
module attributes {stable_mosaic.version = 14 : i64} {
  func.func @k(%arg0: i32, %arg1: i32, %arg2: memref<10000x128xf32, #tpu.memory_space<hbm>>, %arg3: memref<320000xi32, #tpu.memory_space<hbm>>, %arg4: memref<320000xi32, #tpu.memory_space<hbm>>, %arg5: memref<2x10240x128xf32, #tpu.memory_space<hbm>>, %arg6: memref<80xi32, #tpu.memory_space<vmem>>, %arg7: memref<80xi32, #tpu.memory_space<vmem>>, %arg8: memref<80xi32, #tpu.memory_space<vmem>>, %arg9: memref<80xi32, #tpu.memory_space<vmem>>, %arg10: memref<80x128xf32, #tpu.memory_space<vmem>>, %arg11: memref<128x128xf32, #tpu.memory_space<vmem>>, %arg12: memref<10240x128xf32, #tpu.memory_space<vmem_shared>>, %arg13: memref<!tpu.dma_semaphore, #tpu.memory_space<semaphore_mem>>) attributes {dimension_semantics = [#tpu.dimension_semantics<core_parallel>, #tpu.dimension_semantics<subcore_parallel>], iteration_bounds = array<i64: 2, 16>, scalar_prefetch = 0 : i64, scratch_operands = 8 : i64, tpu.core_type = #tpu.core_type<sc_vector_subcore>, window_params = [{transform_indices = #map}, {transform_indices = #map1}, {transform_indices = #map1}, {transform_indices = #map2}]} {
    %mul3A = arith.constant 2 : i32
    %mul3A_0 = arith.muli %arg1, %mul3A : i32
    %add3A = arith.addi %mul3A_0, %arg0 : i32
    %scan3A = arith.constant 0 : i32
    %scan3A_1 = arith.constant 0 : i32
    %scan3A_2 = arith.constant 1024 : i32
    %scan3A_3 = arith.addi %scan3A_1, %scan3A_2 : i32
    %scan3A_4 = arith.constant 1 : i32
    scf.for %scan3A_43 = %scan3A_1 to %scan3A_3 step %scan3A_4  : i32 {
      %jit3A = arith.constant 8 : i32
      %div3A = arith.divsi %scan3A_43, %jit3A : i32
      %sign3A = arith.constant 0 : i32
      %sign3A_44 = arith.cmpi sgt, %scan3A_43, %sign3A : i32
      %sign3A_45 = arith.extui %sign3A_44 : i1 to i32
      %sign3A_46 = arith.constant 0 : i32
      %sign3A_47 = arith.cmpi slt, %scan3A_43, %sign3A_46 : i32
      %sign3A_48 = arith.extui %sign3A_47 : i1 to i32
      %sign3A_49 = arith.subi %sign3A_45, %sign3A_48 : i32
      %sign3A_50 = arith.constant 0 : i32
      %sign3A_51 = arith.cmpi sgt, %jit3A, %sign3A_50 : i32
      %sign3A_52 = arith.extui %sign3A_51 : i1 to i32
      %sign3A_53 = arith.constant 0 : i32
      %sign3A_54 = arith.cmpi slt, %jit3A, %sign3A_53 : i32
      %sign3A_55 = arith.extui %sign3A_54 : i1 to i32
      %sign3A_56 = arith.subi %sign3A_52, %sign3A_55 : i32
      %ne3A = arith.cmpi ne, %sign3A_49, %sign3A_56 : i32
      %rem3A = arith.remsi %scan3A_43, %jit3A : i32
      %ne3A_57 = arith.constant 0 : i32
      %ne3A_58 = arith.cmpi ne, %rem3A, %ne3A_57 : i32
      %and3A = arith.andi %ne3A, %ne3A_58 : i1
      %sub3A = arith.constant 1 : i32
      %sub3A_59 = arith.subi %div3A, %sub3A : i32
      %select_n3A = arith.select %and3A, %sub3A_59, %div3A : i32
      %mul3A_60 = arith.constant 8 : i32
      %mul3A_61 = arith.muli %select_n3A, %mul3A_60 : i32
      %sub3A_62 = arith.subi %scan3A_43, %mul3A_61 : i32
      %broadcast_in_dim3A = arith.constant 0.000000e+00 : f32
      %broadcast_in_dim3A_63 = vector.broadcast %broadcast_in_dim3A : f32 to vector<16xf32>
      %mul3A_64 = arith.constant 16 : i32
      %mul3A_65 = arith.muli %sub3A_62, %mul3A_64 : i32
      %swap3A = arith.index_cast %select_n3A : i32 to index
      %swap3A_66 = arith.index_cast %mul3A_65 : i32 to index
      %swap3A_67 = tpu.vector_load %arg11[%swap3A, %swap3A_66] {strides = array<i32>} : memref<128x128xf32, #tpu.memory_space<vmem>>, vector<1x16xf32>,
      %swap3A_68 = vector.shape_cast %swap3A_67 : vector<1x16xf32> to vector<16xf32>
      %swap3A_69 = vector.shape_cast %broadcast_in_dim3A_63 : vector<16xf32> to vector<1x16xf32>
      tpu.vector_store %arg11[%swap3A, %swap3A_66], %swap3A_69 {strides = array<i32>} : memref<128x128xf32, #tpu.memory_space<vmem>>, vector<1x16xf32>,
    }
    %scan3A_5 = arith.constant 1024 : i32
    %mul3A_6 = arith.constant 640 : i32
    %mul3A_7 = arith.muli %arg1, %mul3A_6 : i32
    %add3A_8 = arith.constant 0 : i32
    %add3A_9 = arith.addi %mul3A_7, %add3A_8 : i32
    "tpu.region"() ({
      %run_scoped3A = tpu.sem_alloc : memref<!tpu.dma_semaphore, #tpu.memory_space<semaphore_mem>>
      %dma_start3A_43 = arith.constant 0 : i32
      %dma_start3A_44 = tpu.memref_slice %arg12[%add3A_9, %dma_start3A_43] : memref<10240x128xf32, #tpu.memory_space<vmem_shared>> -> memref<128x128xf32, #tpu.memory_space<vmem_shared>>
      %dma_start3A_45 = arith.constant 0 : i32
      %dma_start3A_46 = tpu.memref_slice %arg12[%add3A_9, %dma_start3A_45] : memref<10240x128xf32, #tpu.memory_space<vmem_shared>> -> memref<128x128xf32, #tpu.memory_space<vmem_shared>>
      tpu.enqueue_dma source(%arg11 : memref<128x128xf32, #tpu.memory_space<vmem>>) target(%dma_start3A_46 : memref<128x128xf32, #tpu.memory_space<vmem_shared>>) target_semaphore(%run_scoped3A : memref<!tpu.dma_semaphore, #tpu.memory_space<semaphore_mem>>)
      %dma_wait3A_47 = arith.constant 0 : i32
      %dma_wait3A_48 = tpu.memref_slice %arg12[%add3A_9, %dma_wait3A_47] : memref<10240x128xf32, #tpu.memory_space<vmem_shared>> -> memref<128x128xf32, #tpu.memory_space<vmem_shared>>
      %dma_wait3A_49 = arith.constant 0 : i32
      %dma_wait3A_50 = tpu.memref_slice %arg12[%add3A_9, %dma_wait3A_49] : memref<10240x128xf32, #tpu.memory_space<vmem_shared>> -> memref<128x128xf32, #tpu.memory_space<vmem_shared>>
      tpu.wait_dma2 semaphore(%run_scoped3A : memref<!tpu.dma_semaphore, #tpu.memory_space<semaphore_mem>>) src(%arg11 : memref<128x128xf32, #tpu.memory_space<vmem>>) dst(%dma_wait3A_50 : memref<128x128xf32, #tpu.memory_space<vmem_shared>>)
      tpu.yield
    }) : () -> ()
    %add3A_10 = arith.constant 128 : i32
    %add3A_11 = arith.addi %mul3A_7, %add3A_10 : i32
    "tpu.region"() ({
      %run_scoped3A = tpu.sem_alloc : memref<!tpu.dma_semaphore, #tpu.memory_space<semaphore_mem>>
      %dma_start3A_43 = arith.constant 0 : i32
      %dma_start3A_44 = tpu.memref_slice %arg12[%add3A_11, %dma_start3A_43] : memref<10240x128xf32, #tpu.memory_space<vmem_shared>> -> memref<128x128xf32, #tpu.memory_space<vmem_shared>>
      %dma_start3A_45 = arith.constant 0 : i32
      %dma_start3A_46 = tpu.memref_slice %arg12[%add3A_11, %dma_start3A_45] : memref<10240x128xf32, #tpu.memory_space<vmem_shared>> -> memref<128x128xf32, #tpu.memory_space<vmem_shared>>
      tpu.enqueue_dma source(%arg11 : memref<128x128xf32, #tpu.memory_space<vmem>>) target(%dma_start3A_46 : memref<128x128xf32, #tpu.memory_space<vmem_shared>>) target_semaphore(%run_scoped3A : memref<!tpu.dma_semaphore, #tpu.memory_space<semaphore_mem>>)
      %dma_wait3A_47 = arith.constant 0 : i32
      %dma_wait3A_48 = tpu.memref_slice %arg12[%add3A_11, %dma_wait3A_47] : memref<10240x128xf32, #tpu.memory_space<vmem_shared>> -> memref<128x128xf32, #tpu.memory_space<vmem_shared>>
      %dma_wait3A_49 = arith.constant 0 : i32
      %dma_wait3A_50 = tpu.memref_slice %arg12[%add3A_11, %dma_wait3A_49] : memref<10240x128xf32, #tpu.memory_space<vmem_shared>> -> memref<128x128xf32, #tpu.memory_space<vmem_shared>>
      tpu.wait_dma2 semaphore(%run_scoped3A : memref<!tpu.dma_semaphore, #tpu.memory_space<semaphore_mem>>) src(%arg11 : memref<128x128xf32, #tpu.memory_space<vmem>>) dst(%dma_wait3A_50 : memref<128x128xf32, #tpu.memory_space<vmem_shared>>)
      tpu.yield
    }) : () -> ()
    %add3A_12 = arith.constant 256 : i32
    %add3A_13 = arith.addi %mul3A_7, %add3A_12 : i32
    "tpu.region"() ({
      %run_scoped3A = tpu.sem_alloc : memref<!tpu.dma_semaphore, #tpu.memory_space<semaphore_mem>>
      %dma_start3A_43 = arith.constant 0 : i32
      %dma_start3A_44 = tpu.memref_slice %arg12[%add3A_13, %dma_start3A_43] : memref<10240x128xf32, #tpu.memory_space<vmem_shared>> -> memref<128x128xf32, #tpu.memory_space<vmem_shared>>
      %dma_start3A_45 = arith.constant 0 : i32
      %dma_start3A_46 = tpu.memref_slice %arg12[%add3A_13, %dma_start3A_45] : memref<10240x128xf32, #tpu.memory_space<vmem_shared>> -> memref<128x128xf32, #tpu.memory_space<vmem_shared>>
      tpu.enqueue_dma source(%arg11 : memref<128x128xf32, #tpu.memory_space<vmem>>) target(%dma_start3A_46 : memref<128x128xf32, #tpu.memory_space<vmem_shared>>) target_semaphore(%run_scoped3A : memref<!tpu.dma_semaphore, #tpu.memory_space<semaphore_mem>>)
      %dma_wait3A_47 = arith.constant 0 : i32
      %dma_wait3A_48 = tpu.memref_slice %arg12[%add3A_13, %dma_wait3A_47] : memref<10240x128xf32, #tpu.memory_space<vmem_shared>> -> memref<128x128xf32, #tpu.memory_space<vmem_shared>>
      %dma_wait3A_49 = arith.constant 0 : i32
      %dma_wait3A_50 = tpu.memref_slice %arg12[%add3A_13, %dma_wait3A_49] : memref<10240x128xf32, #tpu.memory_space<vmem_shared>> -> memref<128x128xf32, #tpu.memory_space<vmem_shared>>
      tpu.wait_dma2 semaphore(%run_scoped3A : memref<!tpu.dma_semaphore, #tpu.memory_space<semaphore_mem>>) src(%arg11 : memref<128x128xf32, #tpu.memory_space<vmem>>) dst(%dma_wait3A_50 : memref<128x128xf32, #tpu.memory_space<vmem_shared>>)
      tpu.yield
    }) : () -> ()
    %add3A_14 = arith.constant 384 : i32
    %add3A_15 = arith.addi %mul3A_7, %add3A_14 : i32
    "tpu.region"() ({
      %run_scoped3A = tpu.sem_alloc : memref<!tpu.dma_semaphore, #tpu.memory_space<semaphore_mem>>
      %dma_start3A_43 = arith.constant 0 : i32
      %dma_start3A_44 = tpu.memref_slice %arg12[%add3A_15, %dma_start3A_43] : memref<10240x128xf32, #tpu.memory_space<vmem_shared>> -> memref<128x128xf32, #tpu.memory_space<vmem_shared>>
      %dma_start3A_45 = arith.constant 0 : i32
      %dma_start3A_46 = tpu.memref_slice %arg12[%add3A_15, %dma_start3A_45] : memref<10240x128xf32, #tpu.memory_space<vmem_shared>> -> memref<128x128xf32, #tpu.memory_space<vmem_shared>>
      tpu.enqueue_dma source(%arg11 : memref<128x128xf32, #tpu.memory_space<vmem>>) target(%dma_start3A_46 : memref<128x128xf32, #tpu.memory_space<vmem_shared>>) target_semaphore(%run_scoped3A : memref<!tpu.dma_semaphore, #tpu.memory_space<semaphore_mem>>)
      %dma_wait3A_47 = arith.constant 0 : i32
      %dma_wait3A_48 = tpu.memref_slice %arg12[%add3A_15, %dma_wait3A_47] : memref<10240x128xf32, #tpu.memory_space<vmem_shared>> -> memref<128x128xf32, #tpu.memory_space<vmem_shared>>
      %dma_wait3A_49 = arith.constant 0 : i32
      %dma_wait3A_50 = tpu.memref_slice %arg12[%add3A_15, %dma_wait3A_49] : memref<10240x128xf32, #tpu.memory_space<vmem_shared>> -> memref<128x128xf32, #tpu.memory_space<vmem_shared>>
      tpu.wait_dma2 semaphore(%run_scoped3A : memref<!tpu.dma_semaphore, #tpu.memory_space<semaphore_mem>>) src(%arg11 : memref<128x128xf32, #tpu.memory_space<vmem>>) dst(%dma_wait3A_50 : memref<128x128xf32, #tpu.memory_space<vmem_shared>>)
      tpu.yield
    }) : () -> ()
    %add3A_16 = arith.constant 512 : i32
    %add3A_17 = arith.addi %mul3A_7, %add3A_16 : i32
    "tpu.region"() ({
      %run_scoped3A = tpu.sem_alloc : memref<!tpu.dma_semaphore, #tpu.memory_space<semaphore_mem>>
      %dma_start3A_43 = arith.constant 0 : i32
      %dma_start3A_44 = tpu.memref_slice %arg12[%add3A_17, %dma_start3A_43] : memref<10240x128xf32, #tpu.memory_space<vmem_shared>> -> memref<128x128xf32, #tpu.memory_space<vmem_shared>>
      %dma_start3A_45 = arith.constant 0 : i32
      %dma_start3A_46 = tpu.memref_slice %arg12[%add3A_17, %dma_start3A_45] : memref<10240x128xf32, #tpu.memory_space<vmem_shared>> -> memref<128x128xf32, #tpu.memory_space<vmem_shared>>
      tpu.enqueue_dma source(%arg11 : memref<128x128xf32, #tpu.memory_space<vmem>>) target(%dma_start3A_46 : memref<128x128xf32, #tpu.memory_space<vmem_shared>>) target_semaphore(%run_scoped3A : memref<!tpu.dma_semaphore, #tpu.memory_space<semaphore_mem>>)
      %dma_wait3A_47 = arith.constant 0 : i32
      %dma_wait3A_48 = tpu.memref_slice %arg12[%add3A_17, %dma_wait3A_47] : memref<10240x128xf32, #tpu.memory_space<vmem_shared>> -> memref<128x128xf32, #tpu.memory_space<vmem_shared>>
      %dma_wait3A_49 = arith.constant 0 : i32
      %dma_wait3A_50 = tpu.memref_slice %arg12[%add3A_17, %dma_wait3A_49] : memref<10240x128xf32, #tpu.memory_space<vmem_shared>> -> memref<128x128xf32, #tpu.memory_space<vmem_shared>>
      tpu.wait_dma2 semaphore(%run_scoped3A : memref<!tpu.dma_semaphore, #tpu.memory_space<semaphore_mem>>) src(%arg11 : memref<128x128xf32, #tpu.memory_space<vmem>>) dst(%dma_wait3A_50 : memref<128x128xf32, #tpu.memory_space<vmem_shared>>)
      tpu.yield
    }) : () -> ()
    %barrier3A = arith.constant 0 : index
    tpu.barrier barrier_id(%barrier3A)
    %mul3A_18 = arith.constant 10000 : i32
    %mul3A_19 = arith.muli %add3A, %mul3A_18 : i32
    "tpu.region"() ({
      %run_scoped3A = tpu.sem_alloc : memref<!tpu.dma_semaphore, #tpu.memory_space<semaphore_mem>>
      %dma_start3A_43 = tpu.memref_slice %arg3[%mul3A_19] : memref<320000xi32, #tpu.memory_space<hbm>> -> memref<80xi32, #tpu.memory_space<hbm>>
      %dma_start3A_44 = tpu.memref_slice %arg3[%mul3A_19] : memref<320000xi32, #tpu.memory_space<hbm>> -> memref<80xi32, #tpu.memory_space<hbm>>
      tpu.enqueue_dma source(%dma_start3A_44 : memref<80xi32, #tpu.memory_space<hbm>>) target(%arg6 : memref<80xi32, #tpu.memory_space<vmem>>) target_semaphore(%run_scoped3A : memref<!tpu.dma_semaphore, #tpu.memory_space<semaphore_mem>>)
      %dma_wait3A_45 = tpu.memref_slice %arg3[%mul3A_19] : memref<320000xi32, #tpu.memory_space<hbm>> -> memref<80xi32, #tpu.memory_space<hbm>>
      %dma_wait3A_46 = tpu.memref_slice %arg3[%mul3A_19] : memref<320000xi32, #tpu.memory_space<hbm>> -> memref<80xi32, #tpu.memory_space<hbm>>
      tpu.wait_dma2 semaphore(%run_scoped3A : memref<!tpu.dma_semaphore, #tpu.memory_space<semaphore_mem>>) src(%dma_wait3A_46 : memref<80xi32, #tpu.memory_space<hbm>>) dst(%arg6 : memref<80xi32, #tpu.memory_space<vmem>>)
      tpu.yield
    }) : () -> ()
    %scan3A_20 = arith.constant 0 : i32
    %scan3A_21 = arith.constant 0 : i32
    %scan3A_22 = arith.constant 62 : i32
    %scan3A_23 = arith.addi %scan3A_21, %scan3A_22 : i32
    %scan3A_24 = arith.constant 1 : i32
    scf.for %scan3A_43 = %scan3A_21 to %scan3A_23 step %scan3A_24  : i32 {
      %mul3A_44 = arith.constant 2 : i32
      %mul3A_45 = arith.muli %mul3A_44, %scan3A_43 : i32
      %dma_start3A_46 = arith.constant 0 : i32
      %dma_start3A_47 = arith.constant 0 : i32
      %dma_start3A_48 = tpu.memref_slice %arg2[%dma_start3A_46, %dma_start3A_47] : memref<10000x128xf32, #tpu.memory_space<hbm>> -> memref<10000x128xf32, #tpu.memory_space<hbm>>
      tpu.enqueue_indirect_dma source(%dma_start3A_48 : memref<10000x128xf32, #tpu.memory_space<hbm>>) target(%arg10 : memref<80x128xf32, #tpu.memory_space<vmem>>) offsets(%arg6 : memref<80xi32, #tpu.memory_space<vmem>>) semaphore(%arg13 : memref<!tpu.dma_semaphore, #tpu.memory_space<semaphore_mem>>)
      %mul3A_49 = arith.constant 80 : i32
      %mul3A_50 = arith.muli %mul3A_45, %mul3A_49 : i32
      %add3A_51 = arith.addi %mul3A_19, %mul3A_50 : i32
      "tpu.region"() ({
        %run_scoped3A = tpu.sem_alloc : memref<!tpu.dma_semaphore, #tpu.memory_space<semaphore_mem>>
        %dma_start3A_79 = tpu.memref_slice %arg4[%add3A_51] : memref<320000xi32, #tpu.memory_space<hbm>> -> memref<80xi32, #tpu.memory_space<hbm>>
        %dma_start3A_80 = tpu.memref_slice %arg4[%add3A_51] : memref<320000xi32, #tpu.memory_space<hbm>> -> memref<80xi32, #tpu.memory_space<hbm>>
        tpu.enqueue_dma source(%dma_start3A_80 : memref<80xi32, #tpu.memory_space<hbm>>) target(%arg8 : memref<80xi32, #tpu.memory_space<vmem>>) target_semaphore(%run_scoped3A : memref<!tpu.dma_semaphore, #tpu.memory_space<semaphore_mem>>)
        %dma_wait3A_81 = tpu.memref_slice %arg4[%add3A_51] : memref<320000xi32, #tpu.memory_space<hbm>> -> memref<80xi32, #tpu.memory_space<hbm>>
        %dma_wait3A_82 = tpu.memref_slice %arg4[%add3A_51] : memref<320000xi32, #tpu.memory_space<hbm>> -> memref<80xi32, #tpu.memory_space<hbm>>
        tpu.wait_dma2 semaphore(%run_scoped3A : memref<!tpu.dma_semaphore, #tpu.memory_space<semaphore_mem>>) src(%dma_wait3A_82 : memref<80xi32, #tpu.memory_space<hbm>>) dst(%arg8 : memref<80xi32, #tpu.memory_space<vmem>>)
        tpu.yield
      }) : () -> ()
      %add3A_52 = arith.constant 1 : i32
      %add3A_53 = arith.addi %mul3A_45, %add3A_52 : i32
      %min3A = arith.constant 124 : i32
      %min3A_54 = arith.minsi %add3A_53, %min3A : i32
      %mul3A_55 = arith.constant 80 : i32
      %mul3A_56 = arith.muli %min3A_54, %mul3A_55 : i32
      %add3A_57 = arith.addi %mul3A_19, %mul3A_56 : i32
      "tpu.region"() ({
        %run_scoped3A = tpu.sem_alloc : memref<!tpu.dma_semaphore, #tpu.memory_space<semaphore_mem>>
        %dma_start3A_79 = tpu.memref_slice %arg3[%add3A_57] : memref<320000xi32, #tpu.memory_space<hbm>> -> memref<80xi32, #tpu.memory_space<hbm>>
        %dma_start3A_80 = tpu.memref_slice %arg3[%add3A_57] : memref<320000xi32, #tpu.memory_space<hbm>> -> memref<80xi32, #tpu.memory_space<hbm>>
        tpu.enqueue_dma source(%dma_start3A_80 : memref<80xi32, #tpu.memory_space<hbm>>) target(%arg7 : memref<80xi32, #tpu.memory_space<vmem>>) target_semaphore(%run_scoped3A : memref<!tpu.dma_semaphore, #tpu.memory_space<semaphore_mem>>)
        %dma_wait3A_81 = tpu.memref_slice %arg3[%add3A_57] : memref<320000xi32, #tpu.memory_space<hbm>> -> memref<80xi32, #tpu.memory_space<hbm>>
        %dma_wait3A_82 = tpu.memref_slice %arg3[%add3A_57] : memref<320000xi32, #tpu.memory_space<hbm>> -> memref<80xi32, #tpu.memory_space<hbm>>
        tpu.wait_dma2 semaphore(%run_scoped3A : memref<!tpu.dma_semaphore, #tpu.memory_space<semaphore_mem>>) src(%dma_wait3A_82 : memref<80xi32, #tpu.memory_space<hbm>>) dst(%arg7 : memref<80xi32, #tpu.memory_space<vmem>>)
        tpu.yield
      }) : () -> ()
      %dma_wait3A_58 = arith.constant 0 : i32
      %dma_wait3A_59 = arith.constant 0 : i32
      %dma_wait3A_60 = tpu.memref_slice %arg2[%dma_wait3A_58, %dma_wait3A_59] : memref<10000x128xf32, #tpu.memory_space<hbm>> -> memref<10000x128xf32, #tpu.memory_space<hbm>>
      tpu.wait_indirect_dma semaphore(%arg13 : memref<!tpu.dma_semaphore, #tpu.memory_space<semaphore_mem>>) src(%dma_wait3A_60 : memref<10000x128xf32, #tpu.memory_space<hbm>>) dst(%arg10 : memref<80x128xf32, #tpu.memory_space<vmem>>)
      "tpu.region"() ({
        %run_scoped3A = tpu.sem_alloc : memref<!tpu.dma_semaphore, #tpu.memory_space<semaphore_mem>>
        %dma_start3A_79 = arith.constant 0 : i32
        %dma_start3A_80 = arith.constant 0 : i32
        %dma_start3A_81 = tpu.memref_slice %arg12[%dma_start3A_79, %dma_start3A_80] : memref<10240x128xf32, #tpu.memory_space<vmem_shared>> -> memref<10240x128xf32, #tpu.memory_space<vmem_shared>>
        tpu.enqueue_indirect_dma source(%arg10 : memref<80x128xf32, #tpu.memory_space<vmem>>) target(%dma_start3A_81 : memref<10240x128xf32, #tpu.memory_space<vmem_shared>>) offsets(%arg8 : memref<80xi32, #tpu.memory_space<vmem>>) semaphore(%run_scoped3A : memref<!tpu.dma_semaphore, #tpu.memory_space<semaphore_mem>>) {add = true}
        %dma_wait3A_82 = arith.constant 0 : i32
        %dma_wait3A_83 = arith.constant 0 : i32
        %dma_wait3A_84 = tpu.memref_slice %arg12[%dma_wait3A_82, %dma_wait3A_83] : memref<10240x128xf32, #tpu.memory_space<vmem_shared>> -> memref<10240x128xf32, #tpu.memory_space<vmem_shared>>
        tpu.wait_indirect_dma semaphore(%run_scoped3A : memref<!tpu.dma_semaphore, #tpu.memory_space<semaphore_mem>>) src(%arg10 : memref<80x128xf32, #tpu.memory_space<vmem>>) dst(%dma_wait3A_84 : memref<10240x128xf32, #tpu.memory_space<vmem_shared>>)
        tpu.yield
      }) : () -> ()
      %dma_start3A_61 = arith.constant 0 : i32
      %dma_start3A_62 = arith.constant 0 : i32
      %dma_start3A_63 = tpu.memref_slice %arg2[%dma_start3A_61, %dma_start3A_62] : memref<10000x128xf32, #tpu.memory_space<hbm>> -> memref<10000x128xf32, #tpu.memory_space<hbm>>
      tpu.enqueue_indirect_dma source(%dma_start3A_63 : memref<10000x128xf32, #tpu.memory_space<hbm>>) target(%arg10 : memref<80x128xf32, #tpu.memory_space<vmem>>) offsets(%arg7 : memref<80xi32, #tpu.memory_space<vmem>>) semaphore(%arg13 : memref<!tpu.dma_semaphore, #tpu.memory_space<semaphore_mem>>)
      %add3A_64 = arith.constant 1 : i32
      %add3A_65 = arith.addi %mul3A_45, %add3A_64 : i32
      %mul3A_66 = arith.constant 80 : i32
      %mul3A_67 = arith.muli %add3A_65, %mul3A_66 : i32
      %add3A_68 = arith.addi %mul3A_19, %mul3A_67 : i32
      "tpu.region"() ({
        %run_scoped3A = tpu.sem_alloc : memref<!tpu.dma_semaphore, #tpu.memory_space<semaphore_mem>>
        %dma_start3A_79 = tpu.memref_slice %arg4[%add3A_68] : memref<320000xi32, #tpu.memory_space<hbm>> -> memref<80xi32, #tpu.memory_space<hbm>>
        %dma_start3A_80 = tpu.memref_slice %arg4[%add3A_68] : memref<320000xi32, #tpu.memory_space<hbm>> -> memref<80xi32, #tpu.memory_space<hbm>>
        tpu.enqueue_dma source(%dma_start3A_80 : memref<80xi32, #tpu.memory_space<hbm>>) target(%arg9 : memref<80xi32, #tpu.memory_space<vmem>>) target_semaphore(%run_scoped3A : memref<!tpu.dma_semaphore, #tpu.memory_space<semaphore_mem>>)
        %dma_wait3A_81 = tpu.memref_slice %arg4[%add3A_68] : memref<320000xi32, #tpu.memory_space<hbm>> -> memref<80xi32, #tpu.memory_space<hbm>>
        %dma_wait3A_82 = tpu.memref_slice %arg4[%add3A_68] : memref<320000xi32, #tpu.memory_space<hbm>> -> memref<80xi32, #tpu.memory_space<hbm>>
        tpu.wait_dma2 semaphore(%run_scoped3A : memref<!tpu.dma_semaphore, #tpu.memory_space<semaphore_mem>>) src(%dma_wait3A_82 : memref<80xi32, #tpu.memory_space<hbm>>) dst(%arg9 : memref<80xi32, #tpu.memory_space<vmem>>)
        tpu.yield
      }) : () -> ()
      %add3A_69 = arith.constant 2 : i32
      %add3A_70 = arith.addi %mul3A_45, %add3A_69 : i32
      %min3A_71 = arith.constant 124 : i32
      %min3A_72 = arith.minsi %add3A_70, %min3A_71 : i32
      %mul3A_73 = arith.constant 80 : i32
      %mul3A_74 = arith.muli %min3A_72, %mul3A_73 : i32
      %add3A_75 = arith.addi %mul3A_19, %mul3A_74 : i32
      "tpu.region"() ({
        %run_scoped3A = tpu.sem_alloc : memref<!tpu.dma_semaphore, #tpu.memory_space<semaphore_mem>>
        %dma_start3A_79 = tpu.memref_slice %arg3[%add3A_75] : memref<320000xi32, #tpu.memory_space<hbm>> -> memref<80xi32, #tpu.memory_space<hbm>>
        %dma_start3A_80 = tpu.memref_slice %arg3[%add3A_75] : memref<320000xi32, #tpu.memory_space<hbm>> -> memref<80xi32, #tpu.memory_space<hbm>>
        tpu.enqueue_dma source(%dma_start3A_80 : memref<80xi32, #tpu.memory_space<hbm>>) target(%arg6 : memref<80xi32, #tpu.memory_space<vmem>>) target_semaphore(%run_scoped3A : memref<!tpu.dma_semaphore, #tpu.memory_space<semaphore_mem>>)
        %dma_wait3A_81 = tpu.memref_slice %arg3[%add3A_75] : memref<320000xi32, #tpu.memory_space<hbm>> -> memref<80xi32, #tpu.memory_space<hbm>>
        %dma_wait3A_82 = tpu.memref_slice %arg3[%add3A_75] : memref<320000xi32, #tpu.memory_space<hbm>> -> memref<80xi32, #tpu.memory_space<hbm>>
        tpu.wait_dma2 semaphore(%run_scoped3A : memref<!tpu.dma_semaphore, #tpu.memory_space<semaphore_mem>>) src(%dma_wait3A_82 : memref<80xi32, #tpu.memory_space<hbm>>) dst(%arg6 : memref<80xi32, #tpu.memory_space<vmem>>)
        tpu.yield
      }) : () -> ()
      %dma_wait3A_76 = arith.constant 0 : i32
      %dma_wait3A_77 = arith.constant 0 : i32
      %dma_wait3A_78 = tpu.memref_slice %arg2[%dma_wait3A_76, %dma_wait3A_77] : memref<10000x128xf32, #tpu.memory_space<hbm>> -> memref<10000x128xf32, #tpu.memory_space<hbm>>
      tpu.wait_indirect_dma semaphore(%arg13 : memref<!tpu.dma_semaphore, #tpu.memory_space<semaphore_mem>>) src(%dma_wait3A_78 : memref<10000x128xf32, #tpu.memory_space<hbm>>) dst(%arg10 : memref<80x128xf32, #tpu.memory_space<vmem>>)
      "tpu.region"() ({
        %run_scoped3A = tpu.sem_alloc : memref<!tpu.dma_semaphore, #tpu.memory_space<semaphore_mem>>
        %dma_start3A_79 = arith.constant 0 : i32
        %dma_start3A_80 = arith.constant 0 : i32
        %dma_start3A_81 = tpu.memref_slice %arg12[%dma_start3A_79, %dma_start3A_80] : memref<10240x128xf32, #tpu.memory_space<vmem_shared>> -> memref<10240x128xf32, #tpu.memory_space<vmem_shared>>
        tpu.enqueue_indirect_dma source(%arg10 : memref<80x128xf32, #tpu.memory_space<vmem>>) target(%dma_start3A_81 : memref<10240x128xf32, #tpu.memory_space<vmem_shared>>) offsets(%arg9 : memref<80xi32, #tpu.memory_space<vmem>>) semaphore(%run_scoped3A : memref<!tpu.dma_semaphore, #tpu.memory_space<semaphore_mem>>) {add = true}
        %dma_wait3A_82 = arith.constant 0 : i32
        %dma_wait3A_83 = arith.constant 0 : i32
        %dma_wait3A_84 = tpu.memref_slice %arg12[%dma_wait3A_82, %dma_wait3A_83] : memref<10240x128xf32, #tpu.memory_space<vmem_shared>> -> memref<10240x128xf32, #tpu.memory_space<vmem_shared>>
        tpu.wait_indirect_dma semaphore(%run_scoped3A : memref<!tpu.dma_semaphore, #tpu.memory_space<semaphore_mem>>) src(%arg10 : memref<80x128xf32, #tpu.memory_space<vmem>>) dst(%dma_wait3A_84 : memref<10240x128xf32, #tpu.memory_space<vmem_shared>>)
        tpu.yield
      }) : () -> ()
    }
    %scan3A_25 = arith.constant 62 : i32
    %dma_start3A = arith.constant 0 : i32
    %dma_start3A_26 = arith.constant 0 : i32
    %dma_start3A_27 = tpu.memref_slice %arg2[%dma_start3A, %dma_start3A_26] : memref<10000x128xf32, #tpu.memory_space<hbm>> -> memref<10000x128xf32, #tpu.memory_space<hbm>>
    tpu.enqueue_indirect_dma source(%dma_start3A_27 : memref<10000x128xf32, #tpu.memory_space<hbm>>) target(%arg10 : memref<80x128xf32, #tpu.memory_space<vmem>>) offsets(%arg6 : memref<80xi32, #tpu.memory_space<vmem>>) semaphore(%arg13 : memref<!tpu.dma_semaphore, #tpu.memory_space<semaphore_mem>>)
    %add3A_28 = arith.constant 9920 : i32
    %add3A_29 = arith.addi %mul3A_19, %add3A_28 : i32
    "tpu.region"() ({
      %run_scoped3A = tpu.sem_alloc : memref<!tpu.dma_semaphore, #tpu.memory_space<semaphore_mem>>
      %dma_start3A_43 = tpu.memref_slice %arg4[%add3A_29] : memref<320000xi32, #tpu.memory_space<hbm>> -> memref<80xi32, #tpu.memory_space<hbm>>
      %dma_start3A_44 = tpu.memref_slice %arg4[%add3A_29] : memref<320000xi32, #tpu.memory_space<hbm>> -> memref<80xi32, #tpu.memory_space<hbm>>
      tpu.enqueue_dma source(%dma_start3A_44 : memref<80xi32, #tpu.memory_space<hbm>>) target(%arg8 : memref<80xi32, #tpu.memory_space<vmem>>) target_semaphore(%run_scoped3A : memref<!tpu.dma_semaphore, #tpu.memory_space<semaphore_mem>>)
      %dma_wait3A_45 = tpu.memref_slice %arg4[%add3A_29] : memref<320000xi32, #tpu.memory_space<hbm>> -> memref<80xi32, #tpu.memory_space<hbm>>
      %dma_wait3A_46 = tpu.memref_slice %arg4[%add3A_29] : memref<320000xi32, #tpu.memory_space<hbm>> -> memref<80xi32, #tpu.memory_space<hbm>>
      tpu.wait_dma2 semaphore(%run_scoped3A : memref<!tpu.dma_semaphore, #tpu.memory_space<semaphore_mem>>) src(%dma_wait3A_46 : memref<80xi32, #tpu.memory_space<hbm>>) dst(%arg8 : memref<80xi32, #tpu.memory_space<vmem>>)
      tpu.yield
    }) : () -> ()
    %dma_wait3A = arith.constant 0 : i32
    %dma_wait3A_30 = arith.constant 0 : i32
    %dma_wait3A_31 = tpu.memref_slice %arg2[%dma_wait3A, %dma_wait3A_30] : memref<10000x128xf32, #tpu.memory_space<hbm>> -> memref<10000x128xf32, #tpu.memory_space<hbm>>
    tpu.wait_indirect_dma semaphore(%arg13 : memref<!tpu.dma_semaphore, #tpu.memory_space<semaphore_mem>>) src(%dma_wait3A_31 : memref<10000x128xf32, #tpu.memory_space<hbm>>) dst(%arg10 : memref<80x128xf32, #tpu.memory_space<vmem>>)
    "tpu.region"() ({
      %run_scoped3A = tpu.sem_alloc : memref<!tpu.dma_semaphore, #tpu.memory_space<semaphore_mem>>
      %dma_start3A_43 = arith.constant 0 : i32
      %dma_start3A_44 = arith.constant 0 : i32
      %dma_start3A_45 = tpu.memref_slice %arg12[%dma_start3A_43, %dma_start3A_44] : memref<10240x128xf32, #tpu.memory_space<vmem_shared>> -> memref<10240x128xf32, #tpu.memory_space<vmem_shared>>
      tpu.enqueue_indirect_dma source(%arg10 : memref<80x128xf32, #tpu.memory_space<vmem>>) target(%dma_start3A_45 : memref<10240x128xf32, #tpu.memory_space<vmem_shared>>) offsets(%arg8 : memref<80xi32, #tpu.memory_space<vmem>>) semaphore(%run_scoped3A : memref<!tpu.dma_semaphore, #tpu.memory_space<semaphore_mem>>) {add = true}
      %dma_wait3A_46 = arith.constant 0 : i32
      %dma_wait3A_47 = arith.constant 0 : i32
      %dma_wait3A_48 = tpu.memref_slice %arg12[%dma_wait3A_46, %dma_wait3A_47] : memref<10240x128xf32, #tpu.memory_space<vmem_shared>> -> memref<10240x128xf32, #tpu.memory_space<vmem_shared>>
      tpu.wait_indirect_dma semaphore(%run_scoped3A : memref<!tpu.dma_semaphore, #tpu.memory_space<semaphore_mem>>) src(%arg10 : memref<80x128xf32, #tpu.memory_space<vmem>>) dst(%dma_wait3A_48 : memref<10240x128xf32, #tpu.memory_space<vmem_shared>>)
      tpu.yield
    }) : () -> ()
    %barrier3A_32 = arith.constant 0 : index
    tpu.barrier barrier_id(%barrier3A_32)
    %add3A_33 = arith.constant 0 : i32
    %add3A_34 = arith.addi %mul3A_7, %add3A_33 : i32
    "tpu.region"() ({
      %run_scoped3A = tpu.sem_alloc : memref<!tpu.dma_semaphore, #tpu.memory_space<semaphore_mem>>
      %dma_start3A_43 = arith.constant 0 : i32
      %dma_start3A_44 = tpu.memref_slice %arg12[%add3A_34, %dma_start3A_43] : memref<10240x128xf32, #tpu.memory_space<vmem_shared>> -> memref<128x128xf32, #tpu.memory_space<vmem_shared>>
      %dma_start3A_45 = arith.constant 0 : i32
      %dma_start3A_46 = tpu.memref_slice %arg12[%add3A_34, %dma_start3A_45] : memref<10240x128xf32, #tpu.memory_space<vmem_shared>> -> memref<128x128xf32, #tpu.memory_space<vmem_shared>>
      tpu.enqueue_dma source(%dma_start3A_46 : memref<128x128xf32, #tpu.memory_space<vmem_shared>>) target(%arg11 : memref<128x128xf32, #tpu.memory_space<vmem>>) target_semaphore(%run_scoped3A : memref<!tpu.dma_semaphore, #tpu.memory_space<semaphore_mem>>)
      %dma_wait3A_47 = arith.constant 0 : i32
      %dma_wait3A_48 = tpu.memref_slice %arg12[%add3A_34, %dma_wait3A_47] : memref<10240x128xf32, #tpu.memory_space<vmem_shared>> -> memref<128x128xf32, #tpu.memory_space<vmem_shared>>
      %dma_wait3A_49 = arith.constant 0 : i32
      %dma_wait3A_50 = tpu.memref_slice %arg12[%add3A_34, %dma_wait3A_49] : memref<10240x128xf32, #tpu.memory_space<vmem_shared>> -> memref<128x128xf32, #tpu.memory_space<vmem_shared>>
      tpu.wait_dma2 semaphore(%run_scoped3A : memref<!tpu.dma_semaphore, #tpu.memory_space<semaphore_mem>>) src(%dma_wait3A_50 : memref<128x128xf32, #tpu.memory_space<vmem_shared>>) dst(%arg11 : memref<128x128xf32, #tpu.memory_space<vmem>>)
      tpu.yield
    }) : () -> ()
    "tpu.region"() ({
      %run_scoped3A = tpu.sem_alloc : memref<!tpu.dma_semaphore, #tpu.memory_space<semaphore_mem>>
      %dma_start3A_43 = arith.constant 0 : i32
      %dma_start3A_44 = tpu.memref_slice %arg5[%arg0, %add3A_34, %dma_start3A_43] : memref<2x10240x128xf32, #tpu.memory_space<hbm>> -> memref<1x128x128xf32, #tpu.memory_space<hbm>>
      %dma_start3A_45 = tpu.memref_squeeze %dma_start3A_44 : memref<1x128x128xf32, #tpu.memory_space<hbm>> -> memref<128x128xf32, #tpu.memory_space<hbm>>
      %dma_start3A_46 = arith.constant 0 : i32
      %dma_start3A_47 = tpu.memref_slice %arg5[%arg0, %add3A_34, %dma_start3A_46] : memref<2x10240x128xf32, #tpu.memory_space<hbm>> -> memref<1x128x128xf32, #tpu.memory_space<hbm>>
      %dma_start3A_48 = tpu.memref_squeeze %dma_start3A_47 : memref<1x128x128xf32, #tpu.memory_space<hbm>> -> memref<128x128xf32, #tpu.memory_space<hbm>>
      tpu.enqueue_dma source(%arg11 : memref<128x128xf32, #tpu.memory_space<vmem>>) target(%dma_start3A_48 : memref<128x128xf32, #tpu.memory_space<hbm>>) target_semaphore(%run_scoped3A : memref<!tpu.dma_semaphore, #tpu.memory_space<semaphore_mem>>)
      %dma_wait3A_49 = arith.constant 0 : i32
      %dma_wait3A_50 = tpu.memref_slice %arg5[%arg0, %add3A_34, %dma_wait3A_49] : memref<2x10240x128xf32, #tpu.memory_space<hbm>> -> memref<1x128x128xf32, #tpu.memory_space<hbm>>
      %dma_wait3A_51 = tpu.memref_squeeze %dma_wait3A_50 : memref<1x128x128xf32, #tpu.memory_space<hbm>> -> memref<128x128xf32, #tpu.memory_space<hbm>>
      %dma_wait3A_52 = arith.constant 0 : i32
      %dma_wait3A_53 = tpu.memref_slice %arg5[%arg0, %add3A_34, %dma_wait3A_52] : memref<2x10240x128xf32, #tpu.memory_space<hbm>> -> memref<1x128x128xf32, #tpu.memory_space<hbm>>
      %dma_wait3A_54 = tpu.memref_squeeze %dma_wait3A_53 : memref<1x128x128xf32, #tpu.memory_space<hbm>> -> memref<128x128xf32, #tpu.memory_space<hbm>>
      tpu.wait_dma2 semaphore(%run_scoped3A : memref<!tpu.dma_semaphore, #tpu.memory_space<semaphore_mem>>) src(%arg11 : memref<128x128xf32, #tpu.memory_space<vmem>>) dst(%dma_wait3A_54 : memref<128x128xf32, #tpu.memory_space<hbm>>)
      tpu.yield
    }) : () -> ()
    %add3A_35 = arith.constant 128 : i32
    %add3A_36 = arith.addi %mul3A_7, %add3A_35 : i32
    "tpu.region"() ({
      %run_scoped3A = tpu.sem_alloc : memref<!tpu.dma_semaphore, #tpu.memory_space<semaphore_mem>>
      %dma_start3A_43 = arith.constant 0 : i32
      %dma_start3A_44 = tpu.memref_slice %arg12[%add3A_36, %dma_start3A_43] : memref<10240x128xf32, #tpu.memory_space<vmem_shared>> -> memref<128x128xf32, #tpu.memory_space<vmem_shared>>
      %dma_start3A_45 = arith.constant 0 : i32
      %dma_start3A_46 = tpu.memref_slice %arg12[%add3A_36, %dma_start3A_45] : memref<10240x128xf32, #tpu.memory_space<vmem_shared>> -> memref<128x128xf32, #tpu.memory_space<vmem_shared>>
      tpu.enqueue_dma source(%dma_start3A_46 : memref<128x128xf32, #tpu.memory_space<vmem_shared>>) target(%arg11 : memref<128x128xf32, #tpu.memory_space<vmem>>) target_semaphore(%run_scoped3A : memref<!tpu.dma_semaphore, #tpu.memory_space<semaphore_mem>>)
      %dma_wait3A_47 = arith.constant 0 : i32
      %dma_wait3A_48 = tpu.memref_slice %arg12[%add3A_36, %dma_wait3A_47] : memref<10240x128xf32, #tpu.memory_space<vmem_shared>> -> memref<128x128xf32, #tpu.memory_space<vmem_shared>>
      %dma_wait3A_49 = arith.constant 0 : i32
      %dma_wait3A_50 = tpu.memref_slice %arg12[%add3A_36, %dma_wait3A_49] : memref<10240x128xf32, #tpu.memory_space<vmem_shared>> -> memref<128x128xf32, #tpu.memory_space<vmem_shared>>
      tpu.wait_dma2 semaphore(%run_scoped3A : memref<!tpu.dma_semaphore, #tpu.memory_space<semaphore_mem>>) src(%dma_wait3A_50 : memref<128x128xf32, #tpu.memory_space<vmem_shared>>) dst(%arg11 : memref<128x128xf32, #tpu.memory_space<vmem>>)
      tpu.yield
    }) : () -> ()
    "tpu.region"() ({
      %run_scoped3A = tpu.sem_alloc : memref<!tpu.dma_semaphore, #tpu.memory_space<semaphore_mem>>
      %dma_start3A_43 = arith.constant 0 : i32
      %dma_start3A_44 = tpu.memref_slice %arg5[%arg0, %add3A_36, %dma_start3A_43] : memref<2x10240x128xf32, #tpu.memory_space<hbm>> -> memref<1x128x128xf32, #tpu.memory_space<hbm>>
      %dma_start3A_45 = tpu.memref_squeeze %dma_start3A_44 : memref<1x128x128xf32, #tpu.memory_space<hbm>> -> memref<128x128xf32, #tpu.memory_space<hbm>>
      %dma_start3A_46 = arith.constant 0 : i32
      %dma_start3A_47 = tpu.memref_slice %arg5[%arg0, %add3A_36, %dma_start3A_46] : memref<2x10240x128xf32, #tpu.memory_space<hbm>> -> memref<1x128x128xf32, #tpu.memory_space<hbm>>
      %dma_start3A_48 = tpu.memref_squeeze %dma_start3A_47 : memref<1x128x128xf32, #tpu.memory_space<hbm>> -> memref<128x128xf32, #tpu.memory_space<hbm>>
      tpu.enqueue_dma source(%arg11 : memref<128x128xf32, #tpu.memory_space<vmem>>) target(%dma_start3A_48 : memref<128x128xf32, #tpu.memory_space<hbm>>) target_semaphore(%run_scoped3A : memref<!tpu.dma_semaphore, #tpu.memory_space<semaphore_mem>>)
      %dma_wait3A_49 = arith.constant 0 : i32
      %dma_wait3A_50 = tpu.memref_slice %arg5[%arg0, %add3A_36, %dma_wait3A_49] : memref<2x10240x128xf32, #tpu.memory_space<hbm>> -> memref<1x128x128xf32, #tpu.memory_space<hbm>>
      %dma_wait3A_51 = tpu.memref_squeeze %dma_wait3A_50 : memref<1x128x128xf32, #tpu.memory_space<hbm>> -> memref<128x128xf32, #tpu.memory_space<hbm>>
      %dma_wait3A_52 = arith.constant 0 : i32
      %dma_wait3A_53 = tpu.memref_slice %arg5[%arg0, %add3A_36, %dma_wait3A_52] : memref<2x10240x128xf32, #tpu.memory_space<hbm>> -> memref<1x128x128xf32, #tpu.memory_space<hbm>>
      %dma_wait3A_54 = tpu.memref_squeeze %dma_wait3A_53 : memref<1x128x128xf32, #tpu.memory_space<hbm>> -> memref<128x128xf32, #tpu.memory_space<hbm>>
      tpu.wait_dma2 semaphore(%run_scoped3A : memref<!tpu.dma_semaphore, #tpu.memory_space<semaphore_mem>>) src(%arg11 : memref<128x128xf32, #tpu.memory_space<vmem>>) dst(%dma_wait3A_54 : memref<128x128xf32, #tpu.memory_space<hbm>>)
      tpu.yield
    }) : () -> ()
    %add3A_37 = arith.constant 256 : i32
    %add3A_38 = arith.addi %mul3A_7, %add3A_37 : i32
    "tpu.region"() ({
      %run_scoped3A = tpu.sem_alloc : memref<!tpu.dma_semaphore, #tpu.memory_space<semaphore_mem>>
      %dma_start3A_43 = arith.constant 0 : i32
      %dma_start3A_44 = tpu.memref_slice %arg12[%add3A_38, %dma_start3A_43] : memref<10240x128xf32, #tpu.memory_space<vmem_shared>> -> memref<128x128xf32, #tpu.memory_space<vmem_shared>>
      %dma_start3A_45 = arith.constant 0 : i32
      %dma_start3A_46 = tpu.memref_slice %arg12[%add3A_38, %dma_start3A_45] : memref<10240x128xf32, #tpu.memory_space<vmem_shared>> -> memref<128x128xf32, #tpu.memory_space<vmem_shared>>
      tpu.enqueue_dma source(%dma_start3A_46 : memref<128x128xf32, #tpu.memory_space<vmem_shared>>) target(%arg11 : memref<128x128xf32, #tpu.memory_space<vmem>>) target_semaphore(%run_scoped3A : memref<!tpu.dma_semaphore, #tpu.memory_space<semaphore_mem>>)
      %dma_wait3A_47 = arith.constant 0 : i32
      %dma_wait3A_48 = tpu.memref_slice %arg12[%add3A_38, %dma_wait3A_47] : memref<10240x128xf32, #tpu.memory_space<vmem_shared>> -> memref<128x128xf32, #tpu.memory_space<vmem_shared>>
      %dma_wait3A_49 = arith.constant 0 : i32
      %dma_wait3A_50 = tpu.memref_slice %arg12[%add3A_38, %dma_wait3A_49] : memref<10240x128xf32, #tpu.memory_space<vmem_shared>> -> memref<128x128xf32, #tpu.memory_space<vmem_shared>>
      tpu.wait_dma2 semaphore(%run_scoped3A : memref<!tpu.dma_semaphore, #tpu.memory_space<semaphore_mem>>) src(%dma_wait3A_50 : memref<128x128xf32, #tpu.memory_space<vmem_shared>>) dst(%arg11 : memref<128x128xf32, #tpu.memory_space<vmem>>)
      tpu.yield
    }) : () -> ()
    "tpu.region"() ({
      %run_scoped3A = tpu.sem_alloc : memref<!tpu.dma_semaphore, #tpu.memory_space<semaphore_mem>>
      %dma_start3A_43 = arith.constant 0 : i32
      %dma_start3A_44 = tpu.memref_slice %arg5[%arg0, %add3A_38, %dma_start3A_43] : memref<2x10240x128xf32, #tpu.memory_space<hbm>> -> memref<1x128x128xf32, #tpu.memory_space<hbm>>
      %dma_start3A_45 = tpu.memref_squeeze %dma_start3A_44 : memref<1x128x128xf32, #tpu.memory_space<hbm>> -> memref<128x128xf32, #tpu.memory_space<hbm>>
      %dma_start3A_46 = arith.constant 0 : i32
      %dma_start3A_47 = tpu.memref_slice %arg5[%arg0, %add3A_38, %dma_start3A_46] : memref<2x10240x128xf32, #tpu.memory_space<hbm>> -> memref<1x128x128xf32, #tpu.memory_space<hbm>>
      %dma_start3A_48 = tpu.memref_squeeze %dma_start3A_47 : memref<1x128x128xf32, #tpu.memory_space<hbm>> -> memref<128x128xf32, #tpu.memory_space<hbm>>
      tpu.enqueue_dma source(%arg11 : memref<128x128xf32, #tpu.memory_space<vmem>>) target(%dma_start3A_48 : memref<128x128xf32, #tpu.memory_space<hbm>>) target_semaphore(%run_scoped3A : memref<!tpu.dma_semaphore, #tpu.memory_space<semaphore_mem>>)
      %dma_wait3A_49 = arith.constant 0 : i32
      %dma_wait3A_50 = tpu.memref_slice %arg5[%arg0, %add3A_38, %dma_wait3A_49] : memref<2x10240x128xf32, #tpu.memory_space<hbm>> -> memref<1x128x128xf32, #tpu.memory_space<hbm>>
      %dma_wait3A_51 = tpu.memref_squeeze %dma_wait3A_50 : memref<1x128x128xf32, #tpu.memory_space<hbm>> -> memref<128x128xf32, #tpu.memory_space<hbm>>
      %dma_wait3A_52 = arith.constant 0 : i32
      %dma_wait3A_53 = tpu.memref_slice %arg5[%arg0, %add3A_38, %dma_wait3A_52] : memref<2x10240x128xf32, #tpu.memory_space<hbm>> -> memref<1x128x128xf32, #tpu.memory_space<hbm>>
      %dma_wait3A_54 = tpu.memref_squeeze %dma_wait3A_53 : memref<1x128x128xf32, #tpu.memory_space<hbm>> -> memref<128x128xf32, #tpu.memory_space<hbm>>
      tpu.wait_dma2 semaphore(%run_scoped3A : memref<!tpu.dma_semaphore, #tpu.memory_space<semaphore_mem>>) src(%arg11 : memref<128x128xf32, #tpu.memory_space<vmem>>) dst(%dma_wait3A_54 : memref<128x128xf32, #tpu.memory_space<hbm>>)
      tpu.yield
    }) : () -> ()
    %add3A_39 = arith.constant 384 : i32
    %add3A_40 = arith.addi %mul3A_7, %add3A_39 : i32
    "tpu.region"() ({
      %run_scoped3A = tpu.sem_alloc : memref<!tpu.dma_semaphore, #tpu.memory_space<semaphore_mem>>
      %dma_start3A_43 = arith.constant 0 : i32
      %dma_start3A_44 = tpu.memref_slice %arg12[%add3A_40, %dma_start3A_43] : memref<10240x128xf32, #tpu.memory_space<vmem_shared>> -> memref<128x128xf32, #tpu.memory_space<vmem_shared>>
      %dma_start3A_45 = arith.constant 0 : i32
      %dma_start3A_46 = tpu.memref_slice %arg12[%add3A_40, %dma_start3A_45] : memref<10240x128xf32, #tpu.memory_space<vmem_shared>> -> memref<128x128xf32, #tpu.memory_space<vmem_shared>>
      tpu.enqueue_dma source(%dma_start3A_46 : memref<128x128xf32, #tpu.memory_space<vmem_shared>>) target(%arg11 : memref<128x128xf32, #tpu.memory_space<vmem>>) target_semaphore(%run_scoped3A : memref<!tpu.dma_semaphore, #tpu.memory_space<semaphore_mem>>)
      %dma_wait3A_47 = arith.constant 0 : i32
      %dma_wait3A_48 = tpu.memref_slice %arg12[%add3A_40, %dma_wait3A_47] : memref<10240x128xf32, #tpu.memory_space<vmem_shared>> -> memref<128x128xf32, #tpu.memory_space<vmem_shared>>
      %dma_wait3A_49 = arith.constant 0 : i32
      %dma_wait3A_50 = tpu.memref_slice %arg12[%add3A_40, %dma_wait3A_49] : memref<10240x128xf32, #tpu.memory_space<vmem_shared>> -> memref<128x128xf32, #tpu.memory_space<vmem_shared>>
      tpu.wait_dma2 semaphore(%run_scoped3A : memref<!tpu.dma_semaphore, #tpu.memory_space<semaphore_mem>>) src(%dma_wait3A_50 : memref<128x128xf32, #tpu.memory_space<vmem_shared>>) dst(%arg11 : memref<128x128xf32, #tpu.memory_space<vmem>>)
      tpu.yield
    }) : () -> ()
    "tpu.region"() ({
      %run_scoped3A = tpu.sem_alloc : memref<!tpu.dma_semaphore, #tpu.memory_space<semaphore_mem>>
      %dma_start3A_43 = arith.constant 0 : i32
      %dma_start3A_44 = tpu.memref_slice %arg5[%arg0, %add3A_40, %dma_start3A_43] : memref<2x10240x128xf32, #tpu.memory_space<hbm>> -> memref<1x128x128xf32, #tpu.memory_space<hbm>>
      %dma_start3A_45 = tpu.memref_squeeze %dma_start3A_44 : memref<1x128x128xf32, #tpu.memory_space<hbm>> -> memref<128x128xf32, #tpu.memory_space<hbm>>
      %dma_start3A_46 = arith.constant 0 : i32
      %dma_start3A_47 = tpu.memref_slice %arg5[%arg0, %add3A_40, %dma_start3A_46] : memref<2x10240x128xf32, #tpu.memory_space<hbm>> -> memref<1x128x128xf32, #tpu.memory_space<hbm>>
      %dma_start3A_48 = tpu.memref_squeeze %dma_start3A_47 : memref<1x128x128xf32, #tpu.memory_space<hbm>> -> memref<128x128xf32, #tpu.memory_space<hbm>>
      tpu.enqueue_dma source(%arg11 : memref<128x128xf32, #tpu.memory_space<vmem>>) target(%dma_start3A_48 : memref<128x128xf32, #tpu.memory_space<hbm>>) target_semaphore(%run_scoped3A : memref<!tpu.dma_semaphore, #tpu.memory_space<semaphore_mem>>)
      %dma_wait3A_49 = arith.constant 0 : i32
      %dma_wait3A_50 = tpu.memref_slice %arg5[%arg0, %add3A_40, %dma_wait3A_49] : memref<2x10240x128xf32, #tpu.memory_space<hbm>> -> memref<1x128x128xf32, #tpu.memory_space<hbm>>
      %dma_wait3A_51 = tpu.memref_squeeze %dma_wait3A_50 : memref<1x128x128xf32, #tpu.memory_space<hbm>> -> memref<128x128xf32, #tpu.memory_space<hbm>>
      %dma_wait3A_52 = arith.constant 0 : i32
      %dma_wait3A_53 = tpu.memref_slice %arg5[%arg0, %add3A_40, %dma_wait3A_52] : memref<2x10240x128xf32, #tpu.memory_space<hbm>> -> memref<1x128x128xf32, #tpu.memory_space<hbm>>
      %dma_wait3A_54 = tpu.memref_squeeze %dma_wait3A_53 : memref<1x128x128xf32, #tpu.memory_space<hbm>> -> memref<128x128xf32, #tpu.memory_space<hbm>>
      tpu.wait_dma2 semaphore(%run_scoped3A : memref<!tpu.dma_semaphore, #tpu.memory_space<semaphore_mem>>) src(%arg11 : memref<128x128xf32, #tpu.memory_space<vmem>>) dst(%dma_wait3A_54 : memref<128x128xf32, #tpu.memory_space<hbm>>)
      tpu.yield
    }) : () -> ()
    %add3A_41 = arith.constant 512 : i32
    %add3A_42 = arith.addi %mul3A_7, %add3A_41 : i32
    "tpu.region"() ({
      %run_scoped3A = tpu.sem_alloc : memref<!tpu.dma_semaphore, #tpu.memory_space<semaphore_mem>>
      %dma_start3A_43 = arith.constant 0 : i32
      %dma_start3A_44 = tpu.memref_slice %arg12[%add3A_42, %dma_start3A_43] : memref<10240x128xf32, #tpu.memory_space<vmem_shared>> -> memref<128x128xf32, #tpu.memory_space<vmem_shared>>
      %dma_start3A_45 = arith.constant 0 : i32
      %dma_start3A_46 = tpu.memref_slice %arg12[%add3A_42, %dma_start3A_45] : memref<10240x128xf32, #tpu.memory_space<vmem_shared>> -> memref<128x128xf32, #tpu.memory_space<vmem_shared>>
      tpu.enqueue_dma source(%dma_start3A_46 : memref<128x128xf32, #tpu.memory_space<vmem_shared>>) target(%arg11 : memref<128x128xf32, #tpu.memory_space<vmem>>) target_semaphore(%run_scoped3A : memref<!tpu.dma_semaphore, #tpu.memory_space<semaphore_mem>>)
      %dma_wait3A_47 = arith.constant 0 : i32
      %dma_wait3A_48 = tpu.memref_slice %arg12[%add3A_42, %dma_wait3A_47] : memref<10240x128xf32, #tpu.memory_space<vmem_shared>> -> memref<128x128xf32, #tpu.memory_space<vmem_shared>>
      %dma_wait3A_49 = arith.constant 0 : i32
      %dma_wait3A_50 = tpu.memref_slice %arg12[%add3A_42, %dma_wait3A_49] : memref<10240x128xf32, #tpu.memory_space<vmem_shared>> -> memref<128x128xf32, #tpu.memory_space<vmem_shared>>
      tpu.wait_dma2 semaphore(%run_scoped3A : memref<!tpu.dma_semaphore, #tpu.memory_space<semaphore_mem>>) src(%dma_wait3A_50 : memref<128x128xf32, #tpu.memory_space<vmem_shared>>) dst(%arg11 : memref<128x128xf32, #tpu.memory_space<vmem>>)
      tpu.yield
    }) : () -> ()
    "tpu.region"() ({
      %run_scoped3A = tpu.sem_alloc : memref<!tpu.dma_semaphore, #tpu.memory_space<semaphore_mem>>
      %dma_start3A_43 = arith.constant 0 : i32
      %dma_start3A_44 = tpu.memref_slice %arg5[%arg0, %add3A_42, %dma_start3A_43] : memref<2x10240x128xf32, #tpu.memory_space<hbm>> -> memref<1x128x128xf32, #tpu.memory_space<hbm>>
      %dma_start3A_45 = tpu.memref_squeeze %dma_start3A_44 : memref<1x128x128xf32, #tpu.memory_space<hbm>> -> memref<128x128xf32, #tpu.memory_space<hbm>>
      %dma_start3A_46 = arith.constant 0 : i32
      %dma_start3A_47 = tpu.memref_slice %arg5[%arg0, %add3A_42, %dma_start3A_46] : memref<2x10240x128xf32, #tpu.memory_space<hbm>> -> memref<1x128x128xf32, #tpu.memory_space<hbm>>
      %dma_start3A_48 = tpu.memref_squeeze %dma_start3A_47 : memref<1x128x128xf32, #tpu.memory_space<hbm>> -> memref<128x128xf32, #tpu.memory_space<hbm>>
      tpu.enqueue_dma source(%arg11 : memref<128x128xf32, #tpu.memory_space<vmem>>) target(%dma_start3A_48 : memref<128x128xf32, #tpu.memory_space<hbm>>) target_semaphore(%run_scoped3A : memref<!tpu.dma_semaphore, #tpu.memory_space<semaphore_mem>>)
      %dma_wait3A_49 = arith.constant 0 : i32
      %dma_wait3A_50 = tpu.memref_slice %arg5[%arg0, %add3A_42, %dma_wait3A_49] : memref<2x10240x128xf32, #tpu.memory_space<hbm>> -> memref<1x128x128xf32, #tpu.memory_space<hbm>>
      %dma_wait3A_51 = tpu.memref_squeeze %dma_wait3A_50 : memref<1x128x128xf32, #tpu.memory_space<hbm>> -> memref<128x128xf32, #tpu.memory_space<hbm>>
      %dma_wait3A_52 = arith.constant 0 : i32
      %dma_wait3A_53 = tpu.memref_slice %arg5[%arg0, %add3A_42, %dma_wait3A_52] : memref<2x10240x128xf32, #tpu.memory_space<hbm>> -> memref<1x128x128xf32, #tpu.memory_space<hbm>>
      %dma_wait3A_54 = tpu.memref_squeeze %dma_wait3A_53 : memref<1x128x128xf32, #tpu.memory_space<hbm>> -> memref<128x128xf32, #tpu.memory_space<hbm>>
      tpu.wait_dma2 semaphore(%run_scoped3A : memref<!tpu.dma_semaphore, #tpu.memory_space<semaphore_mem>>) src(%arg11 : memref<128x128xf32, #tpu.memory_space<vmem>>) dst(%dma_wait3A_54 : memref<128x128xf32, #tpu.memory_space<hbm>>)
      tpu.yield
    }) : () -> ()
    return
  }
}

#map = affine_map<(d0, d1) -> (0)>
#map1 = affine_map<(d0, d1) -> (0, 0, 0)>
module attributes {stable_mosaic.version = 14 : i64} {
  func.func @k(%arg0: i32, %arg1: i32, %arg2: memref<320000xi32, #tpu.memory_space<hbm>>, %arg3: memref<2x1x10240xf32, #tpu.memory_space<hbm>>, %arg4: memref<80xi32, #tpu.memory_space<vmem>>, %arg5: memref<80xf32, #tpu.memory_space<vmem>>, %arg6: memref<640xf32, #tpu.memory_space<vmem>>, %arg7: memref<10240xf32, #tpu.memory_space<vmem_shared>>) attributes {dimension_semantics = [#tpu.dimension_semantics<core_parallel>, #tpu.dimension_semantics<subcore_parallel>], iteration_bounds = array<i64: 2, 16>, scalar_prefetch = 0 : i64, scratch_operands = 4 : i64, tpu.core_type = #tpu.core_type<sc_vector_subcore>, window_params = [{transform_indices = #map}, {transform_indices = #map1}]} {
    %mul3A = arith.constant 2 : i32
    %mul3A_0 = arith.muli %arg1, %mul3A : i32
    %add3A = arith.addi %mul3A_0, %arg0 : i32
    %broadcast_in_dim3A = arith.constant 1.000000e+00 : f32
    %broadcast_in_dim3A_1 = vector.broadcast %broadcast_in_dim3A : f32 to vector<16xf32>
    %swap3A = arith.constant 0 : index
    %swap3A_2 = tpu.vector_load %arg5[%swap3A] {strides = array<i32>} : memref<80xf32, #tpu.memory_space<vmem>>, vector<16xf32>,
    %swap3A_3 = vector.shape_cast %swap3A_2 : vector<16xf32> to vector<16xf32>
    %swap3A_4 = vector.shape_cast %broadcast_in_dim3A_1 : vector<16xf32> to vector<16xf32>
    tpu.vector_store %arg5[%swap3A], %swap3A_4 {strides = array<i32>} : memref<80xf32, #tpu.memory_space<vmem>>, vector<16xf32>,
    %broadcast_in_dim3A_5 = arith.constant 1.000000e+00 : f32
    %broadcast_in_dim3A_6 = vector.broadcast %broadcast_in_dim3A_5 : f32 to vector<16xf32>
    %swap3A_7 = arith.constant 16 : index
    %swap3A_8 = tpu.vector_load %arg5[%swap3A_7] {strides = array<i32>} : memref<80xf32, #tpu.memory_space<vmem>>, vector<16xf32>,
    %swap3A_9 = vector.shape_cast %swap3A_8 : vector<16xf32> to vector<16xf32>
    %swap3A_10 = vector.shape_cast %broadcast_in_dim3A_6 : vector<16xf32> to vector<16xf32>
    tpu.vector_store %arg5[%swap3A_7], %swap3A_10 {strides = array<i32>} : memref<80xf32, #tpu.memory_space<vmem>>, vector<16xf32>,
    %broadcast_in_dim3A_11 = arith.constant 1.000000e+00 : f32
    %broadcast_in_dim3A_12 = vector.broadcast %broadcast_in_dim3A_11 : f32 to vector<16xf32>
    %swap3A_13 = arith.constant 32 : index
    %swap3A_14 = tpu.vector_load %arg5[%swap3A_13] {strides = array<i32>} : memref<80xf32, #tpu.memory_space<vmem>>, vector<16xf32>,
    %swap3A_15 = vector.shape_cast %swap3A_14 : vector<16xf32> to vector<16xf32>
    %swap3A_16 = vector.shape_cast %broadcast_in_dim3A_12 : vector<16xf32> to vector<16xf32>
    tpu.vector_store %arg5[%swap3A_13], %swap3A_16 {strides = array<i32>} : memref<80xf32, #tpu.memory_space<vmem>>, vector<16xf32>,
    %broadcast_in_dim3A_17 = arith.constant 1.000000e+00 : f32
    %broadcast_in_dim3A_18 = vector.broadcast %broadcast_in_dim3A_17 : f32 to vector<16xf32>
    %swap3A_19 = arith.constant 48 : index
    %swap3A_20 = tpu.vector_load %arg5[%swap3A_19] {strides = array<i32>} : memref<80xf32, #tpu.memory_space<vmem>>, vector<16xf32>,
    %swap3A_21 = vector.shape_cast %swap3A_20 : vector<16xf32> to vector<16xf32>
    %swap3A_22 = vector.shape_cast %broadcast_in_dim3A_18 : vector<16xf32> to vector<16xf32>
    tpu.vector_store %arg5[%swap3A_19], %swap3A_22 {strides = array<i32>} : memref<80xf32, #tpu.memory_space<vmem>>, vector<16xf32>,
    %broadcast_in_dim3A_23 = arith.constant 1.000000e+00 : f32
    %broadcast_in_dim3A_24 = vector.broadcast %broadcast_in_dim3A_23 : f32 to vector<16xf32>
    %swap3A_25 = arith.constant 64 : index
    %swap3A_26 = tpu.vector_load %arg5[%swap3A_25] {strides = array<i32>} : memref<80xf32, #tpu.memory_space<vmem>>, vector<16xf32>,
    %swap3A_27 = vector.shape_cast %swap3A_26 : vector<16xf32> to vector<16xf32>
    %swap3A_28 = vector.shape_cast %broadcast_in_dim3A_24 : vector<16xf32> to vector<16xf32>
    tpu.vector_store %arg5[%swap3A_25], %swap3A_28 {strides = array<i32>} : memref<80xf32, #tpu.memory_space<vmem>>, vector<16xf32>,
    %scan3A = arith.constant 0 : i32
    %scan3A_29 = arith.constant 0 : i32
    %scan3A_30 = arith.constant 40 : i32
    %scan3A_31 = arith.addi %scan3A_29, %scan3A_30 : i32
    %scan3A_32 = arith.constant 1 : i32
    scf.for %scan3A_47 = %scan3A_29 to %scan3A_31 step %scan3A_32  : i32 {
      %broadcast_in_dim3A_48 = arith.constant 0.000000e+00 : f32
      %broadcast_in_dim3A_49 = vector.broadcast %broadcast_in_dim3A_48 : f32 to vector<16xf32>
      %mul3A_50 = arith.constant 16 : i32
      %mul3A_51 = arith.muli %scan3A_47, %mul3A_50 : i32
      %swap3A_52 = arith.index_cast %mul3A_51 : i32 to index
      %swap3A_53 = tpu.vector_load %arg6[%swap3A_52] {strides = array<i32>} : memref<640xf32, #tpu.memory_space<vmem>>, vector<16xf32>,
      %swap3A_54 = vector.shape_cast %swap3A_53 : vector<16xf32> to vector<16xf32>
      %swap3A_55 = vector.shape_cast %broadcast_in_dim3A_49 : vector<16xf32> to vector<16xf32>
      tpu.vector_store %arg6[%swap3A_52], %swap3A_55 {strides = array<i32>} : memref<640xf32, #tpu.memory_space<vmem>>, vector<16xf32>,
    }
    %scan3A_33 = arith.constant 40 : i32
    %mul3A_34 = arith.constant 640 : i32
    %mul3A_35 = arith.muli %arg1, %mul3A_34 : i32
    "tpu.region"() ({
      %run_scoped3A_47 = tpu.sem_alloc : memref<!tpu.dma_semaphore, #tpu.memory_space<semaphore_mem>>
      %dma_start3A = tpu.memref_slice %arg7[%mul3A_35] : memref<10240xf32, #tpu.memory_space<vmem_shared>> -> memref<640xf32, #tpu.memory_space<vmem_shared>>
      %dma_start3A_48 = tpu.memref_slice %arg7[%mul3A_35] : memref<10240xf32, #tpu.memory_space<vmem_shared>> -> memref<640xf32, #tpu.memory_space<vmem_shared>>
      tpu.enqueue_dma source(%arg6 : memref<640xf32, #tpu.memory_space<vmem>>) target(%dma_start3A_48 : memref<640xf32, #tpu.memory_space<vmem_shared>>) target_semaphore(%run_scoped3A_47 : memref<!tpu.dma_semaphore, #tpu.memory_space<semaphore_mem>>)
      %dma_wait3A = tpu.memref_slice %arg7[%mul3A_35] : memref<10240xf32, #tpu.memory_space<vmem_shared>> -> memref<640xf32, #tpu.memory_space<vmem_shared>>
      %dma_wait3A_49 = tpu.memref_slice %arg7[%mul3A_35] : memref<10240xf32, #tpu.memory_space<vmem_shared>> -> memref<640xf32, #tpu.memory_space<vmem_shared>>
      tpu.wait_dma2 semaphore(%run_scoped3A_47 : memref<!tpu.dma_semaphore, #tpu.memory_space<semaphore_mem>>) src(%arg6 : memref<640xf32, #tpu.memory_space<vmem>>) dst(%dma_wait3A_49 : memref<640xf32, #tpu.memory_space<vmem_shared>>)
      tpu.yield
    }) : () -> ()
    %barrier3A = arith.constant 0 : index
    tpu.barrier barrier_id(%barrier3A)
    %scan3A_36 = arith.constant 0 : i32
    %scan3A_37 = arith.constant 0 : i32
    %scan3A_38 = arith.constant 125 : i32
    %scan3A_39 = arith.addi %scan3A_37, %scan3A_38 : i32
    %scan3A_40 = arith.constant 1 : i32
    scf.for %scan3A_47 = %scan3A_37 to %scan3A_39 step %scan3A_40  : i32 {
      %mul3A_48 = arith.constant 10000 : i32
      %mul3A_49 = arith.muli %add3A, %mul3A_48 : i32
      %mul3A_50 = arith.constant 80 : i32
      %mul3A_51 = arith.muli %scan3A_47, %mul3A_50 : i32
      %add3A_52 = arith.addi %mul3A_49, %mul3A_51 : i32
      "tpu.region"() ({
        %run_scoped3A_53 = tpu.sem_alloc : memref<!tpu.dma_semaphore, #tpu.memory_space<semaphore_mem>>
        %dma_start3A = tpu.memref_slice %arg2[%add3A_52] : memref<320000xi32, #tpu.memory_space<hbm>> -> memref<80xi32, #tpu.memory_space<hbm>>
        %dma_start3A_54 = tpu.memref_slice %arg2[%add3A_52] : memref<320000xi32, #tpu.memory_space<hbm>> -> memref<80xi32, #tpu.memory_space<hbm>>
        tpu.enqueue_dma source(%dma_start3A_54 : memref<80xi32, #tpu.memory_space<hbm>>) target(%arg4 : memref<80xi32, #tpu.memory_space<vmem>>) target_semaphore(%run_scoped3A_53 : memref<!tpu.dma_semaphore, #tpu.memory_space<semaphore_mem>>)
        %dma_wait3A = tpu.memref_slice %arg2[%add3A_52] : memref<320000xi32, #tpu.memory_space<hbm>> -> memref<80xi32, #tpu.memory_space<hbm>>
        %dma_wait3A_55 = tpu.memref_slice %arg2[%add3A_52] : memref<320000xi32, #tpu.memory_space<hbm>> -> memref<80xi32, #tpu.memory_space<hbm>>
        tpu.wait_dma2 semaphore(%run_scoped3A_53 : memref<!tpu.dma_semaphore, #tpu.memory_space<semaphore_mem>>) src(%dma_wait3A_55 : memref<80xi32, #tpu.memory_space<hbm>>) dst(%arg4 : memref<80xi32, #tpu.memory_space<vmem>>)
        tpu.yield
      }) : () -> ()
      "tpu.region"() ({
        %run_scoped3A_53 = tpu.sem_alloc : memref<!tpu.dma_semaphore, #tpu.memory_space<semaphore_mem>>
        %dma_start3A = arith.constant 0 : i32
        %dma_start3A_54 = tpu.memref_slice %arg7[%dma_start3A] : memref<10240xf32, #tpu.memory_space<vmem_shared>> -> memref<10240xf32, #tpu.memory_space<vmem_shared>>
        tpu.enqueue_indirect_dma source(%arg5 : memref<80xf32, #tpu.memory_space<vmem>>) target(%dma_start3A_54 : memref<10240xf32, #tpu.memory_space<vmem_shared>>) offsets(%arg4 : memref<80xi32, #tpu.memory_space<vmem>>) semaphore(%run_scoped3A_53 : memref<!tpu.dma_semaphore, #tpu.memory_space<semaphore_mem>>) {add = true}
        %dma_wait3A = arith.constant 0 : i32
        %dma_wait3A_55 = tpu.memref_slice %arg7[%dma_wait3A] : memref<10240xf32, #tpu.memory_space<vmem_shared>> -> memref<10240xf32, #tpu.memory_space<vmem_shared>>
        tpu.wait_indirect_dma semaphore(%run_scoped3A_53 : memref<!tpu.dma_semaphore, #tpu.memory_space<semaphore_mem>>) src(%arg5 : memref<80xf32, #tpu.memory_space<vmem>>) dst(%dma_wait3A_55 : memref<10240xf32, #tpu.memory_space<vmem_shared>>)
        tpu.yield
      }) : () -> ()
    }
    %scan3A_41 = arith.constant 125 : i32
    %barrier3A_42 = arith.constant 0 : index
    tpu.barrier barrier_id(%barrier3A_42)
    %mul3A_43 = arith.constant 640 : i32
    %mul3A_44 = arith.muli %arg1, %mul3A_43 : i32
    "tpu.region"() ({
      %run_scoped3A_47 = tpu.sem_alloc : memref<!tpu.dma_semaphore, #tpu.memory_space<semaphore_mem>>
      %dma_start3A = tpu.memref_slice %arg7[%mul3A_44] : memref<10240xf32, #tpu.memory_space<vmem_shared>> -> memref<640xf32, #tpu.memory_space<vmem_shared>>
      %dma_start3A_48 = tpu.memref_slice %arg7[%mul3A_44] : memref<10240xf32, #tpu.memory_space<vmem_shared>> -> memref<640xf32, #tpu.memory_space<vmem_shared>>
      tpu.enqueue_dma source(%dma_start3A_48 : memref<640xf32, #tpu.memory_space<vmem_shared>>) target(%arg6 : memref<640xf32, #tpu.memory_space<vmem>>) target_semaphore(%run_scoped3A_47 : memref<!tpu.dma_semaphore, #tpu.memory_space<semaphore_mem>>)
      %dma_wait3A = tpu.memref_slice %arg7[%mul3A_44] : memref<10240xf32, #tpu.memory_space<vmem_shared>> -> memref<640xf32, #tpu.memory_space<vmem_shared>>
      %dma_wait3A_49 = tpu.memref_slice %arg7[%mul3A_44] : memref<10240xf32, #tpu.memory_space<vmem_shared>> -> memref<640xf32, #tpu.memory_space<vmem_shared>>
      tpu.wait_dma2 semaphore(%run_scoped3A_47 : memref<!tpu.dma_semaphore, #tpu.memory_space<semaphore_mem>>) src(%dma_wait3A_49 : memref<640xf32, #tpu.memory_space<vmem_shared>>) dst(%arg6 : memref<640xf32, #tpu.memory_space<vmem>>)
      tpu.yield
    }) : () -> ()
    %mul3A_45 = arith.constant 640 : i32
    %mul3A_46 = arith.muli %arg1, %mul3A_45 : i32
    %run_scoped3A = arith.constant 0 : i32
    "tpu.region"() ({
      %run_scoped3A_47 = tpu.sem_alloc : memref<!tpu.dma_semaphore, #tpu.memory_space<semaphore_mem>>
      %dma_start3A = tpu.memref_slice %arg3[%arg0, %run_scoped3A, %mul3A_46] : memref<2x1x10240xf32, #tpu.memory_space<hbm>> -> memref<1x1x640xf32, #tpu.memory_space<hbm>>
      %dma_start3A_48 = tpu.memref_squeeze %dma_start3A : memref<1x1x640xf32, #tpu.memory_space<hbm>> -> memref<640xf32, #tpu.memory_space<hbm>>
      %dma_start3A_49 = tpu.memref_slice %arg3[%arg0, %run_scoped3A, %mul3A_46] : memref<2x1x10240xf32, #tpu.memory_space<hbm>> -> memref<1x1x640xf32, #tpu.memory_space<hbm>>
      %dma_start3A_50 = tpu.memref_squeeze %dma_start3A_49 : memref<1x1x640xf32, #tpu.memory_space<hbm>> -> memref<640xf32, #tpu.memory_space<hbm>>
      tpu.enqueue_dma source(%arg6 : memref<640xf32, #tpu.memory_space<vmem>>) target(%dma_start3A_50 : memref<640xf32, #tpu.memory_space<hbm>>) target_semaphore(%run_scoped3A_47 : memref<!tpu.dma_semaphore, #tpu.memory_space<semaphore_mem>>)
      %dma_wait3A = tpu.memref_slice %arg3[%arg0, %run_scoped3A, %mul3A_46] : memref<2x1x10240xf32, #tpu.memory_space<hbm>> -> memref<1x1x640xf32, #tpu.memory_space<hbm>>
      %dma_wait3A_51 = tpu.memref_squeeze %dma_wait3A : memref<1x1x640xf32, #tpu.memory_space<hbm>> -> memref<640xf32, #tpu.memory_space<hbm>>
      %dma_wait3A_52 = tpu.memref_slice %arg3[%arg0, %run_scoped3A, %mul3A_46] : memref<2x1x10240xf32, #tpu.memory_space<hbm>> -> memref<1x1x640xf32, #tpu.memory_space<hbm>>
      %dma_wait3A_53 = tpu.memref_squeeze %dma_wait3A_52 : memref<1x1x640xf32, #tpu.memory_space<hbm>> -> memref<640xf32, #tpu.memory_space<hbm>>
      tpu.wait_dma2 semaphore(%run_scoped3A_47 : memref<!tpu.dma_semaphore, #tpu.memory_space<semaphore_mem>>) src(%arg6 : memref<640xf32, #tpu.memory_space<vmem>>) dst(%dma_wait3A_53 : memref<640xf32, #tpu.memory_space<hbm>>)
      tpu.yield
    }) : () -> ()
    return
  }
}

#map = affine_map<(d0, d1) -> (0, 0)>
#map1 = affine_map<(d0, d1) -> (0)>
#map2 = affine_map<(d0, d1) -> (0, 0, 0)>
module attributes {stable_mosaic.version = 14 : i64} {
  func.func @k(%arg0: i32, %arg1: i32, %arg2: memref<10000x128xf32, #tpu.memory_space<hbm>>, %arg3: memref<320000xi32, #tpu.memory_space<hbm>>, %arg4: memref<320000xi32, #tpu.memory_space<hbm>>, %arg5: memref<2x10240x128xf32, #tpu.memory_space<hbm>>, %arg6: memref<80xi32, #tpu.memory_space<vmem>>, %arg7: memref<80xi32, #tpu.memory_space<vmem>>, %arg8: memref<80xi32, #tpu.memory_space<vmem>>, %arg9: memref<80xi32, #tpu.memory_space<vmem>>, %arg10: memref<80x128xf32, #tpu.memory_space<vmem>>, %arg11: memref<128x128xf32, #tpu.memory_space<vmem>>, %arg12: memref<10240x128xf32, #tpu.memory_space<vmem_shared>>, %arg13: memref<!tpu.dma_semaphore, #tpu.memory_space<semaphore_mem>>) attributes {dimension_semantics = [#tpu.dimension_semantics<core_parallel>, #tpu.dimension_semantics<subcore_parallel>], iteration_bounds = array<i64: 2, 16>, scalar_prefetch = 0 : i64, scratch_operands = 8 : i64, tpu.core_type = #tpu.core_type<sc_vector_subcore>, window_params = [{transform_indices = #map}, {transform_indices = #map1}, {transform_indices = #map1}, {transform_indices = #map2}]} {
    %mul3A = arith.constant 2 : i32
    %mul3A_0 = arith.muli %arg1, %mul3A : i32
    %add3A = arith.addi %mul3A_0, %arg0 : i32
    %scan3A = arith.constant 0 : i32
    %scan3A_1 = arith.constant 0 : i32
    %scan3A_2 = arith.constant 1024 : i32
    %scan3A_3 = arith.addi %scan3A_1, %scan3A_2 : i32
    %scan3A_4 = arith.constant 1 : i32
    scf.for %scan3A_43 = %scan3A_1 to %scan3A_3 step %scan3A_4  : i32 {
      %jit3A = arith.constant 8 : i32
      %div3A = arith.divsi %scan3A_43, %jit3A : i32
      %sign3A = arith.constant 0 : i32
      %sign3A_44 = arith.cmpi sgt, %scan3A_43, %sign3A : i32
      %sign3A_45 = arith.extui %sign3A_44 : i1 to i32
      %sign3A_46 = arith.constant 0 : i32
      %sign3A_47 = arith.cmpi slt, %scan3A_43, %sign3A_46 : i32
      %sign3A_48 = arith.extui %sign3A_47 : i1 to i32
      %sign3A_49 = arith.subi %sign3A_45, %sign3A_48 : i32
      %sign3A_50 = arith.constant 0 : i32
      %sign3A_51 = arith.cmpi sgt, %jit3A, %sign3A_50 : i32
      %sign3A_52 = arith.extui %sign3A_51 : i1 to i32
      %sign3A_53 = arith.constant 0 : i32
      %sign3A_54 = arith.cmpi slt, %jit3A, %sign3A_53 : i32
      %sign3A_55 = arith.extui %sign3A_54 : i1 to i32
      %sign3A_56 = arith.subi %sign3A_52, %sign3A_55 : i32
      %ne3A = arith.cmpi ne, %sign3A_49, %sign3A_56 : i32
      %rem3A = arith.remsi %scan3A_43, %jit3A : i32
      %ne3A_57 = arith.constant 0 : i32
      %ne3A_58 = arith.cmpi ne, %rem3A, %ne3A_57 : i32
      %and3A = arith.andi %ne3A, %ne3A_58 : i1
      %sub3A = arith.constant 1 : i32
      %sub3A_59 = arith.subi %div3A, %sub3A : i32
      %select_n3A = arith.select %and3A, %sub3A_59, %div3A : i32
      %mul3A_60 = arith.constant 8 : i32
      %mul3A_61 = arith.muli %select_n3A, %mul3A_60 : i32
      %sub3A_62 = arith.subi %scan3A_43, %mul3A_61 : i32
      %broadcast_in_dim3A = arith.constant 0.000000e+00 : f32
      %broadcast_in_dim3A_63 = vector.broadcast %broadcast_in_dim3A : f32 to vector<16xf32>
      %mul3A_64 = arith.constant 16 : i32
      %mul3A_65 = arith.muli %sub3A_62, %mul3A_64 : i32
      %swap3A = arith.index_cast %select_n3A : i32 to index
      %swap3A_66 = arith.index_cast %mul3A_65 : i32 to index
      %swap3A_67 = tpu.vector_load %arg11[%swap3A, %swap3A_66] {strides = array<i32>} : memref<128x128xf32, #tpu.memory_space<vmem>>, vector<1x16xf32>,
      %swap3A_68 = vector.shape_cast %swap3A_67 : vector<1x16xf32> to vector<16xf32>
      %swap3A_69 = vector.shape_cast %broadcast_in_dim3A_63 : vector<16xf32> to vector<1x16xf32>
      tpu.vector_store %arg11[%swap3A, %swap3A_66], %swap3A_69 {strides = array<i32>} : memref<128x128xf32, #tpu.memory_space<vmem>>, vector<1x16xf32>,
    }
    %scan3A_5 = arith.constant 1024 : i32
    %mul3A_6 = arith.constant 640 : i32
    %mul3A_7 = arith.muli %arg1, %mul3A_6 : i32
    %add3A_8 = arith.constant 0 : i32
    %add3A_9 = arith.addi %mul3A_7, %add3A_8 : i32
    "tpu.region"() ({
      %run_scoped3A = tpu.sem_alloc : memref<!tpu.dma_semaphore, #tpu.memory_space<semaphore_mem>>
      %dma_start3A_43 = arith.constant 0 : i32
      %dma_start3A_44 = tpu.memref_slice %arg12[%add3A_9, %dma_start3A_43] : memref<10240x128xf32, #tpu.memory_space<vmem_shared>> -> memref<128x128xf32, #tpu.memory_space<vmem_shared>>
      %dma_start3A_45 = arith.constant 0 : i32
      %dma_start3A_46 = tpu.memref_slice %arg12[%add3A_9, %dma_start3A_45] : memref<10240x128xf32, #tpu.memory_space<vmem_shared>> -> memref<128x128xf32, #tpu.memory_space<vmem_shared>>
      tpu.enqueue_dma source(%arg11 : memref<128x128xf32, #tpu.memory_space<vmem>>) target(%dma_start3A_46 : memref<128x128xf32, #tpu.memory_space<vmem_shared>>) target_semaphore(%run_scoped3A : memref<!tpu.dma_semaphore, #tpu.memory_space<semaphore_mem>>)
      %dma_wait3A_47 = arith.constant 0 : i32
      %dma_wait3A_48 = tpu.memref_slice %arg12[%add3A_9, %dma_wait3A_47] : memref<10240x128xf32, #tpu.memory_space<vmem_shared>> -> memref<128x128xf32, #tpu.memory_space<vmem_shared>>
      %dma_wait3A_49 = arith.constant 0 : i32
      %dma_wait3A_50 = tpu.memref_slice %arg12[%add3A_9, %dma_wait3A_49] : memref<10240x128xf32, #tpu.memory_space<vmem_shared>> -> memref<128x128xf32, #tpu.memory_space<vmem_shared>>
      tpu.wait_dma2 semaphore(%run_scoped3A : memref<!tpu.dma_semaphore, #tpu.memory_space<semaphore_mem>>) src(%arg11 : memref<128x128xf32, #tpu.memory_space<vmem>>) dst(%dma_wait3A_50 : memref<128x128xf32, #tpu.memory_space<vmem_shared>>)
      tpu.yield
    }) : () -> ()
    %add3A_10 = arith.constant 128 : i32
    %add3A_11 = arith.addi %mul3A_7, %add3A_10 : i32
    "tpu.region"() ({
      %run_scoped3A = tpu.sem_alloc : memref<!tpu.dma_semaphore, #tpu.memory_space<semaphore_mem>>
      %dma_start3A_43 = arith.constant 0 : i32
      %dma_start3A_44 = tpu.memref_slice %arg12[%add3A_11, %dma_start3A_43] : memref<10240x128xf32, #tpu.memory_space<vmem_shared>> -> memref<128x128xf32, #tpu.memory_space<vmem_shared>>
      %dma_start3A_45 = arith.constant 0 : i32
      %dma_start3A_46 = tpu.memref_slice %arg12[%add3A_11, %dma_start3A_45] : memref<10240x128xf32, #tpu.memory_space<vmem_shared>> -> memref<128x128xf32, #tpu.memory_space<vmem_shared>>
      tpu.enqueue_dma source(%arg11 : memref<128x128xf32, #tpu.memory_space<vmem>>) target(%dma_start3A_46 : memref<128x128xf32, #tpu.memory_space<vmem_shared>>) target_semaphore(%run_scoped3A : memref<!tpu.dma_semaphore, #tpu.memory_space<semaphore_mem>>)
      %dma_wait3A_47 = arith.constant 0 : i32
      %dma_wait3A_48 = tpu.memref_slice %arg12[%add3A_11, %dma_wait3A_47] : memref<10240x128xf32, #tpu.memory_space<vmem_shared>> -> memref<128x128xf32, #tpu.memory_space<vmem_shared>>
      %dma_wait3A_49 = arith.constant 0 : i32
      %dma_wait3A_50 = tpu.memref_slice %arg12[%add3A_11, %dma_wait3A_49] : memref<10240x128xf32, #tpu.memory_space<vmem_shared>> -> memref<128x128xf32, #tpu.memory_space<vmem_shared>>
      tpu.wait_dma2 semaphore(%run_scoped3A : memref<!tpu.dma_semaphore, #tpu.memory_space<semaphore_mem>>) src(%arg11 : memref<128x128xf32, #tpu.memory_space<vmem>>) dst(%dma_wait3A_50 : memref<128x128xf32, #tpu.memory_space<vmem_shared>>)
      tpu.yield
    }) : () -> ()
    %add3A_12 = arith.constant 256 : i32
    %add3A_13 = arith.addi %mul3A_7, %add3A_12 : i32
    "tpu.region"() ({
      %run_scoped3A = tpu.sem_alloc : memref<!tpu.dma_semaphore, #tpu.memory_space<semaphore_mem>>
      %dma_start3A_43 = arith.constant 0 : i32
      %dma_start3A_44 = tpu.memref_slice %arg12[%add3A_13, %dma_start3A_43] : memref<10240x128xf32, #tpu.memory_space<vmem_shared>> -> memref<128x128xf32, #tpu.memory_space<vmem_shared>>
      %dma_start3A_45 = arith.constant 0 : i32
      %dma_start3A_46 = tpu.memref_slice %arg12[%add3A_13, %dma_start3A_45] : memref<10240x128xf32, #tpu.memory_space<vmem_shared>> -> memref<128x128xf32, #tpu.memory_space<vmem_shared>>
      tpu.enqueue_dma source(%arg11 : memref<128x128xf32, #tpu.memory_space<vmem>>) target(%dma_start3A_46 : memref<128x128xf32, #tpu.memory_space<vmem_shared>>) target_semaphore(%run_scoped3A : memref<!tpu.dma_semaphore, #tpu.memory_space<semaphore_mem>>)
      %dma_wait3A_47 = arith.constant 0 : i32
      %dma_wait3A_48 = tpu.memref_slice %arg12[%add3A_13, %dma_wait3A_47] : memref<10240x128xf32, #tpu.memory_space<vmem_shared>> -> memref<128x128xf32, #tpu.memory_space<vmem_shared>>
      %dma_wait3A_49 = arith.constant 0 : i32
      %dma_wait3A_50 = tpu.memref_slice %arg12[%add3A_13, %dma_wait3A_49] : memref<10240x128xf32, #tpu.memory_space<vmem_shared>> -> memref<128x128xf32, #tpu.memory_space<vmem_shared>>
      tpu.wait_dma2 semaphore(%run_scoped3A : memref<!tpu.dma_semaphore, #tpu.memory_space<semaphore_mem>>) src(%arg11 : memref<128x128xf32, #tpu.memory_space<vmem>>) dst(%dma_wait3A_50 : memref<128x128xf32, #tpu.memory_space<vmem_shared>>)
      tpu.yield
    }) : () -> ()
    %add3A_14 = arith.constant 384 : i32
    %add3A_15 = arith.addi %mul3A_7, %add3A_14 : i32
    "tpu.region"() ({
      %run_scoped3A = tpu.sem_alloc : memref<!tpu.dma_semaphore, #tpu.memory_space<semaphore_mem>>
      %dma_start3A_43 = arith.constant 0 : i32
      %dma_start3A_44 = tpu.memref_slice %arg12[%add3A_15, %dma_start3A_43] : memref<10240x128xf32, #tpu.memory_space<vmem_shared>> -> memref<128x128xf32, #tpu.memory_space<vmem_shared>>
      %dma_start3A_45 = arith.constant 0 : i32
      %dma_start3A_46 = tpu.memref_slice %arg12[%add3A_15, %dma_start3A_45] : memref<10240x128xf32, #tpu.memory_space<vmem_shared>> -> memref<128x128xf32, #tpu.memory_space<vmem_shared>>
      tpu.enqueue_dma source(%arg11 : memref<128x128xf32, #tpu.memory_space<vmem>>) target(%dma_start3A_46 : memref<128x128xf32, #tpu.memory_space<vmem_shared>>) target_semaphore(%run_scoped3A : memref<!tpu.dma_semaphore, #tpu.memory_space<semaphore_mem>>)
      %dma_wait3A_47 = arith.constant 0 : i32
      %dma_wait3A_48 = tpu.memref_slice %arg12[%add3A_15, %dma_wait3A_47] : memref<10240x128xf32, #tpu.memory_space<vmem_shared>> -> memref<128x128xf32, #tpu.memory_space<vmem_shared>>
      %dma_wait3A_49 = arith.constant 0 : i32
      %dma_wait3A_50 = tpu.memref_slice %arg12[%add3A_15, %dma_wait3A_49] : memref<10240x128xf32, #tpu.memory_space<vmem_shared>> -> memref<128x128xf32, #tpu.memory_space<vmem_shared>>
      tpu.wait_dma2 semaphore(%run_scoped3A : memref<!tpu.dma_semaphore, #tpu.memory_space<semaphore_mem>>) src(%arg11 : memref<128x128xf32, #tpu.memory_space<vmem>>) dst(%dma_wait3A_50 : memref<128x128xf32, #tpu.memory_space<vmem_shared>>)
      tpu.yield
    }) : () -> ()
    %add3A_16 = arith.constant 512 : i32
    %add3A_17 = arith.addi %mul3A_7, %add3A_16 : i32
    "tpu.region"() ({
      %run_scoped3A = tpu.sem_alloc : memref<!tpu.dma_semaphore, #tpu.memory_space<semaphore_mem>>
      %dma_start3A_43 = arith.constant 0 : i32
      %dma_start3A_44 = tpu.memref_slice %arg12[%add3A_17, %dma_start3A_43] : memref<10240x128xf32, #tpu.memory_space<vmem_shared>> -> memref<128x128xf32, #tpu.memory_space<vmem_shared>>
      %dma_start3A_45 = arith.constant 0 : i32
      %dma_start3A_46 = tpu.memref_slice %arg12[%add3A_17, %dma_start3A_45] : memref<10240x128xf32, #tpu.memory_space<vmem_shared>> -> memref<128x128xf32, #tpu.memory_space<vmem_shared>>
      tpu.enqueue_dma source(%arg11 : memref<128x128xf32, #tpu.memory_space<vmem>>) target(%dma_start3A_46 : memref<128x128xf32, #tpu.memory_space<vmem_shared>>) target_semaphore(%run_scoped3A : memref<!tpu.dma_semaphore, #tpu.memory_space<semaphore_mem>>)
      %dma_wait3A_47 = arith.constant 0 : i32
      %dma_wait3A_48 = tpu.memref_slice %arg12[%add3A_17, %dma_wait3A_47] : memref<10240x128xf32, #tpu.memory_space<vmem_shared>> -> memref<128x128xf32, #tpu.memory_space<vmem_shared>>
      %dma_wait3A_49 = arith.constant 0 : i32
      %dma_wait3A_50 = tpu.memref_slice %arg12[%add3A_17, %dma_wait3A_49] : memref<10240x128xf32, #tpu.memory_space<vmem_shared>> -> memref<128x128xf32, #tpu.memory_space<vmem_shared>>
      tpu.wait_dma2 semaphore(%run_scoped3A : memref<!tpu.dma_semaphore, #tpu.memory_space<semaphore_mem>>) src(%arg11 : memref<128x128xf32, #tpu.memory_space<vmem>>) dst(%dma_wait3A_50 : memref<128x128xf32, #tpu.memory_space<vmem_shared>>)
      tpu.yield
    }) : () -> ()
    %barrier3A = arith.constant 0 : index
    tpu.barrier barrier_id(%barrier3A)
    %mul3A_18 = arith.constant 10000 : i32
    %mul3A_19 = arith.muli %add3A, %mul3A_18 : i32
    "tpu.region"() ({
      %run_scoped3A = tpu.sem_alloc : memref<!tpu.dma_semaphore, #tpu.memory_space<semaphore_mem>>
      %dma_start3A_43 = tpu.memref_slice %arg3[%mul3A_19] : memref<320000xi32, #tpu.memory_space<hbm>> -> memref<80xi32, #tpu.memory_space<hbm>>
      %dma_start3A_44 = tpu.memref_slice %arg3[%mul3A_19] : memref<320000xi32, #tpu.memory_space<hbm>> -> memref<80xi32, #tpu.memory_space<hbm>>
      tpu.enqueue_dma source(%dma_start3A_44 : memref<80xi32, #tpu.memory_space<hbm>>) target(%arg6 : memref<80xi32, #tpu.memory_space<vmem>>) target_semaphore(%run_scoped3A : memref<!tpu.dma_semaphore, #tpu.memory_space<semaphore_mem>>)
      %dma_wait3A_45 = tpu.memref_slice %arg3[%mul3A_19] : memref<320000xi32, #tpu.memory_space<hbm>> -> memref<80xi32, #tpu.memory_space<hbm>>
      %dma_wait3A_46 = tpu.memref_slice %arg3[%mul3A_19] : memref<320000xi32, #tpu.memory_space<hbm>> -> memref<80xi32, #tpu.memory_space<hbm>>
      tpu.wait_dma2 semaphore(%run_scoped3A : memref<!tpu.dma_semaphore, #tpu.memory_space<semaphore_mem>>) src(%dma_wait3A_46 : memref<80xi32, #tpu.memory_space<hbm>>) dst(%arg6 : memref<80xi32, #tpu.memory_space<vmem>>)
      tpu.yield
    }) : () -> ()
    %scan3A_20 = arith.constant 0 : i32
    %scan3A_21 = arith.constant 0 : i32
    %scan3A_22 = arith.constant 62 : i32
    %scan3A_23 = arith.addi %scan3A_21, %scan3A_22 : i32
    %scan3A_24 = arith.constant 1 : i32
    scf.for %scan3A_43 = %scan3A_21 to %scan3A_23 step %scan3A_24  : i32 {
      %mul3A_44 = arith.constant 2 : i32
      %mul3A_45 = arith.muli %mul3A_44, %scan3A_43 : i32
      %dma_start3A_46 = arith.constant 0 : i32
      %dma_start3A_47 = arith.constant 0 : i32
      %dma_start3A_48 = tpu.memref_slice %arg2[%dma_start3A_46, %dma_start3A_47] : memref<10000x128xf32, #tpu.memory_space<hbm>> -> memref<10000x128xf32, #tpu.memory_space<hbm>>
      tpu.enqueue_indirect_dma source(%dma_start3A_48 : memref<10000x128xf32, #tpu.memory_space<hbm>>) target(%arg10 : memref<80x128xf32, #tpu.memory_space<vmem>>) offsets(%arg6 : memref<80xi32, #tpu.memory_space<vmem>>) semaphore(%arg13 : memref<!tpu.dma_semaphore, #tpu.memory_space<semaphore_mem>>)
      %mul3A_49 = arith.constant 80 : i32
      %mul3A_50 = arith.muli %mul3A_45, %mul3A_49 : i32
      %add3A_51 = arith.addi %mul3A_19, %mul3A_50 : i32
      "tpu.region"() ({
        %run_scoped3A = tpu.sem_alloc : memref<!tpu.dma_semaphore, #tpu.memory_space<semaphore_mem>>
        %dma_start3A_79 = tpu.memref_slice %arg4[%add3A_51] : memref<320000xi32, #tpu.memory_space<hbm>> -> memref<80xi32, #tpu.memory_space<hbm>>
        %dma_start3A_80 = tpu.memref_slice %arg4[%add3A_51] : memref<320000xi32, #tpu.memory_space<hbm>> -> memref<80xi32, #tpu.memory_space<hbm>>
        tpu.enqueue_dma source(%dma_start3A_80 : memref<80xi32, #tpu.memory_space<hbm>>) target(%arg8 : memref<80xi32, #tpu.memory_space<vmem>>) target_semaphore(%run_scoped3A : memref<!tpu.dma_semaphore, #tpu.memory_space<semaphore_mem>>)
        %dma_wait3A_81 = tpu.memref_slice %arg4[%add3A_51] : memref<320000xi32, #tpu.memory_space<hbm>> -> memref<80xi32, #tpu.memory_space<hbm>>
        %dma_wait3A_82 = tpu.memref_slice %arg4[%add3A_51] : memref<320000xi32, #tpu.memory_space<hbm>> -> memref<80xi32, #tpu.memory_space<hbm>>
        tpu.wait_dma2 semaphore(%run_scoped3A : memref<!tpu.dma_semaphore, #tpu.memory_space<semaphore_mem>>) src(%dma_wait3A_82 : memref<80xi32, #tpu.memory_space<hbm>>) dst(%arg8 : memref<80xi32, #tpu.memory_space<vmem>>)
        tpu.yield
      }) : () -> ()
      %add3A_52 = arith.constant 1 : i32
      %add3A_53 = arith.addi %mul3A_45, %add3A_52 : i32
      %min3A = arith.constant 124 : i32
      %min3A_54 = arith.minsi %add3A_53, %min3A : i32
      %mul3A_55 = arith.constant 80 : i32
      %mul3A_56 = arith.muli %min3A_54, %mul3A_55 : i32
      %add3A_57 = arith.addi %mul3A_19, %mul3A_56 : i32
      "tpu.region"() ({
        %run_scoped3A = tpu.sem_alloc : memref<!tpu.dma_semaphore, #tpu.memory_space<semaphore_mem>>
        %dma_start3A_79 = tpu.memref_slice %arg3[%add3A_57] : memref<320000xi32, #tpu.memory_space<hbm>> -> memref<80xi32, #tpu.memory_space<hbm>>
        %dma_start3A_80 = tpu.memref_slice %arg3[%add3A_57] : memref<320000xi32, #tpu.memory_space<hbm>> -> memref<80xi32, #tpu.memory_space<hbm>>
        tpu.enqueue_dma source(%dma_start3A_80 : memref<80xi32, #tpu.memory_space<hbm>>) target(%arg7 : memref<80xi32, #tpu.memory_space<vmem>>) target_semaphore(%run_scoped3A : memref<!tpu.dma_semaphore, #tpu.memory_space<semaphore_mem>>)
        %dma_wait3A_81 = tpu.memref_slice %arg3[%add3A_57] : memref<320000xi32, #tpu.memory_space<hbm>> -> memref<80xi32, #tpu.memory_space<hbm>>
        %dma_wait3A_82 = tpu.memref_slice %arg3[%add3A_57] : memref<320000xi32, #tpu.memory_space<hbm>> -> memref<80xi32, #tpu.memory_space<hbm>>
        tpu.wait_dma2 semaphore(%run_scoped3A : memref<!tpu.dma_semaphore, #tpu.memory_space<semaphore_mem>>) src(%dma_wait3A_82 : memref<80xi32, #tpu.memory_space<hbm>>) dst(%arg7 : memref<80xi32, #tpu.memory_space<vmem>>)
        tpu.yield
      }) : () -> ()
      %dma_wait3A_58 = arith.constant 0 : i32
      %dma_wait3A_59 = arith.constant 0 : i32
      %dma_wait3A_60 = tpu.memref_slice %arg2[%dma_wait3A_58, %dma_wait3A_59] : memref<10000x128xf32, #tpu.memory_space<hbm>> -> memref<10000x128xf32, #tpu.memory_space<hbm>>
      tpu.wait_indirect_dma semaphore(%arg13 : memref<!tpu.dma_semaphore, #tpu.memory_space<semaphore_mem>>) src(%dma_wait3A_60 : memref<10000x128xf32, #tpu.memory_space<hbm>>) dst(%arg10 : memref<80x128xf32, #tpu.memory_space<vmem>>)
      "tpu.region"() ({
        %run_scoped3A = tpu.sem_alloc : memref<!tpu.dma_semaphore, #tpu.memory_space<semaphore_mem>>
        %dma_start3A_79 = arith.constant 0 : i32
        %dma_start3A_80 = arith.constant 0 : i32
        %dma_start3A_81 = tpu.memref_slice %arg12[%dma_start3A_79, %dma_start3A_80] : memref<10240x128xf32, #tpu.memory_space<vmem_shared>> -> memref<10240x128xf32, #tpu.memory_space<vmem_shared>>
        tpu.enqueue_indirect_dma source(%arg10 : memref<80x128xf32, #tpu.memory_space<vmem>>) target(%dma_start3A_81 : memref<10240x128xf32, #tpu.memory_space<vmem_shared>>) offsets(%arg8 : memref<80xi32, #tpu.memory_space<vmem>>) semaphore(%run_scoped3A : memref<!tpu.dma_semaphore, #tpu.memory_space<semaphore_mem>>) {add = true}
        %dma_wait3A_82 = arith.constant 0 : i32
        %dma_wait3A_83 = arith.constant 0 : i32
        %dma_wait3A_84 = tpu.memref_slice %arg12[%dma_wait3A_82, %dma_wait3A_83] : memref<10240x128xf32, #tpu.memory_space<vmem_shared>> -> memref<10240x128xf32, #tpu.memory_space<vmem_shared>>
        tpu.wait_indirect_dma semaphore(%run_scoped3A : memref<!tpu.dma_semaphore, #tpu.memory_space<semaphore_mem>>) src(%arg10 : memref<80x128xf32, #tpu.memory_space<vmem>>) dst(%dma_wait3A_84 : memref<10240x128xf32, #tpu.memory_space<vmem_shared>>)
        tpu.yield
      }) : () -> ()
      %dma_start3A_61 = arith.constant 0 : i32
      %dma_start3A_62 = arith.constant 0 : i32
      %dma_start3A_63 = tpu.memref_slice %arg2[%dma_start3A_61, %dma_start3A_62] : memref<10000x128xf32, #tpu.memory_space<hbm>> -> memref<10000x128xf32, #tpu.memory_space<hbm>>
      tpu.enqueue_indirect_dma source(%dma_start3A_63 : memref<10000x128xf32, #tpu.memory_space<hbm>>) target(%arg10 : memref<80x128xf32, #tpu.memory_space<vmem>>) offsets(%arg7 : memref<80xi32, #tpu.memory_space<vmem>>) semaphore(%arg13 : memref<!tpu.dma_semaphore, #tpu.memory_space<semaphore_mem>>)
      %add3A_64 = arith.constant 1 : i32
      %add3A_65 = arith.addi %mul3A_45, %add3A_64 : i32
      %mul3A_66 = arith.constant 80 : i32
      %mul3A_67 = arith.muli %add3A_65, %mul3A_66 : i32
      %add3A_68 = arith.addi %mul3A_19, %mul3A_67 : i32
      "tpu.region"() ({
        %run_scoped3A = tpu.sem_alloc : memref<!tpu.dma_semaphore, #tpu.memory_space<semaphore_mem>>
        %dma_start3A_79 = tpu.memref_slice %arg4[%add3A_68] : memref<320000xi32, #tpu.memory_space<hbm>> -> memref<80xi32, #tpu.memory_space<hbm>>
        %dma_start3A_80 = tpu.memref_slice %arg4[%add3A_68] : memref<320000xi32, #tpu.memory_space<hbm>> -> memref<80xi32, #tpu.memory_space<hbm>>
        tpu.enqueue_dma source(%dma_start3A_80 : memref<80xi32, #tpu.memory_space<hbm>>) target(%arg9 : memref<80xi32, #tpu.memory_space<vmem>>) target_semaphore(%run_scoped3A : memref<!tpu.dma_semaphore, #tpu.memory_space<semaphore_mem>>)
        %dma_wait3A_81 = tpu.memref_slice %arg4[%add3A_68] : memref<320000xi32, #tpu.memory_space<hbm>> -> memref<80xi32, #tpu.memory_space<hbm>>
        %dma_wait3A_82 = tpu.memref_slice %arg4[%add3A_68] : memref<320000xi32, #tpu.memory_space<hbm>> -> memref<80xi32, #tpu.memory_space<hbm>>
        tpu.wait_dma2 semaphore(%run_scoped3A : memref<!tpu.dma_semaphore, #tpu.memory_space<semaphore_mem>>) src(%dma_wait3A_82 : memref<80xi32, #tpu.memory_space<hbm>>) dst(%arg9 : memref<80xi32, #tpu.memory_space<vmem>>)
        tpu.yield
      }) : () -> ()
      %add3A_69 = arith.constant 2 : i32
      %add3A_70 = arith.addi %mul3A_45, %add3A_69 : i32
      %min3A_71 = arith.constant 124 : i32
      %min3A_72 = arith.minsi %add3A_70, %min3A_71 : i32
      %mul3A_73 = arith.constant 80 : i32
      %mul3A_74 = arith.muli %min3A_72, %mul3A_73 : i32
      %add3A_75 = arith.addi %mul3A_19, %mul3A_74 : i32
      "tpu.region"() ({
        %run_scoped3A = tpu.sem_alloc : memref<!tpu.dma_semaphore, #tpu.memory_space<semaphore_mem>>
        %dma_start3A_79 = tpu.memref_slice %arg3[%add3A_75] : memref<320000xi32, #tpu.memory_space<hbm>> -> memref<80xi32, #tpu.memory_space<hbm>>
        %dma_start3A_80 = tpu.memref_slice %arg3[%add3A_75] : memref<320000xi32, #tpu.memory_space<hbm>> -> memref<80xi32, #tpu.memory_space<hbm>>
        tpu.enqueue_dma source(%dma_start3A_80 : memref<80xi32, #tpu.memory_space<hbm>>) target(%arg6 : memref<80xi32, #tpu.memory_space<vmem>>) target_semaphore(%run_scoped3A : memref<!tpu.dma_semaphore, #tpu.memory_space<semaphore_mem>>)
        %dma_wait3A_81 = tpu.memref_slice %arg3[%add3A_75] : memref<320000xi32, #tpu.memory_space<hbm>> -> memref<80xi32, #tpu.memory_space<hbm>>
        %dma_wait3A_82 = tpu.memref_slice %arg3[%add3A_75] : memref<320000xi32, #tpu.memory_space<hbm>> -> memref<80xi32, #tpu.memory_space<hbm>>
        tpu.wait_dma2 semaphore(%run_scoped3A : memref<!tpu.dma_semaphore, #tpu.memory_space<semaphore_mem>>) src(%dma_wait3A_82 : memref<80xi32, #tpu.memory_space<hbm>>) dst(%arg6 : memref<80xi32, #tpu.memory_space<vmem>>)
        tpu.yield
      }) : () -> ()
      %dma_wait3A_76 = arith.constant 0 : i32
      %dma_wait3A_77 = arith.constant 0 : i32
      %dma_wait3A_78 = tpu.memref_slice %arg2[%dma_wait3A_76, %dma_wait3A_77] : memref<10000x128xf32, #tpu.memory_space<hbm>> -> memref<10000x128xf32, #tpu.memory_space<hbm>>
      tpu.wait_indirect_dma semaphore(%arg13 : memref<!tpu.dma_semaphore, #tpu.memory_space<semaphore_mem>>) src(%dma_wait3A_78 : memref<10000x128xf32, #tpu.memory_space<hbm>>) dst(%arg10 : memref<80x128xf32, #tpu.memory_space<vmem>>)
      "tpu.region"() ({
        %run_scoped3A = tpu.sem_alloc : memref<!tpu.dma_semaphore, #tpu.memory_space<semaphore_mem>>
        %dma_start3A_79 = arith.constant 0 : i32
        %dma_start3A_80 = arith.constant 0 : i32
        %dma_start3A_81 = tpu.memref_slice %arg12[%dma_start3A_79, %dma_start3A_80] : memref<10240x128xf32, #tpu.memory_space<vmem_shared>> -> memref<10240x128xf32, #tpu.memory_space<vmem_shared>>
        tpu.enqueue_indirect_dma source(%arg10 : memref<80x128xf32, #tpu.memory_space<vmem>>) target(%dma_start3A_81 : memref<10240x128xf32, #tpu.memory_space<vmem_shared>>) offsets(%arg9 : memref<80xi32, #tpu.memory_space<vmem>>) semaphore(%run_scoped3A : memref<!tpu.dma_semaphore, #tpu.memory_space<semaphore_mem>>) {add = true}
        %dma_wait3A_82 = arith.constant 0 : i32
        %dma_wait3A_83 = arith.constant 0 : i32
        %dma_wait3A_84 = tpu.memref_slice %arg12[%dma_wait3A_82, %dma_wait3A_83] : memref<10240x128xf32, #tpu.memory_space<vmem_shared>> -> memref<10240x128xf32, #tpu.memory_space<vmem_shared>>
        tpu.wait_indirect_dma semaphore(%run_scoped3A : memref<!tpu.dma_semaphore, #tpu.memory_space<semaphore_mem>>) src(%arg10 : memref<80x128xf32, #tpu.memory_space<vmem>>) dst(%dma_wait3A_84 : memref<10240x128xf32, #tpu.memory_space<vmem_shared>>)
        tpu.yield
      }) : () -> ()
    }
    %scan3A_25 = arith.constant 62 : i32
    %dma_start3A = arith.constant 0 : i32
    %dma_start3A_26 = arith.constant 0 : i32
    %dma_start3A_27 = tpu.memref_slice %arg2[%dma_start3A, %dma_start3A_26] : memref<10000x128xf32, #tpu.memory_space<hbm>> -> memref<10000x128xf32, #tpu.memory_space<hbm>>
    tpu.enqueue_indirect_dma source(%dma_start3A_27 : memref<10000x128xf32, #tpu.memory_space<hbm>>) target(%arg10 : memref<80x128xf32, #tpu.memory_space<vmem>>) offsets(%arg6 : memref<80xi32, #tpu.memory_space<vmem>>) semaphore(%arg13 : memref<!tpu.dma_semaphore, #tpu.memory_space<semaphore_mem>>)
    %add3A_28 = arith.constant 9920 : i32
    %add3A_29 = arith.addi %mul3A_19, %add3A_28 : i32
    "tpu.region"() ({
      %run_scoped3A = tpu.sem_alloc : memref<!tpu.dma_semaphore, #tpu.memory_space<semaphore_mem>>
      %dma_start3A_43 = tpu.memref_slice %arg4[%add3A_29] : memref<320000xi32, #tpu.memory_space<hbm>> -> memref<80xi32, #tpu.memory_space<hbm>>
      %dma_start3A_44 = tpu.memref_slice %arg4[%add3A_29] : memref<320000xi32, #tpu.memory_space<hbm>> -> memref<80xi32, #tpu.memory_space<hbm>>
      tpu.enqueue_dma source(%dma_start3A_44 : memref<80xi32, #tpu.memory_space<hbm>>) target(%arg8 : memref<80xi32, #tpu.memory_space<vmem>>) target_semaphore(%run_scoped3A : memref<!tpu.dma_semaphore, #tpu.memory_space<semaphore_mem>>)
      %dma_wait3A_45 = tpu.memref_slice %arg4[%add3A_29] : memref<320000xi32, #tpu.memory_space<hbm>> -> memref<80xi32, #tpu.memory_space<hbm>>
      %dma_wait3A_46 = tpu.memref_slice %arg4[%add3A_29] : memref<320000xi32, #tpu.memory_space<hbm>> -> memref<80xi32, #tpu.memory_space<hbm>>
      tpu.wait_dma2 semaphore(%run_scoped3A : memref<!tpu.dma_semaphore, #tpu.memory_space<semaphore_mem>>) src(%dma_wait3A_46 : memref<80xi32, #tpu.memory_space<hbm>>) dst(%arg8 : memref<80xi32, #tpu.memory_space<vmem>>)
      tpu.yield
    }) : () -> ()
    %dma_wait3A = arith.constant 0 : i32
    %dma_wait3A_30 = arith.constant 0 : i32
    %dma_wait3A_31 = tpu.memref_slice %arg2[%dma_wait3A, %dma_wait3A_30] : memref<10000x128xf32, #tpu.memory_space<hbm>> -> memref<10000x128xf32, #tpu.memory_space<hbm>>
    tpu.wait_indirect_dma semaphore(%arg13 : memref<!tpu.dma_semaphore, #tpu.memory_space<semaphore_mem>>) src(%dma_wait3A_31 : memref<10000x128xf32, #tpu.memory_space<hbm>>) dst(%arg10 : memref<80x128xf32, #tpu.memory_space<vmem>>)
    "tpu.region"() ({
      %run_scoped3A = tpu.sem_alloc : memref<!tpu.dma_semaphore, #tpu.memory_space<semaphore_mem>>
      %dma_start3A_43 = arith.constant 0 : i32
      %dma_start3A_44 = arith.constant 0 : i32
      %dma_start3A_45 = tpu.memref_slice %arg12[%dma_start3A_43, %dma_start3A_44] : memref<10240x128xf32, #tpu.memory_space<vmem_shared>> -> memref<10240x128xf32, #tpu.memory_space<vmem_shared>>
      tpu.enqueue_indirect_dma source(%arg10 : memref<80x128xf32, #tpu.memory_space<vmem>>) target(%dma_start3A_45 : memref<10240x128xf32, #tpu.memory_space<vmem_shared>>) offsets(%arg8 : memref<80xi32, #tpu.memory_space<vmem>>) semaphore(%run_scoped3A : memref<!tpu.dma_semaphore, #tpu.memory_space<semaphore_mem>>) {add = true}
      %dma_wait3A_46 = arith.constant 0 : i32
      %dma_wait3A_47 = arith.constant 0 : i32
      %dma_wait3A_48 = tpu.memref_slice %arg12[%dma_wait3A_46, %dma_wait3A_47] : memref<10240x128xf32, #tpu.memory_space<vmem_shared>> -> memref<10240x128xf32, #tpu.memory_space<vmem_shared>>
      tpu.wait_indirect_dma semaphore(%run_scoped3A : memref<!tpu.dma_semaphore, #tpu.memory_space<semaphore_mem>>) src(%arg10 : memref<80x128xf32, #tpu.memory_space<vmem>>) dst(%dma_wait3A_48 : memref<10240x128xf32, #tpu.memory_space<vmem_shared>>)
      tpu.yield
    }) : () -> ()
    %barrier3A_32 = arith.constant 0 : index
    tpu.barrier barrier_id(%barrier3A_32)
    %add3A_33 = arith.constant 0 : i32
    %add3A_34 = arith.addi %mul3A_7, %add3A_33 : i32
    "tpu.region"() ({
      %run_scoped3A = tpu.sem_alloc : memref<!tpu.dma_semaphore, #tpu.memory_space<semaphore_mem>>
      %dma_start3A_43 = arith.constant 0 : i32
      %dma_start3A_44 = tpu.memref_slice %arg12[%add3A_34, %dma_start3A_43] : memref<10240x128xf32, #tpu.memory_space<vmem_shared>> -> memref<128x128xf32, #tpu.memory_space<vmem_shared>>
      %dma_start3A_45 = arith.constant 0 : i32
      %dma_start3A_46 = tpu.memref_slice %arg12[%add3A_34, %dma_start3A_45] : memref<10240x128xf32, #tpu.memory_space<vmem_shared>> -> memref<128x128xf32, #tpu.memory_space<vmem_shared>>
      tpu.enqueue_dma source(%dma_start3A_46 : memref<128x128xf32, #tpu.memory_space<vmem_shared>>) target(%arg11 : memref<128x128xf32, #tpu.memory_space<vmem>>) target_semaphore(%run_scoped3A : memref<!tpu.dma_semaphore, #tpu.memory_space<semaphore_mem>>)
      %dma_wait3A_47 = arith.constant 0 : i32
      %dma_wait3A_48 = tpu.memref_slice %arg12[%add3A_34, %dma_wait3A_47] : memref<10240x128xf32, #tpu.memory_space<vmem_shared>> -> memref<128x128xf32, #tpu.memory_space<vmem_shared>>
      %dma_wait3A_49 = arith.constant 0 : i32
      %dma_wait3A_50 = tpu.memref_slice %arg12[%add3A_34, %dma_wait3A_49] : memref<10240x128xf32, #tpu.memory_space<vmem_shared>> -> memref<128x128xf32, #tpu.memory_space<vmem_shared>>
      tpu.wait_dma2 semaphore(%run_scoped3A : memref<!tpu.dma_semaphore, #tpu.memory_space<semaphore_mem>>) src(%dma_wait3A_50 : memref<128x128xf32, #tpu.memory_space<vmem_shared>>) dst(%arg11 : memref<128x128xf32, #tpu.memory_space<vmem>>)
      tpu.yield
    }) : () -> ()
    "tpu.region"() ({
      %run_scoped3A = tpu.sem_alloc : memref<!tpu.dma_semaphore, #tpu.memory_space<semaphore_mem>>
      %dma_start3A_43 = arith.constant 0 : i32
      %dma_start3A_44 = tpu.memref_slice %arg5[%arg0, %add3A_34, %dma_start3A_43] : memref<2x10240x128xf32, #tpu.memory_space<hbm>> -> memref<1x128x128xf32, #tpu.memory_space<hbm>>
      %dma_start3A_45 = tpu.memref_squeeze %dma_start3A_44 : memref<1x128x128xf32, #tpu.memory_space<hbm>> -> memref<128x128xf32, #tpu.memory_space<hbm>>
      %dma_start3A_46 = arith.constant 0 : i32
      %dma_start3A_47 = tpu.memref_slice %arg5[%arg0, %add3A_34, %dma_start3A_46] : memref<2x10240x128xf32, #tpu.memory_space<hbm>> -> memref<1x128x128xf32, #tpu.memory_space<hbm>>
      %dma_start3A_48 = tpu.memref_squeeze %dma_start3A_47 : memref<1x128x128xf32, #tpu.memory_space<hbm>> -> memref<128x128xf32, #tpu.memory_space<hbm>>
      tpu.enqueue_dma source(%arg11 : memref<128x128xf32, #tpu.memory_space<vmem>>) target(%dma_start3A_48 : memref<128x128xf32, #tpu.memory_space<hbm>>) target_semaphore(%run_scoped3A : memref<!tpu.dma_semaphore, #tpu.memory_space<semaphore_mem>>)
      %dma_wait3A_49 = arith.constant 0 : i32
      %dma_wait3A_50 = tpu.memref_slice %arg5[%arg0, %add3A_34, %dma_wait3A_49] : memref<2x10240x128xf32, #tpu.memory_space<hbm>> -> memref<1x128x128xf32, #tpu.memory_space<hbm>>
      %dma_wait3A_51 = tpu.memref_squeeze %dma_wait3A_50 : memref<1x128x128xf32, #tpu.memory_space<hbm>> -> memref<128x128xf32, #tpu.memory_space<hbm>>
      %dma_wait3A_52 = arith.constant 0 : i32
      %dma_wait3A_53 = tpu.memref_slice %arg5[%arg0, %add3A_34, %dma_wait3A_52] : memref<2x10240x128xf32, #tpu.memory_space<hbm>> -> memref<1x128x128xf32, #tpu.memory_space<hbm>>
      %dma_wait3A_54 = tpu.memref_squeeze %dma_wait3A_53 : memref<1x128x128xf32, #tpu.memory_space<hbm>> -> memref<128x128xf32, #tpu.memory_space<hbm>>
      tpu.wait_dma2 semaphore(%run_scoped3A : memref<!tpu.dma_semaphore, #tpu.memory_space<semaphore_mem>>) src(%arg11 : memref<128x128xf32, #tpu.memory_space<vmem>>) dst(%dma_wait3A_54 : memref<128x128xf32, #tpu.memory_space<hbm>>)
      tpu.yield
    }) : () -> ()
    %add3A_35 = arith.constant 128 : i32
    %add3A_36 = arith.addi %mul3A_7, %add3A_35 : i32
    "tpu.region"() ({
      %run_scoped3A = tpu.sem_alloc : memref<!tpu.dma_semaphore, #tpu.memory_space<semaphore_mem>>
      %dma_start3A_43 = arith.constant 0 : i32
      %dma_start3A_44 = tpu.memref_slice %arg12[%add3A_36, %dma_start3A_43] : memref<10240x128xf32, #tpu.memory_space<vmem_shared>> -> memref<128x128xf32, #tpu.memory_space<vmem_shared>>
      %dma_start3A_45 = arith.constant 0 : i32
      %dma_start3A_46 = tpu.memref_slice %arg12[%add3A_36, %dma_start3A_45] : memref<10240x128xf32, #tpu.memory_space<vmem_shared>> -> memref<128x128xf32, #tpu.memory_space<vmem_shared>>
      tpu.enqueue_dma source(%dma_start3A_46 : memref<128x128xf32, #tpu.memory_space<vmem_shared>>) target(%arg11 : memref<128x128xf32, #tpu.memory_space<vmem>>) target_semaphore(%run_scoped3A : memref<!tpu.dma_semaphore, #tpu.memory_space<semaphore_mem>>)
      %dma_wait3A_47 = arith.constant 0 : i32
      %dma_wait3A_48 = tpu.memref_slice %arg12[%add3A_36, %dma_wait3A_47] : memref<10240x128xf32, #tpu.memory_space<vmem_shared>> -> memref<128x128xf32, #tpu.memory_space<vmem_shared>>
      %dma_wait3A_49 = arith.constant 0 : i32
      %dma_wait3A_50 = tpu.memref_slice %arg12[%add3A_36, %dma_wait3A_49] : memref<10240x128xf32, #tpu.memory_space<vmem_shared>> -> memref<128x128xf32, #tpu.memory_space<vmem_shared>>
      tpu.wait_dma2 semaphore(%run_scoped3A : memref<!tpu.dma_semaphore, #tpu.memory_space<semaphore_mem>>) src(%dma_wait3A_50 : memref<128x128xf32, #tpu.memory_space<vmem_shared>>) dst(%arg11 : memref<128x128xf32, #tpu.memory_space<vmem>>)
      tpu.yield
    }) : () -> ()
    "tpu.region"() ({
      %run_scoped3A = tpu.sem_alloc : memref<!tpu.dma_semaphore, #tpu.memory_space<semaphore_mem>>
      %dma_start3A_43 = arith.constant 0 : i32
      %dma_start3A_44 = tpu.memref_slice %arg5[%arg0, %add3A_36, %dma_start3A_43] : memref<2x10240x128xf32, #tpu.memory_space<hbm>> -> memref<1x128x128xf32, #tpu.memory_space<hbm>>
      %dma_start3A_45 = tpu.memref_squeeze %dma_start3A_44 : memref<1x128x128xf32, #tpu.memory_space<hbm>> -> memref<128x128xf32, #tpu.memory_space<hbm>>
      %dma_start3A_46 = arith.constant 0 : i32
      %dma_start3A_47 = tpu.memref_slice %arg5[%arg0, %add3A_36, %dma_start3A_46] : memref<2x10240x128xf32, #tpu.memory_space<hbm>> -> memref<1x128x128xf32, #tpu.memory_space<hbm>>
      %dma_start3A_48 = tpu.memref_squeeze %dma_start3A_47 : memref<1x128x128xf32, #tpu.memory_space<hbm>> -> memref<128x128xf32, #tpu.memory_space<hbm>>
      tpu.enqueue_dma source(%arg11 : memref<128x128xf32, #tpu.memory_space<vmem>>) target(%dma_start3A_48 : memref<128x128xf32, #tpu.memory_space<hbm>>) target_semaphore(%run_scoped3A : memref<!tpu.dma_semaphore, #tpu.memory_space<semaphore_mem>>)
      %dma_wait3A_49 = arith.constant 0 : i32
      %dma_wait3A_50 = tpu.memref_slice %arg5[%arg0, %add3A_36, %dma_wait3A_49] : memref<2x10240x128xf32, #tpu.memory_space<hbm>> -> memref<1x128x128xf32, #tpu.memory_space<hbm>>
      %dma_wait3A_51 = tpu.memref_squeeze %dma_wait3A_50 : memref<1x128x128xf32, #tpu.memory_space<hbm>> -> memref<128x128xf32, #tpu.memory_space<hbm>>
      %dma_wait3A_52 = arith.constant 0 : i32
      %dma_wait3A_53 = tpu.memref_slice %arg5[%arg0, %add3A_36, %dma_wait3A_52] : memref<2x10240x128xf32, #tpu.memory_space<hbm>> -> memref<1x128x128xf32, #tpu.memory_space<hbm>>
      %dma_wait3A_54 = tpu.memref_squeeze %dma_wait3A_53 : memref<1x128x128xf32, #tpu.memory_space<hbm>> -> memref<128x128xf32, #tpu.memory_space<hbm>>
      tpu.wait_dma2 semaphore(%run_scoped3A : memref<!tpu.dma_semaphore, #tpu.memory_space<semaphore_mem>>) src(%arg11 : memref<128x128xf32, #tpu.memory_space<vmem>>) dst(%dma_wait3A_54 : memref<128x128xf32, #tpu.memory_space<hbm>>)
      tpu.yield
    }) : () -> ()
    %add3A_37 = arith.constant 256 : i32
    %add3A_38 = arith.addi %mul3A_7, %add3A_37 : i32
    "tpu.region"() ({
      %run_scoped3A = tpu.sem_alloc : memref<!tpu.dma_semaphore, #tpu.memory_space<semaphore_mem>>
      %dma_start3A_43 = arith.constant 0 : i32
      %dma_start3A_44 = tpu.memref_slice %arg12[%add3A_38, %dma_start3A_43] : memref<10240x128xf32, #tpu.memory_space<vmem_shared>> -> memref<128x128xf32, #tpu.memory_space<vmem_shared>>
      %dma_start3A_45 = arith.constant 0 : i32
      %dma_start3A_46 = tpu.memref_slice %arg12[%add3A_38, %dma_start3A_45] : memref<10240x128xf32, #tpu.memory_space<vmem_shared>> -> memref<128x128xf32, #tpu.memory_space<vmem_shared>>
      tpu.enqueue_dma source(%dma_start3A_46 : memref<128x128xf32, #tpu.memory_space<vmem_shared>>) target(%arg11 : memref<128x128xf32, #tpu.memory_space<vmem>>) target_semaphore(%run_scoped3A : memref<!tpu.dma_semaphore, #tpu.memory_space<semaphore_mem>>)
      %dma_wait3A_47 = arith.constant 0 : i32
      %dma_wait3A_48 = tpu.memref_slice %arg12[%add3A_38, %dma_wait3A_47] : memref<10240x128xf32, #tpu.memory_space<vmem_shared>> -> memref<128x128xf32, #tpu.memory_space<vmem_shared>>
      %dma_wait3A_49 = arith.constant 0 : i32
      %dma_wait3A_50 = tpu.memref_slice %arg12[%add3A_38, %dma_wait3A_49] : memref<10240x128xf32, #tpu.memory_space<vmem_shared>> -> memref<128x128xf32, #tpu.memory_space<vmem_shared>>
      tpu.wait_dma2 semaphore(%run_scoped3A : memref<!tpu.dma_semaphore, #tpu.memory_space<semaphore_mem>>) src(%dma_wait3A_50 : memref<128x128xf32, #tpu.memory_space<vmem_shared>>) dst(%arg11 : memref<128x128xf32, #tpu.memory_space<vmem>>)
      tpu.yield
    }) : () -> ()
    "tpu.region"() ({
      %run_scoped3A = tpu.sem_alloc : memref<!tpu.dma_semaphore, #tpu.memory_space<semaphore_mem>>
      %dma_start3A_43 = arith.constant 0 : i32
      %dma_start3A_44 = tpu.memref_slice %arg5[%arg0, %add3A_38, %dma_start3A_43] : memref<2x10240x128xf32, #tpu.memory_space<hbm>> -> memref<1x128x128xf32, #tpu.memory_space<hbm>>
      %dma_start3A_45 = tpu.memref_squeeze %dma_start3A_44 : memref<1x128x128xf32, #tpu.memory_space<hbm>> -> memref<128x128xf32, #tpu.memory_space<hbm>>
      %dma_start3A_46 = arith.constant 0 : i32
      %dma_start3A_47 = tpu.memref_slice %arg5[%arg0, %add3A_38, %dma_start3A_46] : memref<2x10240x128xf32, #tpu.memory_space<hbm>> -> memref<1x128x128xf32, #tpu.memory_space<hbm>>
      %dma_start3A_48 = tpu.memref_squeeze %dma_start3A_47 : memref<1x128x128xf32, #tpu.memory_space<hbm>> -> memref<128x128xf32, #tpu.memory_space<hbm>>
      tpu.enqueue_dma source(%arg11 : memref<128x128xf32, #tpu.memory_space<vmem>>) target(%dma_start3A_48 : memref<128x128xf32, #tpu.memory_space<hbm>>) target_semaphore(%run_scoped3A : memref<!tpu.dma_semaphore, #tpu.memory_space<semaphore_mem>>)
      %dma_wait3A_49 = arith.constant 0 : i32
      %dma_wait3A_50 = tpu.memref_slice %arg5[%arg0, %add3A_38, %dma_wait3A_49] : memref<2x10240x128xf32, #tpu.memory_space<hbm>> -> memref<1x128x128xf32, #tpu.memory_space<hbm>>
      %dma_wait3A_51 = tpu.memref_squeeze %dma_wait3A_50 : memref<1x128x128xf32, #tpu.memory_space<hbm>> -> memref<128x128xf32, #tpu.memory_space<hbm>>
      %dma_wait3A_52 = arith.constant 0 : i32
      %dma_wait3A_53 = tpu.memref_slice %arg5[%arg0, %add3A_38, %dma_wait3A_52] : memref<2x10240x128xf32, #tpu.memory_space<hbm>> -> memref<1x128x128xf32, #tpu.memory_space<hbm>>
      %dma_wait3A_54 = tpu.memref_squeeze %dma_wait3A_53 : memref<1x128x128xf32, #tpu.memory_space<hbm>> -> memref<128x128xf32, #tpu.memory_space<hbm>>
      tpu.wait_dma2 semaphore(%run_scoped3A : memref<!tpu.dma_semaphore, #tpu.memory_space<semaphore_mem>>) src(%arg11 : memref<128x128xf32, #tpu.memory_space<vmem>>) dst(%dma_wait3A_54 : memref<128x128xf32, #tpu.memory_space<hbm>>)
      tpu.yield
    }) : () -> ()
    %add3A_39 = arith.constant 384 : i32
    %add3A_40 = arith.addi %mul3A_7, %add3A_39 : i32
    "tpu.region"() ({
      %run_scoped3A = tpu.sem_alloc : memref<!tpu.dma_semaphore, #tpu.memory_space<semaphore_mem>>
      %dma_start3A_43 = arith.constant 0 : i32
      %dma_start3A_44 = tpu.memref_slice %arg12[%add3A_40, %dma_start3A_43] : memref<10240x128xf32, #tpu.memory_space<vmem_shared>> -> memref<128x128xf32, #tpu.memory_space<vmem_shared>>
      %dma_start3A_45 = arith.constant 0 : i32
      %dma_start3A_46 = tpu.memref_slice %arg12[%add3A_40, %dma_start3A_45] : memref<10240x128xf32, #tpu.memory_space<vmem_shared>> -> memref<128x128xf32, #tpu.memory_space<vmem_shared>>
      tpu.enqueue_dma source(%dma_start3A_46 : memref<128x128xf32, #tpu.memory_space<vmem_shared>>) target(%arg11 : memref<128x128xf32, #tpu.memory_space<vmem>>) target_semaphore(%run_scoped3A : memref<!tpu.dma_semaphore, #tpu.memory_space<semaphore_mem>>)
      %dma_wait3A_47 = arith.constant 0 : i32
      %dma_wait3A_48 = tpu.memref_slice %arg12[%add3A_40, %dma_wait3A_47] : memref<10240x128xf32, #tpu.memory_space<vmem_shared>> -> memref<128x128xf32, #tpu.memory_space<vmem_shared>>
      %dma_wait3A_49 = arith.constant 0 : i32
      %dma_wait3A_50 = tpu.memref_slice %arg12[%add3A_40, %dma_wait3A_49] : memref<10240x128xf32, #tpu.memory_space<vmem_shared>> -> memref<128x128xf32, #tpu.memory_space<vmem_shared>>
      tpu.wait_dma2 semaphore(%run_scoped3A : memref<!tpu.dma_semaphore, #tpu.memory_space<semaphore_mem>>) src(%dma_wait3A_50 : memref<128x128xf32, #tpu.memory_space<vmem_shared>>) dst(%arg11 : memref<128x128xf32, #tpu.memory_space<vmem>>)
      tpu.yield
    }) : () -> ()
    "tpu.region"() ({
      %run_scoped3A = tpu.sem_alloc : memref<!tpu.dma_semaphore, #tpu.memory_space<semaphore_mem>>
      %dma_start3A_43 = arith.constant 0 : i32
      %dma_start3A_44 = tpu.memref_slice %arg5[%arg0, %add3A_40, %dma_start3A_43] : memref<2x10240x128xf32, #tpu.memory_space<hbm>> -> memref<1x128x128xf32, #tpu.memory_space<hbm>>
      %dma_start3A_45 = tpu.memref_squeeze %dma_start3A_44 : memref<1x128x128xf32, #tpu.memory_space<hbm>> -> memref<128x128xf32, #tpu.memory_space<hbm>>
      %dma_start3A_46 = arith.constant 0 : i32
      %dma_start3A_47 = tpu.memref_slice %arg5[%arg0, %add3A_40, %dma_start3A_46] : memref<2x10240x128xf32, #tpu.memory_space<hbm>> -> memref<1x128x128xf32, #tpu.memory_space<hbm>>
      %dma_start3A_48 = tpu.memref_squeeze %dma_start3A_47 : memref<1x128x128xf32, #tpu.memory_space<hbm>> -> memref<128x128xf32, #tpu.memory_space<hbm>>
      tpu.enqueue_dma source(%arg11 : memref<128x128xf32, #tpu.memory_space<vmem>>) target(%dma_start3A_48 : memref<128x128xf32, #tpu.memory_space<hbm>>) target_semaphore(%run_scoped3A : memref<!tpu.dma_semaphore, #tpu.memory_space<semaphore_mem>>)
      %dma_wait3A_49 = arith.constant 0 : i32
      %dma_wait3A_50 = tpu.memref_slice %arg5[%arg0, %add3A_40, %dma_wait3A_49] : memref<2x10240x128xf32, #tpu.memory_space<hbm>> -> memref<1x128x128xf32, #tpu.memory_space<hbm>>
      %dma_wait3A_51 = tpu.memref_squeeze %dma_wait3A_50 : memref<1x128x128xf32, #tpu.memory_space<hbm>> -> memref<128x128xf32, #tpu.memory_space<hbm>>
      %dma_wait3A_52 = arith.constant 0 : i32
      %dma_wait3A_53 = tpu.memref_slice %arg5[%arg0, %add3A_40, %dma_wait3A_52] : memref<2x10240x128xf32, #tpu.memory_space<hbm>> -> memref<1x128x128xf32, #tpu.memory_space<hbm>>
      %dma_wait3A_54 = tpu.memref_squeeze %dma_wait3A_53 : memref<1x128x128xf32, #tpu.memory_space<hbm>> -> memref<128x128xf32, #tpu.memory_space<hbm>>
      tpu.wait_dma2 semaphore(%run_scoped3A : memref<!tpu.dma_semaphore, #tpu.memory_space<semaphore_mem>>) src(%arg11 : memref<128x128xf32, #tpu.memory_space<vmem>>) dst(%dma_wait3A_54 : memref<128x128xf32, #tpu.memory_space<hbm>>)
      tpu.yield
    }) : () -> ()
    %add3A_41 = arith.constant 512 : i32
    %add3A_42 = arith.addi %mul3A_7, %add3A_41 : i32
    "tpu.region"() ({
      %run_scoped3A = tpu.sem_alloc : memref<!tpu.dma_semaphore, #tpu.memory_space<semaphore_mem>>
      %dma_start3A_43 = arith.constant 0 : i32
      %dma_start3A_44 = tpu.memref_slice %arg12[%add3A_42, %dma_start3A_43] : memref<10240x128xf32, #tpu.memory_space<vmem_shared>> -> memref<128x128xf32, #tpu.memory_space<vmem_shared>>
      %dma_start3A_45 = arith.constant 0 : i32
      %dma_start3A_46 = tpu.memref_slice %arg12[%add3A_42, %dma_start3A_45] : memref<10240x128xf32, #tpu.memory_space<vmem_shared>> -> memref<128x128xf32, #tpu.memory_space<vmem_shared>>
      tpu.enqueue_dma source(%dma_start3A_46 : memref<128x128xf32, #tpu.memory_space<vmem_shared>>) target(%arg11 : memref<128x128xf32, #tpu.memory_space<vmem>>) target_semaphore(%run_scoped3A : memref<!tpu.dma_semaphore, #tpu.memory_space<semaphore_mem>>)
      %dma_wait3A_47 = arith.constant 0 : i32
      %dma_wait3A_48 = tpu.memref_slice %arg12[%add3A_42, %dma_wait3A_47] : memref<10240x128xf32, #tpu.memory_space<vmem_shared>> -> memref<128x128xf32, #tpu.memory_space<vmem_shared>>
      %dma_wait3A_49 = arith.constant 0 : i32
      %dma_wait3A_50 = tpu.memref_slice %arg12[%add3A_42, %dma_wait3A_49] : memref<10240x128xf32, #tpu.memory_space<vmem_shared>> -> memref<128x128xf32, #tpu.memory_space<vmem_shared>>
      tpu.wait_dma2 semaphore(%run_scoped3A : memref<!tpu.dma_semaphore, #tpu.memory_space<semaphore_mem>>) src(%dma_wait3A_50 : memref<128x128xf32, #tpu.memory_space<vmem_shared>>) dst(%arg11 : memref<128x128xf32, #tpu.memory_space<vmem>>)
      tpu.yield
    }) : () -> ()
    "tpu.region"() ({
      %run_scoped3A = tpu.sem_alloc : memref<!tpu.dma_semaphore, #tpu.memory_space<semaphore_mem>>
      %dma_start3A_43 = arith.constant 0 : i32
      %dma_start3A_44 = tpu.memref_slice %arg5[%arg0, %add3A_42, %dma_start3A_43] : memref<2x10240x128xf32, #tpu.memory_space<hbm>> -> memref<1x128x128xf32, #tpu.memory_space<hbm>>
      %dma_start3A_45 = tpu.memref_squeeze %dma_start3A_44 : memref<1x128x128xf32, #tpu.memory_space<hbm>> -> memref<128x128xf32, #tpu.memory_space<hbm>>
      %dma_start3A_46 = arith.constant 0 : i32
      %dma_start3A_47 = tpu.memref_slice %arg5[%arg0, %add3A_42, %dma_start3A_46] : memref<2x10240x128xf32, #tpu.memory_space<hbm>> -> memref<1x128x128xf32, #tpu.memory_space<hbm>>
      %dma_start3A_48 = tpu.memref_squeeze %dma_start3A_47 : memref<1x128x128xf32, #tpu.memory_space<hbm>> -> memref<128x128xf32, #tpu.memory_space<hbm>>
      tpu.enqueue_dma source(%arg11 : memref<128x128xf32, #tpu.memory_space<vmem>>) target(%dma_start3A_48 : memref<128x128xf32, #tpu.memory_space<hbm>>) target_semaphore(%run_scoped3A : memref<!tpu.dma_semaphore, #tpu.memory_space<semaphore_mem>>)
      %dma_wait3A_49 = arith.constant 0 : i32
      %dma_wait3A_50 = tpu.memref_slice %arg5[%arg0, %add3A_42, %dma_wait3A_49] : memref<2x10240x128xf32, #tpu.memory_space<hbm>> -> memref<1x128x128xf32, #tpu.memory_space<hbm>>
      %dma_wait3A_51 = tpu.memref_squeeze %dma_wait3A_50 : memref<1x128x128xf32, #tpu.memory_space<hbm>> -> memref<128x128xf32, #tpu.memory_space<hbm>>
      %dma_wait3A_52 = arith.constant 0 : i32
      %dma_wait3A_53 = tpu.memref_slice %arg5[%arg0, %add3A_42, %dma_wait3A_52] : memref<2x10240x128xf32, #tpu.memory_space<hbm>> -> memref<1x128x128xf32, #tpu.memory_space<hbm>>
      %dma_wait3A_54 = tpu.memref_squeeze %dma_wait3A_53 : memref<1x128x128xf32, #tpu.memory_space<hbm>> -> memref<128x128xf32, #tpu.memory_space<hbm>>
      tpu.wait_dma2 semaphore(%run_scoped3A : memref<!tpu.dma_semaphore, #tpu.memory_space<semaphore_mem>>) src(%arg11 : memref<128x128xf32, #tpu.memory_space<vmem>>) dst(%dma_wait3A_54 : memref<128x128xf32, #tpu.memory_space<hbm>>)
      tpu.yield
    }) : () -> ()
    return
  }
}

#map = affine_map<(d0, d1) -> (0, 0)>
#map1 = affine_map<(d0, d1) -> (0)>
#map2 = affine_map<(d0, d1) -> (0, 0, 0)>
module attributes {stable_mosaic.version = 14 : i64} {
  func.func @k(%arg0: i32, %arg1: i32, %arg2: memref<10000x128xf32, #tpu.memory_space<hbm>>, %arg3: memref<320000xi32, #tpu.memory_space<hbm>>, %arg4: memref<320000xi32, #tpu.memory_space<hbm>>, %arg5: memref<2x10240x128xf32, #tpu.memory_space<hbm>>, %arg6: memref<80xi32, #tpu.memory_space<vmem>>, %arg7: memref<80xi32, #tpu.memory_space<vmem>>, %arg8: memref<80xi32, #tpu.memory_space<vmem>>, %arg9: memref<80xi32, #tpu.memory_space<vmem>>, %arg10: memref<80x128xf32, #tpu.memory_space<vmem>>, %arg11: memref<128x128xf32, #tpu.memory_space<vmem>>, %arg12: memref<10240x128xf32, #tpu.memory_space<vmem_shared>>, %arg13: memref<!tpu.dma_semaphore, #tpu.memory_space<semaphore_mem>>) attributes {dimension_semantics = [#tpu.dimension_semantics<core_parallel>, #tpu.dimension_semantics<subcore_parallel>], iteration_bounds = array<i64: 2, 16>, scalar_prefetch = 0 : i64, scratch_operands = 8 : i64, tpu.core_type = #tpu.core_type<sc_vector_subcore>, window_params = [{transform_indices = #map}, {transform_indices = #map1}, {transform_indices = #map1}, {transform_indices = #map2}]} {
    %mul3A = arith.constant 2 : i32
    %mul3A_0 = arith.muli %arg1, %mul3A : i32
    %add3A = arith.addi %mul3A_0, %arg0 : i32
    %scan3A = arith.constant 0 : i32
    %scan3A_1 = arith.constant 0 : i32
    %scan3A_2 = arith.constant 1024 : i32
    %scan3A_3 = arith.addi %scan3A_1, %scan3A_2 : i32
    %scan3A_4 = arith.constant 1 : i32
    scf.for %scan3A_43 = %scan3A_1 to %scan3A_3 step %scan3A_4  : i32 {
      %jit3A = arith.constant 8 : i32
      %div3A = arith.divsi %scan3A_43, %jit3A : i32
      %sign3A = arith.constant 0 : i32
      %sign3A_44 = arith.cmpi sgt, %scan3A_43, %sign3A : i32
      %sign3A_45 = arith.extui %sign3A_44 : i1 to i32
      %sign3A_46 = arith.constant 0 : i32
      %sign3A_47 = arith.cmpi slt, %scan3A_43, %sign3A_46 : i32
      %sign3A_48 = arith.extui %sign3A_47 : i1 to i32
      %sign3A_49 = arith.subi %sign3A_45, %sign3A_48 : i32
      %sign3A_50 = arith.constant 0 : i32
      %sign3A_51 = arith.cmpi sgt, %jit3A, %sign3A_50 : i32
      %sign3A_52 = arith.extui %sign3A_51 : i1 to i32
      %sign3A_53 = arith.constant 0 : i32
      %sign3A_54 = arith.cmpi slt, %jit3A, %sign3A_53 : i32
      %sign3A_55 = arith.extui %sign3A_54 : i1 to i32
      %sign3A_56 = arith.subi %sign3A_52, %sign3A_55 : i32
      %ne3A = arith.cmpi ne, %sign3A_49, %sign3A_56 : i32
      %rem3A = arith.remsi %scan3A_43, %jit3A : i32
      %ne3A_57 = arith.constant 0 : i32
      %ne3A_58 = arith.cmpi ne, %rem3A, %ne3A_57 : i32
      %and3A = arith.andi %ne3A, %ne3A_58 : i1
      %sub3A = arith.constant 1 : i32
      %sub3A_59 = arith.subi %div3A, %sub3A : i32
      %select_n3A = arith.select %and3A, %sub3A_59, %div3A : i32
      %mul3A_60 = arith.constant 8 : i32
      %mul3A_61 = arith.muli %select_n3A, %mul3A_60 : i32
      %sub3A_62 = arith.subi %scan3A_43, %mul3A_61 : i32
      %broadcast_in_dim3A = arith.constant 0.000000e+00 : f32
      %broadcast_in_dim3A_63 = vector.broadcast %broadcast_in_dim3A : f32 to vector<16xf32>
      %mul3A_64 = arith.constant 16 : i32
      %mul3A_65 = arith.muli %sub3A_62, %mul3A_64 : i32
      %swap3A = arith.index_cast %select_n3A : i32 to index
      %swap3A_66 = arith.index_cast %mul3A_65 : i32 to index
      %swap3A_67 = tpu.vector_load %arg11[%swap3A, %swap3A_66] {strides = array<i32>} : memref<128x128xf32, #tpu.memory_space<vmem>>, vector<1x16xf32>,
      %swap3A_68 = vector.shape_cast %swap3A_67 : vector<1x16xf32> to vector<16xf32>
      %swap3A_69 = vector.shape_cast %broadcast_in_dim3A_63 : vector<16xf32> to vector<1x16xf32>
      tpu.vector_store %arg11[%swap3A, %swap3A_66], %swap3A_69 {strides = array<i32>} : memref<128x128xf32, #tpu.memory_space<vmem>>, vector<1x16xf32>,
    }
    %scan3A_5 = arith.constant 1024 : i32
    %mul3A_6 = arith.constant 640 : i32
    %mul3A_7 = arith.muli %arg1, %mul3A_6 : i32
    %add3A_8 = arith.constant 0 : i32
    %add3A_9 = arith.addi %mul3A_7, %add3A_8 : i32
    "tpu.region"() ({
      %run_scoped3A = tpu.sem_alloc : memref<!tpu.dma_semaphore, #tpu.memory_space<semaphore_mem>>
      %dma_start3A_43 = arith.constant 0 : i32
      %dma_start3A_44 = tpu.memref_slice %arg12[%add3A_9, %dma_start3A_43] : memref<10240x128xf32, #tpu.memory_space<vmem_shared>> -> memref<128x128xf32, #tpu.memory_space<vmem_shared>>
      %dma_start3A_45 = arith.constant 0 : i32
      %dma_start3A_46 = tpu.memref_slice %arg12[%add3A_9, %dma_start3A_45] : memref<10240x128xf32, #tpu.memory_space<vmem_shared>> -> memref<128x128xf32, #tpu.memory_space<vmem_shared>>
      tpu.enqueue_dma source(%arg11 : memref<128x128xf32, #tpu.memory_space<vmem>>) target(%dma_start3A_46 : memref<128x128xf32, #tpu.memory_space<vmem_shared>>) target_semaphore(%run_scoped3A : memref<!tpu.dma_semaphore, #tpu.memory_space<semaphore_mem>>)
      %dma_wait3A_47 = arith.constant 0 : i32
      %dma_wait3A_48 = tpu.memref_slice %arg12[%add3A_9, %dma_wait3A_47] : memref<10240x128xf32, #tpu.memory_space<vmem_shared>> -> memref<128x128xf32, #tpu.memory_space<vmem_shared>>
      %dma_wait3A_49 = arith.constant 0 : i32
      %dma_wait3A_50 = tpu.memref_slice %arg12[%add3A_9, %dma_wait3A_49] : memref<10240x128xf32, #tpu.memory_space<vmem_shared>> -> memref<128x128xf32, #tpu.memory_space<vmem_shared>>
      tpu.wait_dma2 semaphore(%run_scoped3A : memref<!tpu.dma_semaphore, #tpu.memory_space<semaphore_mem>>) src(%arg11 : memref<128x128xf32, #tpu.memory_space<vmem>>) dst(%dma_wait3A_50 : memref<128x128xf32, #tpu.memory_space<vmem_shared>>)
      tpu.yield
    }) : () -> ()
    %add3A_10 = arith.constant 128 : i32
    %add3A_11 = arith.addi %mul3A_7, %add3A_10 : i32
    "tpu.region"() ({
      %run_scoped3A = tpu.sem_alloc : memref<!tpu.dma_semaphore, #tpu.memory_space<semaphore_mem>>
      %dma_start3A_43 = arith.constant 0 : i32
      %dma_start3A_44 = tpu.memref_slice %arg12[%add3A_11, %dma_start3A_43] : memref<10240x128xf32, #tpu.memory_space<vmem_shared>> -> memref<128x128xf32, #tpu.memory_space<vmem_shared>>
      %dma_start3A_45 = arith.constant 0 : i32
      %dma_start3A_46 = tpu.memref_slice %arg12[%add3A_11, %dma_start3A_45] : memref<10240x128xf32, #tpu.memory_space<vmem_shared>> -> memref<128x128xf32, #tpu.memory_space<vmem_shared>>
      tpu.enqueue_dma source(%arg11 : memref<128x128xf32, #tpu.memory_space<vmem>>) target(%dma_start3A_46 : memref<128x128xf32, #tpu.memory_space<vmem_shared>>) target_semaphore(%run_scoped3A : memref<!tpu.dma_semaphore, #tpu.memory_space<semaphore_mem>>)
      %dma_wait3A_47 = arith.constant 0 : i32
      %dma_wait3A_48 = tpu.memref_slice %arg12[%add3A_11, %dma_wait3A_47] : memref<10240x128xf32, #tpu.memory_space<vmem_shared>> -> memref<128x128xf32, #tpu.memory_space<vmem_shared>>
      %dma_wait3A_49 = arith.constant 0 : i32
      %dma_wait3A_50 = tpu.memref_slice %arg12[%add3A_11, %dma_wait3A_49] : memref<10240x128xf32, #tpu.memory_space<vmem_shared>> -> memref<128x128xf32, #tpu.memory_space<vmem_shared>>
      tpu.wait_dma2 semaphore(%run_scoped3A : memref<!tpu.dma_semaphore, #tpu.memory_space<semaphore_mem>>) src(%arg11 : memref<128x128xf32, #tpu.memory_space<vmem>>) dst(%dma_wait3A_50 : memref<128x128xf32, #tpu.memory_space<vmem_shared>>)
      tpu.yield
    }) : () -> ()
    %add3A_12 = arith.constant 256 : i32
    %add3A_13 = arith.addi %mul3A_7, %add3A_12 : i32
    "tpu.region"() ({
      %run_scoped3A = tpu.sem_alloc : memref<!tpu.dma_semaphore, #tpu.memory_space<semaphore_mem>>
      %dma_start3A_43 = arith.constant 0 : i32
      %dma_start3A_44 = tpu.memref_slice %arg12[%add3A_13, %dma_start3A_43] : memref<10240x128xf32, #tpu.memory_space<vmem_shared>> -> memref<128x128xf32, #tpu.memory_space<vmem_shared>>
      %dma_start3A_45 = arith.constant 0 : i32
      %dma_start3A_46 = tpu.memref_slice %arg12[%add3A_13, %dma_start3A_45] : memref<10240x128xf32, #tpu.memory_space<vmem_shared>> -> memref<128x128xf32, #tpu.memory_space<vmem_shared>>
      tpu.enqueue_dma source(%arg11 : memref<128x128xf32, #tpu.memory_space<vmem>>) target(%dma_start3A_46 : memref<128x128xf32, #tpu.memory_space<vmem_shared>>) target_semaphore(%run_scoped3A : memref<!tpu.dma_semaphore, #tpu.memory_space<semaphore_mem>>)
      %dma_wait3A_47 = arith.constant 0 : i32
      %dma_wait3A_48 = tpu.memref_slice %arg12[%add3A_13, %dma_wait3A_47] : memref<10240x128xf32, #tpu.memory_space<vmem_shared>> -> memref<128x128xf32, #tpu.memory_space<vmem_shared>>
      %dma_wait3A_49 = arith.constant 0 : i32
      %dma_wait3A_50 = tpu.memref_slice %arg12[%add3A_13, %dma_wait3A_49] : memref<10240x128xf32, #tpu.memory_space<vmem_shared>> -> memref<128x128xf32, #tpu.memory_space<vmem_shared>>
      tpu.wait_dma2 semaphore(%run_scoped3A : memref<!tpu.dma_semaphore, #tpu.memory_space<semaphore_mem>>) src(%arg11 : memref<128x128xf32, #tpu.memory_space<vmem>>) dst(%dma_wait3A_50 : memref<128x128xf32, #tpu.memory_space<vmem_shared>>)
      tpu.yield
    }) : () -> ()
    %add3A_14 = arith.constant 384 : i32
    %add3A_15 = arith.addi %mul3A_7, %add3A_14 : i32
    "tpu.region"() ({
      %run_scoped3A = tpu.sem_alloc : memref<!tpu.dma_semaphore, #tpu.memory_space<semaphore_mem>>
      %dma_start3A_43 = arith.constant 0 : i32
      %dma_start3A_44 = tpu.memref_slice %arg12[%add3A_15, %dma_start3A_43] : memref<10240x128xf32, #tpu.memory_space<vmem_shared>> -> memref<128x128xf32, #tpu.memory_space<vmem_shared>>
      %dma_start3A_45 = arith.constant 0 : i32
      %dma_start3A_46 = tpu.memref_slice %arg12[%add3A_15, %dma_start3A_45] : memref<10240x128xf32, #tpu.memory_space<vmem_shared>> -> memref<128x128xf32, #tpu.memory_space<vmem_shared>>
      tpu.enqueue_dma source(%arg11 : memref<128x128xf32, #tpu.memory_space<vmem>>) target(%dma_start3A_46 : memref<128x128xf32, #tpu.memory_space<vmem_shared>>) target_semaphore(%run_scoped3A : memref<!tpu.dma_semaphore, #tpu.memory_space<semaphore_mem>>)
      %dma_wait3A_47 = arith.constant 0 : i32
      %dma_wait3A_48 = tpu.memref_slice %arg12[%add3A_15, %dma_wait3A_47] : memref<10240x128xf32, #tpu.memory_space<vmem_shared>> -> memref<128x128xf32, #tpu.memory_space<vmem_shared>>
      %dma_wait3A_49 = arith.constant 0 : i32
      %dma_wait3A_50 = tpu.memref_slice %arg12[%add3A_15, %dma_wait3A_49] : memref<10240x128xf32, #tpu.memory_space<vmem_shared>> -> memref<128x128xf32, #tpu.memory_space<vmem_shared>>
      tpu.wait_dma2 semaphore(%run_scoped3A : memref<!tpu.dma_semaphore, #tpu.memory_space<semaphore_mem>>) src(%arg11 : memref<128x128xf32, #tpu.memory_space<vmem>>) dst(%dma_wait3A_50 : memref<128x128xf32, #tpu.memory_space<vmem_shared>>)
      tpu.yield
    }) : () -> ()
    %add3A_16 = arith.constant 512 : i32
    %add3A_17 = arith.addi %mul3A_7, %add3A_16 : i32
    "tpu.region"() ({
      %run_scoped3A = tpu.sem_alloc : memref<!tpu.dma_semaphore, #tpu.memory_space<semaphore_mem>>
      %dma_start3A_43 = arith.constant 0 : i32
      %dma_start3A_44 = tpu.memref_slice %arg12[%add3A_17, %dma_start3A_43] : memref<10240x128xf32, #tpu.memory_space<vmem_shared>> -> memref<128x128xf32, #tpu.memory_space<vmem_shared>>
      %dma_start3A_45 = arith.constant 0 : i32
      %dma_start3A_46 = tpu.memref_slice %arg12[%add3A_17, %dma_start3A_45] : memref<10240x128xf32, #tpu.memory_space<vmem_shared>> -> memref<128x128xf32, #tpu.memory_space<vmem_shared>>
      tpu.enqueue_dma source(%arg11 : memref<128x128xf32, #tpu.memory_space<vmem>>) target(%dma_start3A_46 : memref<128x128xf32, #tpu.memory_space<vmem_shared>>) target_semaphore(%run_scoped3A : memref<!tpu.dma_semaphore, #tpu.memory_space<semaphore_mem>>)
      %dma_wait3A_47 = arith.constant 0 : i32
      %dma_wait3A_48 = tpu.memref_slice %arg12[%add3A_17, %dma_wait3A_47] : memref<10240x128xf32, #tpu.memory_space<vmem_shared>> -> memref<128x128xf32, #tpu.memory_space<vmem_shared>>
      %dma_wait3A_49 = arith.constant 0 : i32
      %dma_wait3A_50 = tpu.memref_slice %arg12[%add3A_17, %dma_wait3A_49] : memref<10240x128xf32, #tpu.memory_space<vmem_shared>> -> memref<128x128xf32, #tpu.memory_space<vmem_shared>>
      tpu.wait_dma2 semaphore(%run_scoped3A : memref<!tpu.dma_semaphore, #tpu.memory_space<semaphore_mem>>) src(%arg11 : memref<128x128xf32, #tpu.memory_space<vmem>>) dst(%dma_wait3A_50 : memref<128x128xf32, #tpu.memory_space<vmem_shared>>)
      tpu.yield
    }) : () -> ()
    %barrier3A = arith.constant 0 : index
    tpu.barrier barrier_id(%barrier3A)
    %mul3A_18 = arith.constant 10000 : i32
    %mul3A_19 = arith.muli %add3A, %mul3A_18 : i32
    "tpu.region"() ({
      %run_scoped3A = tpu.sem_alloc : memref<!tpu.dma_semaphore, #tpu.memory_space<semaphore_mem>>
      %dma_start3A_43 = tpu.memref_slice %arg3[%mul3A_19] : memref<320000xi32, #tpu.memory_space<hbm>> -> memref<80xi32, #tpu.memory_space<hbm>>
      %dma_start3A_44 = tpu.memref_slice %arg3[%mul3A_19] : memref<320000xi32, #tpu.memory_space<hbm>> -> memref<80xi32, #tpu.memory_space<hbm>>
      tpu.enqueue_dma source(%dma_start3A_44 : memref<80xi32, #tpu.memory_space<hbm>>) target(%arg6 : memref<80xi32, #tpu.memory_space<vmem>>) target_semaphore(%run_scoped3A : memref<!tpu.dma_semaphore, #tpu.memory_space<semaphore_mem>>)
      %dma_wait3A_45 = tpu.memref_slice %arg3[%mul3A_19] : memref<320000xi32, #tpu.memory_space<hbm>> -> memref<80xi32, #tpu.memory_space<hbm>>
      %dma_wait3A_46 = tpu.memref_slice %arg3[%mul3A_19] : memref<320000xi32, #tpu.memory_space<hbm>> -> memref<80xi32, #tpu.memory_space<hbm>>
      tpu.wait_dma2 semaphore(%run_scoped3A : memref<!tpu.dma_semaphore, #tpu.memory_space<semaphore_mem>>) src(%dma_wait3A_46 : memref<80xi32, #tpu.memory_space<hbm>>) dst(%arg6 : memref<80xi32, #tpu.memory_space<vmem>>)
      tpu.yield
    }) : () -> ()
    %scan3A_20 = arith.constant 0 : i32
    %scan3A_21 = arith.constant 0 : i32
    %scan3A_22 = arith.constant 62 : i32
    %scan3A_23 = arith.addi %scan3A_21, %scan3A_22 : i32
    %scan3A_24 = arith.constant 1 : i32
    scf.for %scan3A_43 = %scan3A_21 to %scan3A_23 step %scan3A_24  : i32 {
      %mul3A_44 = arith.constant 2 : i32
      %mul3A_45 = arith.muli %mul3A_44, %scan3A_43 : i32
      %dma_start3A_46 = arith.constant 0 : i32
      %dma_start3A_47 = arith.constant 0 : i32
      %dma_start3A_48 = tpu.memref_slice %arg2[%dma_start3A_46, %dma_start3A_47] : memref<10000x128xf32, #tpu.memory_space<hbm>> -> memref<10000x128xf32, #tpu.memory_space<hbm>>
      tpu.enqueue_indirect_dma source(%dma_start3A_48 : memref<10000x128xf32, #tpu.memory_space<hbm>>) target(%arg10 : memref<80x128xf32, #tpu.memory_space<vmem>>) offsets(%arg6 : memref<80xi32, #tpu.memory_space<vmem>>) semaphore(%arg13 : memref<!tpu.dma_semaphore, #tpu.memory_space<semaphore_mem>>)
      %mul3A_49 = arith.constant 80 : i32
      %mul3A_50 = arith.muli %mul3A_45, %mul3A_49 : i32
      %add3A_51 = arith.addi %mul3A_19, %mul3A_50 : i32
      "tpu.region"() ({
        %run_scoped3A = tpu.sem_alloc : memref<!tpu.dma_semaphore, #tpu.memory_space<semaphore_mem>>
        %dma_start3A_79 = tpu.memref_slice %arg4[%add3A_51] : memref<320000xi32, #tpu.memory_space<hbm>> -> memref<80xi32, #tpu.memory_space<hbm>>
        %dma_start3A_80 = tpu.memref_slice %arg4[%add3A_51] : memref<320000xi32, #tpu.memory_space<hbm>> -> memref<80xi32, #tpu.memory_space<hbm>>
        tpu.enqueue_dma source(%dma_start3A_80 : memref<80xi32, #tpu.memory_space<hbm>>) target(%arg8 : memref<80xi32, #tpu.memory_space<vmem>>) target_semaphore(%run_scoped3A : memref<!tpu.dma_semaphore, #tpu.memory_space<semaphore_mem>>)
        %dma_wait3A_81 = tpu.memref_slice %arg4[%add3A_51] : memref<320000xi32, #tpu.memory_space<hbm>> -> memref<80xi32, #tpu.memory_space<hbm>>
        %dma_wait3A_82 = tpu.memref_slice %arg4[%add3A_51] : memref<320000xi32, #tpu.memory_space<hbm>> -> memref<80xi32, #tpu.memory_space<hbm>>
        tpu.wait_dma2 semaphore(%run_scoped3A : memref<!tpu.dma_semaphore, #tpu.memory_space<semaphore_mem>>) src(%dma_wait3A_82 : memref<80xi32, #tpu.memory_space<hbm>>) dst(%arg8 : memref<80xi32, #tpu.memory_space<vmem>>)
        tpu.yield
      }) : () -> ()
      %add3A_52 = arith.constant 1 : i32
      %add3A_53 = arith.addi %mul3A_45, %add3A_52 : i32
      %min3A = arith.constant 124 : i32
      %min3A_54 = arith.minsi %add3A_53, %min3A : i32
      %mul3A_55 = arith.constant 80 : i32
      %mul3A_56 = arith.muli %min3A_54, %mul3A_55 : i32
      %add3A_57 = arith.addi %mul3A_19, %mul3A_56 : i32
      "tpu.region"() ({
        %run_scoped3A = tpu.sem_alloc : memref<!tpu.dma_semaphore, #tpu.memory_space<semaphore_mem>>
        %dma_start3A_79 = tpu.memref_slice %arg3[%add3A_57] : memref<320000xi32, #tpu.memory_space<hbm>> -> memref<80xi32, #tpu.memory_space<hbm>>
        %dma_start3A_80 = tpu.memref_slice %arg3[%add3A_57] : memref<320000xi32, #tpu.memory_space<hbm>> -> memref<80xi32, #tpu.memory_space<hbm>>
        tpu.enqueue_dma source(%dma_start3A_80 : memref<80xi32, #tpu.memory_space<hbm>>) target(%arg7 : memref<80xi32, #tpu.memory_space<vmem>>) target_semaphore(%run_scoped3A : memref<!tpu.dma_semaphore, #tpu.memory_space<semaphore_mem>>)
        %dma_wait3A_81 = tpu.memref_slice %arg3[%add3A_57] : memref<320000xi32, #tpu.memory_space<hbm>> -> memref<80xi32, #tpu.memory_space<hbm>>
        %dma_wait3A_82 = tpu.memref_slice %arg3[%add3A_57] : memref<320000xi32, #tpu.memory_space<hbm>> -> memref<80xi32, #tpu.memory_space<hbm>>
        tpu.wait_dma2 semaphore(%run_scoped3A : memref<!tpu.dma_semaphore, #tpu.memory_space<semaphore_mem>>) src(%dma_wait3A_82 : memref<80xi32, #tpu.memory_space<hbm>>) dst(%arg7 : memref<80xi32, #tpu.memory_space<vmem>>)
        tpu.yield
      }) : () -> ()
      %dma_wait3A_58 = arith.constant 0 : i32
      %dma_wait3A_59 = arith.constant 0 : i32
      %dma_wait3A_60 = tpu.memref_slice %arg2[%dma_wait3A_58, %dma_wait3A_59] : memref<10000x128xf32, #tpu.memory_space<hbm>> -> memref<10000x128xf32, #tpu.memory_space<hbm>>
      tpu.wait_indirect_dma semaphore(%arg13 : memref<!tpu.dma_semaphore, #tpu.memory_space<semaphore_mem>>) src(%dma_wait3A_60 : memref<10000x128xf32, #tpu.memory_space<hbm>>) dst(%arg10 : memref<80x128xf32, #tpu.memory_space<vmem>>)
      "tpu.region"() ({
        %run_scoped3A = tpu.sem_alloc : memref<!tpu.dma_semaphore, #tpu.memory_space<semaphore_mem>>
        %dma_start3A_79 = arith.constant 0 : i32
        %dma_start3A_80 = arith.constant 0 : i32
        %dma_start3A_81 = tpu.memref_slice %arg12[%dma_start3A_79, %dma_start3A_80] : memref<10240x128xf32, #tpu.memory_space<vmem_shared>> -> memref<10240x128xf32, #tpu.memory_space<vmem_shared>>
        tpu.enqueue_indirect_dma source(%arg10 : memref<80x128xf32, #tpu.memory_space<vmem>>) target(%dma_start3A_81 : memref<10240x128xf32, #tpu.memory_space<vmem_shared>>) offsets(%arg8 : memref<80xi32, #tpu.memory_space<vmem>>) semaphore(%run_scoped3A : memref<!tpu.dma_semaphore, #tpu.memory_space<semaphore_mem>>) {add = true}
        %dma_wait3A_82 = arith.constant 0 : i32
        %dma_wait3A_83 = arith.constant 0 : i32
        %dma_wait3A_84 = tpu.memref_slice %arg12[%dma_wait3A_82, %dma_wait3A_83] : memref<10240x128xf32, #tpu.memory_space<vmem_shared>> -> memref<10240x128xf32, #tpu.memory_space<vmem_shared>>
        tpu.wait_indirect_dma semaphore(%run_scoped3A : memref<!tpu.dma_semaphore, #tpu.memory_space<semaphore_mem>>) src(%arg10 : memref<80x128xf32, #tpu.memory_space<vmem>>) dst(%dma_wait3A_84 : memref<10240x128xf32, #tpu.memory_space<vmem_shared>>)
        tpu.yield
      }) : () -> ()
      %dma_start3A_61 = arith.constant 0 : i32
      %dma_start3A_62 = arith.constant 0 : i32
      %dma_start3A_63 = tpu.memref_slice %arg2[%dma_start3A_61, %dma_start3A_62] : memref<10000x128xf32, #tpu.memory_space<hbm>> -> memref<10000x128xf32, #tpu.memory_space<hbm>>
      tpu.enqueue_indirect_dma source(%dma_start3A_63 : memref<10000x128xf32, #tpu.memory_space<hbm>>) target(%arg10 : memref<80x128xf32, #tpu.memory_space<vmem>>) offsets(%arg7 : memref<80xi32, #tpu.memory_space<vmem>>) semaphore(%arg13 : memref<!tpu.dma_semaphore, #tpu.memory_space<semaphore_mem>>)
      %add3A_64 = arith.constant 1 : i32
      %add3A_65 = arith.addi %mul3A_45, %add3A_64 : i32
      %mul3A_66 = arith.constant 80 : i32
      %mul3A_67 = arith.muli %add3A_65, %mul3A_66 : i32
      %add3A_68 = arith.addi %mul3A_19, %mul3A_67 : i32
      "tpu.region"() ({
        %run_scoped3A = tpu.sem_alloc : memref<!tpu.dma_semaphore, #tpu.memory_space<semaphore_mem>>
        %dma_start3A_79 = tpu.memref_slice %arg4[%add3A_68] : memref<320000xi32, #tpu.memory_space<hbm>> -> memref<80xi32, #tpu.memory_space<hbm>>
        %dma_start3A_80 = tpu.memref_slice %arg4[%add3A_68] : memref<320000xi32, #tpu.memory_space<hbm>> -> memref<80xi32, #tpu.memory_space<hbm>>
        tpu.enqueue_dma source(%dma_start3A_80 : memref<80xi32, #tpu.memory_space<hbm>>) target(%arg9 : memref<80xi32, #tpu.memory_space<vmem>>) target_semaphore(%run_scoped3A : memref<!tpu.dma_semaphore, #tpu.memory_space<semaphore_mem>>)
        %dma_wait3A_81 = tpu.memref_slice %arg4[%add3A_68] : memref<320000xi32, #tpu.memory_space<hbm>> -> memref<80xi32, #tpu.memory_space<hbm>>
        %dma_wait3A_82 = tpu.memref_slice %arg4[%add3A_68] : memref<320000xi32, #tpu.memory_space<hbm>> -> memref<80xi32, #tpu.memory_space<hbm>>
        tpu.wait_dma2 semaphore(%run_scoped3A : memref<!tpu.dma_semaphore, #tpu.memory_space<semaphore_mem>>) src(%dma_wait3A_82 : memref<80xi32, #tpu.memory_space<hbm>>) dst(%arg9 : memref<80xi32, #tpu.memory_space<vmem>>)
        tpu.yield
      }) : () -> ()
      %add3A_69 = arith.constant 2 : i32
      %add3A_70 = arith.addi %mul3A_45, %add3A_69 : i32
      %min3A_71 = arith.constant 124 : i32
      %min3A_72 = arith.minsi %add3A_70, %min3A_71 : i32
      %mul3A_73 = arith.constant 80 : i32
      %mul3A_74 = arith.muli %min3A_72, %mul3A_73 : i32
      %add3A_75 = arith.addi %mul3A_19, %mul3A_74 : i32
      "tpu.region"() ({
        %run_scoped3A = tpu.sem_alloc : memref<!tpu.dma_semaphore, #tpu.memory_space<semaphore_mem>>
        %dma_start3A_79 = tpu.memref_slice %arg3[%add3A_75] : memref<320000xi32, #tpu.memory_space<hbm>> -> memref<80xi32, #tpu.memory_space<hbm>>
        %dma_start3A_80 = tpu.memref_slice %arg3[%add3A_75] : memref<320000xi32, #tpu.memory_space<hbm>> -> memref<80xi32, #tpu.memory_space<hbm>>
        tpu.enqueue_dma source(%dma_start3A_80 : memref<80xi32, #tpu.memory_space<hbm>>) target(%arg6 : memref<80xi32, #tpu.memory_space<vmem>>) target_semaphore(%run_scoped3A : memref<!tpu.dma_semaphore, #tpu.memory_space<semaphore_mem>>)
        %dma_wait3A_81 = tpu.memref_slice %arg3[%add3A_75] : memref<320000xi32, #tpu.memory_space<hbm>> -> memref<80xi32, #tpu.memory_space<hbm>>
        %dma_wait3A_82 = tpu.memref_slice %arg3[%add3A_75] : memref<320000xi32, #tpu.memory_space<hbm>> -> memref<80xi32, #tpu.memory_space<hbm>>
        tpu.wait_dma2 semaphore(%run_scoped3A : memref<!tpu.dma_semaphore, #tpu.memory_space<semaphore_mem>>) src(%dma_wait3A_82 : memref<80xi32, #tpu.memory_space<hbm>>) dst(%arg6 : memref<80xi32, #tpu.memory_space<vmem>>)
        tpu.yield
      }) : () -> ()
      %dma_wait3A_76 = arith.constant 0 : i32
      %dma_wait3A_77 = arith.constant 0 : i32
      %dma_wait3A_78 = tpu.memref_slice %arg2[%dma_wait3A_76, %dma_wait3A_77] : memref<10000x128xf32, #tpu.memory_space<hbm>> -> memref<10000x128xf32, #tpu.memory_space<hbm>>
      tpu.wait_indirect_dma semaphore(%arg13 : memref<!tpu.dma_semaphore, #tpu.memory_space<semaphore_mem>>) src(%dma_wait3A_78 : memref<10000x128xf32, #tpu.memory_space<hbm>>) dst(%arg10 : memref<80x128xf32, #tpu.memory_space<vmem>>)
      "tpu.region"() ({
        %run_scoped3A = tpu.sem_alloc : memref<!tpu.dma_semaphore, #tpu.memory_space<semaphore_mem>>
        %dma_start3A_79 = arith.constant 0 : i32
        %dma_start3A_80 = arith.constant 0 : i32
        %dma_start3A_81 = tpu.memref_slice %arg12[%dma_start3A_79, %dma_start3A_80] : memref<10240x128xf32, #tpu.memory_space<vmem_shared>> -> memref<10240x128xf32, #tpu.memory_space<vmem_shared>>
        tpu.enqueue_indirect_dma source(%arg10 : memref<80x128xf32, #tpu.memory_space<vmem>>) target(%dma_start3A_81 : memref<10240x128xf32, #tpu.memory_space<vmem_shared>>) offsets(%arg9 : memref<80xi32, #tpu.memory_space<vmem>>) semaphore(%run_scoped3A : memref<!tpu.dma_semaphore, #tpu.memory_space<semaphore_mem>>) {add = true}
        %dma_wait3A_82 = arith.constant 0 : i32
        %dma_wait3A_83 = arith.constant 0 : i32
        %dma_wait3A_84 = tpu.memref_slice %arg12[%dma_wait3A_82, %dma_wait3A_83] : memref<10240x128xf32, #tpu.memory_space<vmem_shared>> -> memref<10240x128xf32, #tpu.memory_space<vmem_shared>>
        tpu.wait_indirect_dma semaphore(%run_scoped3A : memref<!tpu.dma_semaphore, #tpu.memory_space<semaphore_mem>>) src(%arg10 : memref<80x128xf32, #tpu.memory_space<vmem>>) dst(%dma_wait3A_84 : memref<10240x128xf32, #tpu.memory_space<vmem_shared>>)
        tpu.yield
      }) : () -> ()
    }
    %scan3A_25 = arith.constant 62 : i32
    %dma_start3A = arith.constant 0 : i32
    %dma_start3A_26 = arith.constant 0 : i32
    %dma_start3A_27 = tpu.memref_slice %arg2[%dma_start3A, %dma_start3A_26] : memref<10000x128xf32, #tpu.memory_space<hbm>> -> memref<10000x128xf32, #tpu.memory_space<hbm>>
    tpu.enqueue_indirect_dma source(%dma_start3A_27 : memref<10000x128xf32, #tpu.memory_space<hbm>>) target(%arg10 : memref<80x128xf32, #tpu.memory_space<vmem>>) offsets(%arg6 : memref<80xi32, #tpu.memory_space<vmem>>) semaphore(%arg13 : memref<!tpu.dma_semaphore, #tpu.memory_space<semaphore_mem>>)
    %add3A_28 = arith.constant 9920 : i32
    %add3A_29 = arith.addi %mul3A_19, %add3A_28 : i32
    "tpu.region"() ({
      %run_scoped3A = tpu.sem_alloc : memref<!tpu.dma_semaphore, #tpu.memory_space<semaphore_mem>>
      %dma_start3A_43 = tpu.memref_slice %arg4[%add3A_29] : memref<320000xi32, #tpu.memory_space<hbm>> -> memref<80xi32, #tpu.memory_space<hbm>>
      %dma_start3A_44 = tpu.memref_slice %arg4[%add3A_29] : memref<320000xi32, #tpu.memory_space<hbm>> -> memref<80xi32, #tpu.memory_space<hbm>>
      tpu.enqueue_dma source(%dma_start3A_44 : memref<80xi32, #tpu.memory_space<hbm>>) target(%arg8 : memref<80xi32, #tpu.memory_space<vmem>>) target_semaphore(%run_scoped3A : memref<!tpu.dma_semaphore, #tpu.memory_space<semaphore_mem>>)
      %dma_wait3A_45 = tpu.memref_slice %arg4[%add3A_29] : memref<320000xi32, #tpu.memory_space<hbm>> -> memref<80xi32, #tpu.memory_space<hbm>>
      %dma_wait3A_46 = tpu.memref_slice %arg4[%add3A_29] : memref<320000xi32, #tpu.memory_space<hbm>> -> memref<80xi32, #tpu.memory_space<hbm>>
      tpu.wait_dma2 semaphore(%run_scoped3A : memref<!tpu.dma_semaphore, #tpu.memory_space<semaphore_mem>>) src(%dma_wait3A_46 : memref<80xi32, #tpu.memory_space<hbm>>) dst(%arg8 : memref<80xi32, #tpu.memory_space<vmem>>)
      tpu.yield
    }) : () -> ()
    %dma_wait3A = arith.constant 0 : i32
    %dma_wait3A_30 = arith.constant 0 : i32
    %dma_wait3A_31 = tpu.memref_slice %arg2[%dma_wait3A, %dma_wait3A_30] : memref<10000x128xf32, #tpu.memory_space<hbm>> -> memref<10000x128xf32, #tpu.memory_space<hbm>>
    tpu.wait_indirect_dma semaphore(%arg13 : memref<!tpu.dma_semaphore, #tpu.memory_space<semaphore_mem>>) src(%dma_wait3A_31 : memref<10000x128xf32, #tpu.memory_space<hbm>>) dst(%arg10 : memref<80x128xf32, #tpu.memory_space<vmem>>)
    "tpu.region"() ({
      %run_scoped3A = tpu.sem_alloc : memref<!tpu.dma_semaphore, #tpu.memory_space<semaphore_mem>>
      %dma_start3A_43 = arith.constant 0 : i32
      %dma_start3A_44 = arith.constant 0 : i32
      %dma_start3A_45 = tpu.memref_slice %arg12[%dma_start3A_43, %dma_start3A_44] : memref<10240x128xf32, #tpu.memory_space<vmem_shared>> -> memref<10240x128xf32, #tpu.memory_space<vmem_shared>>
      tpu.enqueue_indirect_dma source(%arg10 : memref<80x128xf32, #tpu.memory_space<vmem>>) target(%dma_start3A_45 : memref<10240x128xf32, #tpu.memory_space<vmem_shared>>) offsets(%arg8 : memref<80xi32, #tpu.memory_space<vmem>>) semaphore(%run_scoped3A : memref<!tpu.dma_semaphore, #tpu.memory_space<semaphore_mem>>) {add = true}
      %dma_wait3A_46 = arith.constant 0 : i32
      %dma_wait3A_47 = arith.constant 0 : i32
      %dma_wait3A_48 = tpu.memref_slice %arg12[%dma_wait3A_46, %dma_wait3A_47] : memref<10240x128xf32, #tpu.memory_space<vmem_shared>> -> memref<10240x128xf32, #tpu.memory_space<vmem_shared>>
      tpu.wait_indirect_dma semaphore(%run_scoped3A : memref<!tpu.dma_semaphore, #tpu.memory_space<semaphore_mem>>) src(%arg10 : memref<80x128xf32, #tpu.memory_space<vmem>>) dst(%dma_wait3A_48 : memref<10240x128xf32, #tpu.memory_space<vmem_shared>>)
      tpu.yield
    }) : () -> ()
    %barrier3A_32 = arith.constant 0 : index
    tpu.barrier barrier_id(%barrier3A_32)
    %add3A_33 = arith.constant 0 : i32
    %add3A_34 = arith.addi %mul3A_7, %add3A_33 : i32
    "tpu.region"() ({
      %run_scoped3A = tpu.sem_alloc : memref<!tpu.dma_semaphore, #tpu.memory_space<semaphore_mem>>
      %dma_start3A_43 = arith.constant 0 : i32
      %dma_start3A_44 = tpu.memref_slice %arg12[%add3A_34, %dma_start3A_43] : memref<10240x128xf32, #tpu.memory_space<vmem_shared>> -> memref<128x128xf32, #tpu.memory_space<vmem_shared>>
      %dma_start3A_45 = arith.constant 0 : i32
      %dma_start3A_46 = tpu.memref_slice %arg12[%add3A_34, %dma_start3A_45] : memref<10240x128xf32, #tpu.memory_space<vmem_shared>> -> memref<128x128xf32, #tpu.memory_space<vmem_shared>>
      tpu.enqueue_dma source(%dma_start3A_46 : memref<128x128xf32, #tpu.memory_space<vmem_shared>>) target(%arg11 : memref<128x128xf32, #tpu.memory_space<vmem>>) target_semaphore(%run_scoped3A : memref<!tpu.dma_semaphore, #tpu.memory_space<semaphore_mem>>)
      %dma_wait3A_47 = arith.constant 0 : i32
      %dma_wait3A_48 = tpu.memref_slice %arg12[%add3A_34, %dma_wait3A_47] : memref<10240x128xf32, #tpu.memory_space<vmem_shared>> -> memref<128x128xf32, #tpu.memory_space<vmem_shared>>
      %dma_wait3A_49 = arith.constant 0 : i32
      %dma_wait3A_50 = tpu.memref_slice %arg12[%add3A_34, %dma_wait3A_49] : memref<10240x128xf32, #tpu.memory_space<vmem_shared>> -> memref<128x128xf32, #tpu.memory_space<vmem_shared>>
      tpu.wait_dma2 semaphore(%run_scoped3A : memref<!tpu.dma_semaphore, #tpu.memory_space<semaphore_mem>>) src(%dma_wait3A_50 : memref<128x128xf32, #tpu.memory_space<vmem_shared>>) dst(%arg11 : memref<128x128xf32, #tpu.memory_space<vmem>>)
      tpu.yield
    }) : () -> ()
    "tpu.region"() ({
      %run_scoped3A = tpu.sem_alloc : memref<!tpu.dma_semaphore, #tpu.memory_space<semaphore_mem>>
      %dma_start3A_43 = arith.constant 0 : i32
      %dma_start3A_44 = tpu.memref_slice %arg5[%arg0, %add3A_34, %dma_start3A_43] : memref<2x10240x128xf32, #tpu.memory_space<hbm>> -> memref<1x128x128xf32, #tpu.memory_space<hbm>>
      %dma_start3A_45 = tpu.memref_squeeze %dma_start3A_44 : memref<1x128x128xf32, #tpu.memory_space<hbm>> -> memref<128x128xf32, #tpu.memory_space<hbm>>
      %dma_start3A_46 = arith.constant 0 : i32
      %dma_start3A_47 = tpu.memref_slice %arg5[%arg0, %add3A_34, %dma_start3A_46] : memref<2x10240x128xf32, #tpu.memory_space<hbm>> -> memref<1x128x128xf32, #tpu.memory_space<hbm>>
      %dma_start3A_48 = tpu.memref_squeeze %dma_start3A_47 : memref<1x128x128xf32, #tpu.memory_space<hbm>> -> memref<128x128xf32, #tpu.memory_space<hbm>>
      tpu.enqueue_dma source(%arg11 : memref<128x128xf32, #tpu.memory_space<vmem>>) target(%dma_start3A_48 : memref<128x128xf32, #tpu.memory_space<hbm>>) target_semaphore(%run_scoped3A : memref<!tpu.dma_semaphore, #tpu.memory_space<semaphore_mem>>)
      %dma_wait3A_49 = arith.constant 0 : i32
      %dma_wait3A_50 = tpu.memref_slice %arg5[%arg0, %add3A_34, %dma_wait3A_49] : memref<2x10240x128xf32, #tpu.memory_space<hbm>> -> memref<1x128x128xf32, #tpu.memory_space<hbm>>
      %dma_wait3A_51 = tpu.memref_squeeze %dma_wait3A_50 : memref<1x128x128xf32, #tpu.memory_space<hbm>> -> memref<128x128xf32, #tpu.memory_space<hbm>>
      %dma_wait3A_52 = arith.constant 0 : i32
      %dma_wait3A_53 = tpu.memref_slice %arg5[%arg0, %add3A_34, %dma_wait3A_52] : memref<2x10240x128xf32, #tpu.memory_space<hbm>> -> memref<1x128x128xf32, #tpu.memory_space<hbm>>
      %dma_wait3A_54 = tpu.memref_squeeze %dma_wait3A_53 : memref<1x128x128xf32, #tpu.memory_space<hbm>> -> memref<128x128xf32, #tpu.memory_space<hbm>>
      tpu.wait_dma2 semaphore(%run_scoped3A : memref<!tpu.dma_semaphore, #tpu.memory_space<semaphore_mem>>) src(%arg11 : memref<128x128xf32, #tpu.memory_space<vmem>>) dst(%dma_wait3A_54 : memref<128x128xf32, #tpu.memory_space<hbm>>)
      tpu.yield
    }) : () -> ()
    %add3A_35 = arith.constant 128 : i32
    %add3A_36 = arith.addi %mul3A_7, %add3A_35 : i32
    "tpu.region"() ({
      %run_scoped3A = tpu.sem_alloc : memref<!tpu.dma_semaphore, #tpu.memory_space<semaphore_mem>>
      %dma_start3A_43 = arith.constant 0 : i32
      %dma_start3A_44 = tpu.memref_slice %arg12[%add3A_36, %dma_start3A_43] : memref<10240x128xf32, #tpu.memory_space<vmem_shared>> -> memref<128x128xf32, #tpu.memory_space<vmem_shared>>
      %dma_start3A_45 = arith.constant 0 : i32
      %dma_start3A_46 = tpu.memref_slice %arg12[%add3A_36, %dma_start3A_45] : memref<10240x128xf32, #tpu.memory_space<vmem_shared>> -> memref<128x128xf32, #tpu.memory_space<vmem_shared>>
      tpu.enqueue_dma source(%dma_start3A_46 : memref<128x128xf32, #tpu.memory_space<vmem_shared>>) target(%arg11 : memref<128x128xf32, #tpu.memory_space<vmem>>) target_semaphore(%run_scoped3A : memref<!tpu.dma_semaphore, #tpu.memory_space<semaphore_mem>>)
      %dma_wait3A_47 = arith.constant 0 : i32
      %dma_wait3A_48 = tpu.memref_slice %arg12[%add3A_36, %dma_wait3A_47] : memref<10240x128xf32, #tpu.memory_space<vmem_shared>> -> memref<128x128xf32, #tpu.memory_space<vmem_shared>>
      %dma_wait3A_49 = arith.constant 0 : i32
      %dma_wait3A_50 = tpu.memref_slice %arg12[%add3A_36, %dma_wait3A_49] : memref<10240x128xf32, #tpu.memory_space<vmem_shared>> -> memref<128x128xf32, #tpu.memory_space<vmem_shared>>
      tpu.wait_dma2 semaphore(%run_scoped3A : memref<!tpu.dma_semaphore, #tpu.memory_space<semaphore_mem>>) src(%dma_wait3A_50 : memref<128x128xf32, #tpu.memory_space<vmem_shared>>) dst(%arg11 : memref<128x128xf32, #tpu.memory_space<vmem>>)
      tpu.yield
    }) : () -> ()
    "tpu.region"() ({
      %run_scoped3A = tpu.sem_alloc : memref<!tpu.dma_semaphore, #tpu.memory_space<semaphore_mem>>
      %dma_start3A_43 = arith.constant 0 : i32
      %dma_start3A_44 = tpu.memref_slice %arg5[%arg0, %add3A_36, %dma_start3A_43] : memref<2x10240x128xf32, #tpu.memory_space<hbm>> -> memref<1x128x128xf32, #tpu.memory_space<hbm>>
      %dma_start3A_45 = tpu.memref_squeeze %dma_start3A_44 : memref<1x128x128xf32, #tpu.memory_space<hbm>> -> memref<128x128xf32, #tpu.memory_space<hbm>>
      %dma_start3A_46 = arith.constant 0 : i32
      %dma_start3A_47 = tpu.memref_slice %arg5[%arg0, %add3A_36, %dma_start3A_46] : memref<2x10240x128xf32, #tpu.memory_space<hbm>> -> memref<1x128x128xf32, #tpu.memory_space<hbm>>
      %dma_start3A_48 = tpu.memref_squeeze %dma_start3A_47 : memref<1x128x128xf32, #tpu.memory_space<hbm>> -> memref<128x128xf32, #tpu.memory_space<hbm>>
      tpu.enqueue_dma source(%arg11 : memref<128x128xf32, #tpu.memory_space<vmem>>) target(%dma_start3A_48 : memref<128x128xf32, #tpu.memory_space<hbm>>) target_semaphore(%run_scoped3A : memref<!tpu.dma_semaphore, #tpu.memory_space<semaphore_mem>>)
      %dma_wait3A_49 = arith.constant 0 : i32
      %dma_wait3A_50 = tpu.memref_slice %arg5[%arg0, %add3A_36, %dma_wait3A_49] : memref<2x10240x128xf32, #tpu.memory_space<hbm>> -> memref<1x128x128xf32, #tpu.memory_space<hbm>>
      %dma_wait3A_51 = tpu.memref_squeeze %dma_wait3A_50 : memref<1x128x128xf32, #tpu.memory_space<hbm>> -> memref<128x128xf32, #tpu.memory_space<hbm>>
      %dma_wait3A_52 = arith.constant 0 : i32
      %dma_wait3A_53 = tpu.memref_slice %arg5[%arg0, %add3A_36, %dma_wait3A_52] : memref<2x10240x128xf32, #tpu.memory_space<hbm>> -> memref<1x128x128xf32, #tpu.memory_space<hbm>>
      %dma_wait3A_54 = tpu.memref_squeeze %dma_wait3A_53 : memref<1x128x128xf32, #tpu.memory_space<hbm>> -> memref<128x128xf32, #tpu.memory_space<hbm>>
      tpu.wait_dma2 semaphore(%run_scoped3A : memref<!tpu.dma_semaphore, #tpu.memory_space<semaphore_mem>>) src(%arg11 : memref<128x128xf32, #tpu.memory_space<vmem>>) dst(%dma_wait3A_54 : memref<128x128xf32, #tpu.memory_space<hbm>>)
      tpu.yield
    }) : () -> ()
    %add3A_37 = arith.constant 256 : i32
    %add3A_38 = arith.addi %mul3A_7, %add3A_37 : i32
    "tpu.region"() ({
      %run_scoped3A = tpu.sem_alloc : memref<!tpu.dma_semaphore, #tpu.memory_space<semaphore_mem>>
      %dma_start3A_43 = arith.constant 0 : i32
      %dma_start3A_44 = tpu.memref_slice %arg12[%add3A_38, %dma_start3A_43] : memref<10240x128xf32, #tpu.memory_space<vmem_shared>> -> memref<128x128xf32, #tpu.memory_space<vmem_shared>>
      %dma_start3A_45 = arith.constant 0 : i32
      %dma_start3A_46 = tpu.memref_slice %arg12[%add3A_38, %dma_start3A_45] : memref<10240x128xf32, #tpu.memory_space<vmem_shared>> -> memref<128x128xf32, #tpu.memory_space<vmem_shared>>
      tpu.enqueue_dma source(%dma_start3A_46 : memref<128x128xf32, #tpu.memory_space<vmem_shared>>) target(%arg11 : memref<128x128xf32, #tpu.memory_space<vmem>>) target_semaphore(%run_scoped3A : memref<!tpu.dma_semaphore, #tpu.memory_space<semaphore_mem>>)
      %dma_wait3A_47 = arith.constant 0 : i32
      %dma_wait3A_48 = tpu.memref_slice %arg12[%add3A_38, %dma_wait3A_47] : memref<10240x128xf32, #tpu.memory_space<vmem_shared>> -> memref<128x128xf32, #tpu.memory_space<vmem_shared>>
      %dma_wait3A_49 = arith.constant 0 : i32
      %dma_wait3A_50 = tpu.memref_slice %arg12[%add3A_38, %dma_wait3A_49] : memref<10240x128xf32, #tpu.memory_space<vmem_shared>> -> memref<128x128xf32, #tpu.memory_space<vmem_shared>>
      tpu.wait_dma2 semaphore(%run_scoped3A : memref<!tpu.dma_semaphore, #tpu.memory_space<semaphore_mem>>) src(%dma_wait3A_50 : memref<128x128xf32, #tpu.memory_space<vmem_shared>>) dst(%arg11 : memref<128x128xf32, #tpu.memory_space<vmem>>)
      tpu.yield
    }) : () -> ()
    "tpu.region"() ({
      %run_scoped3A = tpu.sem_alloc : memref<!tpu.dma_semaphore, #tpu.memory_space<semaphore_mem>>
      %dma_start3A_43 = arith.constant 0 : i32
      %dma_start3A_44 = tpu.memref_slice %arg5[%arg0, %add3A_38, %dma_start3A_43] : memref<2x10240x128xf32, #tpu.memory_space<hbm>> -> memref<1x128x128xf32, #tpu.memory_space<hbm>>
      %dma_start3A_45 = tpu.memref_squeeze %dma_start3A_44 : memref<1x128x128xf32, #tpu.memory_space<hbm>> -> memref<128x128xf32, #tpu.memory_space<hbm>>
      %dma_start3A_46 = arith.constant 0 : i32
      %dma_start3A_47 = tpu.memref_slice %arg5[%arg0, %add3A_38, %dma_start3A_46] : memref<2x10240x128xf32, #tpu.memory_space<hbm>> -> memref<1x128x128xf32, #tpu.memory_space<hbm>>
      %dma_start3A_48 = tpu.memref_squeeze %dma_start3A_47 : memref<1x128x128xf32, #tpu.memory_space<hbm>> -> memref<128x128xf32, #tpu.memory_space<hbm>>
      tpu.enqueue_dma source(%arg11 : memref<128x128xf32, #tpu.memory_space<vmem>>) target(%dma_start3A_48 : memref<128x128xf32, #tpu.memory_space<hbm>>) target_semaphore(%run_scoped3A : memref<!tpu.dma_semaphore, #tpu.memory_space<semaphore_mem>>)
      %dma_wait3A_49 = arith.constant 0 : i32
      %dma_wait3A_50 = tpu.memref_slice %arg5[%arg0, %add3A_38, %dma_wait3A_49] : memref<2x10240x128xf32, #tpu.memory_space<hbm>> -> memref<1x128x128xf32, #tpu.memory_space<hbm>>
      %dma_wait3A_51 = tpu.memref_squeeze %dma_wait3A_50 : memref<1x128x128xf32, #tpu.memory_space<hbm>> -> memref<128x128xf32, #tpu.memory_space<hbm>>
      %dma_wait3A_52 = arith.constant 0 : i32
      %dma_wait3A_53 = tpu.memref_slice %arg5[%arg0, %add3A_38, %dma_wait3A_52] : memref<2x10240x128xf32, #tpu.memory_space<hbm>> -> memref<1x128x128xf32, #tpu.memory_space<hbm>>
      %dma_wait3A_54 = tpu.memref_squeeze %dma_wait3A_53 : memref<1x128x128xf32, #tpu.memory_space<hbm>> -> memref<128x128xf32, #tpu.memory_space<hbm>>
      tpu.wait_dma2 semaphore(%run_scoped3A : memref<!tpu.dma_semaphore, #tpu.memory_space<semaphore_mem>>) src(%arg11 : memref<128x128xf32, #tpu.memory_space<vmem>>) dst(%dma_wait3A_54 : memref<128x128xf32, #tpu.memory_space<hbm>>)
      tpu.yield
    }) : () -> ()
    %add3A_39 = arith.constant 384 : i32
    %add3A_40 = arith.addi %mul3A_7, %add3A_39 : i32
    "tpu.region"() ({
      %run_scoped3A = tpu.sem_alloc : memref<!tpu.dma_semaphore, #tpu.memory_space<semaphore_mem>>
      %dma_start3A_43 = arith.constant 0 : i32
      %dma_start3A_44 = tpu.memref_slice %arg12[%add3A_40, %dma_start3A_43] : memref<10240x128xf32, #tpu.memory_space<vmem_shared>> -> memref<128x128xf32, #tpu.memory_space<vmem_shared>>
      %dma_start3A_45 = arith.constant 0 : i32
      %dma_start3A_46 = tpu.memref_slice %arg12[%add3A_40, %dma_start3A_45] : memref<10240x128xf32, #tpu.memory_space<vmem_shared>> -> memref<128x128xf32, #tpu.memory_space<vmem_shared>>
      tpu.enqueue_dma source(%dma_start3A_46 : memref<128x128xf32, #tpu.memory_space<vmem_shared>>) target(%arg11 : memref<128x128xf32, #tpu.memory_space<vmem>>) target_semaphore(%run_scoped3A : memref<!tpu.dma_semaphore, #tpu.memory_space<semaphore_mem>>)
      %dma_wait3A_47 = arith.constant 0 : i32
      %dma_wait3A_48 = tpu.memref_slice %arg12[%add3A_40, %dma_wait3A_47] : memref<10240x128xf32, #tpu.memory_space<vmem_shared>> -> memref<128x128xf32, #tpu.memory_space<vmem_shared>>
      %dma_wait3A_49 = arith.constant 0 : i32
      %dma_wait3A_50 = tpu.memref_slice %arg12[%add3A_40, %dma_wait3A_49] : memref<10240x128xf32, #tpu.memory_space<vmem_shared>> -> memref<128x128xf32, #tpu.memory_space<vmem_shared>>
      tpu.wait_dma2 semaphore(%run_scoped3A : memref<!tpu.dma_semaphore, #tpu.memory_space<semaphore_mem>>) src(%dma_wait3A_50 : memref<128x128xf32, #tpu.memory_space<vmem_shared>>) dst(%arg11 : memref<128x128xf32, #tpu.memory_space<vmem>>)
      tpu.yield
    }) : () -> ()
    "tpu.region"() ({
      %run_scoped3A = tpu.sem_alloc : memref<!tpu.dma_semaphore, #tpu.memory_space<semaphore_mem>>
      %dma_start3A_43 = arith.constant 0 : i32
      %dma_start3A_44 = tpu.memref_slice %arg5[%arg0, %add3A_40, %dma_start3A_43] : memref<2x10240x128xf32, #tpu.memory_space<hbm>> -> memref<1x128x128xf32, #tpu.memory_space<hbm>>
      %dma_start3A_45 = tpu.memref_squeeze %dma_start3A_44 : memref<1x128x128xf32, #tpu.memory_space<hbm>> -> memref<128x128xf32, #tpu.memory_space<hbm>>
      %dma_start3A_46 = arith.constant 0 : i32
      %dma_start3A_47 = tpu.memref_slice %arg5[%arg0, %add3A_40, %dma_start3A_46] : memref<2x10240x128xf32, #tpu.memory_space<hbm>> -> memref<1x128x128xf32, #tpu.memory_space<hbm>>
      %dma_start3A_48 = tpu.memref_squeeze %dma_start3A_47 : memref<1x128x128xf32, #tpu.memory_space<hbm>> -> memref<128x128xf32, #tpu.memory_space<hbm>>
      tpu.enqueue_dma source(%arg11 : memref<128x128xf32, #tpu.memory_space<vmem>>) target(%dma_start3A_48 : memref<128x128xf32, #tpu.memory_space<hbm>>) target_semaphore(%run_scoped3A : memref<!tpu.dma_semaphore, #tpu.memory_space<semaphore_mem>>)
      %dma_wait3A_49 = arith.constant 0 : i32
      %dma_wait3A_50 = tpu.memref_slice %arg5[%arg0, %add3A_40, %dma_wait3A_49] : memref<2x10240x128xf32, #tpu.memory_space<hbm>> -> memref<1x128x128xf32, #tpu.memory_space<hbm>>
      %dma_wait3A_51 = tpu.memref_squeeze %dma_wait3A_50 : memref<1x128x128xf32, #tpu.memory_space<hbm>> -> memref<128x128xf32, #tpu.memory_space<hbm>>
      %dma_wait3A_52 = arith.constant 0 : i32
      %dma_wait3A_53 = tpu.memref_slice %arg5[%arg0, %add3A_40, %dma_wait3A_52] : memref<2x10240x128xf32, #tpu.memory_space<hbm>> -> memref<1x128x128xf32, #tpu.memory_space<hbm>>
      %dma_wait3A_54 = tpu.memref_squeeze %dma_wait3A_53 : memref<1x128x128xf32, #tpu.memory_space<hbm>> -> memref<128x128xf32, #tpu.memory_space<hbm>>
      tpu.wait_dma2 semaphore(%run_scoped3A : memref<!tpu.dma_semaphore, #tpu.memory_space<semaphore_mem>>) src(%arg11 : memref<128x128xf32, #tpu.memory_space<vmem>>) dst(%dma_wait3A_54 : memref<128x128xf32, #tpu.memory_space<hbm>>)
      tpu.yield
    }) : () -> ()
    %add3A_41 = arith.constant 512 : i32
    %add3A_42 = arith.addi %mul3A_7, %add3A_41 : i32
    "tpu.region"() ({
      %run_scoped3A = tpu.sem_alloc : memref<!tpu.dma_semaphore, #tpu.memory_space<semaphore_mem>>
      %dma_start3A_43 = arith.constant 0 : i32
      %dma_start3A_44 = tpu.memref_slice %arg12[%add3A_42, %dma_start3A_43] : memref<10240x128xf32, #tpu.memory_space<vmem_shared>> -> memref<128x128xf32, #tpu.memory_space<vmem_shared>>
      %dma_start3A_45 = arith.constant 0 : i32
      %dma_start3A_46 = tpu.memref_slice %arg12[%add3A_42, %dma_start3A_45] : memref<10240x128xf32, #tpu.memory_space<vmem_shared>> -> memref<128x128xf32, #tpu.memory_space<vmem_shared>>
      tpu.enqueue_dma source(%dma_start3A_46 : memref<128x128xf32, #tpu.memory_space<vmem_shared>>) target(%arg11 : memref<128x128xf32, #tpu.memory_space<vmem>>) target_semaphore(%run_scoped3A : memref<!tpu.dma_semaphore, #tpu.memory_space<semaphore_mem>>)
      %dma_wait3A_47 = arith.constant 0 : i32
      %dma_wait3A_48 = tpu.memref_slice %arg12[%add3A_42, %dma_wait3A_47] : memref<10240x128xf32, #tpu.memory_space<vmem_shared>> -> memref<128x128xf32, #tpu.memory_space<vmem_shared>>
      %dma_wait3A_49 = arith.constant 0 : i32
      %dma_wait3A_50 = tpu.memref_slice %arg12[%add3A_42, %dma_wait3A_49] : memref<10240x128xf32, #tpu.memory_space<vmem_shared>> -> memref<128x128xf32, #tpu.memory_space<vmem_shared>>
      tpu.wait_dma2 semaphore(%run_scoped3A : memref<!tpu.dma_semaphore, #tpu.memory_space<semaphore_mem>>) src(%dma_wait3A_50 : memref<128x128xf32, #tpu.memory_space<vmem_shared>>) dst(%arg11 : memref<128x128xf32, #tpu.memory_space<vmem>>)
      tpu.yield
    }) : () -> ()
    "tpu.region"() ({
      %run_scoped3A = tpu.sem_alloc : memref<!tpu.dma_semaphore, #tpu.memory_space<semaphore_mem>>
      %dma_start3A_43 = arith.constant 0 : i32
      %dma_start3A_44 = tpu.memref_slice %arg5[%arg0, %add3A_42, %dma_start3A_43] : memref<2x10240x128xf32, #tpu.memory_space<hbm>> -> memref<1x128x128xf32, #tpu.memory_space<hbm>>
      %dma_start3A_45 = tpu.memref_squeeze %dma_start3A_44 : memref<1x128x128xf32, #tpu.memory_space<hbm>> -> memref<128x128xf32, #tpu.memory_space<hbm>>
      %dma_start3A_46 = arith.constant 0 : i32
      %dma_start3A_47 = tpu.memref_slice %arg5[%arg0, %add3A_42, %dma_start3A_46] : memref<2x10240x128xf32, #tpu.memory_space<hbm>> -> memref<1x128x128xf32, #tpu.memory_space<hbm>>
      %dma_start3A_48 = tpu.memref_squeeze %dma_start3A_47 : memref<1x128x128xf32, #tpu.memory_space<hbm>> -> memref<128x128xf32, #tpu.memory_space<hbm>>
      tpu.enqueue_dma source(%arg11 : memref<128x128xf32, #tpu.memory_space<vmem>>) target(%dma_start3A_48 : memref<128x128xf32, #tpu.memory_space<hbm>>) target_semaphore(%run_scoped3A : memref<!tpu.dma_semaphore, #tpu.memory_space<semaphore_mem>>)
      %dma_wait3A_49 = arith.constant 0 : i32
      %dma_wait3A_50 = tpu.memref_slice %arg5[%arg0, %add3A_42, %dma_wait3A_49] : memref<2x10240x128xf32, #tpu.memory_space<hbm>> -> memref<1x128x128xf32, #tpu.memory_space<hbm>>
      %dma_wait3A_51 = tpu.memref_squeeze %dma_wait3A_50 : memref<1x128x128xf32, #tpu.memory_space<hbm>> -> memref<128x128xf32, #tpu.memory_space<hbm>>
      %dma_wait3A_52 = arith.constant 0 : i32
      %dma_wait3A_53 = tpu.memref_slice %arg5[%arg0, %add3A_42, %dma_wait3A_52] : memref<2x10240x128xf32, #tpu.memory_space<hbm>> -> memref<1x128x128xf32, #tpu.memory_space<hbm>>
      %dma_wait3A_54 = tpu.memref_squeeze %dma_wait3A_53 : memref<1x128x128xf32, #tpu.memory_space<hbm>> -> memref<128x128xf32, #tpu.memory_space<hbm>>
      tpu.wait_dma2 semaphore(%run_scoped3A : memref<!tpu.dma_semaphore, #tpu.memory_space<semaphore_mem>>) src(%arg11 : memref<128x128xf32, #tpu.memory_space<vmem>>) dst(%dma_wait3A_54 : memref<128x128xf32, #tpu.memory_space<hbm>>)
      tpu.yield
    }) : () -> ()
    return
  }
}

#map = affine_map<(d0, d1) -> (0, 0)>
#map1 = affine_map<(d0, d1) -> (0)>
#map2 = affine_map<(d0, d1) -> (0, 0, 0)>
module attributes {stable_mosaic.version = 14 : i64} {
  func.func @k(%arg0: i32, %arg1: i32, %arg2: memref<10000x128xf32, #tpu.memory_space<hbm>>, %arg3: memref<320000xi32, #tpu.memory_space<hbm>>, %arg4: memref<320000xi32, #tpu.memory_space<hbm>>, %arg5: memref<2x10240x128xf32, #tpu.memory_space<hbm>>, %arg6: memref<80xi32, #tpu.memory_space<vmem>>, %arg7: memref<80xi32, #tpu.memory_space<vmem>>, %arg8: memref<80xi32, #tpu.memory_space<vmem>>, %arg9: memref<80xi32, #tpu.memory_space<vmem>>, %arg10: memref<80x128xf32, #tpu.memory_space<vmem>>, %arg11: memref<128x128xf32, #tpu.memory_space<vmem>>, %arg12: memref<10240x128xf32, #tpu.memory_space<vmem_shared>>, %arg13: memref<!tpu.dma_semaphore, #tpu.memory_space<semaphore_mem>>) attributes {dimension_semantics = [#tpu.dimension_semantics<core_parallel>, #tpu.dimension_semantics<subcore_parallel>], iteration_bounds = array<i64: 2, 16>, scalar_prefetch = 0 : i64, scratch_operands = 8 : i64, tpu.core_type = #tpu.core_type<sc_vector_subcore>, window_params = [{transform_indices = #map}, {transform_indices = #map1}, {transform_indices = #map1}, {transform_indices = #map2}]} {
    %mul3A = arith.constant 2 : i32
    %mul3A_0 = arith.muli %arg1, %mul3A : i32
    %add3A = arith.addi %mul3A_0, %arg0 : i32
    %scan3A = arith.constant 0 : i32
    %scan3A_1 = arith.constant 0 : i32
    %scan3A_2 = arith.constant 1024 : i32
    %scan3A_3 = arith.addi %scan3A_1, %scan3A_2 : i32
    %scan3A_4 = arith.constant 1 : i32
    scf.for %scan3A_43 = %scan3A_1 to %scan3A_3 step %scan3A_4  : i32 {
      %jit3A = arith.constant 8 : i32
      %div3A = arith.divsi %scan3A_43, %jit3A : i32
      %sign3A = arith.constant 0 : i32
      %sign3A_44 = arith.cmpi sgt, %scan3A_43, %sign3A : i32
      %sign3A_45 = arith.extui %sign3A_44 : i1 to i32
      %sign3A_46 = arith.constant 0 : i32
      %sign3A_47 = arith.cmpi slt, %scan3A_43, %sign3A_46 : i32
      %sign3A_48 = arith.extui %sign3A_47 : i1 to i32
      %sign3A_49 = arith.subi %sign3A_45, %sign3A_48 : i32
      %sign3A_50 = arith.constant 0 : i32
      %sign3A_51 = arith.cmpi sgt, %jit3A, %sign3A_50 : i32
      %sign3A_52 = arith.extui %sign3A_51 : i1 to i32
      %sign3A_53 = arith.constant 0 : i32
      %sign3A_54 = arith.cmpi slt, %jit3A, %sign3A_53 : i32
      %sign3A_55 = arith.extui %sign3A_54 : i1 to i32
      %sign3A_56 = arith.subi %sign3A_52, %sign3A_55 : i32
      %ne3A = arith.cmpi ne, %sign3A_49, %sign3A_56 : i32
      %rem3A = arith.remsi %scan3A_43, %jit3A : i32
      %ne3A_57 = arith.constant 0 : i32
      %ne3A_58 = arith.cmpi ne, %rem3A, %ne3A_57 : i32
      %and3A = arith.andi %ne3A, %ne3A_58 : i1
      %sub3A = arith.constant 1 : i32
      %sub3A_59 = arith.subi %div3A, %sub3A : i32
      %select_n3A = arith.select %and3A, %sub3A_59, %div3A : i32
      %mul3A_60 = arith.constant 8 : i32
      %mul3A_61 = arith.muli %select_n3A, %mul3A_60 : i32
      %sub3A_62 = arith.subi %scan3A_43, %mul3A_61 : i32
      %broadcast_in_dim3A = arith.constant 0.000000e+00 : f32
      %broadcast_in_dim3A_63 = vector.broadcast %broadcast_in_dim3A : f32 to vector<16xf32>
      %mul3A_64 = arith.constant 16 : i32
      %mul3A_65 = arith.muli %sub3A_62, %mul3A_64 : i32
      %swap3A = arith.index_cast %select_n3A : i32 to index
      %swap3A_66 = arith.index_cast %mul3A_65 : i32 to index
      %swap3A_67 = tpu.vector_load %arg11[%swap3A, %swap3A_66] {strides = array<i32>} : memref<128x128xf32, #tpu.memory_space<vmem>>, vector<1x16xf32>,
      %swap3A_68 = vector.shape_cast %swap3A_67 : vector<1x16xf32> to vector<16xf32>
      %swap3A_69 = vector.shape_cast %broadcast_in_dim3A_63 : vector<16xf32> to vector<1x16xf32>
      tpu.vector_store %arg11[%swap3A, %swap3A_66], %swap3A_69 {strides = array<i32>} : memref<128x128xf32, #tpu.memory_space<vmem>>, vector<1x16xf32>,
    }
    %scan3A_5 = arith.constant 1024 : i32
    %mul3A_6 = arith.constant 640 : i32
    %mul3A_7 = arith.muli %arg1, %mul3A_6 : i32
    %add3A_8 = arith.constant 0 : i32
    %add3A_9 = arith.addi %mul3A_7, %add3A_8 : i32
    "tpu.region"() ({
      %run_scoped3A = tpu.sem_alloc : memref<!tpu.dma_semaphore, #tpu.memory_space<semaphore_mem>>
      %dma_start3A_43 = arith.constant 0 : i32
      %dma_start3A_44 = tpu.memref_slice %arg12[%add3A_9, %dma_start3A_43] : memref<10240x128xf32, #tpu.memory_space<vmem_shared>> -> memref<128x128xf32, #tpu.memory_space<vmem_shared>>
      %dma_start3A_45 = arith.constant 0 : i32
      %dma_start3A_46 = tpu.memref_slice %arg12[%add3A_9, %dma_start3A_45] : memref<10240x128xf32, #tpu.memory_space<vmem_shared>> -> memref<128x128xf32, #tpu.memory_space<vmem_shared>>
      tpu.enqueue_dma source(%arg11 : memref<128x128xf32, #tpu.memory_space<vmem>>) target(%dma_start3A_46 : memref<128x128xf32, #tpu.memory_space<vmem_shared>>) target_semaphore(%run_scoped3A : memref<!tpu.dma_semaphore, #tpu.memory_space<semaphore_mem>>)
      %dma_wait3A_47 = arith.constant 0 : i32
      %dma_wait3A_48 = tpu.memref_slice %arg12[%add3A_9, %dma_wait3A_47] : memref<10240x128xf32, #tpu.memory_space<vmem_shared>> -> memref<128x128xf32, #tpu.memory_space<vmem_shared>>
      %dma_wait3A_49 = arith.constant 0 : i32
      %dma_wait3A_50 = tpu.memref_slice %arg12[%add3A_9, %dma_wait3A_49] : memref<10240x128xf32, #tpu.memory_space<vmem_shared>> -> memref<128x128xf32, #tpu.memory_space<vmem_shared>>
      tpu.wait_dma2 semaphore(%run_scoped3A : memref<!tpu.dma_semaphore, #tpu.memory_space<semaphore_mem>>) src(%arg11 : memref<128x128xf32, #tpu.memory_space<vmem>>) dst(%dma_wait3A_50 : memref<128x128xf32, #tpu.memory_space<vmem_shared>>)
      tpu.yield
    }) : () -> ()
    %add3A_10 = arith.constant 128 : i32
    %add3A_11 = arith.addi %mul3A_7, %add3A_10 : i32
    "tpu.region"() ({
      %run_scoped3A = tpu.sem_alloc : memref<!tpu.dma_semaphore, #tpu.memory_space<semaphore_mem>>
      %dma_start3A_43 = arith.constant 0 : i32
      %dma_start3A_44 = tpu.memref_slice %arg12[%add3A_11, %dma_start3A_43] : memref<10240x128xf32, #tpu.memory_space<vmem_shared>> -> memref<128x128xf32, #tpu.memory_space<vmem_shared>>
      %dma_start3A_45 = arith.constant 0 : i32
      %dma_start3A_46 = tpu.memref_slice %arg12[%add3A_11, %dma_start3A_45] : memref<10240x128xf32, #tpu.memory_space<vmem_shared>> -> memref<128x128xf32, #tpu.memory_space<vmem_shared>>
      tpu.enqueue_dma source(%arg11 : memref<128x128xf32, #tpu.memory_space<vmem>>) target(%dma_start3A_46 : memref<128x128xf32, #tpu.memory_space<vmem_shared>>) target_semaphore(%run_scoped3A : memref<!tpu.dma_semaphore, #tpu.memory_space<semaphore_mem>>)
      %dma_wait3A_47 = arith.constant 0 : i32
      %dma_wait3A_48 = tpu.memref_slice %arg12[%add3A_11, %dma_wait3A_47] : memref<10240x128xf32, #tpu.memory_space<vmem_shared>> -> memref<128x128xf32, #tpu.memory_space<vmem_shared>>
      %dma_wait3A_49 = arith.constant 0 : i32
      %dma_wait3A_50 = tpu.memref_slice %arg12[%add3A_11, %dma_wait3A_49] : memref<10240x128xf32, #tpu.memory_space<vmem_shared>> -> memref<128x128xf32, #tpu.memory_space<vmem_shared>>
      tpu.wait_dma2 semaphore(%run_scoped3A : memref<!tpu.dma_semaphore, #tpu.memory_space<semaphore_mem>>) src(%arg11 : memref<128x128xf32, #tpu.memory_space<vmem>>) dst(%dma_wait3A_50 : memref<128x128xf32, #tpu.memory_space<vmem_shared>>)
      tpu.yield
    }) : () -> ()
    %add3A_12 = arith.constant 256 : i32
    %add3A_13 = arith.addi %mul3A_7, %add3A_12 : i32
    "tpu.region"() ({
      %run_scoped3A = tpu.sem_alloc : memref<!tpu.dma_semaphore, #tpu.memory_space<semaphore_mem>>
      %dma_start3A_43 = arith.constant 0 : i32
      %dma_start3A_44 = tpu.memref_slice %arg12[%add3A_13, %dma_start3A_43] : memref<10240x128xf32, #tpu.memory_space<vmem_shared>> -> memref<128x128xf32, #tpu.memory_space<vmem_shared>>
      %dma_start3A_45 = arith.constant 0 : i32
      %dma_start3A_46 = tpu.memref_slice %arg12[%add3A_13, %dma_start3A_45] : memref<10240x128xf32, #tpu.memory_space<vmem_shared>> -> memref<128x128xf32, #tpu.memory_space<vmem_shared>>
      tpu.enqueue_dma source(%arg11 : memref<128x128xf32, #tpu.memory_space<vmem>>) target(%dma_start3A_46 : memref<128x128xf32, #tpu.memory_space<vmem_shared>>) target_semaphore(%run_scoped3A : memref<!tpu.dma_semaphore, #tpu.memory_space<semaphore_mem>>)
      %dma_wait3A_47 = arith.constant 0 : i32
      %dma_wait3A_48 = tpu.memref_slice %arg12[%add3A_13, %dma_wait3A_47] : memref<10240x128xf32, #tpu.memory_space<vmem_shared>> -> memref<128x128xf32, #tpu.memory_space<vmem_shared>>
      %dma_wait3A_49 = arith.constant 0 : i32
      %dma_wait3A_50 = tpu.memref_slice %arg12[%add3A_13, %dma_wait3A_49] : memref<10240x128xf32, #tpu.memory_space<vmem_shared>> -> memref<128x128xf32, #tpu.memory_space<vmem_shared>>
      tpu.wait_dma2 semaphore(%run_scoped3A : memref<!tpu.dma_semaphore, #tpu.memory_space<semaphore_mem>>) src(%arg11 : memref<128x128xf32, #tpu.memory_space<vmem>>) dst(%dma_wait3A_50 : memref<128x128xf32, #tpu.memory_space<vmem_shared>>)
      tpu.yield
    }) : () -> ()
    %add3A_14 = arith.constant 384 : i32
    %add3A_15 = arith.addi %mul3A_7, %add3A_14 : i32
    "tpu.region"() ({
      %run_scoped3A = tpu.sem_alloc : memref<!tpu.dma_semaphore, #tpu.memory_space<semaphore_mem>>
      %dma_start3A_43 = arith.constant 0 : i32
      %dma_start3A_44 = tpu.memref_slice %arg12[%add3A_15, %dma_start3A_43] : memref<10240x128xf32, #tpu.memory_space<vmem_shared>> -> memref<128x128xf32, #tpu.memory_space<vmem_shared>>
      %dma_start3A_45 = arith.constant 0 : i32
      %dma_start3A_46 = tpu.memref_slice %arg12[%add3A_15, %dma_start3A_45] : memref<10240x128xf32, #tpu.memory_space<vmem_shared>> -> memref<128x128xf32, #tpu.memory_space<vmem_shared>>
      tpu.enqueue_dma source(%arg11 : memref<128x128xf32, #tpu.memory_space<vmem>>) target(%dma_start3A_46 : memref<128x128xf32, #tpu.memory_space<vmem_shared>>) target_semaphore(%run_scoped3A : memref<!tpu.dma_semaphore, #tpu.memory_space<semaphore_mem>>)
      %dma_wait3A_47 = arith.constant 0 : i32
      %dma_wait3A_48 = tpu.memref_slice %arg12[%add3A_15, %dma_wait3A_47] : memref<10240x128xf32, #tpu.memory_space<vmem_shared>> -> memref<128x128xf32, #tpu.memory_space<vmem_shared>>
      %dma_wait3A_49 = arith.constant 0 : i32
      %dma_wait3A_50 = tpu.memref_slice %arg12[%add3A_15, %dma_wait3A_49] : memref<10240x128xf32, #tpu.memory_space<vmem_shared>> -> memref<128x128xf32, #tpu.memory_space<vmem_shared>>
      tpu.wait_dma2 semaphore(%run_scoped3A : memref<!tpu.dma_semaphore, #tpu.memory_space<semaphore_mem>>) src(%arg11 : memref<128x128xf32, #tpu.memory_space<vmem>>) dst(%dma_wait3A_50 : memref<128x128xf32, #tpu.memory_space<vmem_shared>>)
      tpu.yield
    }) : () -> ()
    %add3A_16 = arith.constant 512 : i32
    %add3A_17 = arith.addi %mul3A_7, %add3A_16 : i32
    "tpu.region"() ({
      %run_scoped3A = tpu.sem_alloc : memref<!tpu.dma_semaphore, #tpu.memory_space<semaphore_mem>>
      %dma_start3A_43 = arith.constant 0 : i32
      %dma_start3A_44 = tpu.memref_slice %arg12[%add3A_17, %dma_start3A_43] : memref<10240x128xf32, #tpu.memory_space<vmem_shared>> -> memref<128x128xf32, #tpu.memory_space<vmem_shared>>
      %dma_start3A_45 = arith.constant 0 : i32
      %dma_start3A_46 = tpu.memref_slice %arg12[%add3A_17, %dma_start3A_45] : memref<10240x128xf32, #tpu.memory_space<vmem_shared>> -> memref<128x128xf32, #tpu.memory_space<vmem_shared>>
      tpu.enqueue_dma source(%arg11 : memref<128x128xf32, #tpu.memory_space<vmem>>) target(%dma_start3A_46 : memref<128x128xf32, #tpu.memory_space<vmem_shared>>) target_semaphore(%run_scoped3A : memref<!tpu.dma_semaphore, #tpu.memory_space<semaphore_mem>>)
      %dma_wait3A_47 = arith.constant 0 : i32
      %dma_wait3A_48 = tpu.memref_slice %arg12[%add3A_17, %dma_wait3A_47] : memref<10240x128xf32, #tpu.memory_space<vmem_shared>> -> memref<128x128xf32, #tpu.memory_space<vmem_shared>>
      %dma_wait3A_49 = arith.constant 0 : i32
      %dma_wait3A_50 = tpu.memref_slice %arg12[%add3A_17, %dma_wait3A_49] : memref<10240x128xf32, #tpu.memory_space<vmem_shared>> -> memref<128x128xf32, #tpu.memory_space<vmem_shared>>
      tpu.wait_dma2 semaphore(%run_scoped3A : memref<!tpu.dma_semaphore, #tpu.memory_space<semaphore_mem>>) src(%arg11 : memref<128x128xf32, #tpu.memory_space<vmem>>) dst(%dma_wait3A_50 : memref<128x128xf32, #tpu.memory_space<vmem_shared>>)
      tpu.yield
    }) : () -> ()
    %barrier3A = arith.constant 0 : index
    tpu.barrier barrier_id(%barrier3A)
    %mul3A_18 = arith.constant 10000 : i32
    %mul3A_19 = arith.muli %add3A, %mul3A_18 : i32
    "tpu.region"() ({
      %run_scoped3A = tpu.sem_alloc : memref<!tpu.dma_semaphore, #tpu.memory_space<semaphore_mem>>
      %dma_start3A_43 = tpu.memref_slice %arg3[%mul3A_19] : memref<320000xi32, #tpu.memory_space<hbm>> -> memref<80xi32, #tpu.memory_space<hbm>>
      %dma_start3A_44 = tpu.memref_slice %arg3[%mul3A_19] : memref<320000xi32, #tpu.memory_space<hbm>> -> memref<80xi32, #tpu.memory_space<hbm>>
      tpu.enqueue_dma source(%dma_start3A_44 : memref<80xi32, #tpu.memory_space<hbm>>) target(%arg6 : memref<80xi32, #tpu.memory_space<vmem>>) target_semaphore(%run_scoped3A : memref<!tpu.dma_semaphore, #tpu.memory_space<semaphore_mem>>)
      %dma_wait3A_45 = tpu.memref_slice %arg3[%mul3A_19] : memref<320000xi32, #tpu.memory_space<hbm>> -> memref<80xi32, #tpu.memory_space<hbm>>
      %dma_wait3A_46 = tpu.memref_slice %arg3[%mul3A_19] : memref<320000xi32, #tpu.memory_space<hbm>> -> memref<80xi32, #tpu.memory_space<hbm>>
      tpu.wait_dma2 semaphore(%run_scoped3A : memref<!tpu.dma_semaphore, #tpu.memory_space<semaphore_mem>>) src(%dma_wait3A_46 : memref<80xi32, #tpu.memory_space<hbm>>) dst(%arg6 : memref<80xi32, #tpu.memory_space<vmem>>)
      tpu.yield
    }) : () -> ()
    %scan3A_20 = arith.constant 0 : i32
    %scan3A_21 = arith.constant 0 : i32
    %scan3A_22 = arith.constant 62 : i32
    %scan3A_23 = arith.addi %scan3A_21, %scan3A_22 : i32
    %scan3A_24 = arith.constant 1 : i32
    scf.for %scan3A_43 = %scan3A_21 to %scan3A_23 step %scan3A_24  : i32 {
      %mul3A_44 = arith.constant 2 : i32
      %mul3A_45 = arith.muli %mul3A_44, %scan3A_43 : i32
      %dma_start3A_46 = arith.constant 0 : i32
      %dma_start3A_47 = arith.constant 0 : i32
      %dma_start3A_48 = tpu.memref_slice %arg2[%dma_start3A_46, %dma_start3A_47] : memref<10000x128xf32, #tpu.memory_space<hbm>> -> memref<10000x128xf32, #tpu.memory_space<hbm>>
      tpu.enqueue_indirect_dma source(%dma_start3A_48 : memref<10000x128xf32, #tpu.memory_space<hbm>>) target(%arg10 : memref<80x128xf32, #tpu.memory_space<vmem>>) offsets(%arg6 : memref<80xi32, #tpu.memory_space<vmem>>) semaphore(%arg13 : memref<!tpu.dma_semaphore, #tpu.memory_space<semaphore_mem>>)
      %mul3A_49 = arith.constant 80 : i32
      %mul3A_50 = arith.muli %mul3A_45, %mul3A_49 : i32
      %add3A_51 = arith.addi %mul3A_19, %mul3A_50 : i32
      "tpu.region"() ({
        %run_scoped3A = tpu.sem_alloc : memref<!tpu.dma_semaphore, #tpu.memory_space<semaphore_mem>>
        %dma_start3A_79 = tpu.memref_slice %arg4[%add3A_51] : memref<320000xi32, #tpu.memory_space<hbm>> -> memref<80xi32, #tpu.memory_space<hbm>>
        %dma_start3A_80 = tpu.memref_slice %arg4[%add3A_51] : memref<320000xi32, #tpu.memory_space<hbm>> -> memref<80xi32, #tpu.memory_space<hbm>>
        tpu.enqueue_dma source(%dma_start3A_80 : memref<80xi32, #tpu.memory_space<hbm>>) target(%arg8 : memref<80xi32, #tpu.memory_space<vmem>>) target_semaphore(%run_scoped3A : memref<!tpu.dma_semaphore, #tpu.memory_space<semaphore_mem>>)
        %dma_wait3A_81 = tpu.memref_slice %arg4[%add3A_51] : memref<320000xi32, #tpu.memory_space<hbm>> -> memref<80xi32, #tpu.memory_space<hbm>>
        %dma_wait3A_82 = tpu.memref_slice %arg4[%add3A_51] : memref<320000xi32, #tpu.memory_space<hbm>> -> memref<80xi32, #tpu.memory_space<hbm>>
        tpu.wait_dma2 semaphore(%run_scoped3A : memref<!tpu.dma_semaphore, #tpu.memory_space<semaphore_mem>>) src(%dma_wait3A_82 : memref<80xi32, #tpu.memory_space<hbm>>) dst(%arg8 : memref<80xi32, #tpu.memory_space<vmem>>)
        tpu.yield
      }) : () -> ()
      %add3A_52 = arith.constant 1 : i32
      %add3A_53 = arith.addi %mul3A_45, %add3A_52 : i32
      %min3A = arith.constant 124 : i32
      %min3A_54 = arith.minsi %add3A_53, %min3A : i32
      %mul3A_55 = arith.constant 80 : i32
      %mul3A_56 = arith.muli %min3A_54, %mul3A_55 : i32
      %add3A_57 = arith.addi %mul3A_19, %mul3A_56 : i32
      "tpu.region"() ({
        %run_scoped3A = tpu.sem_alloc : memref<!tpu.dma_semaphore, #tpu.memory_space<semaphore_mem>>
        %dma_start3A_79 = tpu.memref_slice %arg3[%add3A_57] : memref<320000xi32, #tpu.memory_space<hbm>> -> memref<80xi32, #tpu.memory_space<hbm>>
        %dma_start3A_80 = tpu.memref_slice %arg3[%add3A_57] : memref<320000xi32, #tpu.memory_space<hbm>> -> memref<80xi32, #tpu.memory_space<hbm>>
        tpu.enqueue_dma source(%dma_start3A_80 : memref<80xi32, #tpu.memory_space<hbm>>) target(%arg7 : memref<80xi32, #tpu.memory_space<vmem>>) target_semaphore(%run_scoped3A : memref<!tpu.dma_semaphore, #tpu.memory_space<semaphore_mem>>)
        %dma_wait3A_81 = tpu.memref_slice %arg3[%add3A_57] : memref<320000xi32, #tpu.memory_space<hbm>> -> memref<80xi32, #tpu.memory_space<hbm>>
        %dma_wait3A_82 = tpu.memref_slice %arg3[%add3A_57] : memref<320000xi32, #tpu.memory_space<hbm>> -> memref<80xi32, #tpu.memory_space<hbm>>
        tpu.wait_dma2 semaphore(%run_scoped3A : memref<!tpu.dma_semaphore, #tpu.memory_space<semaphore_mem>>) src(%dma_wait3A_82 : memref<80xi32, #tpu.memory_space<hbm>>) dst(%arg7 : memref<80xi32, #tpu.memory_space<vmem>>)
        tpu.yield
      }) : () -> ()
      %dma_wait3A_58 = arith.constant 0 : i32
      %dma_wait3A_59 = arith.constant 0 : i32
      %dma_wait3A_60 = tpu.memref_slice %arg2[%dma_wait3A_58, %dma_wait3A_59] : memref<10000x128xf32, #tpu.memory_space<hbm>> -> memref<10000x128xf32, #tpu.memory_space<hbm>>
      tpu.wait_indirect_dma semaphore(%arg13 : memref<!tpu.dma_semaphore, #tpu.memory_space<semaphore_mem>>) src(%dma_wait3A_60 : memref<10000x128xf32, #tpu.memory_space<hbm>>) dst(%arg10 : memref<80x128xf32, #tpu.memory_space<vmem>>)
      "tpu.region"() ({
        %run_scoped3A = tpu.sem_alloc : memref<!tpu.dma_semaphore, #tpu.memory_space<semaphore_mem>>
        %dma_start3A_79 = arith.constant 0 : i32
        %dma_start3A_80 = arith.constant 0 : i32
        %dma_start3A_81 = tpu.memref_slice %arg12[%dma_start3A_79, %dma_start3A_80] : memref<10240x128xf32, #tpu.memory_space<vmem_shared>> -> memref<10240x128xf32, #tpu.memory_space<vmem_shared>>
        tpu.enqueue_indirect_dma source(%arg10 : memref<80x128xf32, #tpu.memory_space<vmem>>) target(%dma_start3A_81 : memref<10240x128xf32, #tpu.memory_space<vmem_shared>>) offsets(%arg8 : memref<80xi32, #tpu.memory_space<vmem>>) semaphore(%run_scoped3A : memref<!tpu.dma_semaphore, #tpu.memory_space<semaphore_mem>>) {add = true}
        %dma_wait3A_82 = arith.constant 0 : i32
        %dma_wait3A_83 = arith.constant 0 : i32
        %dma_wait3A_84 = tpu.memref_slice %arg12[%dma_wait3A_82, %dma_wait3A_83] : memref<10240x128xf32, #tpu.memory_space<vmem_shared>> -> memref<10240x128xf32, #tpu.memory_space<vmem_shared>>
        tpu.wait_indirect_dma semaphore(%run_scoped3A : memref<!tpu.dma_semaphore, #tpu.memory_space<semaphore_mem>>) src(%arg10 : memref<80x128xf32, #tpu.memory_space<vmem>>) dst(%dma_wait3A_84 : memref<10240x128xf32, #tpu.memory_space<vmem_shared>>)
        tpu.yield
      }) : () -> ()
      %dma_start3A_61 = arith.constant 0 : i32
      %dma_start3A_62 = arith.constant 0 : i32
      %dma_start3A_63 = tpu.memref_slice %arg2[%dma_start3A_61, %dma_start3A_62] : memref<10000x128xf32, #tpu.memory_space<hbm>> -> memref<10000x128xf32, #tpu.memory_space<hbm>>
      tpu.enqueue_indirect_dma source(%dma_start3A_63 : memref<10000x128xf32, #tpu.memory_space<hbm>>) target(%arg10 : memref<80x128xf32, #tpu.memory_space<vmem>>) offsets(%arg7 : memref<80xi32, #tpu.memory_space<vmem>>) semaphore(%arg13 : memref<!tpu.dma_semaphore, #tpu.memory_space<semaphore_mem>>)
      %add3A_64 = arith.constant 1 : i32
      %add3A_65 = arith.addi %mul3A_45, %add3A_64 : i32
      %mul3A_66 = arith.constant 80 : i32
      %mul3A_67 = arith.muli %add3A_65, %mul3A_66 : i32
      %add3A_68 = arith.addi %mul3A_19, %mul3A_67 : i32
      "tpu.region"() ({
        %run_scoped3A = tpu.sem_alloc : memref<!tpu.dma_semaphore, #tpu.memory_space<semaphore_mem>>
        %dma_start3A_79 = tpu.memref_slice %arg4[%add3A_68] : memref<320000xi32, #tpu.memory_space<hbm>> -> memref<80xi32, #tpu.memory_space<hbm>>
        %dma_start3A_80 = tpu.memref_slice %arg4[%add3A_68] : memref<320000xi32, #tpu.memory_space<hbm>> -> memref<80xi32, #tpu.memory_space<hbm>>
        tpu.enqueue_dma source(%dma_start3A_80 : memref<80xi32, #tpu.memory_space<hbm>>) target(%arg9 : memref<80xi32, #tpu.memory_space<vmem>>) target_semaphore(%run_scoped3A : memref<!tpu.dma_semaphore, #tpu.memory_space<semaphore_mem>>)
        %dma_wait3A_81 = tpu.memref_slice %arg4[%add3A_68] : memref<320000xi32, #tpu.memory_space<hbm>> -> memref<80xi32, #tpu.memory_space<hbm>>
        %dma_wait3A_82 = tpu.memref_slice %arg4[%add3A_68] : memref<320000xi32, #tpu.memory_space<hbm>> -> memref<80xi32, #tpu.memory_space<hbm>>
        tpu.wait_dma2 semaphore(%run_scoped3A : memref<!tpu.dma_semaphore, #tpu.memory_space<semaphore_mem>>) src(%dma_wait3A_82 : memref<80xi32, #tpu.memory_space<hbm>>) dst(%arg9 : memref<80xi32, #tpu.memory_space<vmem>>)
        tpu.yield
      }) : () -> ()
      %add3A_69 = arith.constant 2 : i32
      %add3A_70 = arith.addi %mul3A_45, %add3A_69 : i32
      %min3A_71 = arith.constant 124 : i32
      %min3A_72 = arith.minsi %add3A_70, %min3A_71 : i32
      %mul3A_73 = arith.constant 80 : i32
      %mul3A_74 = arith.muli %min3A_72, %mul3A_73 : i32
      %add3A_75 = arith.addi %mul3A_19, %mul3A_74 : i32
      "tpu.region"() ({
        %run_scoped3A = tpu.sem_alloc : memref<!tpu.dma_semaphore, #tpu.memory_space<semaphore_mem>>
        %dma_start3A_79 = tpu.memref_slice %arg3[%add3A_75] : memref<320000xi32, #tpu.memory_space<hbm>> -> memref<80xi32, #tpu.memory_space<hbm>>
        %dma_start3A_80 = tpu.memref_slice %arg3[%add3A_75] : memref<320000xi32, #tpu.memory_space<hbm>> -> memref<80xi32, #tpu.memory_space<hbm>>
        tpu.enqueue_dma source(%dma_start3A_80 : memref<80xi32, #tpu.memory_space<hbm>>) target(%arg6 : memref<80xi32, #tpu.memory_space<vmem>>) target_semaphore(%run_scoped3A : memref<!tpu.dma_semaphore, #tpu.memory_space<semaphore_mem>>)
        %dma_wait3A_81 = tpu.memref_slice %arg3[%add3A_75] : memref<320000xi32, #tpu.memory_space<hbm>> -> memref<80xi32, #tpu.memory_space<hbm>>
        %dma_wait3A_82 = tpu.memref_slice %arg3[%add3A_75] : memref<320000xi32, #tpu.memory_space<hbm>> -> memref<80xi32, #tpu.memory_space<hbm>>
        tpu.wait_dma2 semaphore(%run_scoped3A : memref<!tpu.dma_semaphore, #tpu.memory_space<semaphore_mem>>) src(%dma_wait3A_82 : memref<80xi32, #tpu.memory_space<hbm>>) dst(%arg6 : memref<80xi32, #tpu.memory_space<vmem>>)
        tpu.yield
      }) : () -> ()
      %dma_wait3A_76 = arith.constant 0 : i32
      %dma_wait3A_77 = arith.constant 0 : i32
      %dma_wait3A_78 = tpu.memref_slice %arg2[%dma_wait3A_76, %dma_wait3A_77] : memref<10000x128xf32, #tpu.memory_space<hbm>> -> memref<10000x128xf32, #tpu.memory_space<hbm>>
      tpu.wait_indirect_dma semaphore(%arg13 : memref<!tpu.dma_semaphore, #tpu.memory_space<semaphore_mem>>) src(%dma_wait3A_78 : memref<10000x128xf32, #tpu.memory_space<hbm>>) dst(%arg10 : memref<80x128xf32, #tpu.memory_space<vmem>>)
      "tpu.region"() ({
        %run_scoped3A = tpu.sem_alloc : memref<!tpu.dma_semaphore, #tpu.memory_space<semaphore_mem>>
        %dma_start3A_79 = arith.constant 0 : i32
        %dma_start3A_80 = arith.constant 0 : i32
        %dma_start3A_81 = tpu.memref_slice %arg12[%dma_start3A_79, %dma_start3A_80] : memref<10240x128xf32, #tpu.memory_space<vmem_shared>> -> memref<10240x128xf32, #tpu.memory_space<vmem_shared>>
        tpu.enqueue_indirect_dma source(%arg10 : memref<80x128xf32, #tpu.memory_space<vmem>>) target(%dma_start3A_81 : memref<10240x128xf32, #tpu.memory_space<vmem_shared>>) offsets(%arg9 : memref<80xi32, #tpu.memory_space<vmem>>) semaphore(%run_scoped3A : memref<!tpu.dma_semaphore, #tpu.memory_space<semaphore_mem>>) {add = true}
        %dma_wait3A_82 = arith.constant 0 : i32
        %dma_wait3A_83 = arith.constant 0 : i32
        %dma_wait3A_84 = tpu.memref_slice %arg12[%dma_wait3A_82, %dma_wait3A_83] : memref<10240x128xf32, #tpu.memory_space<vmem_shared>> -> memref<10240x128xf32, #tpu.memory_space<vmem_shared>>
        tpu.wait_indirect_dma semaphore(%run_scoped3A : memref<!tpu.dma_semaphore, #tpu.memory_space<semaphore_mem>>) src(%arg10 : memref<80x128xf32, #tpu.memory_space<vmem>>) dst(%dma_wait3A_84 : memref<10240x128xf32, #tpu.memory_space<vmem_shared>>)
        tpu.yield
      }) : () -> ()
    }
    %scan3A_25 = arith.constant 62 : i32
    %dma_start3A = arith.constant 0 : i32
    %dma_start3A_26 = arith.constant 0 : i32
    %dma_start3A_27 = tpu.memref_slice %arg2[%dma_start3A, %dma_start3A_26] : memref<10000x128xf32, #tpu.memory_space<hbm>> -> memref<10000x128xf32, #tpu.memory_space<hbm>>
    tpu.enqueue_indirect_dma source(%dma_start3A_27 : memref<10000x128xf32, #tpu.memory_space<hbm>>) target(%arg10 : memref<80x128xf32, #tpu.memory_space<vmem>>) offsets(%arg6 : memref<80xi32, #tpu.memory_space<vmem>>) semaphore(%arg13 : memref<!tpu.dma_semaphore, #tpu.memory_space<semaphore_mem>>)
    %add3A_28 = arith.constant 9920 : i32
    %add3A_29 = arith.addi %mul3A_19, %add3A_28 : i32
    "tpu.region"() ({
      %run_scoped3A = tpu.sem_alloc : memref<!tpu.dma_semaphore, #tpu.memory_space<semaphore_mem>>
      %dma_start3A_43 = tpu.memref_slice %arg4[%add3A_29] : memref<320000xi32, #tpu.memory_space<hbm>> -> memref<80xi32, #tpu.memory_space<hbm>>
      %dma_start3A_44 = tpu.memref_slice %arg4[%add3A_29] : memref<320000xi32, #tpu.memory_space<hbm>> -> memref<80xi32, #tpu.memory_space<hbm>>
      tpu.enqueue_dma source(%dma_start3A_44 : memref<80xi32, #tpu.memory_space<hbm>>) target(%arg8 : memref<80xi32, #tpu.memory_space<vmem>>) target_semaphore(%run_scoped3A : memref<!tpu.dma_semaphore, #tpu.memory_space<semaphore_mem>>)
      %dma_wait3A_45 = tpu.memref_slice %arg4[%add3A_29] : memref<320000xi32, #tpu.memory_space<hbm>> -> memref<80xi32, #tpu.memory_space<hbm>>
      %dma_wait3A_46 = tpu.memref_slice %arg4[%add3A_29] : memref<320000xi32, #tpu.memory_space<hbm>> -> memref<80xi32, #tpu.memory_space<hbm>>
      tpu.wait_dma2 semaphore(%run_scoped3A : memref<!tpu.dma_semaphore, #tpu.memory_space<semaphore_mem>>) src(%dma_wait3A_46 : memref<80xi32, #tpu.memory_space<hbm>>) dst(%arg8 : memref<80xi32, #tpu.memory_space<vmem>>)
      tpu.yield
    }) : () -> ()
    %dma_wait3A = arith.constant 0 : i32
    %dma_wait3A_30 = arith.constant 0 : i32
    %dma_wait3A_31 = tpu.memref_slice %arg2[%dma_wait3A, %dma_wait3A_30] : memref<10000x128xf32, #tpu.memory_space<hbm>> -> memref<10000x128xf32, #tpu.memory_space<hbm>>
    tpu.wait_indirect_dma semaphore(%arg13 : memref<!tpu.dma_semaphore, #tpu.memory_space<semaphore_mem>>) src(%dma_wait3A_31 : memref<10000x128xf32, #tpu.memory_space<hbm>>) dst(%arg10 : memref<80x128xf32, #tpu.memory_space<vmem>>)
    "tpu.region"() ({
      %run_scoped3A = tpu.sem_alloc : memref<!tpu.dma_semaphore, #tpu.memory_space<semaphore_mem>>
      %dma_start3A_43 = arith.constant 0 : i32
      %dma_start3A_44 = arith.constant 0 : i32
      %dma_start3A_45 = tpu.memref_slice %arg12[%dma_start3A_43, %dma_start3A_44] : memref<10240x128xf32, #tpu.memory_space<vmem_shared>> -> memref<10240x128xf32, #tpu.memory_space<vmem_shared>>
      tpu.enqueue_indirect_dma source(%arg10 : memref<80x128xf32, #tpu.memory_space<vmem>>) target(%dma_start3A_45 : memref<10240x128xf32, #tpu.memory_space<vmem_shared>>) offsets(%arg8 : memref<80xi32, #tpu.memory_space<vmem>>) semaphore(%run_scoped3A : memref<!tpu.dma_semaphore, #tpu.memory_space<semaphore_mem>>) {add = true}
      %dma_wait3A_46 = arith.constant 0 : i32
      %dma_wait3A_47 = arith.constant 0 : i32
      %dma_wait3A_48 = tpu.memref_slice %arg12[%dma_wait3A_46, %dma_wait3A_47] : memref<10240x128xf32, #tpu.memory_space<vmem_shared>> -> memref<10240x128xf32, #tpu.memory_space<vmem_shared>>
      tpu.wait_indirect_dma semaphore(%run_scoped3A : memref<!tpu.dma_semaphore, #tpu.memory_space<semaphore_mem>>) src(%arg10 : memref<80x128xf32, #tpu.memory_space<vmem>>) dst(%dma_wait3A_48 : memref<10240x128xf32, #tpu.memory_space<vmem_shared>>)
      tpu.yield
    }) : () -> ()
    %barrier3A_32 = arith.constant 0 : index
    tpu.barrier barrier_id(%barrier3A_32)
    %add3A_33 = arith.constant 0 : i32
    %add3A_34 = arith.addi %mul3A_7, %add3A_33 : i32
    "tpu.region"() ({
      %run_scoped3A = tpu.sem_alloc : memref<!tpu.dma_semaphore, #tpu.memory_space<semaphore_mem>>
      %dma_start3A_43 = arith.constant 0 : i32
      %dma_start3A_44 = tpu.memref_slice %arg12[%add3A_34, %dma_start3A_43] : memref<10240x128xf32, #tpu.memory_space<vmem_shared>> -> memref<128x128xf32, #tpu.memory_space<vmem_shared>>
      %dma_start3A_45 = arith.constant 0 : i32
      %dma_start3A_46 = tpu.memref_slice %arg12[%add3A_34, %dma_start3A_45] : memref<10240x128xf32, #tpu.memory_space<vmem_shared>> -> memref<128x128xf32, #tpu.memory_space<vmem_shared>>
      tpu.enqueue_dma source(%dma_start3A_46 : memref<128x128xf32, #tpu.memory_space<vmem_shared>>) target(%arg11 : memref<128x128xf32, #tpu.memory_space<vmem>>) target_semaphore(%run_scoped3A : memref<!tpu.dma_semaphore, #tpu.memory_space<semaphore_mem>>)
      %dma_wait3A_47 = arith.constant 0 : i32
      %dma_wait3A_48 = tpu.memref_slice %arg12[%add3A_34, %dma_wait3A_47] : memref<10240x128xf32, #tpu.memory_space<vmem_shared>> -> memref<128x128xf32, #tpu.memory_space<vmem_shared>>
      %dma_wait3A_49 = arith.constant 0 : i32
      %dma_wait3A_50 = tpu.memref_slice %arg12[%add3A_34, %dma_wait3A_49] : memref<10240x128xf32, #tpu.memory_space<vmem_shared>> -> memref<128x128xf32, #tpu.memory_space<vmem_shared>>
      tpu.wait_dma2 semaphore(%run_scoped3A : memref<!tpu.dma_semaphore, #tpu.memory_space<semaphore_mem>>) src(%dma_wait3A_50 : memref<128x128xf32, #tpu.memory_space<vmem_shared>>) dst(%arg11 : memref<128x128xf32, #tpu.memory_space<vmem>>)
      tpu.yield
    }) : () -> ()
    "tpu.region"() ({
      %run_scoped3A = tpu.sem_alloc : memref<!tpu.dma_semaphore, #tpu.memory_space<semaphore_mem>>
      %dma_start3A_43 = arith.constant 0 : i32
      %dma_start3A_44 = tpu.memref_slice %arg5[%arg0, %add3A_34, %dma_start3A_43] : memref<2x10240x128xf32, #tpu.memory_space<hbm>> -> memref<1x128x128xf32, #tpu.memory_space<hbm>>
      %dma_start3A_45 = tpu.memref_squeeze %dma_start3A_44 : memref<1x128x128xf32, #tpu.memory_space<hbm>> -> memref<128x128xf32, #tpu.memory_space<hbm>>
      %dma_start3A_46 = arith.constant 0 : i32
      %dma_start3A_47 = tpu.memref_slice %arg5[%arg0, %add3A_34, %dma_start3A_46] : memref<2x10240x128xf32, #tpu.memory_space<hbm>> -> memref<1x128x128xf32, #tpu.memory_space<hbm>>
      %dma_start3A_48 = tpu.memref_squeeze %dma_start3A_47 : memref<1x128x128xf32, #tpu.memory_space<hbm>> -> memref<128x128xf32, #tpu.memory_space<hbm>>
      tpu.enqueue_dma source(%arg11 : memref<128x128xf32, #tpu.memory_space<vmem>>) target(%dma_start3A_48 : memref<128x128xf32, #tpu.memory_space<hbm>>) target_semaphore(%run_scoped3A : memref<!tpu.dma_semaphore, #tpu.memory_space<semaphore_mem>>)
      %dma_wait3A_49 = arith.constant 0 : i32
      %dma_wait3A_50 = tpu.memref_slice %arg5[%arg0, %add3A_34, %dma_wait3A_49] : memref<2x10240x128xf32, #tpu.memory_space<hbm>> -> memref<1x128x128xf32, #tpu.memory_space<hbm>>
      %dma_wait3A_51 = tpu.memref_squeeze %dma_wait3A_50 : memref<1x128x128xf32, #tpu.memory_space<hbm>> -> memref<128x128xf32, #tpu.memory_space<hbm>>
      %dma_wait3A_52 = arith.constant 0 : i32
      %dma_wait3A_53 = tpu.memref_slice %arg5[%arg0, %add3A_34, %dma_wait3A_52] : memref<2x10240x128xf32, #tpu.memory_space<hbm>> -> memref<1x128x128xf32, #tpu.memory_space<hbm>>
      %dma_wait3A_54 = tpu.memref_squeeze %dma_wait3A_53 : memref<1x128x128xf32, #tpu.memory_space<hbm>> -> memref<128x128xf32, #tpu.memory_space<hbm>>
      tpu.wait_dma2 semaphore(%run_scoped3A : memref<!tpu.dma_semaphore, #tpu.memory_space<semaphore_mem>>) src(%arg11 : memref<128x128xf32, #tpu.memory_space<vmem>>) dst(%dma_wait3A_54 : memref<128x128xf32, #tpu.memory_space<hbm>>)
      tpu.yield
    }) : () -> ()
    %add3A_35 = arith.constant 128 : i32
    %add3A_36 = arith.addi %mul3A_7, %add3A_35 : i32
    "tpu.region"() ({
      %run_scoped3A = tpu.sem_alloc : memref<!tpu.dma_semaphore, #tpu.memory_space<semaphore_mem>>
      %dma_start3A_43 = arith.constant 0 : i32
      %dma_start3A_44 = tpu.memref_slice %arg12[%add3A_36, %dma_start3A_43] : memref<10240x128xf32, #tpu.memory_space<vmem_shared>> -> memref<128x128xf32, #tpu.memory_space<vmem_shared>>
      %dma_start3A_45 = arith.constant 0 : i32
      %dma_start3A_46 = tpu.memref_slice %arg12[%add3A_36, %dma_start3A_45] : memref<10240x128xf32, #tpu.memory_space<vmem_shared>> -> memref<128x128xf32, #tpu.memory_space<vmem_shared>>
      tpu.enqueue_dma source(%dma_start3A_46 : memref<128x128xf32, #tpu.memory_space<vmem_shared>>) target(%arg11 : memref<128x128xf32, #tpu.memory_space<vmem>>) target_semaphore(%run_scoped3A : memref<!tpu.dma_semaphore, #tpu.memory_space<semaphore_mem>>)
      %dma_wait3A_47 = arith.constant 0 : i32
      %dma_wait3A_48 = tpu.memref_slice %arg12[%add3A_36, %dma_wait3A_47] : memref<10240x128xf32, #tpu.memory_space<vmem_shared>> -> memref<128x128xf32, #tpu.memory_space<vmem_shared>>
      %dma_wait3A_49 = arith.constant 0 : i32
      %dma_wait3A_50 = tpu.memref_slice %arg12[%add3A_36, %dma_wait3A_49] : memref<10240x128xf32, #tpu.memory_space<vmem_shared>> -> memref<128x128xf32, #tpu.memory_space<vmem_shared>>
      tpu.wait_dma2 semaphore(%run_scoped3A : memref<!tpu.dma_semaphore, #tpu.memory_space<semaphore_mem>>) src(%dma_wait3A_50 : memref<128x128xf32, #tpu.memory_space<vmem_shared>>) dst(%arg11 : memref<128x128xf32, #tpu.memory_space<vmem>>)
      tpu.yield
    }) : () -> ()
    "tpu.region"() ({
      %run_scoped3A = tpu.sem_alloc : memref<!tpu.dma_semaphore, #tpu.memory_space<semaphore_mem>>
      %dma_start3A_43 = arith.constant 0 : i32
      %dma_start3A_44 = tpu.memref_slice %arg5[%arg0, %add3A_36, %dma_start3A_43] : memref<2x10240x128xf32, #tpu.memory_space<hbm>> -> memref<1x128x128xf32, #tpu.memory_space<hbm>>
      %dma_start3A_45 = tpu.memref_squeeze %dma_start3A_44 : memref<1x128x128xf32, #tpu.memory_space<hbm>> -> memref<128x128xf32, #tpu.memory_space<hbm>>
      %dma_start3A_46 = arith.constant 0 : i32
      %dma_start3A_47 = tpu.memref_slice %arg5[%arg0, %add3A_36, %dma_start3A_46] : memref<2x10240x128xf32, #tpu.memory_space<hbm>> -> memref<1x128x128xf32, #tpu.memory_space<hbm>>
      %dma_start3A_48 = tpu.memref_squeeze %dma_start3A_47 : memref<1x128x128xf32, #tpu.memory_space<hbm>> -> memref<128x128xf32, #tpu.memory_space<hbm>>
      tpu.enqueue_dma source(%arg11 : memref<128x128xf32, #tpu.memory_space<vmem>>) target(%dma_start3A_48 : memref<128x128xf32, #tpu.memory_space<hbm>>) target_semaphore(%run_scoped3A : memref<!tpu.dma_semaphore, #tpu.memory_space<semaphore_mem>>)
      %dma_wait3A_49 = arith.constant 0 : i32
      %dma_wait3A_50 = tpu.memref_slice %arg5[%arg0, %add3A_36, %dma_wait3A_49] : memref<2x10240x128xf32, #tpu.memory_space<hbm>> -> memref<1x128x128xf32, #tpu.memory_space<hbm>>
      %dma_wait3A_51 = tpu.memref_squeeze %dma_wait3A_50 : memref<1x128x128xf32, #tpu.memory_space<hbm>> -> memref<128x128xf32, #tpu.memory_space<hbm>>
      %dma_wait3A_52 = arith.constant 0 : i32
      %dma_wait3A_53 = tpu.memref_slice %arg5[%arg0, %add3A_36, %dma_wait3A_52] : memref<2x10240x128xf32, #tpu.memory_space<hbm>> -> memref<1x128x128xf32, #tpu.memory_space<hbm>>
      %dma_wait3A_54 = tpu.memref_squeeze %dma_wait3A_53 : memref<1x128x128xf32, #tpu.memory_space<hbm>> -> memref<128x128xf32, #tpu.memory_space<hbm>>
      tpu.wait_dma2 semaphore(%run_scoped3A : memref<!tpu.dma_semaphore, #tpu.memory_space<semaphore_mem>>) src(%arg11 : memref<128x128xf32, #tpu.memory_space<vmem>>) dst(%dma_wait3A_54 : memref<128x128xf32, #tpu.memory_space<hbm>>)
      tpu.yield
    }) : () -> ()
    %add3A_37 = arith.constant 256 : i32
    %add3A_38 = arith.addi %mul3A_7, %add3A_37 : i32
    "tpu.region"() ({
      %run_scoped3A = tpu.sem_alloc : memref<!tpu.dma_semaphore, #tpu.memory_space<semaphore_mem>>
      %dma_start3A_43 = arith.constant 0 : i32
      %dma_start3A_44 = tpu.memref_slice %arg12[%add3A_38, %dma_start3A_43] : memref<10240x128xf32, #tpu.memory_space<vmem_shared>> -> memref<128x128xf32, #tpu.memory_space<vmem_shared>>
      %dma_start3A_45 = arith.constant 0 : i32
      %dma_start3A_46 = tpu.memref_slice %arg12[%add3A_38, %dma_start3A_45] : memref<10240x128xf32, #tpu.memory_space<vmem_shared>> -> memref<128x128xf32, #tpu.memory_space<vmem_shared>>
      tpu.enqueue_dma source(%dma_start3A_46 : memref<128x128xf32, #tpu.memory_space<vmem_shared>>) target(%arg11 : memref<128x128xf32, #tpu.memory_space<vmem>>) target_semaphore(%run_scoped3A : memref<!tpu.dma_semaphore, #tpu.memory_space<semaphore_mem>>)
      %dma_wait3A_47 = arith.constant 0 : i32
      %dma_wait3A_48 = tpu.memref_slice %arg12[%add3A_38, %dma_wait3A_47] : memref<10240x128xf32, #tpu.memory_space<vmem_shared>> -> memref<128x128xf32, #tpu.memory_space<vmem_shared>>
      %dma_wait3A_49 = arith.constant 0 : i32
      %dma_wait3A_50 = tpu.memref_slice %arg12[%add3A_38, %dma_wait3A_49] : memref<10240x128xf32, #tpu.memory_space<vmem_shared>> -> memref<128x128xf32, #tpu.memory_space<vmem_shared>>
      tpu.wait_dma2 semaphore(%run_scoped3A : memref<!tpu.dma_semaphore, #tpu.memory_space<semaphore_mem>>) src(%dma_wait3A_50 : memref<128x128xf32, #tpu.memory_space<vmem_shared>>) dst(%arg11 : memref<128x128xf32, #tpu.memory_space<vmem>>)
      tpu.yield
    }) : () -> ()
    "tpu.region"() ({
      %run_scoped3A = tpu.sem_alloc : memref<!tpu.dma_semaphore, #tpu.memory_space<semaphore_mem>>
      %dma_start3A_43 = arith.constant 0 : i32
      %dma_start3A_44 = tpu.memref_slice %arg5[%arg0, %add3A_38, %dma_start3A_43] : memref<2x10240x128xf32, #tpu.memory_space<hbm>> -> memref<1x128x128xf32, #tpu.memory_space<hbm>>
      %dma_start3A_45 = tpu.memref_squeeze %dma_start3A_44 : memref<1x128x128xf32, #tpu.memory_space<hbm>> -> memref<128x128xf32, #tpu.memory_space<hbm>>
      %dma_start3A_46 = arith.constant 0 : i32
      %dma_start3A_47 = tpu.memref_slice %arg5[%arg0, %add3A_38, %dma_start3A_46] : memref<2x10240x128xf32, #tpu.memory_space<hbm>> -> memref<1x128x128xf32, #tpu.memory_space<hbm>>
      %dma_start3A_48 = tpu.memref_squeeze %dma_start3A_47 : memref<1x128x128xf32, #tpu.memory_space<hbm>> -> memref<128x128xf32, #tpu.memory_space<hbm>>
      tpu.enqueue_dma source(%arg11 : memref<128x128xf32, #tpu.memory_space<vmem>>) target(%dma_start3A_48 : memref<128x128xf32, #tpu.memory_space<hbm>>) target_semaphore(%run_scoped3A : memref<!tpu.dma_semaphore, #tpu.memory_space<semaphore_mem>>)
      %dma_wait3A_49 = arith.constant 0 : i32
      %dma_wait3A_50 = tpu.memref_slice %arg5[%arg0, %add3A_38, %dma_wait3A_49] : memref<2x10240x128xf32, #tpu.memory_space<hbm>> -> memref<1x128x128xf32, #tpu.memory_space<hbm>>
      %dma_wait3A_51 = tpu.memref_squeeze %dma_wait3A_50 : memref<1x128x128xf32, #tpu.memory_space<hbm>> -> memref<128x128xf32, #tpu.memory_space<hbm>>
      %dma_wait3A_52 = arith.constant 0 : i32
      %dma_wait3A_53 = tpu.memref_slice %arg5[%arg0, %add3A_38, %dma_wait3A_52] : memref<2x10240x128xf32, #tpu.memory_space<hbm>> -> memref<1x128x128xf32, #tpu.memory_space<hbm>>
      %dma_wait3A_54 = tpu.memref_squeeze %dma_wait3A_53 : memref<1x128x128xf32, #tpu.memory_space<hbm>> -> memref<128x128xf32, #tpu.memory_space<hbm>>
      tpu.wait_dma2 semaphore(%run_scoped3A : memref<!tpu.dma_semaphore, #tpu.memory_space<semaphore_mem>>) src(%arg11 : memref<128x128xf32, #tpu.memory_space<vmem>>) dst(%dma_wait3A_54 : memref<128x128xf32, #tpu.memory_space<hbm>>)
      tpu.yield
    }) : () -> ()
    %add3A_39 = arith.constant 384 : i32
    %add3A_40 = arith.addi %mul3A_7, %add3A_39 : i32
    "tpu.region"() ({
      %run_scoped3A = tpu.sem_alloc : memref<!tpu.dma_semaphore, #tpu.memory_space<semaphore_mem>>
      %dma_start3A_43 = arith.constant 0 : i32
      %dma_start3A_44 = tpu.memref_slice %arg12[%add3A_40, %dma_start3A_43] : memref<10240x128xf32, #tpu.memory_space<vmem_shared>> -> memref<128x128xf32, #tpu.memory_space<vmem_shared>>
      %dma_start3A_45 = arith.constant 0 : i32
      %dma_start3A_46 = tpu.memref_slice %arg12[%add3A_40, %dma_start3A_45] : memref<10240x128xf32, #tpu.memory_space<vmem_shared>> -> memref<128x128xf32, #tpu.memory_space<vmem_shared>>
      tpu.enqueue_dma source(%dma_start3A_46 : memref<128x128xf32, #tpu.memory_space<vmem_shared>>) target(%arg11 : memref<128x128xf32, #tpu.memory_space<vmem>>) target_semaphore(%run_scoped3A : memref<!tpu.dma_semaphore, #tpu.memory_space<semaphore_mem>>)
      %dma_wait3A_47 = arith.constant 0 : i32
      %dma_wait3A_48 = tpu.memref_slice %arg12[%add3A_40, %dma_wait3A_47] : memref<10240x128xf32, #tpu.memory_space<vmem_shared>> -> memref<128x128xf32, #tpu.memory_space<vmem_shared>>
      %dma_wait3A_49 = arith.constant 0 : i32
      %dma_wait3A_50 = tpu.memref_slice %arg12[%add3A_40, %dma_wait3A_49] : memref<10240x128xf32, #tpu.memory_space<vmem_shared>> -> memref<128x128xf32, #tpu.memory_space<vmem_shared>>
      tpu.wait_dma2 semaphore(%run_scoped3A : memref<!tpu.dma_semaphore, #tpu.memory_space<semaphore_mem>>) src(%dma_wait3A_50 : memref<128x128xf32, #tpu.memory_space<vmem_shared>>) dst(%arg11 : memref<128x128xf32, #tpu.memory_space<vmem>>)
      tpu.yield
    }) : () -> ()
    "tpu.region"() ({
      %run_scoped3A = tpu.sem_alloc : memref<!tpu.dma_semaphore, #tpu.memory_space<semaphore_mem>>
      %dma_start3A_43 = arith.constant 0 : i32
      %dma_start3A_44 = tpu.memref_slice %arg5[%arg0, %add3A_40, %dma_start3A_43] : memref<2x10240x128xf32, #tpu.memory_space<hbm>> -> memref<1x128x128xf32, #tpu.memory_space<hbm>>
      %dma_start3A_45 = tpu.memref_squeeze %dma_start3A_44 : memref<1x128x128xf32, #tpu.memory_space<hbm>> -> memref<128x128xf32, #tpu.memory_space<hbm>>
      %dma_start3A_46 = arith.constant 0 : i32
      %dma_start3A_47 = tpu.memref_slice %arg5[%arg0, %add3A_40, %dma_start3A_46] : memref<2x10240x128xf32, #tpu.memory_space<hbm>> -> memref<1x128x128xf32, #tpu.memory_space<hbm>>
      %dma_start3A_48 = tpu.memref_squeeze %dma_start3A_47 : memref<1x128x128xf32, #tpu.memory_space<hbm>> -> memref<128x128xf32, #tpu.memory_space<hbm>>
      tpu.enqueue_dma source(%arg11 : memref<128x128xf32, #tpu.memory_space<vmem>>) target(%dma_start3A_48 : memref<128x128xf32, #tpu.memory_space<hbm>>) target_semaphore(%run_scoped3A : memref<!tpu.dma_semaphore, #tpu.memory_space<semaphore_mem>>)
      %dma_wait3A_49 = arith.constant 0 : i32
      %dma_wait3A_50 = tpu.memref_slice %arg5[%arg0, %add3A_40, %dma_wait3A_49] : memref<2x10240x128xf32, #tpu.memory_space<hbm>> -> memref<1x128x128xf32, #tpu.memory_space<hbm>>
      %dma_wait3A_51 = tpu.memref_squeeze %dma_wait3A_50 : memref<1x128x128xf32, #tpu.memory_space<hbm>> -> memref<128x128xf32, #tpu.memory_space<hbm>>
      %dma_wait3A_52 = arith.constant 0 : i32
      %dma_wait3A_53 = tpu.memref_slice %arg5[%arg0, %add3A_40, %dma_wait3A_52] : memref<2x10240x128xf32, #tpu.memory_space<hbm>> -> memref<1x128x128xf32, #tpu.memory_space<hbm>>
      %dma_wait3A_54 = tpu.memref_squeeze %dma_wait3A_53 : memref<1x128x128xf32, #tpu.memory_space<hbm>> -> memref<128x128xf32, #tpu.memory_space<hbm>>
      tpu.wait_dma2 semaphore(%run_scoped3A : memref<!tpu.dma_semaphore, #tpu.memory_space<semaphore_mem>>) src(%arg11 : memref<128x128xf32, #tpu.memory_space<vmem>>) dst(%dma_wait3A_54 : memref<128x128xf32, #tpu.memory_space<hbm>>)
      tpu.yield
    }) : () -> ()
    %add3A_41 = arith.constant 512 : i32
    %add3A_42 = arith.addi %mul3A_7, %add3A_41 : i32
    "tpu.region"() ({
      %run_scoped3A = tpu.sem_alloc : memref<!tpu.dma_semaphore, #tpu.memory_space<semaphore_mem>>
      %dma_start3A_43 = arith.constant 0 : i32
      %dma_start3A_44 = tpu.memref_slice %arg12[%add3A_42, %dma_start3A_43] : memref<10240x128xf32, #tpu.memory_space<vmem_shared>> -> memref<128x128xf32, #tpu.memory_space<vmem_shared>>
      %dma_start3A_45 = arith.constant 0 : i32
      %dma_start3A_46 = tpu.memref_slice %arg12[%add3A_42, %dma_start3A_45] : memref<10240x128xf32, #tpu.memory_space<vmem_shared>> -> memref<128x128xf32, #tpu.memory_space<vmem_shared>>
      tpu.enqueue_dma source(%dma_start3A_46 : memref<128x128xf32, #tpu.memory_space<vmem_shared>>) target(%arg11 : memref<128x128xf32, #tpu.memory_space<vmem>>) target_semaphore(%run_scoped3A : memref<!tpu.dma_semaphore, #tpu.memory_space<semaphore_mem>>)
      %dma_wait3A_47 = arith.constant 0 : i32
      %dma_wait3A_48 = tpu.memref_slice %arg12[%add3A_42, %dma_wait3A_47] : memref<10240x128xf32, #tpu.memory_space<vmem_shared>> -> memref<128x128xf32, #tpu.memory_space<vmem_shared>>
      %dma_wait3A_49 = arith.constant 0 : i32
      %dma_wait3A_50 = tpu.memref_slice %arg12[%add3A_42, %dma_wait3A_49] : memref<10240x128xf32, #tpu.memory_space<vmem_shared>> -> memref<128x128xf32, #tpu.memory_space<vmem_shared>>
      tpu.wait_dma2 semaphore(%run_scoped3A : memref<!tpu.dma_semaphore, #tpu.memory_space<semaphore_mem>>) src(%dma_wait3A_50 : memref<128x128xf32, #tpu.memory_space<vmem_shared>>) dst(%arg11 : memref<128x128xf32, #tpu.memory_space<vmem>>)
      tpu.yield
    }) : () -> ()
    "tpu.region"() ({
      %run_scoped3A = tpu.sem_alloc : memref<!tpu.dma_semaphore, #tpu.memory_space<semaphore_mem>>
      %dma_start3A_43 = arith.constant 0 : i32
      %dma_start3A_44 = tpu.memref_slice %arg5[%arg0, %add3A_42, %dma_start3A_43] : memref<2x10240x128xf32, #tpu.memory_space<hbm>> -> memref<1x128x128xf32, #tpu.memory_space<hbm>>
      %dma_start3A_45 = tpu.memref_squeeze %dma_start3A_44 : memref<1x128x128xf32, #tpu.memory_space<hbm>> -> memref<128x128xf32, #tpu.memory_space<hbm>>
      %dma_start3A_46 = arith.constant 0 : i32
      %dma_start3A_47 = tpu.memref_slice %arg5[%arg0, %add3A_42, %dma_start3A_46] : memref<2x10240x128xf32, #tpu.memory_space<hbm>> -> memref<1x128x128xf32, #tpu.memory_space<hbm>>
      %dma_start3A_48 = tpu.memref_squeeze %dma_start3A_47 : memref<1x128x128xf32, #tpu.memory_space<hbm>> -> memref<128x128xf32, #tpu.memory_space<hbm>>
      tpu.enqueue_dma source(%arg11 : memref<128x128xf32, #tpu.memory_space<vmem>>) target(%dma_start3A_48 : memref<128x128xf32, #tpu.memory_space<hbm>>) target_semaphore(%run_scoped3A : memref<!tpu.dma_semaphore, #tpu.memory_space<semaphore_mem>>)
      %dma_wait3A_49 = arith.constant 0 : i32
      %dma_wait3A_50 = tpu.memref_slice %arg5[%arg0, %add3A_42, %dma_wait3A_49] : memref<2x10240x128xf32, #tpu.memory_space<hbm>> -> memref<1x128x128xf32, #tpu.memory_space<hbm>>
      %dma_wait3A_51 = tpu.memref_squeeze %dma_wait3A_50 : memref<1x128x128xf32, #tpu.memory_space<hbm>> -> memref<128x128xf32, #tpu.memory_space<hbm>>
      %dma_wait3A_52 = arith.constant 0 : i32
      %dma_wait3A_53 = tpu.memref_slice %arg5[%arg0, %add3A_42, %dma_wait3A_52] : memref<2x10240x128xf32, #tpu.memory_space<hbm>> -> memref<1x128x128xf32, #tpu.memory_space<hbm>>
      %dma_wait3A_54 = tpu.memref_squeeze %dma_wait3A_53 : memref<1x128x128xf32, #tpu.memory_space<hbm>> -> memref<128x128xf32, #tpu.memory_space<hbm>>
      tpu.wait_dma2 semaphore(%run_scoped3A : memref<!tpu.dma_semaphore, #tpu.memory_space<semaphore_mem>>) src(%arg11 : memref<128x128xf32, #tpu.memory_space<vmem>>) dst(%dma_wait3A_54 : memref<128x128xf32, #tpu.memory_space<hbm>>)
      tpu.yield
    }) : () -> ()
    return
  }
}

module attributes {stable_mosaic.version = 14 : i64} {
  func.func @_rsqrt_body(%arg0: memref<80x128xf32, #tpu.memory_space<vmem>>, %arg1: memref<80x128xf32, #tpu.memory_space<vmem>>, %arg2: memref<80x128xf32, #tpu.memory_space<vmem>>) attributes {dimension_semantics = [], scalar_prefetch = 0 : i64, scratch_operands = 0 : i64, tpu.core_type = #tpu.core_type<tc>} {
    %get3A = arith.constant 0 : index
    %get3A_0 = arith.constant 0 : index
    %get3A_1 = vector.load %arg0[%get3A, %get3A_0] : memref<80x128xf32, #tpu.memory_space<vmem>>, vector<80x128xf32>
    %get3A_2 = arith.constant 0 : index
    %get3A_3 = arith.constant 0 : index
    %get3A_4 = vector.load %arg1[%get3A_2, %get3A_3] : memref<80x128xf32, #tpu.memory_space<vmem>>, vector<80x128xf32>
    %add3A = arith.addf %get3A_1, %get3A_4 : vector<80x128xf32>
    %add3A_5 = arith.constant 1.000000e+00 : f32
    %add3A_6 = vector.broadcast %add3A_5 : f32 to vector<80x128xf32>
    %add3A_7 = arith.addf %add3A, %add3A_6 : vector<80x128xf32>
    %sqrt3A = math.sqrt %add3A_7 : vector<80x128xf32>
    %div3A = arith.constant 1.000000e+00 : f32
    %div3A_8 = vector.broadcast %div3A : f32 to vector<80x128xf32>
    %div3A_9 = arith.divf %div3A_8, %sqrt3A : vector<80x128xf32>
    %swap3A = arith.constant 0 : index
    %swap3A_10 = arith.constant 0 : index
    %swap3A_11 = vector.load %arg2[%swap3A, %swap3A_10] : memref<80x128xf32, #tpu.memory_space<vmem>>, vector<80x128xf32>
    tpu.vector_store %arg2[%swap3A, %swap3A_10], %div3A_9 {strides = array<i32>} : memref<80x128xf32, #tpu.memory_space<vmem>>, vector<80x128xf32>,
    return
  }
}

module attributes {stable_mosaic.version = 14 : i64} {
  func.func @_mm1_body(%arg0: i32, %arg1: memref<1000x128xf32, #tpu.memory_space<vmem>>, %arg2: memref<1000x128xf32, #tpu.memory_space<vmem>>, %arg3: memref<128x128xf32, #tpu.memory_space<vmem>>, %arg4: memref<128x128xf32, #tpu.memory_space<vmem>>, %arg5: memref<1x128xf32, #tpu.memory_space<vmem>>, %arg6: memref<1000x128xf32, #tpu.memory_space<vmem>>, %arg7: memref<1000x128xf32, #tpu.memory_space<vmem>>) attributes {dimension_semantics = [#tpu.dimension_semantics<arbitrary>], iteration_bounds = array<i64: 10>, scalar_prefetch = 0 : i64, scratch_operands = 0 : i64, tpu.core_type = #tpu.core_type<tc>, window_params = [{transform_indices = @transform_0, window_bounds = array<i64: 1000, 128>}, {transform_indices = @transform_1, window_bounds = array<i64: 1000, 128>}, {pipeline_mode = #tpu.pipeline_mode<synchronous>, transform_indices = @transform_2, window_bounds = array<i64: 128, 128>}, {pipeline_mode = #tpu.pipeline_mode<synchronous>, transform_indices = @transform_3, window_bounds = array<i64: 128, 128>}, {pipeline_mode = #tpu.pipeline_mode<synchronous>, transform_indices = @transform_4, window_bounds = array<i64: 1, 128>}, {transform_indices = @transform_5, window_bounds = array<i64: 1000, 128>}, {transform_indices = @transform_6, window_bounds = array<i64: 1000, 128>}]} {
    %get3A = arith.constant 0 : index
    %get3A_0 = arith.constant 0 : index
    %get3A_1 = vector.load %arg1[%get3A, %get3A_0] : memref<1000x128xf32, #tpu.memory_space<vmem>>, vector<1000x128xf32>
    %get3A_2 = arith.constant 0 : index
    %get3A_3 = arith.constant 0 : index
    %get3A_4 = vector.load %arg3[%get3A_2, %get3A_3] : memref<128x128xf32, #tpu.memory_space<vmem>>, vector<128x128xf32>
    %dot_general3A = arith.constant dense<0.000000e+00> : vector<1000x128xf32>
    %dot_general3A_5 = tpu.matmul %get3A_1, %get3A_4, %dot_general3A {dimension_numbers = #tpu.dot_dimension_numbers<[1], [0], [0], [1], [0, 0, 1, 1], [], []>, transpose_lhs_hint = false} : vector<1000x128xf32>, vector<128x128xf32>, vector<1000x128xf32> -> vector<1000x128xf32>
    %get3A_6 = arith.constant 0 : index
    %get3A_7 = arith.constant 0 : index
    %get3A_8 = vector.load %arg2[%get3A_6, %get3A_7] : memref<1000x128xf32, #tpu.memory_space<vmem>>, vector<1000x128xf32>
    %mul3A = arith.mulf %dot_general3A_5, %get3A_8 : vector<1000x128xf32>
    %swap3A = arith.constant 0 : index
    %swap3A_9 = arith.constant 0 : index
    %swap3A_10 = vector.load %arg6[%swap3A, %swap3A_9] : memref<1000x128xf32, #tpu.memory_space<vmem>>, vector<1000x128xf32>
    tpu.vector_store %arg6[%swap3A, %swap3A_9], %mul3A {strides = array<i32>} : memref<1000x128xf32, #tpu.memory_space<vmem>>, vector<1000x128xf32>,
    %get3A_11 = arith.constant 0 : index
    %get3A_12 = arith.constant 0 : index
    %get3A_13 = vector.load %arg4[%get3A_11, %get3A_12] : memref<128x128xf32, #tpu.memory_space<vmem>>, vector<128x128xf32>
    %dot_general3A_14 = arith.constant dense<0.000000e+00> : vector<1000x128xf32>
    %dot_general3A_15 = tpu.matmul %get3A_1, %get3A_13, %dot_general3A_14 {dimension_numbers = #tpu.dot_dimension_numbers<[1], [0], [0], [1], [0, 0, 1, 1], [], []>, transpose_lhs_hint = false} : vector<1000x128xf32>, vector<128x128xf32>, vector<1000x128xf32> -> vector<1000x128xf32>
    %get3A_16 = arith.constant 0 : index
    %get3A_17 = arith.constant 0 : index
    %get3A_18 = vector.load %arg5[%get3A_16, %get3A_17] : memref<1x128xf32, #tpu.memory_space<vmem>>, vector<1x128xf32>
    %add3A = vector.broadcast %get3A_18 : vector<1x128xf32> to vector<1000x128xf32>
    %add3A_19 = arith.addf %dot_general3A_15, %add3A : vector<1000x128xf32>
    %max3A = arith.constant 0.000000e+00 : f32
    %max3A_20 = vector.broadcast %max3A : f32 to vector<1000x128xf32>
    %max3A_21 = arith.maximumf %add3A_19, %max3A_20 : vector<1000x128xf32>
    %swap3A_22 = arith.constant 0 : index
    %swap3A_23 = arith.constant 0 : index
    %swap3A_24 = vector.load %arg7[%swap3A_22, %swap3A_23] : memref<1000x128xf32, #tpu.memory_space<vmem>>, vector<1000x128xf32>
    tpu.vector_store %arg7[%swap3A_22, %swap3A_23], %max3A_21 {strides = array<i32>} : memref<1000x128xf32, #tpu.memory_space<vmem>>, vector<1000x128xf32>,
    return
  }
  func.func @transform_0(%arg0: i32) -> (i32, i32) {
    %c0_i32 = arith.constant 0 : i32
    %c0_i32_0 = arith.constant 0 : i32
    return %arg0, %c0_i32 : i32, i32
  }
  func.func @transform_1(%arg0: i32) -> (i32, i32) {
    %c0_i32 = arith.constant 0 : i32
    %c0_i32_0 = arith.constant 0 : i32
    return %arg0, %c0_i32 : i32, i32
  }
  func.func @transform_2(%arg0: i32) -> (i32, i32) {
    %c0_i32 = arith.constant 0 : i32
    %c0_i32_0 = arith.constant 0 : i32
    %c0_i32_1 = arith.constant 0 : i32
    return %c0_i32, %c0_i32_0 : i32, i32
  }
  func.func @transform_3(%arg0: i32) -> (i32, i32) {
    %c0_i32 = arith.constant 0 : i32
    %c0_i32_0 = arith.constant 0 : i32
    %c0_i32_1 = arith.constant 0 : i32
    return %c0_i32, %c0_i32_0 : i32, i32
  }
  func.func @transform_4(%arg0: i32) -> (i32, i32) {
    %c0_i32 = arith.constant 0 : i32
    %c0_i32_0 = arith.constant 0 : i32
    %c0_i32_1 = arith.constant 0 : i32
    return %c0_i32, %c0_i32_0 : i32, i32
  }
  func.func @transform_5(%arg0: i32) -> (i32, i32) {
    %c0_i32 = arith.constant 0 : i32
    %c0_i32_0 = arith.constant 0 : i32
    return %arg0, %c0_i32 : i32, i32
  }
  func.func @transform_6(%arg0: i32) -> (i32, i32) {
    %c0_i32 = arith.constant 0 : i32
    %c0_i32_0 = arith.constant 0 : i32
    return %arg0, %c0_i32 : i32, i32
  }
}

module attributes {stable_mosaic.version = 14 : i64} {
  func.func @_comb_body(%arg0: i32, %arg1: memref<1x1000x128xf32, #tpu.memory_space<vmem>>, %arg2: memref<1x1000x128xf32, #tpu.memory_space<vmem>>, %arg3: memref<1000x128xf32, #tpu.memory_space<vmem>>, %arg4: memref<1000x128xf32, #tpu.memory_space<vmem>>, %arg5: memref<1000x128xf32, #tpu.memory_space<vmem>>, %arg6: memref<1x128xf32, #tpu.memory_space<vmem>>, %arg7: memref<128x128xf32, #tpu.memory_space<vmem>>, %arg8: memref<1000x128xf32, #tpu.memory_space<vmem>>, %arg9: memref<1000x128xf32, #tpu.memory_space<vmem>>) attributes {dimension_semantics = [#tpu.dimension_semantics<arbitrary>], iteration_bounds = array<i64: 10>, scalar_prefetch = 0 : i64, scratch_operands = 0 : i64, tpu.core_type = #tpu.core_type<tc>, window_params = [{transform_indices = @transform_0, window_bounds = array<i64: 1, 1000, 128>}, {transform_indices = @transform_1, window_bounds = array<i64: 1, 1000, 128>}, {transform_indices = @transform_2, window_bounds = array<i64: 1000, 128>}, {transform_indices = @transform_3, window_bounds = array<i64: 1000, 128>}, {transform_indices = @transform_4, window_bounds = array<i64: 1000, 128>}, {pipeline_mode = #tpu.pipeline_mode<synchronous>, transform_indices = @transform_5, window_bounds = array<i64: 1, 128>}, {pipeline_mode = #tpu.pipeline_mode<synchronous>, transform_indices = @transform_6, window_bounds = array<i64: 128, 128>}, {transform_indices = @transform_7, window_bounds = array<i64: 1000, 128>}, {transform_indices = @transform_8, window_bounds = array<i64: 1000, 128>}]} {
    %get3A = arith.constant 0 : index
    %get3A_0 = arith.constant 0 : index
    %get3A_1 = vector.load %arg5[%get3A, %get3A_0] : memref<1000x128xf32, #tpu.memory_space<vmem>>, vector<1000x128xf32>
    %get3A_2 = arith.constant 0 : index
    %get3A_3 = arith.constant 0 : index
    %get3A_4 = arith.constant 0 : index
    %get3A_5 = vector.load %arg1[%get3A_2, %get3A_3, %get3A_4] : memref<1x1000x128xf32, #tpu.memory_space<vmem>>, vector<1x1000x128xf32>
    %get3A_6 = vector.shape_cast %get3A_5 : vector<1x1000x128xf32> to vector<1000x128xf32>
    %get3A_7 = arith.constant 0 : index
    %get3A_8 = arith.constant 0 : index
    %get3A_9 = arith.constant 0 : index
    %get3A_10 = vector.load %arg2[%get3A_7, %get3A_8, %get3A_9] : memref<1x1000x128xf32, #tpu.memory_space<vmem>>, vector<1x1000x128xf32>
    %get3A_11 = vector.shape_cast %get3A_10 : vector<1x1000x128xf32> to vector<1000x128xf32>
    %add3A = arith.addf %get3A_6, %get3A_11 : vector<1000x128xf32>
    %get3A_12 = arith.constant 0 : index
    %get3A_13 = arith.constant 0 : index
    %get3A_14 = vector.load %arg3[%get3A_12, %get3A_13] : memref<1000x128xf32, #tpu.memory_space<vmem>>, vector<1000x128xf32>
    %add3A_15 = arith.addf %add3A, %get3A_14 : vector<1000x128xf32>
    %mul3A = arith.mulf %add3A_15, %get3A_1 : vector<1000x128xf32>
    %get3A_16 = arith.constant 0 : index
    %get3A_17 = arith.constant 0 : index
    %get3A_18 = vector.load %arg6[%get3A_16, %get3A_17] : memref<1x128xf32, #tpu.memory_space<vmem>>, vector<1x128xf32>
    %add3A_19 = vector.broadcast %get3A_18 : vector<1x128xf32> to vector<1000x128xf32>
    %add3A_20 = arith.addf %mul3A, %add3A_19 : vector<1000x128xf32>
    %max3A = arith.constant 0.000000e+00 : f32
    %max3A_21 = vector.broadcast %max3A : f32 to vector<1000x128xf32>
    %max3A_22 = arith.maximumf %add3A_20, %max3A_21 : vector<1000x128xf32>
    %get3A_23 = arith.constant 0 : index
    %get3A_24 = arith.constant 0 : index
    %get3A_25 = vector.load %arg4[%get3A_23, %get3A_24] : memref<1000x128xf32, #tpu.memory_space<vmem>>, vector<1000x128xf32>
    %add3A_26 = arith.addf %max3A_22, %get3A_25 : vector<1000x128xf32>
    %swap3A = arith.constant 0 : index
    %swap3A_27 = arith.constant 0 : index
    %swap3A_28 = vector.load %arg8[%swap3A, %swap3A_27] : memref<1000x128xf32, #tpu.memory_space<vmem>>, vector<1000x128xf32>
    tpu.vector_store %arg8[%swap3A, %swap3A_27], %add3A_26 {strides = array<i32>} : memref<1000x128xf32, #tpu.memory_space<vmem>>, vector<1000x128xf32>,
    %get3A_29 = arith.constant 0 : index
    %get3A_30 = arith.constant 0 : index
    %get3A_31 = vector.load %arg7[%get3A_29, %get3A_30] : memref<128x128xf32, #tpu.memory_space<vmem>>, vector<128x128xf32>
    %dot_general3A = arith.constant dense<0.000000e+00> : vector<1000x128xf32>
    %dot_general3A_32 = tpu.matmul %add3A_26, %get3A_31, %dot_general3A {dimension_numbers = #tpu.dot_dimension_numbers<[1], [0], [0], [1], [0, 0, 1, 1], [], []>, transpose_lhs_hint = false} : vector<1000x128xf32>, vector<128x128xf32>, vector<1000x128xf32> -> vector<1000x128xf32>
    %mul3A_33 = arith.mulf %dot_general3A_32, %get3A_1 : vector<1000x128xf32>
    %swap3A_34 = arith.constant 0 : index
    %swap3A_35 = arith.constant 0 : index
    %swap3A_36 = vector.load %arg9[%swap3A_34, %swap3A_35] : memref<1000x128xf32, #tpu.memory_space<vmem>>, vector<1000x128xf32>
    tpu.vector_store %arg9[%swap3A_34, %swap3A_35], %mul3A_33 {strides = array<i32>} : memref<1000x128xf32, #tpu.memory_space<vmem>>, vector<1000x128xf32>,
    return
  }
  func.func @transform_0(%arg0: i32) -> (i32, i32, i32) {
    %c0_i32 = arith.constant 0 : i32
    %c0_i32_0 = arith.constant 0 : i32
    %c0_i32_1 = arith.constant 0 : i32
    return %c0_i32, %arg0, %c0_i32_0 : i32, i32, i32
  }
  func.func @transform_1(%arg0: i32) -> (i32, i32, i32) {
    %c1_i32 = arith.constant 1 : i32
    %c0_i32 = arith.constant 0 : i32
    %c0_i32_0 = arith.constant 0 : i32
    return %c1_i32, %arg0, %c0_i32 : i32, i32, i32
  }
  func.func @transform_2(%arg0: i32) -> (i32, i32) {
    %c0_i32 = arith.constant 0 : i32
    %c0_i32_0 = arith.constant 0 : i32
    return %arg0, %c0_i32 : i32, i32
  }
  func.func @transform_3(%arg0: i32) -> (i32, i32) {
    %c0_i32 = arith.constant 0 : i32
    %c0_i32_0 = arith.constant 0 : i32
    return %arg0, %c0_i32 : i32, i32
  }
  func.func @transform_4(%arg0: i32) -> (i32, i32) {
    %c0_i32 = arith.constant 0 : i32
    %c0_i32_0 = arith.constant 0 : i32
    return %arg0, %c0_i32 : i32, i32
  }
  func.func @transform_5(%arg0: i32) -> (i32, i32) {
    %c0_i32 = arith.constant 0 : i32
    %c0_i32_0 = arith.constant 0 : i32
    %c0_i32_1 = arith.constant 0 : i32
    return %c0_i32, %c0_i32_0 : i32, i32
  }
  func.func @transform_6(%arg0: i32) -> (i32, i32) {
    %c0_i32 = arith.constant 0 : i32
    %c0_i32_0 = arith.constant 0 : i32
    %c0_i32_1 = arith.constant 0 : i32
    return %c0_i32, %c0_i32_0 : i32, i32
  }
  func.func @transform_7(%arg0: i32) -> (i32, i32) {
    %c0_i32 = arith.constant 0 : i32
    %c0_i32_0 = arith.constant 0 : i32
    return %arg0, %c0_i32 : i32, i32
  }
  func.func @transform_8(%arg0: i32) -> (i32, i32) {
    %c0_i32 = arith.constant 0 : i32
    %c0_i32_0 = arith.constant 0 : i32
    return %arg0, %c0_i32 : i32, i32
  }
}

module attributes {stable_mosaic.version = 14 : i64} {
  func.func @_final_body(%arg0: i32, %arg1: memref<1x1000x128xf32, #tpu.memory_space<vmem>>, %arg2: memref<1x1000x128xf32, #tpu.memory_space<vmem>>, %arg3: memref<1000x128xf32, #tpu.memory_space<vmem>>, %arg4: memref<1000x128xf32, #tpu.memory_space<vmem>>, %arg5: memref<1x128xf32, #tpu.memory_space<vmem>>, %arg6: memref<1x1000x128xf32, #tpu.memory_space<vmem>>, %arg7: memref<1x1000x128xf32, #tpu.memory_space<vmem>>, %arg8: memref<1000x128xf32, #tpu.memory_space<vmem>>, %arg9: memref<1000x128xf32, #tpu.memory_space<vmem>>, %arg10: memref<1x128xf32, #tpu.memory_space<vmem>>, %arg11: memref<1000x128xf32, #tpu.memory_space<vmem>>, %arg12: memref<1x1x1000xi32, #tpu.memory_space<vmem>>, %arg13: memref<1x128xf32, #tpu.memory_space<vmem>>, %arg14: memref<1x128xf32, #tpu.memory_space<vmem>>, %arg15: memref<64x1xf32, #tpu.memory_space<vmem>>, %arg16: memref<64x128xf32, #tpu.memory_space<vmem>>, %arg17: memref<64x128xf32, #tpu.memory_space<vmem>>) attributes {dimension_semantics = [#tpu.dimension_semantics<arbitrary>], iteration_bounds = array<i64: 10>, scalar_prefetch = 0 : i64, scratch_operands = 2 : i64, tpu.core_type = #tpu.core_type<tc>, window_params = [{transform_indices = @transform_0, window_bounds = array<i64: 1, 1000, 128>}, {transform_indices = @transform_1, window_bounds = array<i64: 1, 1000, 128>}, {transform_indices = @transform_2, window_bounds = array<i64: 1000, 128>}, {transform_indices = @transform_3, window_bounds = array<i64: 1000, 128>}, {pipeline_mode = #tpu.pipeline_mode<synchronous>, transform_indices = @transform_4, window_bounds = array<i64: 1, 128>}, {transform_indices = @transform_5, window_bounds = array<i64: 1, 1000, 128>}, {transform_indices = @transform_6, window_bounds = array<i64: 1, 1000, 128>}, {transform_indices = @transform_7, window_bounds = array<i64: 1000, 128>}, {transform_indices = @transform_8, window_bounds = array<i64: 1000, 128>}, {pipeline_mode = #tpu.pipeline_mode<synchronous>, transform_indices = @transform_9, window_bounds = array<i64: 1, 128>}, {transform_indices = @transform_10, window_bounds = array<i64: 1000, 128>}, {transform_indices = @transform_11, window_bounds = array<i64: 1, 1, 1000>}, {pipeline_mode = #tpu.pipeline_mode<synchronous>, transform_indices = @transform_12, window_bounds = array<i64: 1, 128>}, {pipeline_mode = #tpu.pipeline_mode<synchronous>, transform_indices = @transform_13, window_bounds = array<i64: 1, 128>}, {pipeline_mode = #tpu.pipeline_mode<synchronous>, transform_indices = @transform_14, window_bounds = array<i64: 64, 1>}]} {
    %eq3A = arith.constant 0 : i32
    %eq3A_0 = arith.cmpi eq, %arg0, %eq3A : i32
    %convert_element_type3A = arith.extui %eq3A_0 : i1 to i32
    %cond3A = arith.constant 0 : i32
    %cond3A_1 = arith.cmpi ne, %convert_element_type3A, %cond3A : i32
    scf.if %cond3A_1 {
      %broadcast_in_dim3A_90 = arith.constant 0.000000e+00 : f32
      %broadcast_in_dim3A_91 = vector.broadcast %broadcast_in_dim3A_90 : f32 to vector<64x128xf32>
      %swap3A_92 = arith.constant 0 : index
      %swap3A_93 = arith.constant 0 : index
      %swap3A_94 = vector.load %arg16[%swap3A_92, %swap3A_93] : memref<64x128xf32, #tpu.memory_space<vmem>>, vector<64x128xf32>
      tpu.vector_store %arg16[%swap3A_92, %swap3A_93], %broadcast_in_dim3A_91 {strides = array<i32>} : memref<64x128xf32, #tpu.memory_space<vmem>>, vector<64x128xf32>,
      %broadcast_in_dim3A_95 = arith.constant 0.000000e+00 : f32
      %broadcast_in_dim3A_96 = vector.broadcast %broadcast_in_dim3A_95 : f32 to vector<64x128xf32>
      %swap3A_97 = arith.constant 0 : index
      %swap3A_98 = arith.constant 0 : index
      %swap3A_99 = vector.load %arg17[%swap3A_97, %swap3A_98] : memref<64x128xf32, #tpu.memory_space<vmem>>, vector<64x128xf32>
      tpu.vector_store %arg17[%swap3A_97, %swap3A_98], %broadcast_in_dim3A_96 {strides = array<i32>} : memref<64x128xf32, #tpu.memory_space<vmem>>, vector<64x128xf32>,
    } else {
    }
    %get3A = arith.constant 0 : index
    %get3A_2 = arith.constant 0 : index
    %get3A_3 = vector.load %arg11[%get3A, %get3A_2] : memref<1000x128xf32, #tpu.memory_space<vmem>>, vector<1000x128xf32>
    %get3A_4 = arith.constant 0 : index
    %get3A_5 = arith.constant 0 : index
    %get3A_6 = arith.constant 0 : index
    %get3A_7 = vector.load %arg1[%get3A_4, %get3A_5, %get3A_6] : memref<1x1000x128xf32, #tpu.memory_space<vmem>>, vector<1x1000x128xf32>
    %get3A_8 = vector.shape_cast %get3A_7 : vector<1x1000x128xf32> to vector<1000x128xf32>
    %get3A_9 = arith.constant 0 : index
    %get3A_10 = arith.constant 0 : index
    %get3A_11 = arith.constant 0 : index
    %get3A_12 = vector.load %arg2[%get3A_9, %get3A_10, %get3A_11] : memref<1x1000x128xf32, #tpu.memory_space<vmem>>, vector<1x1000x128xf32>
    %get3A_13 = vector.shape_cast %get3A_12 : vector<1x1000x128xf32> to vector<1000x128xf32>
    %add3A = arith.addf %get3A_8, %get3A_13 : vector<1000x128xf32>
    %get3A_14 = arith.constant 0 : index
    %get3A_15 = arith.constant 0 : index
    %get3A_16 = vector.load %arg3[%get3A_14, %get3A_15] : memref<1000x128xf32, #tpu.memory_space<vmem>>, vector<1000x128xf32>
    %add3A_17 = arith.addf %add3A, %get3A_16 : vector<1000x128xf32>
    %mul3A = arith.mulf %add3A_17, %get3A_3 : vector<1000x128xf32>
    %get3A_18 = arith.constant 0 : index
    %get3A_19 = arith.constant 0 : index
    %get3A_20 = vector.load %arg5[%get3A_18, %get3A_19] : memref<1x128xf32, #tpu.memory_space<vmem>>, vector<1x128xf32>
    %add3A_21 = vector.broadcast %get3A_20 : vector<1x128xf32> to vector<1000x128xf32>
    %add3A_22 = arith.addf %mul3A, %add3A_21 : vector<1000x128xf32>
    %max3A = arith.constant 0.000000e+00 : f32
    %max3A_23 = vector.broadcast %max3A : f32 to vector<1000x128xf32>
    %max3A_24 = arith.maximumf %add3A_22, %max3A_23 : vector<1000x128xf32>
    %get3A_25 = arith.constant 0 : index
    %get3A_26 = arith.constant 0 : index
    %get3A_27 = vector.load %arg4[%get3A_25, %get3A_26] : memref<1000x128xf32, #tpu.memory_space<vmem>>, vector<1000x128xf32>
    %add3A_28 = arith.addf %max3A_24, %get3A_27 : vector<1000x128xf32>
    %get3A_29 = arith.constant 0 : index
    %get3A_30 = arith.constant 0 : index
    %get3A_31 = arith.constant 0 : index
    %get3A_32 = vector.load %arg6[%get3A_29, %get3A_30, %get3A_31] : memref<1x1000x128xf32, #tpu.memory_space<vmem>>, vector<1x1000x128xf32>
    %get3A_33 = vector.shape_cast %get3A_32 : vector<1x1000x128xf32> to vector<1000x128xf32>
    %get3A_34 = arith.constant 0 : index
    %get3A_35 = arith.constant 0 : index
    %get3A_36 = arith.constant 0 : index
    %get3A_37 = vector.load %arg7[%get3A_34, %get3A_35, %get3A_36] : memref<1x1000x128xf32, #tpu.memory_space<vmem>>, vector<1x1000x128xf32>
    %get3A_38 = vector.shape_cast %get3A_37 : vector<1x1000x128xf32> to vector<1000x128xf32>
    %add3A_39 = arith.addf %get3A_33, %get3A_38 : vector<1000x128xf32>
    %get3A_40 = arith.constant 0 : index
    %get3A_41 = arith.constant 0 : index
    %get3A_42 = vector.load %arg8[%get3A_40, %get3A_41] : memref<1000x128xf32, #tpu.memory_space<vmem>>, vector<1000x128xf32>
    %add3A_43 = arith.addf %add3A_39, %get3A_42 : vector<1000x128xf32>
    %mul3A_44 = arith.mulf %add3A_43, %get3A_3 : vector<1000x128xf32>
    %get3A_45 = arith.constant 0 : index
    %get3A_46 = arith.constant 0 : index
    %get3A_47 = vector.load %arg10[%get3A_45, %get3A_46] : memref<1x128xf32, #tpu.memory_space<vmem>>, vector<1x128xf32>
    %add3A_48 = vector.broadcast %get3A_47 : vector<1x128xf32> to vector<1000x128xf32>
    %add3A_49 = arith.addf %mul3A_44, %add3A_48 : vector<1000x128xf32>
    %max3A_50 = arith.constant 0.000000e+00 : f32
    %max3A_51 = vector.broadcast %max3A_50 : f32 to vector<1000x128xf32>
    %max3A_52 = arith.maximumf %add3A_49, %max3A_51 : vector<1000x128xf32>
    %get3A_53 = arith.constant 0 : index
    %get3A_54 = arith.constant 0 : index
    %get3A_55 = vector.load %arg9[%get3A_53, %get3A_54] : memref<1000x128xf32, #tpu.memory_space<vmem>>, vector<1000x128xf32>
    %add3A_56 = arith.addf %max3A_52, %get3A_55 : vector<1000x128xf32>
    %add3A_57 = arith.addf %add3A_28, %add3A_56 : vector<1000x128xf32>
    %get3A_58 = arith.constant 0 : index
    %get3A_59 = arith.constant 0 : index
    %get3A_60 = arith.constant 0 : index
    %get3A_61 = vector.load %arg12[%get3A_58, %get3A_59, %get3A_60] : memref<1x1x1000xi32, #tpu.memory_space<vmem>>, vector<1x1x1000xi32>
    %get3A_62 = vector.shape_cast %get3A_61 : vector<1x1x1000xi32> to vector<1x1000xi32>
    %iota3A = tpu.iota {dimensions = array<i32: 0>} : vector<64x1000xi32>
    %broadcast_in_dim3A = vector.shape_cast %get3A_62 : vector<1x1000xi32> to vector<1x1000xi32>
    %broadcast_in_dim3A_63 = vector.broadcast %broadcast_in_dim3A : vector<1x1000xi32> to vector<64x1000xi32>
    %eq3A_64 = arith.cmpi eq, %iota3A, %broadcast_in_dim3A_63 : vector<64x1000xi32>
    %convert_element_type3A_65 = arith.extui %eq3A_64 : vector<64x1000xi1> to vector<64x1000xi32>
    %convert_element_type3A_66 = arith.sitofp %convert_element_type3A_65 : vector<64x1000xi32> to vector<64x1000xf32>
    %get3A_67 = arith.constant 0 : index
    %get3A_68 = arith.constant 0 : index
    %get3A_69 = vector.load %arg16[%get3A_67, %get3A_68] : memref<64x128xf32, #tpu.memory_space<vmem>>, vector<64x128xf32>
    %dot_general3A = arith.constant dense<0.000000e+00> : vector<64x128xf32>
    %dot_general3A_70 = tpu.matmul %convert_element_type3A_66, %add3A_57, %dot_general3A {dimension_numbers = #tpu.dot_dimension_numbers<[1], [0], [0], [1], [0, 0, 1, 1], [], []>, precision = #tpu.contract_precision<fp32>, transpose_lhs_hint = false} : vector<64x1000xf32>, vector<1000x128xf32>, vector<64x128xf32> -> vector<64x128xf32>
    %add3A_71 = arith.addf %get3A_69, %dot_general3A_70 : vector<64x128xf32>
    %swap3A = arith.constant 0 : index
    %swap3A_72 = arith.constant 0 : index
    %swap3A_73 = vector.load %arg16[%swap3A, %swap3A_72] : memref<64x128xf32, #tpu.memory_space<vmem>>, vector<64x128xf32>
    tpu.vector_store %arg16[%swap3A, %swap3A_72], %add3A_71 {strides = array<i32>} : memref<64x128xf32, #tpu.memory_space<vmem>>, vector<64x128xf32>,
    %get3A_74 = arith.constant 0 : index
    %get3A_75 = arith.constant 0 : index
    %get3A_76 = vector.load %arg17[%get3A_74, %get3A_75] : memref<64x128xf32, #tpu.memory_space<vmem>>, vector<64x128xf32>
    %reduce_sum3A = arith.constant dense<0.000000e+00> : vector<64xf32>
    %reduce_sum3A_77 = vector.multi_reduction <add>, %convert_element_type3A_66, %reduce_sum3A [1] : vector<64x1000xf32> to vector<64xf32>
    %broadcast_in_dim3A_78 = vector.shape_cast %reduce_sum3A_77 : vector<64xf32> to vector<64x1xf32>
    %broadcast_in_dim3A_79 = vector.shape_cast %broadcast_in_dim3A_78 : vector<64x1xf32> to vector<64x1xf32>
    %broadcast_in_dim3A_80 = vector.broadcast %broadcast_in_dim3A_79 : vector<64x1xf32> to vector<64x128xf32>
    %add3A_81 = arith.addf %get3A_76, %broadcast_in_dim3A_80 : vector<64x128xf32>
    %swap3A_82 = arith.constant 0 : index
    %swap3A_83 = arith.constant 0 : index
    %swap3A_84 = vector.load %arg17[%swap3A_82, %swap3A_83] : memref<64x128xf32, #tpu.memory_space<vmem>>, vector<64x128xf32>
    tpu.vector_store %arg17[%swap3A_82, %swap3A_83], %add3A_81 {strides = array<i32>} : memref<64x128xf32, #tpu.memory_space<vmem>>, vector<64x128xf32>,
    %eq3A_85 = arith.constant 9 : i32
    %eq3A_86 = arith.cmpi eq, %arg0, %eq3A_85 : i32
    %convert_element_type3A_87 = arith.extui %eq3A_86 : i1 to i32
    %cond3A_88 = arith.constant 0 : i32
    %cond3A_89 = arith.cmpi ne, %convert_element_type3A_87, %cond3A_88 : i32
    scf.if %cond3A_89 {
      %get3A_90 = arith.constant 0 : index
      %get3A_91 = arith.constant 0 : index
      %get3A_92 = vector.load %arg16[%get3A_90, %get3A_91] : memref<64x128xf32, #tpu.memory_space<vmem>>, vector<64x128xf32>
      %get3A_93 = arith.constant 0 : index
      %get3A_94 = arith.constant 0 : index
      %get3A_95 = vector.load %arg17[%get3A_93, %get3A_94] : memref<64x128xf32, #tpu.memory_space<vmem>>, vector<64x128xf32>
      %max3A_96 = arith.constant 1.000000e+00 : f32
      %max3A_97 = vector.broadcast %max3A_96 : f32 to vector<64x128xf32>
      %max3A_98 = arith.maximumf %get3A_95, %max3A_97 : vector<64x128xf32>
      %div3A = arith.divf %get3A_92, %max3A_98 : vector<64x128xf32>
      %convert_element_type3A_99 = arith.truncf %div3A : vector<64x128xf32> to vector<64x128xbf16>
      %convert_element_type3A_100 = arith.extf %convert_element_type3A_99 : vector<64x128xbf16> to vector<64x128xf32>
      %get3A_101 = arith.constant 0 : index
      %get3A_102 = arith.constant 0 : index
      %get3A_103 = vector.load %arg13[%get3A_101, %get3A_102] : memref<1x128xf32, #tpu.memory_space<vmem>>, vector<1x128xf32>
      %convert_element_type3A_104 = arith.truncf %get3A_103 : vector<1x128xf32> to vector<1x128xbf16>
      %convert_element_type3A_105 = arith.extf %convert_element_type3A_104 : vector<1x128xbf16> to vector<1x128xf32>
      %mul3A_106 = vector.broadcast %convert_element_type3A_105 : vector<1x128xf32> to vector<64x128xf32>
      %mul3A_107 = arith.mulf %convert_element_type3A_100, %mul3A_106 : vector<64x128xf32>
      %reduce_sum3A_108 = arith.constant dense<0.000000e+00> : vector<64xf32>
      %reduce_sum3A_109 = vector.multi_reduction <add>, %mul3A_107, %reduce_sum3A_108 [1] : vector<64x128xf32> to vector<64xf32>
      %broadcast_in_dim3A_110 = vector.shape_cast %reduce_sum3A_109 : vector<64xf32> to vector<64x1xf32>
      %get3A_111 = arith.constant 0 : index
      %get3A_112 = arith.constant 0 : index
      %get3A_113 = vector.load %arg14[%get3A_111, %get3A_112] : memref<1x128xf32, #tpu.memory_space<vmem>>, vector<1x1xf32>
      %get3A_114 = vector.extract %get3A_113[0, 0] : f32 from vector<1x1xf32>
      %add3A_115 = vector.broadcast %get3A_114 : f32 to vector<64x1xf32>
      %add3A_116 = arith.addf %broadcast_in_dim3A_110, %add3A_115 : vector<64x1xf32>
      %swap3A_117 = arith.constant 0 : index
      %swap3A_118 = arith.constant 0 : index
      %swap3A_119 = vector.load %arg15[%swap3A_117, %swap3A_118] : memref<64x1xf32, #tpu.memory_space<vmem>>, vector<64x1xf32>
      tpu.vector_store %arg15[%swap3A_117, %swap3A_118], %add3A_116 {strides = array<i32>} : memref<64x1xf32, #tpu.memory_space<vmem>>, vector<64x1xf32>,
    } else {
    }
    return
  }
  func.func @transform_0(%arg0: i32) -> (i32, i32, i32) {
    %c0_i32 = arith.constant 0 : i32
    %c0_i32_0 = arith.constant 0 : i32
    %c0_i32_1 = arith.constant 0 : i32
    return %c0_i32, %arg0, %c0_i32_0 : i32, i32, i32
  }
  func.func @transform_1(%arg0: i32) -> (i32, i32, i32) {
    %c1_i32 = arith.constant 1 : i32
    %c0_i32 = arith.constant 0 : i32
    %c0_i32_0 = arith.constant 0 : i32
    return %c1_i32, %arg0, %c0_i32 : i32, i32, i32
  }
  func.func @transform_2(%arg0: i32) -> (i32, i32) {
    %c0_i32 = arith.constant 0 : i32
    %c0_i32_0 = arith.constant 0 : i32
    return %arg0, %c0_i32 : i32, i32
  }
  func.func @transform_3(%arg0: i32) -> (i32, i32) {
    %c0_i32 = arith.constant 0 : i32
    %c0_i32_0 = arith.constant 0 : i32
    return %arg0, %c0_i32 : i32, i32
  }
  func.func @transform_4(%arg0: i32) -> (i32, i32) {
    %c0_i32 = arith.constant 0 : i32
    %c0_i32_0 = arith.constant 0 : i32
    %c0_i32_1 = arith.constant 0 : i32
    return %c0_i32, %c0_i32_0 : i32, i32
  }
  func.func @transform_5(%arg0: i32) -> (i32, i32, i32) {
    %c0_i32 = arith.constant 0 : i32
    %c0_i32_0 = arith.constant 0 : i32
    %c0_i32_1 = arith.constant 0 : i32
    return %c0_i32, %arg0, %c0_i32_0 : i32, i32, i32
  }
  func.func @transform_6(%arg0: i32) -> (i32, i32, i32) {
    %c1_i32 = arith.constant 1 : i32
    %c0_i32 = arith.constant 0 : i32
    %c0_i32_0 = arith.constant 0 : i32
    return %c1_i32, %arg0, %c0_i32 : i32, i32, i32
  }
  func.func @transform_7(%arg0: i32) -> (i32, i32) {
    %c0_i32 = arith.constant 0 : i32
    %c0_i32_0 = arith.constant 0 : i32
    return %arg0, %c0_i32 : i32, i32
  }
  func.func @transform_8(%arg0: i32) -> (i32, i32) {
    %c0_i32 = arith.constant 0 : i32
    %c0_i32_0 = arith.constant 0 : i32
    return %arg0, %c0_i32 : i32, i32
  }
  func.func @transform_9(%arg0: i32) -> (i32, i32) {
    %c0_i32 = arith.constant 0 : i32
    %c0_i32_0 = arith.constant 0 : i32
    %c0_i32_1 = arith.constant 0 : i32
    return %c0_i32, %c0_i32_0 : i32, i32
  }
  func.func @transform_10(%arg0: i32) -> (i32, i32) {
    %c0_i32 = arith.constant 0 : i32
    %c0_i32_0 = arith.constant 0 : i32
    return %arg0, %c0_i32 : i32, i32
  }
  func.func @transform_11(%arg0: i32) -> (i32, i32, i32) {
    %c0_i32 = arith.constant 0 : i32
    %c0_i32_0 = arith.constant 0 : i32
    %c0_i32_1 = arith.constant 0 : i32
    return %arg0, %c0_i32, %c0_i32_0 : i32, i32, i32
  }
  func.func @transform_12(%arg0: i32) -> (i32, i32) {
    %c0_i32 = arith.constant 0 : i32
    %c0_i32_0 = arith.constant 0 : i32
    %c0_i32_1 = arith.constant 0 : i32
    return %c0_i32, %c0_i32_0 : i32, i32
  }
  func.func @transform_13(%arg0: i32) -> (i32, i32) {
    %c0_i32 = arith.constant 0 : i32
    %c0_i32_0 = arith.constant 0 : i32
    %c0_i32_1 = arith.constant 0 : i32
    return %c0_i32, %c0_i32_0 : i32, i32
  }
  func.func @transform_14(%arg0: i32) -> (i32, i32) {
    %c0_i32 = arith.constant 0 : i32
    %c0_i32_0 = arith.constant 0 : i32
    %c0_i32_1 = arith.constant 0 : i32
    return %c0_i32, %c0_i32_0 : i32, i32
  }
}

</mosaic_0001>

<sc_bundles>
// kernel: kernel.13.cloned.1.call-start
scs
__scs_entry_jumppad:
0x0: {  	(pc) =	sbr.rel $0x88, $3  }
0x1: {  	(tag) =	ssettag $0x0;
	lr =	simm.s32 $0x1  }
0x2: {  	[smem:$0x3F8F] =	sst lr;
	_ =	strace $0xD0000000  }
0x3: {  	_ = 	snop  }
0x4: {  	_ = 	snop  }
0x5: {  	_ = 	snop  }
0x6: {  	_ = 	snop  }
0x7: {  	_ = 	snop  }
__scs_overlays_trampoline_lowered:
0x8: {  	[smem:$0x3F9E] =	sst s0  }
0x9: {  	[smem:$0x3F9F] =	sst s1  }
0xa: {  	[smem:$0x3FA0] =	sst s2  }
0xb: {  	[smem:$0x3FA1] =	sst s3  }
0xc: {  	[smem:$0x3FA2] =	sst s4  }
0xd: {  	[smem:$0x3FA3] =	sst s5  }
0xe: {  	[smem:$0x3FA4] =	sst s6  }
0xf: {  	[smem:$0x3FA5] =	sst s7  }
0x10: {  	[smem:$0x3FA6] =	sst s8  }
0x11: {  	[smem:$0x3FA7] =	sst s9;
	s0 =	simm.s32 @!p0 $0x0  }
0x12: {  	s1 =	sld [smem:$0x3F8D];
	s0 =	simm.s32 @p0 $0x1  }
0x13: {  	[smem:$0x3FA8] =	sst s0;
	s0 =	simm.s32 @!p1 $0x0  }
0x14: {  	s2 =	sld [smem:$0x3F8C];
	s0 =	simm.s32 @p1 $0x1  }
0x15: {  	[smem:$0x3FA9] =	sst s0;
	s0 =	simm.s32 @!p2 $0x0  }
0x16: {  	s3 =	sld [smem:$0x3FDB];
	s0 =	simm.s32 @p2 $0x1  }
0x17: {  	s4 =	simm.s32 $0x1BF5;
	[smem:$0x3FAB] =	sst s0  }
0x18: {  	s0 =	sld [smem:$0x3F8E];
	_ =	swait.ge [sflag:s4], $0x0  }
0x19: {  	s7 =	sld [smem:$0x3F8F]  }
0x1a: {  	s8 =	sadd.s32 $0xFFFFE003, lr  }
0x1b: {  	s9 =	sadd.s32 $0xFFFFFEF7, lr;
	s5 =	simm.s32 $0xFFFFFFFF;
	p2 =	slt.u32 s8, $0xFFFFF086  }
0x1c: {  	p1 =	slt.u32 s9, $0xF7A;
	s5 =	simm.s32 @!p2 $0x0  }
0x1d: {  	s5 =	simm.s32 @p1 $0x1;
	p0 =	seq.s32 s7, s2  }
0x1e: {  	s7 =	smul.u32 @!p0 $0xF7A, s2;
	p2 =	seq.s32 @!p0 s5, $0x0  }
0x1f: {  	s9 =	smul.u32 $0xF7A, s1;
	s8 =	simm.s32 @!p0 $0x1BF5;
	p2 =	por !p2, p0  }
0x20: {  	[sflag:s8] =	ssyncset.s32 @!p0 $0xFFFFF086;
	s6 =	sadd.s32 @!p0 s3, s7;
	s7 =	simm.s32 @!p0 $0x108  }
0x21: {  	s3 =	sadd.s32 s3, s9;
	s6 =	sadd.s32 @!p0 $0x88, s6;
	s7 =	simm.s32 @p2 $0x1082  }
0x22: {  	[simem:s7], [sflag:s8] =	dma.local @!p0 [hbm:s6], $0xF7A  }
0x23: {  	s9 =	sor.u32 $0xD0000000, s2;
	s6 =	simm.s32 $0x108;
	_ =	swait.ge @!p0 [sflag:s8], $0x0  }
0x24: {  	s3 =	sadd.s32 $0x88, s3;
	s6 =	simm.s32 @!p1 $0x1082;
	[sflag:s4] =	ssyncset.s32 $0xFFFFF086  }
0x25: {  	[simem:s6], [sflag:s4] =	dma.local [hbm:s3], $0xF7A  }
0x26: {  	[smem:$0x3F8F] =	sst s1;
	(tag) =	ssettag s2;
	_ =	strace s9  }
0x27: {  	s1 =	sld [smem:$0x3F9F]  }
0x28: {  	s2 =	sld [smem:$0x3FA0]  }
0x29: {  	s4 =	sld [smem:$0x3FA2]  }
0x2a: {  	p0 =	seq.s32 s5, $0x0;
	s5 =	sld [smem:$0x3FA3]  }
0x2b: {  	s6 =	sld [smem:$0x3FA4]  }
0x2c: {  	s7 =	sld [smem:$0x3FA5]  }
0x2d: {  	s3 =	simm.s32 $0x108;
	s8 =	sld [smem:$0x3FA6]  }
0x2e: {  	s3 =	simm.s32 @!p0 $0x1082;
	s9 =	sld [smem:$0x3FA7]  }
0x2f: {  	lr =	sadd.s32 s0, s3;
	s0 =	sld [smem:$0x3F9E]  }
0x30: {  	s3 =	sld [smem:$0x3FA1]  }
0x31: {  	[smem:$0x3FAA] =	sst s10  }
0x32: {  	s10 =	sld [smem:$0x3FA8];
	_ =	sdelay $0x3  }
0x33: {  	p0 =	seq.s32 s10, $0x1;
	s10 =	sld [smem:$0x3FAA];
	_ =	sdelay $0x3  }
0x34: {  	[smem:$0x3FAA] =	sst s10  }
0x35: {  	s10 =	sld [smem:$0x3FA9];
	_ =	sdelay $0x3  }
0x36: {  	p1 =	seq.s32 s10, $0x1;
	s10 =	sld [smem:$0x3FAA];
	_ =	sdelay $0x3  }
0x37: {  	[smem:$0x3FAA] =	sst s10  }
0x38: {  	s10 =	sld [smem:$0x3FAB]  }
0x39: {  	_ = 	snop;
	(pc) =	sbr.ind lr, $3  }
0x3a: {  	_ = 	snop  }
0x3b: {  	_ = 	snop  }
0x3c: {  	p2 =	seq.s32 s10, $0x1;
	s10 =	sld [smem:$0x3FAA]  }
0x3d: {  	_ =	shalt  }
0x3e: {  	_ =	shalt  }
0x3f: {  	_ =	shalt  }
0x40: {  	_ =	shalt  }
0x41: {  	_ =	shalt  }
0x42: {  	_ =	shalt  }
0x43: {  	_ =	shalt  }
0x44: {  	_ =	shalt  }
0x45: {  	_ =	shalt  }
0x46: {  	_ =	shalt  }
0x47: {  	_ =	shalt  }
0x48: {  	_ =	shalt  }
0x49: {  	_ =	shalt  }
0x4a: {  	_ =	shalt  }
0x4b: {  	_ =	shalt  }
0x4c: {  	_ =	shalt  }
0x4d: {  	_ =	shalt  }
0x4e: {  	_ =	shalt  }
0x4f: {  	_ =	shalt  }
0x50: {  	_ =	shalt  }
0x51: {  	_ =	shalt  }
0x52: {  	_ =	shalt  }
0x53: {  	_ =	shalt  }
0x54: {  	_ =	shalt  }
0x55: {  	_ =	shalt  }
0x56: {  	_ =	shalt  }
0x57: {  	_ =	shalt  }
0x58: {  	_ =	shalt  }
0x59: {  	_ =	shalt  }
0x5a: {  	_ =	shalt  }
0x5b: {  	_ =	shalt  }
0x5c: {  	_ =	shalt  }
0x5d: {  	_ =	shalt  }
0x5e: {  	_ =	shalt  }
0x5f: {  	_ =	shalt  }
0x60: {  	_ =	shalt  }
0x61: {  	_ =	shalt  }
0x62: {  	_ =	shalt  }
0x63: {  	_ =	shalt  }
0x64: {  	_ =	shalt  }
0x65: {  	_ =	shalt  }
0x66: {  	_ =	shalt  }
0x67: {  	_ =	shalt  }
0x68: {  	_ =	shalt  }
0x69: {  	_ =	shalt  }
0x6a: {  	_ =	shalt  }
0x6b: {  	_ =	shalt  }
0x6c: {  	_ =	shalt  }
0x6d: {  	_ =	shalt  }
0x6e: {  	_ =	shalt  }
0x6f: {  	_ =	shalt  }
0x70: {  	_ =	shalt  }
0x71: {  	_ =	shalt  }
0x72: {  	_ =	shalt  }
0x73: {  	_ =	shalt  }
0x74: {  	_ =	shalt  }
0x75: {  	_ =	shalt  }
0x76: {  	_ =	shalt  }
0x77: {  	_ =	shalt  }
0x78: {  	_ =	shalt  }
0x79: {  	_ =	shalt  }
0x7a: {  	_ =	shalt  }
0x7b: {  	_ =	shalt  }
0x7c: {  	_ =	shalt  }
0x7d: {  	_ =	shalt  }
0x7e: {  	_ =	shalt  }
0x7f: {  	_ =	shalt  }
0x80: {  	_ =	shalt  }
0x81: {  	_ =	shalt  }
0x82: {  	_ =	shalt  }
0x83: {  	_ =	shalt  }
0x84: {  	_ =	shalt  }
0x85: {  	_ =	shalt  }
0x86: {  	_ =	shalt  }
0x87: {  	_ =	shalt  }
.Lfunc_end0:
.L_simem_size_0:
called_computation_lowered:
.L_overlay_start_0:
0x88: {  	s2 =	sld [smem:$0x3FD9]  }
0x89: {  	s3 =	sld [smem:$0x3FFE];
	_ =	sdelay $0x1  }
0x8a: {  	s1 =	srdreg.scid  }
0x8b: {  	s0 =	sand.u32 $0x1, s1  }
0x8c: {  	s16 =	sshll.u32 s0, $0xA;
	s2 =	sadd.s32 s3, s2  }
0x8d: {  	s2 =	sadd.s32 s2, s16  }
0x8e: {  	[smem:$0x3FB6] =	sst s2  }
0x8f: {  	_ = 	snop  }
0x90: {  	(tm) =	ssettm $0x1  }
0x91: {  	s17 =	sld [smem:$0x3FFB];
	_ =	sdelay $0x3  }
0x92: {  	_ =	strace s17  }
0x93: {  	s2 =	sld [smem:$0x3FFC];
	_ =	sdelay $0x3  }
0x94: {  	_ =	strace s2  }
0x95: {  	s2 =	sld [smem:$0x3FFD];
	_ =	sdelay $0x3  }
0x96: {  	_ =	strace s2  }
0x97: {  	_ =	strace $0x8FFFFFFF  }
0x98: {  	s18 =	sld [smem:$0x3FDB];
	_ =	sdelay $0x1  }
0x99: {  	s19 =	simm.s32 $_scs_section_size  }
0x9a: {  	s4 =	simm.s32 $_size__tile_overlayer_lowered;
	s5 =	simm.s32 $_tile_overlayer_lowered  }
0x9b: {  	s22 =	simm.s32 $0x1BFF;
	s21 =	sshll.u32 s5, $0x1;
	s2 =	sadd.s32 s19, s18  }
0x9c: {  	s6 =	simm.s32 $0x0;
	s20 =	sshll.u32 s4, $0x1;
	s4 =	sadd.s32 s21, s2  }
0x9d: {  	[timem:s6], [sflag:s22] =	dma.local [hbm:s4], s20  }
0x9e: {  	_ =	swait.ge [sflag:s22], s20  }
0x9f: {  	s3 =	ssub.s32 $0x0, s20;
	[sflag:s22] =	ssyncset.done $0x0  }
0xa0: {  	[sflag:s22] =	ssyncadd.s32 s3;
	_ =	sdelay $0x1  }
0xa1: {  	s23 =	simm.s32 $0x1B8B  }
0xa2: {  	_ =	swait.ge [sflag:s23], $0x1  }
0xa3: {  	[sflag:s23] =	ssyncset.done $0x0  }
0xa4: {  	s25 =	simm.s32 $0x1B8E;
	s24 =	sld [smem:$0x3FFE];
	[sflag:s23] =	ssyncadd.s32 $0xFFFFFFFF  }
0xa5: {  	s26 =	simm.s32 $execute0_lowered;
	[smem:$0x3FD2] =	sst s25  }
0xa6: {  	s4 =	sshll.u32 s26, $0x1;
	_ =	strace $0x80000046;
	[dreg:$0x1] =	wrdreg $0xFFFFFFFF  }
0xa7: {  	s28 =	simm.s32 $_size_execute0_lowered;
	s2 =	sadd.s32 s2, s4;
	[dreg:$0x0] =	wrdreg $0x0  }
0xa8: {  	s4 =	sshll.u32 s28, $0x1;
	[dreg:$0x2] =	wrdreg s2  }
0xa9: {  	[dreg:$0x3] =	wrdreg s4  }
0xaa: {  	[dreg:$0x4] =	wrdreg $0xC0  }
0xab: {  	_ =	task [dreg:s6], $0x5FFFF  }
0xac: {  	[dreg:$0x1] =	wrdreg $0xFFFFFFFF  }
0xad: {  	[dreg:$0x0] =	wrdreg $0x60  }
0xae: {  	[dreg:$0x2] =	wrdreg s24  }
0xaf: {  	[dreg:$0x3] =	wrdreg $0x3800  }
0xb0: {  	[dreg:$0x4] =	wrdreg $0x9  }
0xb1: {  	_ =	task.clear_ibuf [dreg:s6], $0x5FFFF;
	_ =	strace $0x90000046  }
0xb2: {  	s29 =	simm.s32 $0x9;
	_ =	strace $0x80000048  }
0xb3: {  	_ =	swait.ge [sflag:s29], $0x1  }
0xb4: {  	[sflag:s29] =	ssyncadd.s32 $0xFFFFFFFF  }
0xb5: {  	_ =	strace $0x90000048  }
0xb6: {  	_ =	sfence  }
0xb7: {  	s30 =	sld [smem:$0x0];
	_ =	sdelay $0x2  }
0xb8: {  	s31 =	sshll.u32 s1, $0xD;
	s1 =	sshrl.u32 s1, $0x2  }
0xb9: {  	s3 =	sand.u32 $0x4000, s31;
	s1 =	sadd.s32 s1, s30  }
0xba: {  	s0 =	sor.u32 s3, s0;
	s1 =	sshll.u32 s1, $0x11  }
0xbb: {  	s0 =	sor.u32 s1, s0  }
0xbc: {  	s0 =	sadd.s32 $0x8F2B, s0  }
0xbd: {  	[sflag:s0] =	ssyncadd.remote.s32 $0x1  }
0xbe: {  	_ =	sfence.sel $0xFFFF  }
0xbf: {  	[dreg:$0x0] =	wrdreg $0xFFFFFFFF;
	(pc) =	sbr.abs _section_cstart, $3  }
0xc0: {  	[dreg:$0x1] =	wrdreg $0xFFFFFFFF  }
0xc1: {  	_ =	task.clear_ibuf [dreg:s6], $0x2FFFF;
	_ =	strace $0x9FFFFFFF  }
0xc2: {  	(tm) =	ssettm $0x7FFFFFFF  }
0xc3: {  	_ =	shalt  }
tec
execute0_lowered:
.L_overlay_start_1:
0x0: {  	(tag) =	ssettag $0x1  }
0x1: {  	s1 =	srdreg.scid;
	s0 =	stileid.u32  }
0x2: {  	s4 =	rddreg [dreg:$0x0];
	s6 =	smul.u32 $0x4E20, s0  }
0x3: {  	s2 =	rddreg [dreg:$0x1];
	s5 =	sand.u32 $0x1, s1;
	s8 =	smul.u32 $0x280, s0  }
0x4: {  	s3 =	simm.s32 $0x0;
	s11 =	simm.s32 $0x80;
	s7 =	smul.u32 $0x2710, s5  }
0x5: {  	s12 =	simm.s32 $0x0;
	[smem:$0x7FF] =	sst s3;
	s9 =	smul.u32 $0x2800, s5  }
0x6: {  	s1 =	rddreg [dreg:$0x2];
	_ =	strace $0x80000047;
	s5 =	ssub.s32 $0x2, s5  }
0x7: {  	s29 =	sshrl.u32 s5, $0x1;
	s6 =	sadd.s32 s7, s6;
	s28 =	sadd.s32 s8, s9  }
0x8: {  	s31 =	ssub.s32 s5, s29;
	s6 =	sshrl.u32 s6, $0x3;
	s7 =	sshrl.u32 s28, $0x3  }
0x9: {  	s9 =	simm.s32 $0x1;
	s10 =	sadd.s32 s6, s4;
	s30 =	sadd.s32 s7, s4  }
0xa: {  	s4 =	sadd.s32 s8, s2;
	s6 =	smax.u32 s31, $0x1;
	s8 =	simm.s32 $0x100  }
0xb: {  	v0 =	vimm.f32 $1.000000000e+00;
	v1 =	vimm.f32 $0.0e+00;
	s5 =	sadd.s32 $0x1B200, s30;
	s7 =	sadd.s32 $0x11400, s10;
	s10 =	simm.s32 $0x50  }
.LBB2_1:
0xc: {  	[tilespmem:$0x80] =	vst v0  }
0xd: {  	[tilespmem:$0x90] =	vst v0  }
0xe: {  	[tilespmem:$0xA0] =	vst v0  }
0xf: {  	[tilespmem:$0xB0] =	vst v0  }
0x10: {  	[tilespmem:$0xC0] =	vst v0  }
0x11: {  	[tilespmem:$0x100] =	vst v1  }
0x12: {  	[tilespmem:$0x110] =	vst v1  }
0x13: {  	[tilespmem:$0x120] =	vst v1  }
0x14: {  	[tilespmem:$0x130] =	vst v1  }
0x15: {  	[tilespmem:$0x140] =	vst v1  }
0x16: {  	[tilespmem:$0x150] =	vst v1  }
0x17: {  	[tilespmem:$0x160] =	vst v1  }
0x18: {  	[tilespmem:$0x170] =	vst v1  }
0x19: {  	[tilespmem:$0x180] =	vst v1  }
0x1a: {  	[tilespmem:$0x190] =	vst v1  }
0x1b: {  	[tilespmem:$0x1A0] =	vst v1  }
0x1c: {  	[tilespmem:$0x1B0] =	vst v1  }
0x1d: {  	[tilespmem:$0x1C0] =	vst v1  }
0x1e: {  	[tilespmem:$0x1D0] =	vst v1  }
0x1f: {  	[tilespmem:$0x1E0] =	vst v1  }
0x20: {  	[tilespmem:$0x1F0] =	vst v1  }
0x21: {  	[tilespmem:$0x200] =	vst v1  }
0x22: {  	[tilespmem:$0x210] =	vst v1  }
0x23: {  	[tilespmem:$0x220] =	vst v1  }
0x24: {  	[tilespmem:$0x230] =	vst v1  }
0x25: {  	[tilespmem:$0x240] =	vst v1  }
0x26: {  	[tilespmem:$0x250] =	vst v1  }
0x27: {  	[tilespmem:$0x260] =	vst v1  }
0x28: {  	[tilespmem:$0x270] =	vst v1  }
0x29: {  	[tilespmem:$0x280] =	vst v1  }
0x2a: {  	[tilespmem:$0x290] =	vst v1  }
0x2b: {  	[tilespmem:$0x2A0] =	vst v1  }
0x2c: {  	[tilespmem:$0x2B0] =	vst v1  }
0x2d: {  	[tilespmem:$0x2C0] =	vst v1  }
0x2e: {  	[tilespmem:$0x2D0] =	vst v1  }
0x2f: {  	[tilespmem:$0x2E0] =	vst v1  }
0x30: {  	[tilespmem:$0x2F0] =	vst v1  }
0x31: {  	[tilespmem:$0x300] =	vst v1  }
0x32: {  	[tilespmem:$0x310] =	vst v1  }
0x33: {  	[tilespmem:$0x320] =	vst v1  }
0x34: {  	[tilespmem:$0x330] =	vst v1  }
0x35: {  	[tilespmem:$0x340] =	vst v1  }
0x36: {  	[tilespmem:$0x350] =	vst v1  }
0x37: {  	[tilespmem:$0x360] =	vst v1  }
0x38: {  	[tilespmem:$0x370] =	vst v1  }
0x39: {  	[spmem:s4] =	stream.linear.scatter [tilespmem:s8], [sflag:$0x1], $0x280, $0x38;
	[tilespmem:$0x600] =	vst v63  }
0x3a: {  	_ =	swait.ge [sflag:s9], $0x280  }
0x3b: {  	[sflag:s9] =	ssyncset.done $0x0  }
0x3c: {  	[sflag:s9] =	ssyncadd.s32 $0xFFFFFD80  }
0x3d: {  	s13 =	sadd.s32 $0x0, s7;
	[bflag:$0x0] =	sbarrier.arrive $0xFFFF  }
0x3e: {  	[tilespmem:s3], [sflag:$0x1] =	stream.linear.gather [hbm4b:s13+s3], $0x50, $0x38;
	[tilespmem:$0x600] =	vst v63  }
0x3f: {  	_ =	swait.ge [sflag:s9], $0x50  }
0x40: {  	[sflag:s9] =	ssyncset.done $0x0  }
0x41: {  	[sflag:s9] =	ssyncadd.s32 $0xFFFFFFB0  }
0x42: {  	[spmem:s2] =	stream.indirect.scatter.add.f32 [tilespmem:s11], [sflag:$0x1], $0x1, s3, s10, $0xb8;
	[tilespmem:$0x600] =	vst v63  }
0x43: {  	_ =	swait.ge [sflag:s9], $0x50  }
0x44: {  	s14 =	simm.s32 $0x14;
	s13 =	simm.s32 $0xA;
	[sflag:s9] =	ssyncset.done $0x0  }
.LBB2_2:
0x45: {  	s15 =	sadd.s32 s13, s7  }
0x46: {  	[sflag:s9] =	ssyncadd.s32 $0xFFFFFFB0;
	s13 =	smov.u32 s14;
	s16 =	sadd.s32 $0xA, s14  }
0x47: {  	[tilespmem:s3], [sflag:$0x1] =	stream.linear.gather [hbm4b:s15+s3], $0x50, $0x38;
	[tilespmem:$0x600] =	vst v63  }
0x48: {  	p0 =	sne.s32 s14, $0x4D8;
	_ =	swait.ge [sflag:s9], $0x50  }
.Ltmp0:
0x49: {  	[sflag:s9] =	ssyncset.done $0x0;
	(pc) =	sbr.rel @p0 .LBB2_2-.Ltmp0, $4  }
0x4a: {  	[sflag:s9] =	ssyncadd.s32 $0xFFFFFFB0  }
0x4b: {  	[spmem:s2] =	stream.indirect.scatter.add.f32 [tilespmem:s11], [sflag:$0x1], $0x1, s3, s10, $0xb8;
	[tilespmem:$0x600] =	vst v63  }
0x4c: {  	_ =	swait.ge [sflag:s9], $0x50  }
0x4d: {  	s14 =	smov.u32 s16;
	[sflag:s9] =	ssyncset.done $0x0  }
0x4e: {  	s13 =	sadd.s32 s13, s7;
	[sflag:s9] =	ssyncadd.s32 $0xFFFFFFB0  }
0x4f: {  	[tilespmem:s3], [sflag:$0x1] =	stream.linear.gather [hbm4b:s13+s3], $0x50, $0x38;
	[tilespmem:$0x600] =	vst v63  }
0x50: {  	_ =	swait.ge [sflag:s9], $0x50  }
0x51: {  	[sflag:s9] =	ssyncset.done $0x0  }
0x52: {  	[sflag:s9] =	ssyncadd.s32 $0xFFFFFFB0  }
0x53: {  	[spmem:s2] =	stream.indirect.scatter.add.f32 [tilespmem:s11], [sflag:$0x1], $0x1, s3, s10, $0xb8;
	[tilespmem:$0x600] =	vst v63  }
0x54: {  	_ =	swait.ge [sflag:s9], $0x50  }
0x55: {  	[sflag:s9] =	ssyncset.done $0x0  }
0x56: {  	[sflag:s9] =	ssyncadd.s32 $0xFFFFFFB0  }
0x57: {  	[bflag:$0x0] =	sbarrier.arrive $0xFFFF  }
0x58: {  	[tilespmem:s8], [sflag:$0x1] =	stream.linear.gather [spmem:s4], $0x280, $0x38;
	[tilespmem:$0x600] =	vst v63  }
0x59: {  	s12 =	sadd.s32 $0x1, s12;
	_ =	swait.ge [sflag:s9], $0x280  }
0x5a: {  	p0 =	sne.s32 s12, s6;
	[sflag:s9] =	ssyncset.done $0x0  }
.Ltmp1:
0x5b: {  	[sflag:s9] =	ssyncadd.s32 $0xFFFFFD80;
	(pc) =	sbr.rel @p0 .LBB2_1-.Ltmp1, $4  }
0x5c: {  	[hbm4b:s5+s3] =	stream.linear.scatter [tilespmem:s8], [sflag:$0x1], $0x280, $0x38;
	[tilespmem:$0x600] =	vst v63  }
0x5d: {  	_ =	swait.ge [sflag:s9], $0x280  }
0x5e: {  	[sflag:s9] =	ssyncset.done $0x0  }
0x5f: {  	[sflag:s9] =	ssyncadd.s32 $0xFFFFFD80  }
0x60: {  	_ =	sfence.sel $0x180000  }
0x61: {  	[bflag:$0x0] =	sbarrier.arrive $0xFFFF  }
0x62: {  	p0 =	sne.s32 s0, $0x0;
	_ =	strace $0x90000047  }
0x63: {  	s0 =	sadd.s32 @!p0 $0x100000, s1;
	[bflag:$0x2] =	sbarrier.arrive $0xFFFF  }
0x64: {  	[sflag:s0] =	ssyncadd.tile.s32 @!p0 $0x1;
	_ =	shalt  }
.Lfunc_end2:
_tile_overlayer_lowered:
.L_overlay_start_2:
0x65: {  	(tag) =	ssettag $0x2  }
0x66: {  	s0 =	rddreg [dreg:$0x0];
	s2 =	stileid.u32  }
0x67: {  	s1 =	rddreg [dreg:$0x1];
	p0 =	sne.s32 s2, $0x0  }
0x68: {  	s3 =	rddreg [dreg:$0x2];
	[bflag:$0x3] =	sbarrier.arrive $0xFFFF;
	s2 =	simm.s32 @!p0 $0x1C01  }
0x69: {  	[timem:s3], [sflag:s2] =	dma.local @!p0 [hbm:s0], s1  }
0x6a: {  	s0 =	simm.s32 @!p0 $0x1  }
0x6b: {  	_ =	swait.ge @!p0 [sflag:s0], s1  }
0x6c: {  	s1 =	ssub.s32 @!p0 $0x0, s1;
	[sflag:s0] =	ssyncset.done @!p0 $0x0  }
0x6d: {  	[sflag:s0] =	ssyncadd.s32 @!p0 s1  }
0x6e: {  	[bflag:$0x3] =	sbarrier.arrive $0xFFFF  }
0x6f: {  	_ =	shalt  }

// kernel: kernel.16.cloned.1.call-start
scs
__scs_entry_jumppad:
0x0: {  	(pc) =	sbr.rel $0x88, $3  }
0x1: {  	(tag) =	ssettag $0x0;
	lr =	simm.s32 $0x1  }
0x2: {  	[smem:$0x3F8F] =	sst lr;
	_ =	strace $0xD0000000  }
0x3: {  	_ = 	snop  }
0x4: {  	_ = 	snop  }
0x5: {  	_ = 	snop  }
0x6: {  	_ = 	snop  }
0x7: {  	_ = 	snop  }
__scs_overlays_trampoline_lowered:
0x8: {  	[smem:$0x3F9E] =	sst s0  }
0x9: {  	[smem:$0x3F9F] =	sst s1  }
0xa: {  	[smem:$0x3FA0] =	sst s2  }
0xb: {  	[smem:$0x3FA1] =	sst s3  }
0xc: {  	[smem:$0x3FA2] =	sst s4  }
0xd: {  	[smem:$0x3FA3] =	sst s5  }
0xe: {  	[smem:$0x3FA4] =	sst s6  }
0xf: {  	[smem:$0x3FA5] =	sst s7  }
0x10: {  	[smem:$0x3FA6] =	sst s8  }
0x11: {  	[smem:$0x3FA7] =	sst s9;
	s0 =	simm.s32 @!p0 $0x0  }
0x12: {  	s1 =	sld [smem:$0x3F8D];
	s0 =	simm.s32 @p0 $0x1  }
0x13: {  	[smem:$0x3FA8] =	sst s0;
	s0 =	simm.s32 @!p1 $0x0  }
0x14: {  	s2 =	sld [smem:$0x3F8C];
	s0 =	simm.s32 @p1 $0x1  }
0x15: {  	[smem:$0x3FA9] =	sst s0;
	s0 =	simm.s32 @!p2 $0x0  }
0x16: {  	s3 =	sld [smem:$0x3FDB];
	s0 =	simm.s32 @p2 $0x1  }
0x17: {  	s4 =	simm.s32 $0x1BF5;
	[smem:$0x3FAB] =	sst s0  }
0x18: {  	s0 =	sld [smem:$0x3F8E];
	_ =	swait.ge [sflag:s4], $0x0  }
0x19: {  	s7 =	sld [smem:$0x3F8F]  }
0x1a: {  	s8 =	sadd.s32 $0xFFFFE003, lr  }
0x1b: {  	s9 =	sadd.s32 $0xFFFFFEF7, lr;
	s5 =	simm.s32 $0xFFFFFFFF;
	p2 =	slt.u32 s8, $0xFFFFF086  }
0x1c: {  	p1 =	slt.u32 s9, $0xF7A;
	s5 =	simm.s32 @!p2 $0x0  }
0x1d: {  	s5 =	simm.s32 @p1 $0x1;
	p0 =	seq.s32 s7, s2  }
0x1e: {  	s7 =	smul.u32 @!p0 $0xF7A, s2;
	p2 =	seq.s32 @!p0 s5, $0x0  }
0x1f: {  	s9 =	smul.u32 $0xF7A, s1;
	s8 =	simm.s32 @!p0 $0x1BF5;
	p2 =	por !p2, p0  }
0x20: {  	[sflag:s8] =	ssyncset.s32 @!p0 $0xFFFFF086;
	s6 =	sadd.s32 @!p0 s3, s7;
	s7 =	simm.s32 @!p0 $0x108  }
0x21: {  	s3 =	sadd.s32 s3, s9;
	s6 =	sadd.s32 @!p0 $0x88, s6;
	s7 =	simm.s32 @p2 $0x1082  }
0x22: {  	[simem:s7], [sflag:s8] =	dma.local @!p0 [hbm:s6], $0xF7A  }
0x23: {  	s9 =	sor.u32 $0xD0000000, s2;
	s6 =	simm.s32 $0x108;
	_ =	swait.ge @!p0 [sflag:s8], $0x0  }
0x24: {  	s3 =	sadd.s32 $0x88, s3;
	s6 =	simm.s32 @!p1 $0x1082;
	[sflag:s4] =	ssyncset.s32 $0xFFFFF086  }
0x25: {  	[simem:s6], [sflag:s4] =	dma.local [hbm:s3], $0xF7A  }
0x26: {  	[smem:$0x3F8F] =	sst s1;
	(tag) =	ssettag s2;
	_ =	strace s9  }
0x27: {  	s1 =	sld [smem:$0x3F9F]  }
0x28: {  	s2 =	sld [smem:$0x3FA0]  }
0x29: {  	s4 =	sld [smem:$0x3FA2]  }
0x2a: {  	p0 =	seq.s32 s5, $0x0;
	s5 =	sld [smem:$0x3FA3]  }
0x2b: {  	s6 =	sld [smem:$0x3FA4]  }
0x2c: {  	s7 =	sld [smem:$0x3FA5]  }
0x2d: {  	s3 =	simm.s32 $0x108;
	s8 =	sld [smem:$0x3FA6]  }
0x2e: {  	s3 =	simm.s32 @!p0 $0x1082;
	s9 =	sld [smem:$0x3FA7]  }
0x2f: {  	lr =	sadd.s32 s0, s3;
	s0 =	sld [smem:$0x3F9E]  }
0x30: {  	s3 =	sld [smem:$0x3FA1]  }
0x31: {  	[smem:$0x3FAA] =	sst s10  }
0x32: {  	s10 =	sld [smem:$0x3FA8];
	_ =	sdelay $0x3  }
0x33: {  	p0 =	seq.s32 s10, $0x1;
	s10 =	sld [smem:$0x3FAA];
	_ =	sdelay $0x3  }
0x34: {  	[smem:$0x3FAA] =	sst s10  }
0x35: {  	s10 =	sld [smem:$0x3FA9];
	_ =	sdelay $0x3  }
0x36: {  	p1 =	seq.s32 s10, $0x1;
	s10 =	sld [smem:$0x3FAA];
	_ =	sdelay $0x3  }
0x37: {  	[smem:$0x3FAA] =	sst s10  }
0x38: {  	s10 =	sld [smem:$0x3FAB]  }
0x39: {  	_ = 	snop;
	(pc) =	sbr.ind lr, $3  }
0x3a: {  	_ = 	snop  }
0x3b: {  	_ = 	snop  }
0x3c: {  	p2 =	seq.s32 s10, $0x1;
	s10 =	sld [smem:$0x3FAA]  }
0x3d: {  	_ =	shalt  }
0x3e: {  	_ =	shalt  }
0x3f: {  	_ =	shalt  }
0x40: {  	_ =	shalt  }
0x41: {  	_ =	shalt  }
0x42: {  	_ =	shalt  }
0x43: {  	_ =	shalt  }
0x44: {  	_ =	shalt  }
0x45: {  	_ =	shalt  }
0x46: {  	_ =	shalt  }
0x47: {  	_ =	shalt  }
0x48: {  	_ =	shalt  }
0x49: {  	_ =	shalt  }
0x4a: {  	_ =	shalt  }
0x4b: {  	_ =	shalt  }
0x4c: {  	_ =	shalt  }
0x4d: {  	_ =	shalt  }
0x4e: {  	_ =	shalt  }
0x4f: {  	_ =	shalt  }
0x50: {  	_ =	shalt  }
0x51: {  	_ =	shalt  }
0x52: {  	_ =	shalt  }
0x53: {  	_ =	shalt  }
0x54: {  	_ =	shalt  }
0x55: {  	_ =	shalt  }
0x56: {  	_ =	shalt  }
0x57: {  	_ =	shalt  }
0x58: {  	_ =	shalt  }
0x59: {  	_ =	shalt  }
0x5a: {  	_ =	shalt  }
0x5b: {  	_ =	shalt  }
0x5c: {  	_ =	shalt  }
0x5d: {  	_ =	shalt  }
0x5e: {  	_ =	shalt  }
0x5f: {  	_ =	shalt  }
0x60: {  	_ =	shalt  }
0x61: {  	_ =	shalt  }
0x62: {  	_ =	shalt  }
0x63: {  	_ =	shalt  }
0x64: {  	_ =	shalt  }
0x65: {  	_ =	shalt  }
0x66: {  	_ =	shalt  }
0x67: {  	_ =	shalt  }
0x68: {  	_ =	shalt  }
0x69: {  	_ =	shalt  }
0x6a: {  	_ =	shalt  }
0x6b: {  	_ =	shalt  }
0x6c: {  	_ =	shalt  }
0x6d: {  	_ =	shalt  }
0x6e: {  	_ =	shalt  }
0x6f: {  	_ =	shalt  }
0x70: {  	_ =	shalt  }
0x71: {  	_ =	shalt  }
0x72: {  	_ =	shalt  }
0x73: {  	_ =	shalt  }
0x74: {  	_ =	shalt  }
0x75: {  	_ =	shalt  }
0x76: {  	_ =	shalt  }
0x77: {  	_ =	shalt  }
0x78: {  	_ =	shalt  }
0x79: {  	_ =	shalt  }
0x7a: {  	_ =	shalt  }
0x7b: {  	_ =	shalt  }
0x7c: {  	_ =	shalt  }
0x7d: {  	_ =	shalt  }
0x7e: {  	_ =	shalt  }
0x7f: {  	_ =	shalt  }
0x80: {  	_ =	shalt  }
0x81: {  	_ =	shalt  }
0x82: {  	_ =	shalt  }
0x83: {  	_ =	shalt  }
0x84: {  	_ =	shalt  }
0x85: {  	_ =	shalt  }
0x86: {  	_ =	shalt  }
0x87: {  	_ =	shalt  }
.Lfunc_end0:
.L_simem_size_0:
called_computation.1_lowered:
.L_overlay_start_0:
0x88: {  	s2 =	sld [smem:$0x3FD9]  }
0x89: {  	s3 =	sld [smem:$0x3FFE];
	_ =	sdelay $0x1  }
0x8a: {  	s1 =	srdreg.scid  }
0x8b: {  	s0 =	sand.u32 $0x1, s1  }
0x8c: {  	s17 =	sshll.u32 s0, $0xA;
	s2 =	sadd.s32 s3, s2  }
0x8d: {  	s2 =	sadd.s32 s2, s17  }
0x8e: {  	[smem:$0x3FB6] =	sst s2  }
0x8f: {  	_ = 	snop  }
0x90: {  	(tm) =	ssettm $0x1  }
0x91: {  	s18 =	sld [smem:$0x3FFB];
	_ =	sdelay $0x3  }
0x92: {  	_ =	strace s18  }
0x93: {  	s2 =	sld [smem:$0x3FFC];
	_ =	sdelay $0x3  }
0x94: {  	_ =	strace s2  }
0x95: {  	s2 =	sld [smem:$0x3FFD];
	_ =	sdelay $0x3  }
0x96: {  	_ =	strace s2  }
0x97: {  	_ =	strace $0x8FFFFFFF  }
0x98: {  	s19 =	sld [smem:$0x3FDB];
	_ =	sdelay $0x1  }
0x99: {  	s20 =	simm.s32 $_scs_section_size  }
0x9a: {  	s4 =	simm.s32 $_size__tile_overlayer_lowered;
	s5 =	simm.s32 $_tile_overlayer_lowered  }
0x9b: {  	s6 =	simm.s32 $0x1BFF;
	s21 =	sshll.u32 s5, $0x1;
	s3 =	sadd.s32 s20, s19  }
0x9c: {  	s22 =	simm.s32 $0x0;
	s4 =	sshll.u32 s4, $0x1;
	s5 =	sadd.s32 s21, s3  }
0x9d: {  	[timem:s22], [sflag:s6] =	dma.local [hbm:s5], s4  }
0x9e: {  	_ =	swait.ge [sflag:s6], s4  }
0x9f: {  	s4 =	ssub.s32 $0x0, s4;
	[sflag:s6] =	ssyncset.done $0x0  }
0xa0: {  	[sflag:s6] =	ssyncadd.s32 s4;
	_ =	sdelay $0x1  }
0xa1: {  	s23 =	simm.s32 $0x1B8B  }
0xa2: {  	_ =	swait.ge [sflag:s23], $0x1  }
0xa3: {  	[sflag:s23] =	ssyncset.done $0x0  }
0xa4: {  	[sflag:s23] =	ssyncadd.s32 $0xFFFFFFFF  }
0xa5: {  	s4 =	sld [smem:$0x0]  }
0xa6: {  	s5 =	sand.u32 $0xFFFFFFFE, s1  }
0xa7: {  	p0 =	sne.s32 s1, s5  }
0xa8: {  	s5 =	sshll.u32 @p0 s5, $0xE  }
0xa9: {  	s5 =	sadd.s32 @p0 $0x11B8D, s5;
	s6 =	sshll.u32 @p0 s4, $0x11  }
0xaa: {  	s5 =	sor.u32 @p0 s6, s5  }
0xab: {  	[sflag:s5] =	ssyncadd.remote.s32 @p0 $0x1;
	_ =	sdelay $0x1  }
0xac: {  	s5 =	simm.s32 @p0 $0x1B8D  }
0xad: {  	_ =	swait.eq @p0 [sflag:s5], $0x1  }
0xae: {  	[sflag:s5] =	ssyncadd.s32 @p0 $0xFFFFFFFF  }
0xaf: {  	s6 =	sshll.u32 @!p0 s1, $0xE  }
0xb0: {  	s6 =	sor.u32 @!p0 $0x4000, s6;
	s5 =	simm.s32 @!p0 $0x1B8D  }
0xb1: {  	s4 =	sshll.u32 @!p0 s4, $0x11;
	s6 =	sadd.s32 @!p0 $0x11B8D, s6;
	_ =	swait.eq @!p0 [sflag:s5], $0x1  }
0xb2: {  	s4 =	sor.u32 @!p0 s4, s6;
	[sflag:s5] =	ssyncadd.s32 @!p0 $0xFFFFFFFF  }
0xb3: {  	s25 =	simm.s32 $0x1B8E;
	s24 =	sld [smem:$0x3FFE];
	[sflag:s4] =	ssyncadd.remote.s32 @!p0 $0x1  }
0xb4: {  	s26 =	simm.s32 $execute0_lowered;
	[smem:$0x3FD2] =	sst s25  }
0xb5: {  	s5 =	sshll.u32 s26, $0x1;
	_ =	strace $0x8000004C;
	[dreg:$0x1] =	wrdreg $0xFFFFFFFF  }
0xb6: {  	s28 =	simm.s32 $_size_execute0_lowered;
	s3 =	sadd.s32 s3, s5;
	[dreg:$0x0] =	wrdreg $0x0  }
0xb7: {  	s5 =	sshll.u32 s28, $0x1;
	[dreg:$0x2] =	wrdreg s3  }
0xb8: {  	[dreg:$0x3] =	wrdreg s5  }
0xb9: {  	[dreg:$0x4] =	wrdreg $0xC0  }
0xba: {  	_ =	task [dreg:s22], $0x5FFFF  }
0xbb: {  	[dreg:$0x1] =	wrdreg $0xFFFFFFFF  }
0xbc: {  	[dreg:$0x0] =	wrdreg $0x60  }
0xbd: {  	[dreg:$0x2] =	wrdreg s24  }
0xbe: {  	[dreg:$0x3] =	wrdreg $0x6A000  }
0xbf: {  	[dreg:$0x4] =	wrdreg $0x9  }
0xc0: {  	_ =	task.clear_ibuf [dreg:s22], $0x5FFFF;
	_ =	strace $0x9000004C  }
0xc1: {  	s29 =	simm.s32 $0x9;
	_ =	strace $0x8000004E  }
0xc2: {  	_ =	swait.ge [sflag:s29], $0x1  }
0xc3: {  	[sflag:s29] =	ssyncadd.s32 $0xFFFFFFFF  }
0xc4: {  	_ =	strace $0x9000004E  }
0xc5: {  	_ =	sfence  }
0xc6: {  	s30 =	sld [smem:$0x0];
	_ =	sdelay $0x2  }
0xc7: {  	s31 =	sshll.u32 s1, $0xD;
	s1 =	sshrl.u32 s1, $0x2  }
0xc8: {  	s4 =	sand.u32 $0x4000, s31;
	s1 =	sadd.s32 s1, s30  }
0xc9: {  	s0 =	sor.u32 s4, s0;
	s1 =	sshll.u32 s1, $0x11  }
0xca: {  	s0 =	sor.u32 s1, s0  }
0xcb: {  	s0 =	sadd.s32 $0x8F2B, s0  }
0xcc: {  	[sflag:s0] =	ssyncadd.remote.s32 $0x1  }
0xcd: {  	_ =	sfence.sel $0xFFFF  }
0xce: {  	[dreg:$0x0] =	wrdreg $0xFFFFFFFF;
	(pc) =	sbr.abs _section_cstart, $3  }
0xcf: {  	[dreg:$0x1] =	wrdreg $0xFFFFFFFF  }
0xd0: {  	_ =	task.clear_ibuf [dreg:s22], $0x2FFFF;
	_ =	strace $0x9FFFFFFF  }
0xd1: {  	(tm) =	ssettm $0x7FFFFFFF  }
tec
execute0_lowered:
.L_overlay_start_1:
0x0: {  	(tag) =	ssettag $0x1  }
0x1: {  	s0 =	rddreg [dreg:$0x0]  }
0x2: {  	s1 =	rddreg [dreg:$0x1]  }
0x3: {  	s2 =	simm.s32 $0x0;
	s3 =	srdreg.scid;
	s21 =	stileid.u32  }
0x4: {  	s28 =	simm.s32 $0x100;
	s29 =	simm.s32 $0x80;
	s30 =	simm.s32 $0x1  }
0x5: {  	s31 =	simm.s32 $0x180;
	[smem:$0x7FF] =	sst s2;
	s4 =	sadd.s32 $0xE0800, s0  }
0x6: {  	s5 =	sadd.s32 $0x7600, s0;
	s3 =	sand.u32 $0x1, s3;
	s7 =	smul.u32 $0x50000, s21  }
0x7: {  	s12 =	sadd.s32 $0x11400, s0;
	s0 =	sadd.s32 $0x12EC00, s0;
	s11 =	smul.u32 $0x14000, s21  }
0x8: {  	s23 =	sshll.u32 s21, $0x1;
	s26 =	smul.u32 $0x4E20, s21;
	_ =	strace $0x8000004D  }
0x9: {  	s6 =	ssub.s32 $0x2, s3;
	s24 =	sor.u32 s3, s23;
	s17 =	smul.u32 $0x140000, s3  }
0xa: {  	s3 =	smul.u32 $0x2710, s3;
	s8 =	sshrl.u32 s6, $0x1;
	s7 =	sshrl.u32 s7, $0x2  }
0xb: {  	s13 =	sadd.s32 $0x4000, s11;
	s14 =	sadd.s32 $0x8000, s11;
	s10 =	smul.u32 $0x2710, s24  }
0xc: {  	s16 =	sadd.s32 $0xC000, s11;
	s19 =	sadd.s32 $0x10000, s11;
	s18 =	ssub.s32 s6, s8  }
0xd: {  	s6 =	sadd.s32 s7, s1;
	s7 =	sadd.s32 s13, s1;
	s8 =	sadd.s32 s14, s1  }
0xe: {  	s9 =	sadd.s32 s16, s1;
	s11 =	sadd.s32 s11, s17;
	s13 =	sadd.s32 s17, s13  }
0xf: {  	s14 =	sadd.s32 s17, s14;
	s22 =	sadd.s32 s17, s16;
	s23 =	sadd.s32 s17, s19  }
0x10: {  	s3 =	sadd.s32 s3, s26;
	s15 =	sshrl.u32 s10, $0x3;
	s10 =	sadd.s32 s19, s1  }
0x11: {  	s11 =	sshrl.u32 s11, $0x3;
	s13 =	sshrl.u32 s13, $0x3;
	s14 =	sshrl.u32 s14, $0x3  }
0x12: {  	s17 =	sshrl.u32 s23, $0x3;
	s24 =	sadd.s32 $0x50, s3;
	s18 =	smax.u32 s18, $0x1  }
0x13: {  	s26 =	sshrl.u32 s3, $0x3;
	s20 =	sadd.s32 s12, s15;
	s15 =	sadd.s32 s5, s15  }
0x14: {  	s23 =	simm.s32 $0x2A00;
	s11 =	sadd.s32 s0, s11;
	[dreg:$0x3] =	wrdreg s15  }
0x15: {  	s17 =	sadd.s32 s0, s17;
	s25 =	sadd.s32 $0x4D8, s20;
	[dreg:$0x5] =	wrdreg s11  }
0x16: {  	s15 =	sadd.s32 s0, s13;
	s11 =	sshrl.u32 s22, $0x3;
	[dreg:$0x4] =	wrdreg s25  }
0x17: {  	s22 =	sadd.s32 s26, s12;
	s26 =	simm.s32 $0x200;
	[dreg:$0x6] =	wrdreg s15  }
0x18: {  	s15 =	sadd.s32 s0, s14;
	s16 =	sadd.s32 s0, s11;
	s25 =	sshrl.u32 s24, $0x3  }
0x19: {  	s11 =	sadd.s32 $0xA0, s3;
	s24 =	simm.s32 $0x2;
	s0 =	simm.s32 $0x0  }
0x1a: {  	v0 =	vimm.f32 $0.0e+00;
	s19 =	sadd.s32 s25, s12;
	s20 =	sadd.s32 s25, s5;
	s25 =	simm.s32 $0x50  }
.LBB2_1:
0x1b: {  	s3 =	simm.s32 $0x0  }
0x1c: {  	s12 =	sand.u32 $0xFFFFFF80, s3  }
0x1d: {  	s12 =	ssub.s32 $0x0, s12  }
0x1e: {  	s3 =	sand.u32 $0x3FFFFF80, s3;
	s12 =	sand.u32 $0xFFFFFF80, s12  }
0x1f: {  	s21 =	sand.u32 $0x70, s2;
	s12 =	sadd.s32 s12, s3  }
0x20: {  	s3 =	simm.s32 $0x1;
	s12 =	sor.u32 s21, s12;
	s21 =	simm.s32 $0x0  }
.LBB2_2:
0x21: {  	s13 =	sshll.u32 s3, $0x4;
	p0 =	sne.s32 s3, $0x3FF;
	s3 =	sadd.s32 $0x1, s3;
	[tilespmem:s12+$0x2A00] =	vst v0  }
.Ltmp0:
0x22: {  	s21 =	sadd.s32 $0x10, s21;
	s12 =	sand.u32 $0xFFFFFF80, s13;
	(pc) =	sbr.rel @p0 .LBB2_2-.Ltmp0, $4  }
0x23: {  	s12 =	ssub.s32 s21, s12  }
0x24: {  	s13 =	sand.u32 $0x3FFFFF80, s13;
	s12 =	sand.u32 $0xFFFFFF80, s12  }
0x25: {  	s14 =	sand.u32 $0x70, s21;
	s12 =	sadd.s32 s12, s13  }
0x26: {  	s12 =	sor.u32 s14, s12  }
0x27: {  	[tilespmem:s12+$0x2A00] =	vst v0  }
0x28: {  	[spmem:s6] =	stream.linear.scatter [tilespmem:s23], [sflag:$0x2], $0x4000, $0x38;
	[tilespmem:$0x1AA00] =	vst v63  }
0x29: {  	_ =	swait.ge [sflag:s24], $0x4000  }
0x2a: {  	[sflag:s24] =	ssyncset.done $0x0  }
0x2b: {  	[sflag:s24] =	ssyncadd.s32 $0xFFFFC000  }
0x2c: {  	[spmem:s7] =	stream.linear.scatter [tilespmem:s23], [sflag:$0x2], $0x4000, $0x38;
	[tilespmem:$0x1AA00] =	vst v63  }
0x2d: {  	_ =	swait.ge [sflag:s24], $0x4000  }
0x2e: {  	[sflag:s24] =	ssyncset.done $0x0  }
0x2f: {  	[sflag:s24] =	ssyncadd.s32 $0xFFFFC000  }
0x30: {  	[spmem:s8] =	stream.linear.scatter [tilespmem:s23], [sflag:$0x2], $0x4000, $0x38;
	[tilespmem:$0x1AA00] =	vst v63  }
0x31: {  	_ =	swait.ge [sflag:s24], $0x4000  }
0x32: {  	[sflag:s24] =	ssyncset.done $0x0  }
0x33: {  	[sflag:s24] =	ssyncadd.s32 $0xFFFFC000  }
0x34: {  	[spmem:s9] =	stream.linear.scatter [tilespmem:s23], [sflag:$0x2], $0x4000, $0x38;
	[tilespmem:$0x1AA00] =	vst v63  }
0x35: {  	_ =	swait.ge [sflag:s24], $0x4000  }
0x36: {  	[sflag:s24] =	ssyncset.done $0x0  }
0x37: {  	[sflag:s24] =	ssyncadd.s32 $0xFFFFC000  }
0x38: {  	[spmem:s10] =	stream.linear.scatter [tilespmem:s23], [sflag:$0x2], $0x4000, $0x38;
	[tilespmem:$0x1AA00] =	vst v63  }
0x39: {  	_ =	swait.ge [sflag:s24], $0x4000  }
0x3a: {  	[sflag:s24] =	ssyncset.done $0x0  }
0x3b: {  	[sflag:s24] =	ssyncadd.s32 $0xFFFFC000  }
0x3c: {  	[bflag:$0x0] =	sbarrier.arrive $0xFFFF  }
0x3d: {  	s3 =	simm.s32 $0x0;
	s21 =	rddreg [dreg:$0x3]  }
0x3e: {  	[tilespmem:s3], [sflag:$0x2] =	stream.linear.gather [hbm4b:s21+s3], $0x50, $0x38;
	[tilespmem:$0x1AA00] =	vst v63  }
0x3f: {  	_ =	swait.ge [sflag:s24], $0x50  }
0x40: {  	[sflag:s24] =	ssyncset.done $0x0  }
0x41: {  	[sflag:s24] =	ssyncadd.s32 $0xFFFFFFB0  }
0x42: {  	[tilespmem:s26], [sflag:$0x1] =	stream.indirect.gather [hbm4b:s4+s25], $0x80, s2, s25, $0xb8;
	[tilespmem:$0x1AA00] =	vst v63  }
0x43: {  	s12 =	sadd.s32 $0x0, s22  }
0x44: {  	[tilespmem:s28], [sflag:$0x2] =	stream.linear.gather [hbm4b:s12+s2], $0x50, $0x38;
	[tilespmem:$0x1AA00] =	vst v63  }
0x45: {  	_ =	swait.ge [sflag:s24], $0x50  }
0x46: {  	[sflag:s24] =	ssyncset.done $0x0  }
0x47: {  	s13 =	sadd.s32 $0x0, s20;
	[sflag:s24] =	ssyncadd.s32 $0xFFFFFFB0  }
0x48: {  	[tilespmem:s29], [sflag:$0x2] =	stream.linear.gather [hbm4b:s13+s2], $0x50, $0x38;
	[tilespmem:$0x1AA00] =	vst v63  }
0x49: {  	_ =	swait.ge [sflag:s24], $0x50  }
0x4a: {  	[sflag:s24] =	ssyncset.done $0x0  }
0x4b: {  	[sflag:s24] =	ssyncadd.s32 $0xFFFFFFB0  }
0x4c: {  	_ =	swait.ge [sflag:s30], $0x2800  }
0x4d: {  	[sflag:s30] =	ssyncset.done $0x0  }
0x4e: {  	[sflag:s30] =	ssyncadd.s32 $0xFFFFD800  }
0x4f: {  	[spmem:s1] =	stream.indirect.scatter.add.f32 [tilespmem:s26], [sflag:$0x2], $0x80, s28, s25, $0xb8;
	[tilespmem:$0x1AA00] =	vst v63  }
0x50: {  	_ =	swait.ge [sflag:s24], $0x2800  }
0x51: {  	[sflag:s24] =	ssyncset.done $0x0  }
0x52: {  	[sflag:s24] =	ssyncadd.s32 $0xFFFFD800  }
0x53: {  	[tilespmem:s26], [sflag:$0x1] =	stream.indirect.gather [hbm4b:s4+s25], $0x80, s29, s25, $0xb8;
	[tilespmem:$0x1AA00] =	vst v63  }
0x54: {  	s14 =	sadd.s32 $0x0, s19  }
0x55: {  	[tilespmem:s31], [sflag:$0x2] =	stream.linear.gather [hbm4b:s14+s2], $0x50, $0x38;
	[tilespmem:$0x1AA00] =	vst v63  }
0x56: {  	_ =	swait.ge [sflag:s24], $0x50  }
0x57: {  	s21 =	sshrl.u32 s11, $0x3;
	[sflag:s24] =	ssyncset.done $0x0  }
0x58: {  	s3 =	sadd.s32 s5, s21;
	[sflag:s24] =	ssyncadd.s32 $0xFFFFFFB0  }
0x59: {  	[tilespmem:s2], [sflag:$0x2] =	stream.linear.gather [hbm4b:s3+s2], $0x50, $0x38;
	[tilespmem:$0x1AA00] =	vst v63  }
0x5a: {  	_ =	swait.ge [sflag:s24], $0x50  }
0x5b: {  	[sflag:s24] =	ssyncset.done $0x0  }
0x5c: {  	[sflag:s24] =	ssyncadd.s32 $0xFFFFFFB0  }
0x5d: {  	_ =	swait.ge [sflag:s30], $0x2800  }
0x5e: {  	[sflag:s30] =	ssyncset.done $0x0  }
0x5f: {  	[sflag:s30] =	ssyncadd.s32 $0xFFFFD800  }
0x60: {  	[spmem:s1] =	stream.indirect.scatter.add.f32 [tilespmem:s26], [sflag:$0x2], $0x80, s31, s25, $0xb8;
	[tilespmem:$0x1AA00] =	vst v63  }
0x61: {  	_ =	swait.ge [sflag:s24], $0x2800  }
0x62: {  	s21 =	smov.u32 s11;
	s3 =	simm.s32 $0x14;
	[sflag:s24] =	ssyncset.done $0x0  }
.LBB2_4:
0x63: {  	p0 =	sne.s32 s3, $0x4C4;
	[sflag:s24] =	ssyncadd.s32 $0xFFFFD800;
	s21 =	sadd.s32 $0xA0, s21  }
0x64: {  	[tilespmem:s26], [sflag:$0x1] =	stream.indirect.gather [hbm4b:s4+s25], $0x80, s2, s25, $0xb8;
	[tilespmem:$0x1AA00] =	vst v63  }
0x65: {  	s12 =	sadd.s32 s3, s22;
	s13 =	smov.u32 s3;
	s3 =	sadd.s32 $0x14, s3  }
0x66: {  	[tilespmem:s28], [sflag:$0x2] =	stream.linear.gather [hbm4b:s12+s2], $0x50, $0x38;
	[tilespmem:$0x1AA00] =	vst v63  }
0x67: {  	_ =	swait.ge [sflag:s24], $0x50  }
0x68: {  	[sflag:s24] =	ssyncset.done $0x0  }
0x69: {  	s12 =	sadd.s32 s13, s20;
	[sflag:s24] =	ssyncadd.s32 $0xFFFFFFB0  }
0x6a: {  	[tilespmem:s29], [sflag:$0x2] =	stream.linear.gather [hbm4b:s12+s2], $0x50, $0x38;
	[tilespmem:$0x1AA00] =	vst v63  }
0x6b: {  	_ =	swait.ge [sflag:s24], $0x50  }
0x6c: {  	[sflag:s24] =	ssyncset.done $0x0  }
0x6d: {  	[sflag:s24] =	ssyncadd.s32 $0xFFFFFFB0  }
0x6e: {  	_ =	swait.ge [sflag:s30], $0x2800  }
0x6f: {  	[sflag:s30] =	ssyncset.done $0x0  }
0x70: {  	[sflag:s30] =	ssyncadd.s32 $0xFFFFD800  }
0x71: {  	[spmem:s1] =	stream.indirect.scatter.add.f32 [tilespmem:s26], [sflag:$0x2], $0x80, s28, s25, $0xb8;
	[tilespmem:$0x1AA00] =	vst v63  }
0x72: {  	_ =	swait.ge [sflag:s24], $0x2800  }
0x73: {  	[sflag:s24] =	ssyncset.done $0x0  }
0x74: {  	[sflag:s24] =	ssyncadd.s32 $0xFFFFD800  }
0x75: {  	[tilespmem:s26], [sflag:$0x1] =	stream.indirect.gather [hbm4b:s4+s25], $0x80, s29, s25, $0xb8;
	[tilespmem:$0x1AA00] =	vst v63  }
0x76: {  	s12 =	sadd.s32 s13, s19  }
0x77: {  	[tilespmem:s31], [sflag:$0x2] =	stream.linear.gather [hbm4b:s12+s2], $0x50, $0x38;
	[tilespmem:$0x1AA00] =	vst v63  }
0x78: {  	_ =	swait.ge [sflag:s24], $0x50  }
0x79: {  	s12 =	sshrl.u32 s21, $0x3;
	[sflag:s24] =	ssyncset.done $0x0  }
0x7a: {  	s12 =	sadd.s32 s5, s12;
	[sflag:s24] =	ssyncadd.s32 $0xFFFFFFB0  }
0x7b: {  	[tilespmem:s2], [sflag:$0x2] =	stream.linear.gather [hbm4b:s12+s2], $0x50, $0x38;
	[tilespmem:$0x1AA00] =	vst v63  }
0x7c: {  	_ =	swait.ge [sflag:s24], $0x50  }
0x7d: {  	[sflag:s24] =	ssyncset.done $0x0  }
0x7e: {  	[sflag:s24] =	ssyncadd.s32 $0xFFFFFFB0  }
0x7f: {  	_ =	swait.ge [sflag:s30], $0x2800  }
.Ltmp1:
0x80: {  	[sflag:s30] =	ssyncset.done $0x0;
	(pc) =	sbr.rel @p0 .LBB2_4-.Ltmp1, $4  }
0x81: {  	[sflag:s30] =	ssyncadd.s32 $0xFFFFD800  }
0x82: {  	[spmem:s1] =	stream.indirect.scatter.add.f32 [tilespmem:s26], [sflag:$0x2], $0x80, s31, s25, $0xb8;
	[tilespmem:$0x1AA00] =	vst v63  }
0x83: {  	_ =	swait.ge [sflag:s24], $0x2800  }
0x84: {  	[sflag:s24] =	ssyncset.done $0x0  }
0x85: {  	[sflag:s24] =	ssyncadd.s32 $0xFFFFD800  }
0x86: {  	[tilespmem:s26], [sflag:$0x1] =	stream.indirect.gather [hbm4b:s4+s25], $0x80, s2, s25, $0xb8;
	[tilespmem:$0x1AA00] =	vst v63  }
0x87: {  	s3 =	rddreg [dreg:$0x4]  }
0x88: {  	[tilespmem:s28], [sflag:$0x2] =	stream.linear.gather [hbm4b:s3+s2], $0x50, $0x38;
	[tilespmem:$0x1AA00] =	vst v63  }
0x89: {  	_ =	swait.ge [sflag:s24], $0x50  }
0x8a: {  	[sflag:s24] =	ssyncset.done $0x0  }
0x8b: {  	[sflag:s24] =	ssyncadd.s32 $0xFFFFFFB0  }
0x8c: {  	_ =	swait.ge [sflag:s30], $0x2800  }
0x8d: {  	[sflag:s30] =	ssyncset.done $0x0  }
0x8e: {  	[sflag:s30] =	ssyncadd.s32 $0xFFFFD800  }
0x8f: {  	[spmem:s1] =	stream.indirect.scatter.add.f32 [tilespmem:s26], [sflag:$0x2], $0x80, s28, s25, $0xb8;
	[tilespmem:$0x1AA00] =	vst v63  }
0x90: {  	_ =	swait.ge [sflag:s24], $0x2800  }
0x91: {  	[sflag:s24] =	ssyncset.done $0x0  }
0x92: {  	[sflag:s24] =	ssyncadd.s32 $0xFFFFD800  }
0x93: {  	[bflag:$0x0] =	sbarrier.arrive $0xFFFF  }
0x94: {  	[tilespmem:s23], [sflag:$0x2] =	stream.linear.gather [spmem:s6], $0x4000, $0x38;
	[tilespmem:$0x1AA00] =	vst v63  }
0x95: {  	_ =	swait.ge [sflag:s24], $0x4000  }
0x96: {  	[sflag:s24] =	ssyncset.done $0x0  }
0x97: {  	s14 =	rddreg [dreg:$0x5];
	[sflag:s24] =	ssyncadd.s32 $0xFFFFC000  }
0x98: {  	[hbm4b:s14+s2] =	stream.linear.scatter [tilespmem:s23], [sflag:$0x2], $0x4000, $0x38;
	[tilespmem:$0x1AA00] =	vst v63  }
0x99: {  	_ =	swait.ge [sflag:s24], $0x4000  }
0x9a: {  	[sflag:s24] =	ssyncset.done $0x0  }
0x9b: {  	[sflag:s24] =	ssyncadd.s32 $0xFFFFC000  }
0x9c: {  	[tilespmem:s23], [sflag:$0x2] =	stream.linear.gather [spmem:s7], $0x4000, $0x38;
	[tilespmem:$0x1AA00] =	vst v63  }
0x9d: {  	_ =	swait.ge [sflag:s24], $0x4000  }
0x9e: {  	[sflag:s24] =	ssyncset.done $0x0  }
0x9f: {  	s21 =	rddreg [dreg:$0x6];
	[sflag:s24] =	ssyncadd.s32 $0xFFFFC000  }
0xa0: {  	[hbm4b:s21+s2] =	stream.linear.scatter [tilespmem:s23], [sflag:$0x2], $0x4000, $0x38;
	[tilespmem:$0x1AA00] =	vst v63  }
0xa1: {  	_ =	swait.ge [sflag:s24], $0x4000  }
0xa2: {  	[sflag:s24] =	ssyncset.done $0x0  }
0xa3: {  	[sflag:s24] =	ssyncadd.s32 $0xFFFFC000  }
0xa4: {  	[tilespmem:s23], [sflag:$0x2] =	stream.linear.gather [spmem:s8], $0x4000, $0x38;
	[tilespmem:$0x1AA00] =	vst v63  }
0xa5: {  	_ =	swait.ge [sflag:s24], $0x4000  }
0xa6: {  	[sflag:s24] =	ssyncset.done $0x0  }
0xa7: {  	[sflag:s24] =	ssyncadd.s32 $0xFFFFC000  }
0xa8: {  	[hbm4b:s15+s2] =	stream.linear.scatter [tilespmem:s23], [sflag:$0x2], $0x4000, $0x38;
	[tilespmem:$0x1AA00] =	vst v63  }
0xa9: {  	_ =	swait.ge [sflag:s24], $0x4000  }
0xaa: {  	[sflag:s24] =	ssyncset.done $0x0  }
0xab: {  	[sflag:s24] =	ssyncadd.s32 $0xFFFFC000  }
0xac: {  	[tilespmem:s23], [sflag:$0x2] =	stream.linear.gather [spmem:s9], $0x4000, $0x38;
	[tilespmem:$0x1AA00] =	vst v63  }
0xad: {  	_ =	swait.ge [sflag:s24], $0x4000  }
0xae: {  	[sflag:s24] =	ssyncset.done $0x0  }
0xaf: {  	[sflag:s24] =	ssyncadd.s32 $0xFFFFC000  }
0xb0: {  	[hbm4b:s16+s2] =	stream.linear.scatter [tilespmem:s23], [sflag:$0x2], $0x4000, $0x38;
	[tilespmem:$0x1AA00] =	vst v63  }
0xb1: {  	_ =	swait.ge [sflag:s24], $0x4000  }
0xb2: {  	[sflag:s24] =	ssyncset.done $0x0  }
0xb3: {  	[sflag:s24] =	ssyncadd.s32 $0xFFFFC000  }
0xb4: {  	[tilespmem:s23], [sflag:$0x2] =	stream.linear.gather [spmem:s10], $0x4000, $0x38;
	[tilespmem:$0x1AA00] =	vst v63  }
0xb5: {  	s0 =	sadd.s32 $0x1, s0;
	_ =	swait.ge [sflag:s24], $0x4000  }
0xb6: {  	p0 =	sne.s32 s0, s18;
	[sflag:s24] =	ssyncset.done $0x0  }
.Ltmp2:
0xb7: {  	[sflag:s24] =	ssyncadd.s32 $0xFFFFC000;
	(pc) =	sbr.rel @p0 .LBB2_1-.Ltmp2, $4  }
0xb8: {  	[hbm4b:s17+s2] =	stream.linear.scatter [tilespmem:s23], [sflag:$0x2], $0x4000, $0x38;
	[tilespmem:$0x1AA00] =	vst v63  }
0xb9: {  	_ =	swait.ge [sflag:s24], $0x4000  }
0xba: {  	[sflag:s24] =	ssyncset.done $0x0  }
0xbb: {  	[sflag:s24] =	ssyncadd.s32 $0xFFFFC000  }
0xbc: {  	_ =	sfence.sel $0x180000  }
0xbd: {  	[bflag:$0x0] =	sbarrier.arrive $0xFFFF  }
0xbe: {  	_ =	strace $0x9000004D  }
0xbf: {  	s0 =	stileid.u32;
	[bflag:$0x2] =	sbarrier.arrive $0xFFFF  }
0xc0: {  	p0 =	sne.s32 s0, $0x0;
	s0 =	rddreg [dreg:$0x2]  }
0xc1: {  	s0 =	sadd.s32 @!p0 $0x100000, s0  }
0xc2: {  	[sflag:s0] =	ssyncadd.tile.s32 @!p0 $0x1;
	_ =	shalt  }
.Lfunc_end2:
_tile_overlayer_lowered:
.L_overlay_start_2:
0xc3: {  	(tag) =	ssettag $0x2  }
0xc4: {  	s0 =	rddreg [dreg:$0x0];
	s2 =	stileid.u32  }
0xc5: {  	s1 =	rddreg [dreg:$0x1];
	p0 =	sne.s32 s2, $0x0  }
0xc6: {  	s3 =	rddreg [dreg:$0x2];
	[bflag:$0x3] =	sbarrier.arrive $0xFFFF;
	s2 =	simm.s32 @!p0 $0x1C02  }
0xc7: {  	[timem:s3], [sflag:s2] =	dma.local @!p0 [hbm:s0], s1  }
0xc8: {  	s0 =	simm.s32 @!p0 $0x2  }
0xc9: {  	_ =	swait.ge @!p0 [sflag:s0], s1  }
0xca: {  	s1 =	ssub.s32 @!p0 $0x0, s1;
	[sflag:s0] =	ssyncset.done @!p0 $0x0  }
0xcb: {  	[sflag:s0] =	ssyncadd.s32 @!p0 s1  }
0xcc: {  	[bflag:$0x3] =	sbarrier.arrive $0xFFFF  }
0xcd: {  	_ =	shalt  }

// kernel: kernel.19.cloned.1.call-start
scs
__scs_entry_jumppad:
0x0: {  	(pc) =	sbr.rel $0x88, $3  }
0x1: {  	(tag) =	ssettag $0x0;
	lr =	simm.s32 $0x1  }
0x2: {  	[smem:$0x3F8F] =	sst lr;
	_ =	strace $0xD0000000  }
0x3: {  	_ = 	snop  }
0x4: {  	_ = 	snop  }
0x5: {  	_ = 	snop  }
0x6: {  	_ = 	snop  }
0x7: {  	_ = 	snop  }
__scs_overlays_trampoline_lowered:
0x8: {  	[smem:$0x3F9E] =	sst s0  }
0x9: {  	[smem:$0x3F9F] =	sst s1  }
0xa: {  	[smem:$0x3FA0] =	sst s2  }
0xb: {  	[smem:$0x3FA1] =	sst s3  }
0xc: {  	[smem:$0x3FA2] =	sst s4  }
0xd: {  	[smem:$0x3FA3] =	sst s5  }
0xe: {  	[smem:$0x3FA4] =	sst s6  }
0xf: {  	[smem:$0x3FA5] =	sst s7  }
0x10: {  	[smem:$0x3FA6] =	sst s8  }
0x11: {  	[smem:$0x3FA7] =	sst s9;
	s0 =	simm.s32 @!p0 $0x0  }
0x12: {  	s1 =	sld [smem:$0x3F8D];
	s0 =	simm.s32 @p0 $0x1  }
0x13: {  	[smem:$0x3FA8] =	sst s0;
	s0 =	simm.s32 @!p1 $0x0  }
0x14: {  	s2 =	sld [smem:$0x3F8C];
	s0 =	simm.s32 @p1 $0x1  }
0x15: {  	[smem:$0x3FA9] =	sst s0;
	s0 =	simm.s32 @!p2 $0x0  }
0x16: {  	s3 =	sld [smem:$0x3FDB];
	s0 =	simm.s32 @p2 $0x1  }
0x17: {  	s4 =	simm.s32 $0x1BF5;
	[smem:$0x3FAB] =	sst s0  }
0x18: {  	s0 =	sld [smem:$0x3F8E];
	_ =	swait.ge [sflag:s4], $0x0  }
0x19: {  	s7 =	sld [smem:$0x3F8F]  }
0x1a: {  	s8 =	sadd.s32 $0xFFFFE003, lr  }
0x1b: {  	s9 =	sadd.s32 $0xFFFFFEF7, lr;
	s5 =	simm.s32 $0xFFFFFFFF;
	p2 =	slt.u32 s8, $0xFFFFF086  }
0x1c: {  	p1 =	slt.u32 s9, $0xF7A;
	s5 =	simm.s32 @!p2 $0x0  }
0x1d: {  	s5 =	simm.s32 @p1 $0x1;
	p0 =	seq.s32 s7, s2  }
0x1e: {  	s7 =	smul.u32 @!p0 $0xF7A, s2;
	p2 =	seq.s32 @!p0 s5, $0x0  }
0x1f: {  	s9 =	smul.u32 $0xF7A, s1;
	s8 =	simm.s32 @!p0 $0x1BF5;
	p2 =	por !p2, p0  }
0x20: {  	[sflag:s8] =	ssyncset.s32 @!p0 $0xFFFFF086;
	s6 =	sadd.s32 @!p0 s3, s7;
	s7 =	simm.s32 @!p0 $0x108  }
0x21: {  	s3 =	sadd.s32 s3, s9;
	s6 =	sadd.s32 @!p0 $0x88, s6;
	s7 =	simm.s32 @p2 $0x1082  }
0x22: {  	[simem:s7], [sflag:s8] =	dma.local @!p0 [hbm:s6], $0xF7A  }
0x23: {  	s9 =	sor.u32 $0xD0000000, s2;
	s6 =	simm.s32 $0x108;
	_ =	swait.ge @!p0 [sflag:s8], $0x0  }
0x24: {  	s3 =	sadd.s32 $0x88, s3;
	s6 =	simm.s32 @!p1 $0x1082;
	[sflag:s4] =	ssyncset.s32 $0xFFFFF086  }
0x25: {  	[simem:s6], [sflag:s4] =	dma.local [hbm:s3], $0xF7A  }
0x26: {  	[smem:$0x3F8F] =	sst s1;
	(tag) =	ssettag s2;
	_ =	strace s9  }
0x27: {  	s1 =	sld [smem:$0x3F9F]  }
0x28: {  	s2 =	sld [smem:$0x3FA0]  }
0x29: {  	s4 =	sld [smem:$0x3FA2]  }
0x2a: {  	p0 =	seq.s32 s5, $0x0;
	s5 =	sld [smem:$0x3FA3]  }
0x2b: {  	s6 =	sld [smem:$0x3FA4]  }
0x2c: {  	s7 =	sld [smem:$0x3FA5]  }
0x2d: {  	s3 =	simm.s32 $0x108;
	s8 =	sld [smem:$0x3FA6]  }
0x2e: {  	s3 =	simm.s32 @!p0 $0x1082;
	s9 =	sld [smem:$0x3FA7]  }
0x2f: {  	lr =	sadd.s32 s0, s3;
	s0 =	sld [smem:$0x3F9E]  }
0x30: {  	s3 =	sld [smem:$0x3FA1]  }
0x31: {  	[smem:$0x3FAA] =	sst s10  }
0x32: {  	s10 =	sld [smem:$0x3FA8];
	_ =	sdelay $0x3  }
0x33: {  	p0 =	seq.s32 s10, $0x1;
	s10 =	sld [smem:$0x3FAA];
	_ =	sdelay $0x3  }
0x34: {  	[smem:$0x3FAA] =	sst s10  }
0x35: {  	s10 =	sld [smem:$0x3FA9];
	_ =	sdelay $0x3  }
0x36: {  	p1 =	seq.s32 s10, $0x1;
	s10 =	sld [smem:$0x3FAA];
	_ =	sdelay $0x3  }
0x37: {  	[smem:$0x3FAA] =	sst s10  }
0x38: {  	s10 =	sld [smem:$0x3FAB]  }
0x39: {  	_ = 	snop;
	(pc) =	sbr.ind lr, $3  }
0x3a: {  	_ = 	snop  }
0x3b: {  	_ = 	snop  }
0x3c: {  	p2 =	seq.s32 s10, $0x1;
	s10 =	sld [smem:$0x3FAA]  }
0x3d: {  	_ =	shalt  }
0x3e: {  	_ =	shalt  }
0x3f: {  	_ =	shalt  }
0x40: {  	_ =	shalt  }
0x41: {  	_ =	shalt  }
0x42: {  	_ =	shalt  }
0x43: {  	_ =	shalt  }
0x44: {  	_ =	shalt  }
0x45: {  	_ =	shalt  }
0x46: {  	_ =	shalt  }
0x47: {  	_ =	shalt  }
0x48: {  	_ =	shalt  }
0x49: {  	_ =	shalt  }
0x4a: {  	_ =	shalt  }
0x4b: {  	_ =	shalt  }
0x4c: {  	_ =	shalt  }
0x4d: {  	_ =	shalt  }
0x4e: {  	_ =	shalt  }
0x4f: {  	_ =	shalt  }
0x50: {  	_ =	shalt  }
0x51: {  	_ =	shalt  }
0x52: {  	_ =	shalt  }
0x53: {  	_ =	shalt  }
0x54: {  	_ =	shalt  }
0x55: {  	_ =	shalt  }
0x56: {  	_ =	shalt  }
0x57: {  	_ =	shalt  }
0x58: {  	_ =	shalt  }
0x59: {  	_ =	shalt  }
0x5a: {  	_ =	shalt  }
0x5b: {  	_ =	shalt  }
0x5c: {  	_ =	shalt  }
0x5d: {  	_ =	shalt  }
0x5e: {  	_ =	shalt  }
0x5f: {  	_ =	shalt  }
0x60: {  	_ =	shalt  }
0x61: {  	_ =	shalt  }
0x62: {  	_ =	shalt  }
0x63: {  	_ =	shalt  }
0x64: {  	_ =	shalt  }
0x65: {  	_ =	shalt  }
0x66: {  	_ =	shalt  }
0x67: {  	_ =	shalt  }
0x68: {  	_ =	shalt  }
0x69: {  	_ =	shalt  }
0x6a: {  	_ =	shalt  }
0x6b: {  	_ =	shalt  }
0x6c: {  	_ =	shalt  }
0x6d: {  	_ =	shalt  }
0x6e: {  	_ =	shalt  }
0x6f: {  	_ =	shalt  }
0x70: {  	_ =	shalt  }
0x71: {  	_ =	shalt  }
0x72: {  	_ =	shalt  }
0x73: {  	_ =	shalt  }
0x74: {  	_ =	shalt  }
0x75: {  	_ =	shalt  }
0x76: {  	_ =	shalt  }
0x77: {  	_ =	shalt  }
0x78: {  	_ =	shalt  }
0x79: {  	_ =	shalt  }
0x7a: {  	_ =	shalt  }
0x7b: {  	_ =	shalt  }
0x7c: {  	_ =	shalt  }
0x7d: {  	_ =	shalt  }
0x7e: {  	_ =	shalt  }
0x7f: {  	_ =	shalt  }
0x80: {  	_ =	shalt  }
0x81: {  	_ =	shalt  }
0x82: {  	_ =	shalt  }
0x83: {  	_ =	shalt  }
0x84: {  	_ =	shalt  }
0x85: {  	_ =	shalt  }
0x86: {  	_ =	shalt  }
0x87: {  	_ =	shalt  }
.Lfunc_end0:
.L_simem_size_0:
called_computation.2_lowered:
.L_overlay_start_0:
0x88: {  	s2 =	sld [smem:$0x3FD9]  }
0x89: {  	s3 =	sld [smem:$0x3FFE];
	_ =	sdelay $0x1  }
0x8a: {  	s1 =	srdreg.scid  }
0x8b: {  	s0 =	sand.u32 $0x1, s1  }
0x8c: {  	s16 =	sshll.u32 s0, $0xA;
	s2 =	sadd.s32 s3, s2  }
0x8d: {  	s2 =	sadd.s32 s2, s16  }
0x8e: {  	[smem:$0x3FB6] =	sst s2  }
0x8f: {  	_ = 	snop  }
0x90: {  	(tm) =	ssettm $0x1  }
0x91: {  	s17 =	sld [smem:$0x3FFB];
	_ =	sdelay $0x3  }
0x92: {  	_ =	strace s17  }
0x93: {  	s2 =	sld [smem:$0x3FFC];
	_ =	sdelay $0x3  }
0x94: {  	_ =	strace s2  }
0x95: {  	s2 =	sld [smem:$0x3FFD];
	_ =	sdelay $0x3  }
0x96: {  	_ =	strace s2  }
0x97: {  	_ =	strace $0x8FFFFFFF  }
0x98: {  	s18 =	sld [smem:$0x3FDB];
	_ =	sdelay $0x1  }
0x99: {  	s19 =	simm.s32 $_scs_section_size  }
0x9a: {  	s4 =	simm.s32 $_size__tile_overlayer_lowered;
	s5 =	simm.s32 $_tile_overlayer_lowered  }
0x9b: {  	s22 =	simm.s32 $0x1BFF;
	s21 =	sshll.u32 s5, $0x1;
	s2 =	sadd.s32 s19, s18  }
0x9c: {  	s6 =	simm.s32 $0x0;
	s20 =	sshll.u32 s4, $0x1;
	s4 =	sadd.s32 s21, s2  }
0x9d: {  	[timem:s6], [sflag:s22] =	dma.local [hbm:s4], s20  }
0x9e: {  	_ =	swait.ge [sflag:s22], s20  }
0x9f: {  	s3 =	ssub.s32 $0x0, s20;
	[sflag:s22] =	ssyncset.done $0x0  }
0xa0: {  	[sflag:s22] =	ssyncadd.s32 s3;
	_ =	sdelay $0x1  }
0xa1: {  	s23 =	simm.s32 $0x1B8B  }
0xa2: {  	_ =	swait.ge [sflag:s23], $0x1  }
0xa3: {  	[sflag:s23] =	ssyncset.done $0x0  }
0xa4: {  	s25 =	simm.s32 $0x1B8E;
	s24 =	sld [smem:$0x3FFE];
	[sflag:s23] =	ssyncadd.s32 $0xFFFFFFFF  }
0xa5: {  	s26 =	simm.s32 $execute0_lowered;
	[smem:$0x3FD2] =	sst s25  }
0xa6: {  	s4 =	sshll.u32 s26, $0x1;
	_ =	strace $0x80000049;
	[dreg:$0x1] =	wrdreg $0xFFFFFFFF  }
0xa7: {  	s28 =	simm.s32 $_size_execute0_lowered;
	s2 =	sadd.s32 s2, s4;
	[dreg:$0x0] =	wrdreg $0x0  }
0xa8: {  	s4 =	sshll.u32 s28, $0x1;
	[dreg:$0x2] =	wrdreg s2  }
0xa9: {  	[dreg:$0x3] =	wrdreg s4  }
0xaa: {  	[dreg:$0x4] =	wrdreg $0xC0  }
0xab: {  	_ =	task [dreg:s6], $0x5FFFF  }
0xac: {  	[dreg:$0x1] =	wrdreg $0xFFFFFFFF  }
0xad: {  	[dreg:$0x0] =	wrdreg $0x60  }
0xae: {  	[dreg:$0x2] =	wrdreg s24  }
0xaf: {  	[dreg:$0x3] =	wrdreg $0x6A000  }
0xb0: {  	[dreg:$0x4] =	wrdreg $0xA  }
0xb1: {  	_ =	task.clear_ibuf [dreg:s6], $0x5FFFF;
	_ =	strace $0x90000049  }
0xb2: {  	s29 =	simm.s32 $0xA;
	_ =	strace $0x8000004B  }
0xb3: {  	_ =	swait.ge [sflag:s29], $0x1  }
0xb4: {  	[sflag:s29] =	ssyncadd.s32 $0xFFFFFFFF  }
0xb5: {  	_ =	strace $0x9000004B  }
0xb6: {  	_ =	sfence  }
0xb7: {  	s30 =	sld [smem:$0x0];
	_ =	sdelay $0x2  }
0xb8: {  	s31 =	sshll.u32 s1, $0xD;
	s1 =	sshrl.u32 s1, $0x2  }
0xb9: {  	s3 =	sand.u32 $0x4000, s31;
	s1 =	sadd.s32 s1, s30  }
0xba: {  	s0 =	sor.u32 s3, s0;
	s1 =	sshll.u32 s1, $0x11  }
0xbb: {  	s0 =	sor.u32 s1, s0  }
0xbc: {  	s0 =	sadd.s32 $0x8F2B, s0  }
0xbd: {  	[sflag:s0] =	ssyncadd.remote.s32 $0x1  }
0xbe: {  	_ =	sfence.sel $0xFFFF  }
0xbf: {  	[dreg:$0x0] =	wrdreg $0xFFFFFFFF;
	(pc) =	sbr.abs _section_cstart, $3  }
0xc0: {  	[dreg:$0x1] =	wrdreg $0xFFFFFFFF  }
0xc1: {  	_ =	task.clear_ibuf [dreg:s6], $0x2FFFF;
	_ =	strace $0x9FFFFFFF  }
0xc2: {  	(tm) =	ssettm $0x7FFFFFFF  }
0xc3: {  	_ =	shalt  }
tec
execute0_lowered:
.L_overlay_start_1:
0x0: {  	(tag) =	ssettag $0x1  }
0x1: {  	s0 =	rddreg [dreg:$0x0]  }
0x2: {  	s1 =	rddreg [dreg:$0x1]  }
0x3: {  	s2 =	simm.s32 $0x0;
	s3 =	srdreg.scid;
	s21 =	stileid.u32  }
0x4: {  	s28 =	simm.s32 $0x100;
	s29 =	simm.s32 $0x80;
	s30 =	simm.s32 $0x1  }
0x5: {  	s31 =	simm.s32 $0x180;
	[smem:$0x7FF] =	sst s2;
	s4 =	sadd.s32 $0x42400, s0  }
0x6: {  	s5 =	sadd.s32 $0x7600, s0;
	s3 =	sand.u32 $0x1, s3;
	s7 =	smul.u32 $0x50000, s21  }
0x7: {  	s12 =	sadd.s32 $0x11400, s0;
	s0 =	sadd.s32 $0x90800, s0;
	s11 =	smul.u32 $0x14000, s21  }
0x8: {  	s23 =	sshll.u32 s21, $0x1;
	s26 =	smul.u32 $0x4E20, s21;
	_ =	strace $0x8000004A  }
0x9: {  	s6 =	ssub.s32 $0x2, s3;
	s24 =	sor.u32 s3, s23;
	s17 =	smul.u32 $0x140000, s3  }
0xa: {  	s3 =	smul.u32 $0x2710, s3;
	s8 =	sshrl.u32 s6, $0x1;
	s7 =	sshrl.u32 s7, $0x2  }
0xb: {  	s13 =	sadd.s32 $0x4000, s11;
	s14 =	sadd.s32 $0x8000, s11;
	s10 =	smul.u32 $0x2710, s24  }
0xc: {  	s16 =	sadd.s32 $0xC000, s11;
	s19 =	sadd.s32 $0x10000, s11;
	s18 =	ssub.s32 s6, s8  }
0xd: {  	s6 =	sadd.s32 s7, s1;
	s7 =	sadd.s32 s13, s1;
	s8 =	sadd.s32 s14, s1  }
0xe: {  	s9 =	sadd.s32 s16, s1;
	s11 =	sadd.s32 s11, s17;
	s13 =	sadd.s32 s17, s13  }
0xf: {  	s14 =	sadd.s32 s17, s14;
	s22 =	sadd.s32 s17, s16;
	s23 =	sadd.s32 s17, s19  }
0x10: {  	s3 =	sadd.s32 s3, s26;
	s15 =	sshrl.u32 s10, $0x3;
	s10 =	sadd.s32 s19, s1  }
0x11: {  	s11 =	sshrl.u32 s11, $0x3;
	s13 =	sshrl.u32 s13, $0x3;
	s14 =	sshrl.u32 s14, $0x3  }
0x12: {  	s17 =	sshrl.u32 s23, $0x3;
	s24 =	sadd.s32 $0x50, s3;
	s18 =	smax.u32 s18, $0x1  }
0x13: {  	s26 =	sshrl.u32 s3, $0x3;
	s20 =	sadd.s32 s12, s15;
	s15 =	sadd.s32 s5, s15  }
0x14: {  	s23 =	simm.s32 $0x2A00;
	s11 =	sadd.s32 s0, s11;
	[dreg:$0x3] =	wrdreg s15  }
0x15: {  	s17 =	sadd.s32 s0, s17;
	s25 =	sadd.s32 $0x4D8, s20;
	[dreg:$0x5] =	wrdreg s11  }
0x16: {  	s15 =	sadd.s32 s0, s13;
	s11 =	sshrl.u32 s22, $0x3;
	[dreg:$0x4] =	wrdreg s25  }
0x17: {  	s22 =	sadd.s32 s26, s12;
	s26 =	simm.s32 $0x200;
	[dreg:$0x6] =	wrdreg s15  }
0x18: {  	s15 =	sadd.s32 s0, s14;
	s16 =	sadd.s32 s0, s11;
	s25 =	sshrl.u32 s24, $0x3  }
0x19: {  	s11 =	sadd.s32 $0xA0, s3;
	s24 =	simm.s32 $0x2;
	s0 =	simm.s32 $0x0  }
0x1a: {  	v0 =	vimm.f32 $0.0e+00;
	s19 =	sadd.s32 s25, s12;
	s20 =	sadd.s32 s25, s5;
	s25 =	simm.s32 $0x50  }
.LBB2_1:
0x1b: {  	s3 =	simm.s32 $0x0  }
0x1c: {  	s12 =	sand.u32 $0xFFFFFF80, s3  }
0x1d: {  	s12 =	ssub.s32 $0x0, s12  }
0x1e: {  	s3 =	sand.u32 $0x3FFFFF80, s3;
	s12 =	sand.u32 $0xFFFFFF80, s12  }
0x1f: {  	s21 =	sand.u32 $0x70, s2;
	s12 =	sadd.s32 s12, s3  }
0x20: {  	s3 =	simm.s32 $0x1;
	s12 =	sor.u32 s21, s12;
	s21 =	simm.s32 $0x0  }
.LBB2_2:
0x21: {  	s13 =	sshll.u32 s3, $0x4;
	p0 =	sne.s32 s3, $0x3FF;
	s3 =	sadd.s32 $0x1, s3;
	[tilespmem:s12+$0x2A00] =	vst v0  }
.Ltmp0:
0x22: {  	s21 =	sadd.s32 $0x10, s21;
	s12 =	sand.u32 $0xFFFFFF80, s13;
	(pc) =	sbr.rel @p0 .LBB2_2-.Ltmp0, $4  }
0x23: {  	s12 =	ssub.s32 s21, s12  }
0x24: {  	s13 =	sand.u32 $0x3FFFFF80, s13;
	s12 =	sand.u32 $0xFFFFFF80, s12  }
0x25: {  	s14 =	sand.u32 $0x70, s21;
	s12 =	sadd.s32 s12, s13  }
0x26: {  	s12 =	sor.u32 s14, s12  }
0x27: {  	[tilespmem:s12+$0x2A00] =	vst v0  }
0x28: {  	[spmem:s6] =	stream.linear.scatter [tilespmem:s23], [sflag:$0x2], $0x4000, $0x38;
	[tilespmem:$0x1AA00] =	vst v63  }
0x29: {  	_ =	swait.ge [sflag:s24], $0x4000  }
0x2a: {  	[sflag:s24] =	ssyncset.done $0x0  }
0x2b: {  	[sflag:s24] =	ssyncadd.s32 $0xFFFFC000  }
0x2c: {  	[spmem:s7] =	stream.linear.scatter [tilespmem:s23], [sflag:$0x2], $0x4000, $0x38;
	[tilespmem:$0x1AA00] =	vst v63  }
0x2d: {  	_ =	swait.ge [sflag:s24], $0x4000  }
0x2e: {  	[sflag:s24] =	ssyncset.done $0x0  }
0x2f: {  	[sflag:s24] =	ssyncadd.s32 $0xFFFFC000  }
0x30: {  	[spmem:s8] =	stream.linear.scatter [tilespmem:s23], [sflag:$0x2], $0x4000, $0x38;
	[tilespmem:$0x1AA00] =	vst v63  }
0x31: {  	_ =	swait.ge [sflag:s24], $0x4000  }
0x32: {  	[sflag:s24] =	ssyncset.done $0x0  }
0x33: {  	[sflag:s24] =	ssyncadd.s32 $0xFFFFC000  }
0x34: {  	[spmem:s9] =	stream.linear.scatter [tilespmem:s23], [sflag:$0x2], $0x4000, $0x38;
	[tilespmem:$0x1AA00] =	vst v63  }
0x35: {  	_ =	swait.ge [sflag:s24], $0x4000  }
0x36: {  	[sflag:s24] =	ssyncset.done $0x0  }
0x37: {  	[sflag:s24] =	ssyncadd.s32 $0xFFFFC000  }
0x38: {  	[spmem:s10] =	stream.linear.scatter [tilespmem:s23], [sflag:$0x2], $0x4000, $0x38;
	[tilespmem:$0x1AA00] =	vst v63  }
0x39: {  	_ =	swait.ge [sflag:s24], $0x4000  }
0x3a: {  	[sflag:s24] =	ssyncset.done $0x0  }
0x3b: {  	[sflag:s24] =	ssyncadd.s32 $0xFFFFC000  }
0x3c: {  	[bflag:$0x0] =	sbarrier.arrive $0xFFFF  }
0x3d: {  	s3 =	simm.s32 $0x0;
	s21 =	rddreg [dreg:$0x3]  }
0x3e: {  	[tilespmem:s3], [sflag:$0x2] =	stream.linear.gather [hbm4b:s21+s3], $0x50, $0x38;
	[tilespmem:$0x1AA00] =	vst v63  }
0x3f: {  	_ =	swait.ge [sflag:s24], $0x50  }
0x40: {  	[sflag:s24] =	ssyncset.done $0x0  }
0x41: {  	[sflag:s24] =	ssyncadd.s32 $0xFFFFFFB0  }
0x42: {  	[tilespmem:s26], [sflag:$0x1] =	stream.indirect.gather [hbm4b:s4+s25], $0x80, s2, s25, $0xb8;
	[tilespmem:$0x1AA00] =	vst v63  }
0x43: {  	s12 =	sadd.s32 $0x0, s22  }
0x44: {  	[tilespmem:s28], [sflag:$0x2] =	stream.linear.gather [hbm4b:s12+s2], $0x50, $0x38;
	[tilespmem:$0x1AA00] =	vst v63  }
0x45: {  	_ =	swait.ge [sflag:s24], $0x50  }
0x46: {  	[sflag:s24] =	ssyncset.done $0x0  }
0x47: {  	s13 =	sadd.s32 $0x0, s20;
	[sflag:s24] =	ssyncadd.s32 $0xFFFFFFB0  }
0x48: {  	[tilespmem:s29], [sflag:$0x2] =	stream.linear.gather [hbm4b:s13+s2], $0x50, $0x38;
	[tilespmem:$0x1AA00] =	vst v63  }
0x49: {  	_ =	swait.ge [sflag:s24], $0x50  }
0x4a: {  	[sflag:s24] =	ssyncset.done $0x0  }
0x4b: {  	[sflag:s24] =	ssyncadd.s32 $0xFFFFFFB0  }
0x4c: {  	_ =	swait.ge [sflag:s30], $0x2800  }
0x4d: {  	[sflag:s30] =	ssyncset.done $0x0  }
0x4e: {  	[sflag:s30] =	ssyncadd.s32 $0xFFFFD800  }
0x4f: {  	[spmem:s1] =	stream.indirect.scatter.add.f32 [tilespmem:s26], [sflag:$0x2], $0x80, s28, s25, $0xb8;
	[tilespmem:$0x1AA00] =	vst v63  }
0x50: {  	_ =	swait.ge [sflag:s24], $0x2800  }
0x51: {  	[sflag:s24] =	ssyncset.done $0x0  }
0x52: {  	[sflag:s24] =	ssyncadd.s32 $0xFFFFD800  }
0x53: {  	[tilespmem:s26], [sflag:$0x1] =	stream.indirect.gather [hbm4b:s4+s25], $0x80, s29, s25, $0xb8;
	[tilespmem:$0x1AA00] =	vst v63  }
0x54: {  	s14 =	sadd.s32 $0x0, s19  }
0x55: {  	[tilespmem:s31], [sflag:$0x2] =	stream.linear.gather [hbm4b:s14+s2], $0x50, $0x38;
	[tilespmem:$0x1AA00] =	vst v63  }
0x56: {  	_ =	swait.ge [sflag:s24], $0x50  }
0x57: {  	s21 =	sshrl.u32 s11, $0x3;
	[sflag:s24] =	ssyncset.done $0x0  }
0x58: {  	s3 =	sadd.s32 s5, s21;
	[sflag:s24] =	ssyncadd.s32 $0xFFFFFFB0  }
0x59: {  	[tilespmem:s2], [sflag:$0x2] =	stream.linear.gather [hbm4b:s3+s2], $0x50, $0x38;
	[tilespmem:$0x1AA00] =	vst v63  }
0x5a: {  	_ =	swait.ge [sflag:s24], $0x50  }
0x5b: {  	[sflag:s24] =	ssyncset.done $0x0  }
0x5c: {  	[sflag:s24] =	ssyncadd.s32 $0xFFFFFFB0  }
0x5d: {  	_ =	swait.ge [sflag:s30], $0x2800  }
0x5e: {  	[sflag:s30] =	ssyncset.done $0x0  }
0x5f: {  	[sflag:s30] =	ssyncadd.s32 $0xFFFFD800  }
0x60: {  	[spmem:s1] =	stream.indirect.scatter.add.f32 [tilespmem:s26], [sflag:$0x2], $0x80, s31, s25, $0xb8;
	[tilespmem:$0x1AA00] =	vst v63  }
0x61: {  	_ =	swait.ge [sflag:s24], $0x2800  }
0x62: {  	s21 =	smov.u32 s11;
	s3 =	simm.s32 $0x14;
	[sflag:s24] =	ssyncset.done $0x0  }
.LBB2_4:
0x63: {  	p0 =	sne.s32 s3, $0x4C4;
	[sflag:s24] =	ssyncadd.s32 $0xFFFFD800;
	s21 =	sadd.s32 $0xA0, s21  }
0x64: {  	[tilespmem:s26], [sflag:$0x1] =	stream.indirect.gather [hbm4b:s4+s25], $0x80, s2, s25, $0xb8;
	[tilespmem:$0x1AA00] =	vst v63  }
0x65: {  	s12 =	sadd.s32 s3, s22;
	s13 =	smov.u32 s3;
	s3 =	sadd.s32 $0x14, s3  }
0x66: {  	[tilespmem:s28], [sflag:$0x2] =	stream.linear.gather [hbm4b:s12+s2], $0x50, $0x38;
	[tilespmem:$0x1AA00] =	vst v63  }
0x67: {  	_ =	swait.ge [sflag:s24], $0x50  }
0x68: {  	[sflag:s24] =	ssyncset.done $0x0  }
0x69: {  	s12 =	sadd.s32 s13, s20;
	[sflag:s24] =	ssyncadd.s32 $0xFFFFFFB0  }
0x6a: {  	[tilespmem:s29], [sflag:$0x2] =	stream.linear.gather [hbm4b:s12+s2], $0x50, $0x38;
	[tilespmem:$0x1AA00] =	vst v63  }
0x6b: {  	_ =	swait.ge [sflag:s24], $0x50  }
0x6c: {  	[sflag:s24] =	ssyncset.done $0x0  }
0x6d: {  	[sflag:s24] =	ssyncadd.s32 $0xFFFFFFB0  }
0x6e: {  	_ =	swait.ge [sflag:s30], $0x2800  }
0x6f: {  	[sflag:s30] =	ssyncset.done $0x0  }
0x70: {  	[sflag:s30] =	ssyncadd.s32 $0xFFFFD800  }
0x71: {  	[spmem:s1] =	stream.indirect.scatter.add.f32 [tilespmem:s26], [sflag:$0x2], $0x80, s28, s25, $0xb8;
	[tilespmem:$0x1AA00] =	vst v63  }
0x72: {  	_ =	swait.ge [sflag:s24], $0x2800  }
0x73: {  	[sflag:s24] =	ssyncset.done $0x0  }
0x74: {  	[sflag:s24] =	ssyncadd.s32 $0xFFFFD800  }
0x75: {  	[tilespmem:s26], [sflag:$0x1] =	stream.indirect.gather [hbm4b:s4+s25], $0x80, s29, s25, $0xb8;
	[tilespmem:$0x1AA00] =	vst v63  }
0x76: {  	s12 =	sadd.s32 s13, s19  }
0x77: {  	[tilespmem:s31], [sflag:$0x2] =	stream.linear.gather [hbm4b:s12+s2], $0x50, $0x38;
	[tilespmem:$0x1AA00] =	vst v63  }
0x78: {  	_ =	swait.ge [sflag:s24], $0x50  }
0x79: {  	s12 =	sshrl.u32 s21, $0x3;
	[sflag:s24] =	ssyncset.done $0x0  }
0x7a: {  	s12 =	sadd.s32 s5, s12;
	[sflag:s24] =	ssyncadd.s32 $0xFFFFFFB0  }
0x7b: {  	[tilespmem:s2], [sflag:$0x2] =	stream.linear.gather [hbm4b:s12+s2], $0x50, $0x38;
	[tilespmem:$0x1AA00] =	vst v63  }
0x7c: {  	_ =	swait.ge [sflag:s24], $0x50  }
0x7d: {  	[sflag:s24] =	ssyncset.done $0x0  }
0x7e: {  	[sflag:s24] =	ssyncadd.s32 $0xFFFFFFB0  }
0x7f: {  	_ =	swait.ge [sflag:s30], $0x2800  }
.Ltmp1:
0x80: {  	[sflag:s30] =	ssyncset.done $0x0;
	(pc) =	sbr.rel @p0 .LBB2_4-.Ltmp1, $4  }
0x81: {  	[sflag:s30] =	ssyncadd.s32 $0xFFFFD800  }
0x82: {  	[spmem:s1] =	stream.indirect.scatter.add.f32 [tilespmem:s26], [sflag:$0x2], $0x80, s31, s25, $0xb8;
	[tilespmem:$0x1AA00] =	vst v63  }
0x83: {  	_ =	swait.ge [sflag:s24], $0x2800  }
0x84: {  	[sflag:s24] =	ssyncset.done $0x0  }
0x85: {  	[sflag:s24] =	ssyncadd.s32 $0xFFFFD800  }
0x86: {  	[tilespmem:s26], [sflag:$0x1] =	stream.indirect.gather [hbm4b:s4+s25], $0x80, s2, s25, $0xb8;
	[tilespmem:$0x1AA00] =	vst v63  }
0x87: {  	s3 =	rddreg [dreg:$0x4]  }
0x88: {  	[tilespmem:s28], [sflag:$0x2] =	stream.linear.gather [hbm4b:s3+s2], $0x50, $0x38;
	[tilespmem:$0x1AA00] =	vst v63  }
0x89: {  	_ =	swait.ge [sflag:s24], $0x50  }
0x8a: {  	[sflag:s24] =	ssyncset.done $0x0  }
0x8b: {  	[sflag:s24] =	ssyncadd.s32 $0xFFFFFFB0  }
0x8c: {  	_ =	swait.ge [sflag:s30], $0x2800  }
0x8d: {  	[sflag:s30] =	ssyncset.done $0x0  }
0x8e: {  	[sflag:s30] =	ssyncadd.s32 $0xFFFFD800  }
0x8f: {  	[spmem:s1] =	stream.indirect.scatter.add.f32 [tilespmem:s26], [sflag:$0x2], $0x80, s28, s25, $0xb8;
	[tilespmem:$0x1AA00] =	vst v63  }
0x90: {  	_ =	swait.ge [sflag:s24], $0x2800  }
0x91: {  	[sflag:s24] =	ssyncset.done $0x0  }
0x92: {  	[sflag:s24] =	ssyncadd.s32 $0xFFFFD800  }
0x93: {  	[bflag:$0x0] =	sbarrier.arrive $0xFFFF  }
0x94: {  	[tilespmem:s23], [sflag:$0x2] =	stream.linear.gather [spmem:s6], $0x4000, $0x38;
	[tilespmem:$0x1AA00] =	vst v63  }
0x95: {  	_ =	swait.ge [sflag:s24], $0x4000  }
0x96: {  	[sflag:s24] =	ssyncset.done $0x0  }
0x97: {  	s14 =	rddreg [dreg:$0x5];
	[sflag:s24] =	ssyncadd.s32 $0xFFFFC000  }
0x98: {  	[hbm4b:s14+s2] =	stream.linear.scatter [tilespmem:s23], [sflag:$0x2], $0x4000, $0x38;
	[tilespmem:$0x1AA00] =	vst v63  }
0x99: {  	_ =	swait.ge [sflag:s24], $0x4000  }
0x9a: {  	[sflag:s24] =	ssyncset.done $0x0  }
0x9b: {  	[sflag:s24] =	ssyncadd.s32 $0xFFFFC000  }
0x9c: {  	[tilespmem:s23], [sflag:$0x2] =	stream.linear.gather [spmem:s7], $0x4000, $0x38;
	[tilespmem:$0x1AA00] =	vst v63  }
0x9d: {  	_ =	swait.ge [sflag:s24], $0x4000  }
0x9e: {  	[sflag:s24] =	ssyncset.done $0x0  }
0x9f: {  	s21 =	rddreg [dreg:$0x6];
	[sflag:s24] =	ssyncadd.s32 $0xFFFFC000  }
0xa0: {  	[hbm4b:s21+s2] =	stream.linear.scatter [tilespmem:s23], [sflag:$0x2], $0x4000, $0x38;
	[tilespmem:$0x1AA00] =	vst v63  }
0xa1: {  	_ =	swait.ge [sflag:s24], $0x4000  }
0xa2: {  	[sflag:s24] =	ssyncset.done $0x0  }
0xa3: {  	[sflag:s24] =	ssyncadd.s32 $0xFFFFC000  }
0xa4: {  	[tilespmem:s23], [sflag:$0x2] =	stream.linear.gather [spmem:s8], $0x4000, $0x38;
	[tilespmem:$0x1AA00] =	vst v63  }
0xa5: {  	_ =	swait.ge [sflag:s24], $0x4000  }
0xa6: {  	[sflag:s24] =	ssyncset.done $0x0  }
0xa7: {  	[sflag:s24] =	ssyncadd.s32 $0xFFFFC000  }
0xa8: {  	[hbm4b:s15+s2] =	stream.linear.scatter [tilespmem:s23], [sflag:$0x2], $0x4000, $0x38;
	[tilespmem:$0x1AA00] =	vst v63  }
0xa9: {  	_ =	swait.ge [sflag:s24], $0x4000  }
0xaa: {  	[sflag:s24] =	ssyncset.done $0x0  }
0xab: {  	[sflag:s24] =	ssyncadd.s32 $0xFFFFC000  }
0xac: {  	[tilespmem:s23], [sflag:$0x2] =	stream.linear.gather [spmem:s9], $0x4000, $0x38;
	[tilespmem:$0x1AA00] =	vst v63  }
0xad: {  	_ =	swait.ge [sflag:s24], $0x4000  }
0xae: {  	[sflag:s24] =	ssyncset.done $0x0  }
0xaf: {  	[sflag:s24] =	ssyncadd.s32 $0xFFFFC000  }
0xb0: {  	[hbm4b:s16+s2] =	stream.linear.scatter [tilespmem:s23], [sflag:$0x2], $0x4000, $0x38;
	[tilespmem:$0x1AA00] =	vst v63  }
0xb1: {  	_ =	swait.ge [sflag:s24], $0x4000  }
0xb2: {  	[sflag:s24] =	ssyncset.done $0x0  }
0xb3: {  	[sflag:s24] =	ssyncadd.s32 $0xFFFFC000  }
0xb4: {  	[tilespmem:s23], [sflag:$0x2] =	stream.linear.gather [spmem:s10], $0x4000, $0x38;
	[tilespmem:$0x1AA00] =	vst v63  }
0xb5: {  	s0 =	sadd.s32 $0x1, s0;
	_ =	swait.ge [sflag:s24], $0x4000  }
0xb6: {  	p0 =	sne.s32 s0, s18;
	[sflag:s24] =	ssyncset.done $0x0  }
.Ltmp2:
0xb7: {  	[sflag:s24] =	ssyncadd.s32 $0xFFFFC000;
	(pc) =	sbr.rel @p0 .LBB2_1-.Ltmp2, $4  }
0xb8: {  	[hbm4b:s17+s2] =	stream.linear.scatter [tilespmem:s23], [sflag:$0x2], $0x4000, $0x38;
	[tilespmem:$0x1AA00] =	vst v63  }
0xb9: {  	_ =	swait.ge [sflag:s24], $0x4000  }
0xba: {  	[sflag:s24] =	ssyncset.done $0x0  }
0xbb: {  	[sflag:s24] =	ssyncadd.s32 $0xFFFFC000  }
0xbc: {  	_ =	sfence.sel $0x180000  }
0xbd: {  	[bflag:$0x0] =	sbarrier.arrive $0xFFFF  }
0xbe: {  	_ =	strace $0x9000004A  }
0xbf: {  	s0 =	stileid.u32;
	[bflag:$0x2] =	sbarrier.arrive $0xFFFF  }
0xc0: {  	p0 =	sne.s32 s0, $0x0;
	s0 =	rddreg [dreg:$0x2]  }
0xc1: {  	s0 =	sadd.s32 @!p0 $0x100000, s0  }
0xc2: {  	[sflag:s0] =	ssyncadd.tile.s32 @!p0 $0x1;
	_ =	shalt  }
.Lfunc_end2:
_tile_overlayer_lowered:
.L_overlay_start_2:
0xc3: {  	(tag) =	ssettag $0x2  }
0xc4: {  	s0 =	rddreg [dreg:$0x0];
	s2 =	stileid.u32  }
0xc5: {  	s1 =	rddreg [dreg:$0x1];
	p0 =	sne.s32 s2, $0x0  }
0xc6: {  	s3 =	rddreg [dreg:$0x2];
	[bflag:$0x3] =	sbarrier.arrive $0xFFFF;
	s2 =	simm.s32 @!p0 $0x1C02  }
0xc7: {  	[timem:s3], [sflag:s2] =	dma.local @!p0 [hbm:s0], s1  }
0xc8: {  	s0 =	simm.s32 @!p0 $0x2  }
0xc9: {  	_ =	swait.ge @!p0 [sflag:s0], s1  }
0xca: {  	s1 =	ssub.s32 @!p0 $0x0, s1;
	[sflag:s0] =	ssyncset.done @!p0 $0x0  }
0xcb: {  	[sflag:s0] =	ssyncadd.s32 @!p0 s1  }
0xcc: {  	[bflag:$0x3] =	sbarrier.arrive $0xFFFF  }
0xcd: {  	_ =	shalt  }

// kernel: kernel.22.cloned.1.call-start
scs
__scs_entry_jumppad:
0x0: {  	(pc) =	sbr.rel $0x88, $3  }
0x1: {  	(tag) =	ssettag $0x0;
	lr =	simm.s32 $0x1  }
0x2: {  	[smem:$0x3F8F] =	sst lr;
	_ =	strace $0xD0000000  }
0x3: {  	_ = 	snop  }
0x4: {  	_ = 	snop  }
0x5: {  	_ = 	snop  }
0x6: {  	_ = 	snop  }
0x7: {  	_ = 	snop  }
__scs_overlays_trampoline_lowered:
0x8: {  	[smem:$0x3F9E] =	sst s0  }
0x9: {  	[smem:$0x3F9F] =	sst s1  }
0xa: {  	[smem:$0x3FA0] =	sst s2  }
0xb: {  	[smem:$0x3FA1] =	sst s3  }
0xc: {  	[smem:$0x3FA2] =	sst s4  }
0xd: {  	[smem:$0x3FA3] =	sst s5  }
0xe: {  	[smem:$0x3FA4] =	sst s6  }
0xf: {  	[smem:$0x3FA5] =	sst s7  }
0x10: {  	[smem:$0x3FA6] =	sst s8  }
0x11: {  	[smem:$0x3FA7] =	sst s9;
	s0 =	simm.s32 @!p0 $0x0  }
0x12: {  	s1 =	sld [smem:$0x3F8D];
	s0 =	simm.s32 @p0 $0x1  }
0x13: {  	[smem:$0x3FA8] =	sst s0;
	s0 =	simm.s32 @!p1 $0x0  }
0x14: {  	s2 =	sld [smem:$0x3F8C];
	s0 =	simm.s32 @p1 $0x1  }
0x15: {  	[smem:$0x3FA9] =	sst s0;
	s0 =	simm.s32 @!p2 $0x0  }
0x16: {  	s3 =	sld [smem:$0x3FDB];
	s0 =	simm.s32 @p2 $0x1  }
0x17: {  	s4 =	simm.s32 $0x1BF5;
	[smem:$0x3FAB] =	sst s0  }
0x18: {  	s0 =	sld [smem:$0x3F8E];
	_ =	swait.ge [sflag:s4], $0x0  }
0x19: {  	s7 =	sld [smem:$0x3F8F]  }
0x1a: {  	s8 =	sadd.s32 $0xFFFFE003, lr  }
0x1b: {  	s9 =	sadd.s32 $0xFFFFFEF7, lr;
	s5 =	simm.s32 $0xFFFFFFFF;
	p2 =	slt.u32 s8, $0xFFFFF086  }
0x1c: {  	p1 =	slt.u32 s9, $0xF7A;
	s5 =	simm.s32 @!p2 $0x0  }
0x1d: {  	s5 =	simm.s32 @p1 $0x1;
	p0 =	seq.s32 s7, s2  }
0x1e: {  	s7 =	smul.u32 @!p0 $0xF7A, s2;
	p2 =	seq.s32 @!p0 s5, $0x0  }
0x1f: {  	s9 =	smul.u32 $0xF7A, s1;
	s8 =	simm.s32 @!p0 $0x1BF5;
	p2 =	por !p2, p0  }
0x20: {  	[sflag:s8] =	ssyncset.s32 @!p0 $0xFFFFF086;
	s6 =	sadd.s32 @!p0 s3, s7;
	s7 =	simm.s32 @!p0 $0x108  }
0x21: {  	s3 =	sadd.s32 s3, s9;
	s6 =	sadd.s32 @!p0 $0x88, s6;
	s7 =	simm.s32 @p2 $0x1082  }
0x22: {  	[simem:s7], [sflag:s8] =	dma.local @!p0 [hbm:s6], $0xF7A  }
0x23: {  	s9 =	sor.u32 $0xD0000000, s2;
	s6 =	simm.s32 $0x108;
	_ =	swait.ge @!p0 [sflag:s8], $0x0  }
0x24: {  	s3 =	sadd.s32 $0x88, s3;
	s6 =	simm.s32 @!p1 $0x1082;
	[sflag:s4] =	ssyncset.s32 $0xFFFFF086  }
0x25: {  	[simem:s6], [sflag:s4] =	dma.local [hbm:s3], $0xF7A  }
0x26: {  	[smem:$0x3F8F] =	sst s1;
	(tag) =	ssettag s2;
	_ =	strace s9  }
0x27: {  	s1 =	sld [smem:$0x3F9F]  }
0x28: {  	s2 =	sld [smem:$0x3FA0]  }
0x29: {  	s4 =	sld [smem:$0x3FA2]  }
0x2a: {  	p0 =	seq.s32 s5, $0x0;
	s5 =	sld [smem:$0x3FA3]  }
0x2b: {  	s6 =	sld [smem:$0x3FA4]  }
0x2c: {  	s7 =	sld [smem:$0x3FA5]  }
0x2d: {  	s3 =	simm.s32 $0x108;
	s8 =	sld [smem:$0x3FA6]  }
0x2e: {  	s3 =	simm.s32 @!p0 $0x1082;
	s9 =	sld [smem:$0x3FA7]  }
0x2f: {  	lr =	sadd.s32 s0, s3;
	s0 =	sld [smem:$0x3F9E]  }
0x30: {  	s3 =	sld [smem:$0x3FA1]  }
0x31: {  	[smem:$0x3FAA] =	sst s10  }
0x32: {  	s10 =	sld [smem:$0x3FA8];
	_ =	sdelay $0x3  }
0x33: {  	p0 =	seq.s32 s10, $0x1;
	s10 =	sld [smem:$0x3FAA];
	_ =	sdelay $0x3  }
0x34: {  	[smem:$0x3FAA] =	sst s10  }
0x35: {  	s10 =	sld [smem:$0x3FA9];
	_ =	sdelay $0x3  }
0x36: {  	p1 =	seq.s32 s10, $0x1;
	s10 =	sld [smem:$0x3FAA];
	_ =	sdelay $0x3  }
0x37: {  	[smem:$0x3FAA] =	sst s10  }
0x38: {  	s10 =	sld [smem:$0x3FAB]  }
0x39: {  	_ = 	snop;
	(pc) =	sbr.ind lr, $3  }
0x3a: {  	_ = 	snop  }
0x3b: {  	_ = 	snop  }
0x3c: {  	p2 =	seq.s32 s10, $0x1;
	s10 =	sld [smem:$0x3FAA]  }
0x3d: {  	_ =	shalt  }
0x3e: {  	_ =	shalt  }
0x3f: {  	_ =	shalt  }
0x40: {  	_ =	shalt  }
0x41: {  	_ =	shalt  }
0x42: {  	_ =	shalt  }
0x43: {  	_ =	shalt  }
0x44: {  	_ =	shalt  }
0x45: {  	_ =	shalt  }
0x46: {  	_ =	shalt  }
0x47: {  	_ =	shalt  }
0x48: {  	_ =	shalt  }
0x49: {  	_ =	shalt  }
0x4a: {  	_ =	shalt  }
0x4b: {  	_ =	shalt  }
0x4c: {  	_ =	shalt  }
0x4d: {  	_ =	shalt  }
0x4e: {  	_ =	shalt  }
0x4f: {  	_ =	shalt  }
0x50: {  	_ =	shalt  }
0x51: {  	_ =	shalt  }
0x52: {  	_ =	shalt  }
0x53: {  	_ =	shalt  }
0x54: {  	_ =	shalt  }
0x55: {  	_ =	shalt  }
0x56: {  	_ =	shalt  }
0x57: {  	_ =	shalt  }
0x58: {  	_ =	shalt  }
0x59: {  	_ =	shalt  }
0x5a: {  	_ =	shalt  }
0x5b: {  	_ =	shalt  }
0x5c: {  	_ =	shalt  }
0x5d: {  	_ =	shalt  }
0x5e: {  	_ =	shalt  }
0x5f: {  	_ =	shalt  }
0x60: {  	_ =	shalt  }
0x61: {  	_ =	shalt  }
0x62: {  	_ =	shalt  }
0x63: {  	_ =	shalt  }
0x64: {  	_ =	shalt  }
0x65: {  	_ =	shalt  }
0x66: {  	_ =	shalt  }
0x67: {  	_ =	shalt  }
0x68: {  	_ =	shalt  }
0x69: {  	_ =	shalt  }
0x6a: {  	_ =	shalt  }
0x6b: {  	_ =	shalt  }
0x6c: {  	_ =	shalt  }
0x6d: {  	_ =	shalt  }
0x6e: {  	_ =	shalt  }
0x6f: {  	_ =	shalt  }
0x70: {  	_ =	shalt  }
0x71: {  	_ =	shalt  }
0x72: {  	_ =	shalt  }
0x73: {  	_ =	shalt  }
0x74: {  	_ =	shalt  }
0x75: {  	_ =	shalt  }
0x76: {  	_ =	shalt  }
0x77: {  	_ =	shalt  }
0x78: {  	_ =	shalt  }
0x79: {  	_ =	shalt  }
0x7a: {  	_ =	shalt  }
0x7b: {  	_ =	shalt  }
0x7c: {  	_ =	shalt  }
0x7d: {  	_ =	shalt  }
0x7e: {  	_ =	shalt  }
0x7f: {  	_ =	shalt  }
0x80: {  	_ =	shalt  }
0x81: {  	_ =	shalt  }
0x82: {  	_ =	shalt  }
0x83: {  	_ =	shalt  }
0x84: {  	_ =	shalt  }
0x85: {  	_ =	shalt  }
0x86: {  	_ =	shalt  }
0x87: {  	_ =	shalt  }
.Lfunc_end0:
.L_simem_size_0:
called_computation.3_lowered:
.L_overlay_start_0:
0x88: {  	s2 =	sld [smem:$0x3FD9]  }
0x89: {  	s3 =	sld [smem:$0x3FFE];
	_ =	sdelay $0x1  }
0x8a: {  	s1 =	srdreg.scid  }
0x8b: {  	s0 =	sand.u32 $0x1, s1  }
0x8c: {  	s17 =	sshll.u32 s0, $0xA;
	s2 =	sadd.s32 s3, s2  }
0x8d: {  	s2 =	sadd.s32 s2, s17  }
0x8e: {  	[smem:$0x3FB6] =	sst s2  }
0x8f: {  	_ = 	snop  }
0x90: {  	(tm) =	ssettm $0x1  }
0x91: {  	s18 =	sld [smem:$0x3FFB];
	_ =	sdelay $0x3  }
0x92: {  	_ =	strace s18  }
0x93: {  	s2 =	sld [smem:$0x3FFC];
	_ =	sdelay $0x3  }
0x94: {  	_ =	strace s2  }
0x95: {  	s2 =	sld [smem:$0x3FFD];
	_ =	sdelay $0x3  }
0x96: {  	_ =	strace s2  }
0x97: {  	_ =	strace $0x8FFFFFFF  }
0x98: {  	s19 =	sld [smem:$0x3FDB];
	_ =	sdelay $0x1  }
0x99: {  	s20 =	simm.s32 $_scs_section_size  }
0x9a: {  	s4 =	simm.s32 $_size__tile_overlayer_lowered;
	s5 =	simm.s32 $_tile_overlayer_lowered  }
0x9b: {  	s6 =	simm.s32 $0x1BFF;
	s21 =	sshll.u32 s5, $0x1;
	s3 =	sadd.s32 s20, s19  }
0x9c: {  	s22 =	simm.s32 $0x0;
	s4 =	sshll.u32 s4, $0x1;
	s5 =	sadd.s32 s21, s3  }
0x9d: {  	[timem:s22], [sflag:s6] =	dma.local [hbm:s5], s4  }
0x9e: {  	_ =	swait.ge [sflag:s6], s4  }
0x9f: {  	s4 =	ssub.s32 $0x0, s4;
	[sflag:s6] =	ssyncset.done $0x0  }
0xa0: {  	[sflag:s6] =	ssyncadd.s32 s4;
	_ =	sdelay $0x1  }
0xa1: {  	s23 =	simm.s32 $0x1B8B  }
0xa2: {  	_ =	swait.ge [sflag:s23], $0x1  }
0xa3: {  	[sflag:s23] =	ssyncset.done $0x0  }
0xa4: {  	[sflag:s23] =	ssyncadd.s32 $0xFFFFFFFF  }
0xa5: {  	s4 =	sld [smem:$0x0]  }
0xa6: {  	s5 =	sand.u32 $0xFFFFFFFE, s1  }
0xa7: {  	p0 =	sne.s32 s1, s5  }
0xa8: {  	s5 =	sshll.u32 @p0 s5, $0xE  }
0xa9: {  	s5 =	sadd.s32 @p0 $0x11B8D, s5;
	s6 =	sshll.u32 @p0 s4, $0x11  }
0xaa: {  	s5 =	sor.u32 @p0 s6, s5  }
0xab: {  	[sflag:s5] =	ssyncadd.remote.s32 @p0 $0x1;
	_ =	sdelay $0x1  }
0xac: {  	s5 =	simm.s32 @p0 $0x1B8D  }
0xad: {  	_ =	swait.eq @p0 [sflag:s5], $0x1  }
0xae: {  	[sflag:s5] =	ssyncadd.s32 @p0 $0xFFFFFFFF  }
0xaf: {  	s6 =	sshll.u32 @!p0 s1, $0xE  }
0xb0: {  	s6 =	sor.u32 @!p0 $0x4000, s6;
	s5 =	simm.s32 @!p0 $0x1B8D  }
0xb1: {  	s4 =	sshll.u32 @!p0 s4, $0x11;
	s6 =	sadd.s32 @!p0 $0x11B8D, s6;
	_ =	swait.eq @!p0 [sflag:s5], $0x1  }
0xb2: {  	s4 =	sor.u32 @!p0 s4, s6;
	[sflag:s5] =	ssyncadd.s32 @!p0 $0xFFFFFFFF  }
0xb3: {  	s25 =	simm.s32 $0x1B8E;
	s24 =	sld [smem:$0x3FFE];
	[sflag:s4] =	ssyncadd.remote.s32 @!p0 $0x1  }
0xb4: {  	s26 =	simm.s32 $execute0_lowered;
	[smem:$0x3FD2] =	sst s25  }
0xb5: {  	s5 =	sshll.u32 s26, $0x1;
	_ =	strace $0x80000052;
	[dreg:$0x1] =	wrdreg $0xFFFFFFFF  }
0xb6: {  	s28 =	simm.s32 $_size_execute0_lowered;
	s3 =	sadd.s32 s3, s5;
	[dreg:$0x0] =	wrdreg $0x0  }
0xb7: {  	s5 =	sshll.u32 s28, $0x1;
	[dreg:$0x2] =	wrdreg s3  }
0xb8: {  	[dreg:$0x3] =	wrdreg s5  }
0xb9: {  	[dreg:$0x4] =	wrdreg $0xC0  }
0xba: {  	_ =	task [dreg:s22], $0x5FFFF  }
0xbb: {  	[dreg:$0x1] =	wrdreg $0xFFFFFFFF  }
0xbc: {  	[dreg:$0x0] =	wrdreg $0x60  }
0xbd: {  	[dreg:$0x2] =	wrdreg s24  }
0xbe: {  	[dreg:$0x3] =	wrdreg $0x6A000  }
0xbf: {  	[dreg:$0x4] =	wrdreg $0x9  }
0xc0: {  	_ =	task.clear_ibuf [dreg:s22], $0x5FFFF;
	_ =	strace $0x90000052  }
0xc1: {  	s29 =	simm.s32 $0x9;
	_ =	strace $0x80000054  }
0xc2: {  	_ =	swait.ge [sflag:s29], $0x1  }
0xc3: {  	[sflag:s29] =	ssyncadd.s32 $0xFFFFFFFF  }
0xc4: {  	_ =	strace $0x90000054  }
0xc5: {  	_ =	sfence  }
0xc6: {  	s30 =	sld [smem:$0x0];
	_ =	sdelay $0x2  }
0xc7: {  	s31 =	sshll.u32 s1, $0xD;
	s1 =	sshrl.u32 s1, $0x2  }
0xc8: {  	s4 =	sand.u32 $0x4000, s31;
	s1 =	sadd.s32 s1, s30  }
0xc9: {  	s0 =	sor.u32 s4, s0;
	s1 =	sshll.u32 s1, $0x11  }
0xca: {  	s0 =	sor.u32 s1, s0  }
0xcb: {  	s0 =	sadd.s32 $0x8F2B, s0  }
0xcc: {  	[sflag:s0] =	ssyncadd.remote.s32 $0x1  }
0xcd: {  	_ =	sfence.sel $0xFFFF  }
0xce: {  	[dreg:$0x0] =	wrdreg $0xFFFFFFFF;
	(pc) =	sbr.abs _section_cstart, $3  }
0xcf: {  	[dreg:$0x1] =	wrdreg $0xFFFFFFFF  }
0xd0: {  	_ =	task.clear_ibuf [dreg:s22], $0x2FFFF;
	_ =	strace $0x9FFFFFFF  }
0xd1: {  	(tm) =	ssettm $0x7FFFFFFF  }
tec
execute0_lowered:
.L_overlay_start_1:
0x0: {  	(tag) =	ssettag $0x1  }
0x1: {  	s0 =	rddreg [dreg:$0x0]  }
0x2: {  	s1 =	rddreg [dreg:$0x1]  }
0x3: {  	s2 =	simm.s32 $0x0;
	s3 =	srdreg.scid;
	s21 =	stileid.u32  }
0x4: {  	s28 =	simm.s32 $0x100;
	s29 =	simm.s32 $0x80;
	s30 =	simm.s32 $0x1  }
0x5: {  	s31 =	simm.s32 $0x180;
	[smem:$0x7FF] =	sst s2;
	s4 =	sadd.s32 $0xE0800, s0  }
0x6: {  	s5 =	sadd.s32 $0x7600, s0;
	s3 =	sand.u32 $0x1, s3;
	s7 =	smul.u32 $0x50000, s21  }
0x7: {  	s12 =	sadd.s32 $0x11400, s0;
	s0 =	sadd.s32 $0x12EC00, s0;
	s11 =	smul.u32 $0x14000, s21  }
0x8: {  	s23 =	sshll.u32 s21, $0x1;
	s26 =	smul.u32 $0x4E20, s21;
	_ =	strace $0x80000053  }
0x9: {  	s6 =	ssub.s32 $0x2, s3;
	s24 =	sor.u32 s3, s23;
	s17 =	smul.u32 $0x140000, s3  }
0xa: {  	s3 =	smul.u32 $0x2710, s3;
	s8 =	sshrl.u32 s6, $0x1;
	s7 =	sshrl.u32 s7, $0x2  }
0xb: {  	s13 =	sadd.s32 $0x4000, s11;
	s14 =	sadd.s32 $0x8000, s11;
	s10 =	smul.u32 $0x2710, s24  }
0xc: {  	s16 =	sadd.s32 $0xC000, s11;
	s19 =	sadd.s32 $0x10000, s11;
	s18 =	ssub.s32 s6, s8  }
0xd: {  	s6 =	sadd.s32 s7, s1;
	s7 =	sadd.s32 s13, s1;
	s8 =	sadd.s32 s14, s1  }
0xe: {  	s9 =	sadd.s32 s16, s1;
	s11 =	sadd.s32 s11, s17;
	s13 =	sadd.s32 s17, s13  }
0xf: {  	s14 =	sadd.s32 s17, s14;
	s22 =	sadd.s32 s17, s16;
	s23 =	sadd.s32 s17, s19  }
0x10: {  	s3 =	sadd.s32 s3, s26;
	s15 =	sshrl.u32 s10, $0x3;
	s10 =	sadd.s32 s19, s1  }
0x11: {  	s11 =	sshrl.u32 s11, $0x3;
	s13 =	sshrl.u32 s13, $0x3;
	s14 =	sshrl.u32 s14, $0x3  }
0x12: {  	s17 =	sshrl.u32 s23, $0x3;
	s24 =	sadd.s32 $0x50, s3;
	s18 =	smax.u32 s18, $0x1  }
0x13: {  	s26 =	sshrl.u32 s3, $0x3;
	s20 =	sadd.s32 s12, s15;
	s15 =	sadd.s32 s5, s15  }
0x14: {  	s23 =	simm.s32 $0x2A00;
	s11 =	sadd.s32 s0, s11;
	[dreg:$0x3] =	wrdreg s15  }
0x15: {  	s17 =	sadd.s32 s0, s17;
	s25 =	sadd.s32 $0x4D8, s20;
	[dreg:$0x5] =	wrdreg s11  }
0x16: {  	s15 =	sadd.s32 s0, s13;
	s11 =	sshrl.u32 s22, $0x3;
	[dreg:$0x4] =	wrdreg s25  }
0x17: {  	s22 =	sadd.s32 s26, s12;
	s26 =	simm.s32 $0x200;
	[dreg:$0x6] =	wrdreg s15  }
0x18: {  	s15 =	sadd.s32 s0, s14;
	s16 =	sadd.s32 s0, s11;
	s25 =	sshrl.u32 s24, $0x3  }
0x19: {  	s11 =	sadd.s32 $0xA0, s3;
	s24 =	simm.s32 $0x2;
	s0 =	simm.s32 $0x0  }
0x1a: {  	v0 =	vimm.f32 $0.0e+00;
	s19 =	sadd.s32 s25, s12;
	s20 =	sadd.s32 s25, s5;
	s25 =	simm.s32 $0x50  }
.LBB2_1:
0x1b: {  	s3 =	simm.s32 $0x0  }
0x1c: {  	s12 =	sand.u32 $0xFFFFFF80, s3  }
0x1d: {  	s12 =	ssub.s32 $0x0, s12  }
0x1e: {  	s3 =	sand.u32 $0x3FFFFF80, s3;
	s12 =	sand.u32 $0xFFFFFF80, s12  }
0x1f: {  	s21 =	sand.u32 $0x70, s2;
	s12 =	sadd.s32 s12, s3  }
0x20: {  	s3 =	simm.s32 $0x1;
	s12 =	sor.u32 s21, s12;
	s21 =	simm.s32 $0x0  }
.LBB2_2:
0x21: {  	s13 =	sshll.u32 s3, $0x4;
	p0 =	sne.s32 s3, $0x3FF;
	s3 =	sadd.s32 $0x1, s3;
	[tilespmem:s12+$0x2A00] =	vst v0  }
.Ltmp0:
0x22: {  	s21 =	sadd.s32 $0x10, s21;
	s12 =	sand.u32 $0xFFFFFF80, s13;
	(pc) =	sbr.rel @p0 .LBB2_2-.Ltmp0, $4  }
0x23: {  	s12 =	ssub.s32 s21, s12  }
0x24: {  	s13 =	sand.u32 $0x3FFFFF80, s13;
	s12 =	sand.u32 $0xFFFFFF80, s12  }
0x25: {  	s14 =	sand.u32 $0x70, s21;
	s12 =	sadd.s32 s12, s13  }
0x26: {  	s12 =	sor.u32 s14, s12  }
0x27: {  	[tilespmem:s12+$0x2A00] =	vst v0  }
0x28: {  	[spmem:s6] =	stream.linear.scatter [tilespmem:s23], [sflag:$0x2], $0x4000, $0x38;
	[tilespmem:$0x1AA00] =	vst v63  }
0x29: {  	_ =	swait.ge [sflag:s24], $0x4000  }
0x2a: {  	[sflag:s24] =	ssyncset.done $0x0  }
0x2b: {  	[sflag:s24] =	ssyncadd.s32 $0xFFFFC000  }
0x2c: {  	[spmem:s7] =	stream.linear.scatter [tilespmem:s23], [sflag:$0x2], $0x4000, $0x38;
	[tilespmem:$0x1AA00] =	vst v63  }
0x2d: {  	_ =	swait.ge [sflag:s24], $0x4000  }
0x2e: {  	[sflag:s24] =	ssyncset.done $0x0  }
0x2f: {  	[sflag:s24] =	ssyncadd.s32 $0xFFFFC000  }
0x30: {  	[spmem:s8] =	stream.linear.scatter [tilespmem:s23], [sflag:$0x2], $0x4000, $0x38;
	[tilespmem:$0x1AA00] =	vst v63  }
0x31: {  	_ =	swait.ge [sflag:s24], $0x4000  }
0x32: {  	[sflag:s24] =	ssyncset.done $0x0  }
0x33: {  	[sflag:s24] =	ssyncadd.s32 $0xFFFFC000  }
0x34: {  	[spmem:s9] =	stream.linear.scatter [tilespmem:s23], [sflag:$0x2], $0x4000, $0x38;
	[tilespmem:$0x1AA00] =	vst v63  }
0x35: {  	_ =	swait.ge [sflag:s24], $0x4000  }
0x36: {  	[sflag:s24] =	ssyncset.done $0x0  }
0x37: {  	[sflag:s24] =	ssyncadd.s32 $0xFFFFC000  }
0x38: {  	[spmem:s10] =	stream.linear.scatter [tilespmem:s23], [sflag:$0x2], $0x4000, $0x38;
	[tilespmem:$0x1AA00] =	vst v63  }
0x39: {  	_ =	swait.ge [sflag:s24], $0x4000  }
0x3a: {  	[sflag:s24] =	ssyncset.done $0x0  }
0x3b: {  	[sflag:s24] =	ssyncadd.s32 $0xFFFFC000  }
0x3c: {  	[bflag:$0x0] =	sbarrier.arrive $0xFFFF  }
0x3d: {  	s3 =	simm.s32 $0x0;
	s21 =	rddreg [dreg:$0x3]  }
0x3e: {  	[tilespmem:s3], [sflag:$0x2] =	stream.linear.gather [hbm4b:s21+s3], $0x50, $0x38;
	[tilespmem:$0x1AA00] =	vst v63  }
0x3f: {  	_ =	swait.ge [sflag:s24], $0x50  }
0x40: {  	[sflag:s24] =	ssyncset.done $0x0  }
0x41: {  	[sflag:s24] =	ssyncadd.s32 $0xFFFFFFB0  }
0x42: {  	[tilespmem:s26], [sflag:$0x1] =	stream.indirect.gather [hbm4b:s4+s25], $0x80, s2, s25, $0xb8;
	[tilespmem:$0x1AA00] =	vst v63  }
0x43: {  	s12 =	sadd.s32 $0x0, s22  }
0x44: {  	[tilespmem:s28], [sflag:$0x2] =	stream.linear.gather [hbm4b:s12+s2], $0x50, $0x38;
	[tilespmem:$0x1AA00] =	vst v63  }
0x45: {  	_ =	swait.ge [sflag:s24], $0x50  }
0x46: {  	[sflag:s24] =	ssyncset.done $0x0  }
0x47: {  	s13 =	sadd.s32 $0x0, s20;
	[sflag:s24] =	ssyncadd.s32 $0xFFFFFFB0  }
0x48: {  	[tilespmem:s29], [sflag:$0x2] =	stream.linear.gather [hbm4b:s13+s2], $0x50, $0x38;
	[tilespmem:$0x1AA00] =	vst v63  }
0x49: {  	_ =	swait.ge [sflag:s24], $0x50  }
0x4a: {  	[sflag:s24] =	ssyncset.done $0x0  }
0x4b: {  	[sflag:s24] =	ssyncadd.s32 $0xFFFFFFB0  }
0x4c: {  	_ =	swait.ge [sflag:s30], $0x2800  }
0x4d: {  	[sflag:s30] =	ssyncset.done $0x0  }
0x4e: {  	[sflag:s30] =	ssyncadd.s32 $0xFFFFD800  }
0x4f: {  	[spmem:s1] =	stream.indirect.scatter.add.f32 [tilespmem:s26], [sflag:$0x2], $0x80, s28, s25, $0xb8;
	[tilespmem:$0x1AA00] =	vst v63  }
0x50: {  	_ =	swait.ge [sflag:s24], $0x2800  }
0x51: {  	[sflag:s24] =	ssyncset.done $0x0  }
0x52: {  	[sflag:s24] =	ssyncadd.s32 $0xFFFFD800  }
0x53: {  	[tilespmem:s26], [sflag:$0x1] =	stream.indirect.gather [hbm4b:s4+s25], $0x80, s29, s25, $0xb8;
	[tilespmem:$0x1AA00] =	vst v63  }
0x54: {  	s14 =	sadd.s32 $0x0, s19  }
0x55: {  	[tilespmem:s31], [sflag:$0x2] =	stream.linear.gather [hbm4b:s14+s2], $0x50, $0x38;
	[tilespmem:$0x1AA00] =	vst v63  }
0x56: {  	_ =	swait.ge [sflag:s24], $0x50  }
0x57: {  	s21 =	sshrl.u32 s11, $0x3;
	[sflag:s24] =	ssyncset.done $0x0  }
0x58: {  	s3 =	sadd.s32 s5, s21;
	[sflag:s24] =	ssyncadd.s32 $0xFFFFFFB0  }
0x59: {  	[tilespmem:s2], [sflag:$0x2] =	stream.linear.gather [hbm4b:s3+s2], $0x50, $0x38;
	[tilespmem:$0x1AA00] =	vst v63  }
0x5a: {  	_ =	swait.ge [sflag:s24], $0x50  }
0x5b: {  	[sflag:s24] =	ssyncset.done $0x0  }
0x5c: {  	[sflag:s24] =	ssyncadd.s32 $0xFFFFFFB0  }
0x5d: {  	_ =	swait.ge [sflag:s30], $0x2800  }
0x5e: {  	[sflag:s30] =	ssyncset.done $0x0  }
0x5f: {  	[sflag:s30] =	ssyncadd.s32 $0xFFFFD800  }
0x60: {  	[spmem:s1] =	stream.indirect.scatter.add.f32 [tilespmem:s26], [sflag:$0x2], $0x80, s31, s25, $0xb8;
	[tilespmem:$0x1AA00] =	vst v63  }
0x61: {  	_ =	swait.ge [sflag:s24], $0x2800  }
0x62: {  	s21 =	smov.u32 s11;
	s3 =	simm.s32 $0x14;
	[sflag:s24] =	ssyncset.done $0x0  }
.LBB2_4:
0x63: {  	p0 =	sne.s32 s3, $0x4C4;
	[sflag:s24] =	ssyncadd.s32 $0xFFFFD800;
	s21 =	sadd.s32 $0xA0, s21  }
0x64: {  	[tilespmem:s26], [sflag:$0x1] =	stream.indirect.gather [hbm4b:s4+s25], $0x80, s2, s25, $0xb8;
	[tilespmem:$0x1AA00] =	vst v63  }
0x65: {  	s12 =	sadd.s32 s3, s22;
	s13 =	smov.u32 s3;
	s3 =	sadd.s32 $0x14, s3  }
0x66: {  	[tilespmem:s28], [sflag:$0x2] =	stream.linear.gather [hbm4b:s12+s2], $0x50, $0x38;
	[tilespmem:$0x1AA00] =	vst v63  }
0x67: {  	_ =	swait.ge [sflag:s24], $0x50  }
0x68: {  	[sflag:s24] =	ssyncset.done $0x0  }
0x69: {  	s12 =	sadd.s32 s13, s20;
	[sflag:s24] =	ssyncadd.s32 $0xFFFFFFB0  }
0x6a: {  	[tilespmem:s29], [sflag:$0x2] =	stream.linear.gather [hbm4b:s12+s2], $0x50, $0x38;
	[tilespmem:$0x1AA00] =	vst v63  }
0x6b: {  	_ =	swait.ge [sflag:s24], $0x50  }
0x6c: {  	[sflag:s24] =	ssyncset.done $0x0  }
0x6d: {  	[sflag:s24] =	ssyncadd.s32 $0xFFFFFFB0  }
0x6e: {  	_ =	swait.ge [sflag:s30], $0x2800  }
0x6f: {  	[sflag:s30] =	ssyncset.done $0x0  }
0x70: {  	[sflag:s30] =	ssyncadd.s32 $0xFFFFD800  }
0x71: {  	[spmem:s1] =	stream.indirect.scatter.add.f32 [tilespmem:s26], [sflag:$0x2], $0x80, s28, s25, $0xb8;
	[tilespmem:$0x1AA00] =	vst v63  }
0x72: {  	_ =	swait.ge [sflag:s24], $0x2800  }
0x73: {  	[sflag:s24] =	ssyncset.done $0x0  }
0x74: {  	[sflag:s24] =	ssyncadd.s32 $0xFFFFD800  }
0x75: {  	[tilespmem:s26], [sflag:$0x1] =	stream.indirect.gather [hbm4b:s4+s25], $0x80, s29, s25, $0xb8;
	[tilespmem:$0x1AA00] =	vst v63  }
0x76: {  	s12 =	sadd.s32 s13, s19  }
0x77: {  	[tilespmem:s31], [sflag:$0x2] =	stream.linear.gather [hbm4b:s12+s2], $0x50, $0x38;
	[tilespmem:$0x1AA00] =	vst v63  }
0x78: {  	_ =	swait.ge [sflag:s24], $0x50  }
0x79: {  	s12 =	sshrl.u32 s21, $0x3;
	[sflag:s24] =	ssyncset.done $0x0  }
0x7a: {  	s12 =	sadd.s32 s5, s12;
	[sflag:s24] =	ssyncadd.s32 $0xFFFFFFB0  }
0x7b: {  	[tilespmem:s2], [sflag:$0x2] =	stream.linear.gather [hbm4b:s12+s2], $0x50, $0x38;
	[tilespmem:$0x1AA00] =	vst v63  }
0x7c: {  	_ =	swait.ge [sflag:s24], $0x50  }
0x7d: {  	[sflag:s24] =	ssyncset.done $0x0  }
0x7e: {  	[sflag:s24] =	ssyncadd.s32 $0xFFFFFFB0  }
0x7f: {  	_ =	swait.ge [sflag:s30], $0x2800  }
.Ltmp1:
0x80: {  	[sflag:s30] =	ssyncset.done $0x0;
	(pc) =	sbr.rel @p0 .LBB2_4-.Ltmp1, $4  }
0x81: {  	[sflag:s30] =	ssyncadd.s32 $0xFFFFD800  }
0x82: {  	[spmem:s1] =	stream.indirect.scatter.add.f32 [tilespmem:s26], [sflag:$0x2], $0x80, s31, s25, $0xb8;
	[tilespmem:$0x1AA00] =	vst v63  }
0x83: {  	_ =	swait.ge [sflag:s24], $0x2800  }
0x84: {  	[sflag:s24] =	ssyncset.done $0x0  }
0x85: {  	[sflag:s24] =	ssyncadd.s32 $0xFFFFD800  }
0x86: {  	[tilespmem:s26], [sflag:$0x1] =	stream.indirect.gather [hbm4b:s4+s25], $0x80, s2, s25, $0xb8;
	[tilespmem:$0x1AA00] =	vst v63  }
0x87: {  	s3 =	rddreg [dreg:$0x4]  }
0x88: {  	[tilespmem:s28], [sflag:$0x2] =	stream.linear.gather [hbm4b:s3+s2], $0x50, $0x38;
	[tilespmem:$0x1AA00] =	vst v63  }
0x89: {  	_ =	swait.ge [sflag:s24], $0x50  }
0x8a: {  	[sflag:s24] =	ssyncset.done $0x0  }
0x8b: {  	[sflag:s24] =	ssyncadd.s32 $0xFFFFFFB0  }
0x8c: {  	_ =	swait.ge [sflag:s30], $0x2800  }
0x8d: {  	[sflag:s30] =	ssyncset.done $0x0  }
0x8e: {  	[sflag:s30] =	ssyncadd.s32 $0xFFFFD800  }
0x8f: {  	[spmem:s1] =	stream.indirect.scatter.add.f32 [tilespmem:s26], [sflag:$0x2], $0x80, s28, s25, $0xb8;
	[tilespmem:$0x1AA00] =	vst v63  }
0x90: {  	_ =	swait.ge [sflag:s24], $0x2800  }
0x91: {  	[sflag:s24] =	ssyncset.done $0x0  }
0x92: {  	[sflag:s24] =	ssyncadd.s32 $0xFFFFD800  }
0x93: {  	[bflag:$0x0] =	sbarrier.arrive $0xFFFF  }
0x94: {  	[tilespmem:s23], [sflag:$0x2] =	stream.linear.gather [spmem:s6], $0x4000, $0x38;
	[tilespmem:$0x1AA00] =	vst v63  }
0x95: {  	_ =	swait.ge [sflag:s24], $0x4000  }
0x96: {  	[sflag:s24] =	ssyncset.done $0x0  }
0x97: {  	s14 =	rddreg [dreg:$0x5];
	[sflag:s24] =	ssyncadd.s32 $0xFFFFC000  }
0x98: {  	[hbm4b:s14+s2] =	stream.linear.scatter [tilespmem:s23], [sflag:$0x2], $0x4000, $0x38;
	[tilespmem:$0x1AA00] =	vst v63  }
0x99: {  	_ =	swait.ge [sflag:s24], $0x4000  }
0x9a: {  	[sflag:s24] =	ssyncset.done $0x0  }
0x9b: {  	[sflag:s24] =	ssyncadd.s32 $0xFFFFC000  }
0x9c: {  	[tilespmem:s23], [sflag:$0x2] =	stream.linear.gather [spmem:s7], $0x4000, $0x38;
	[tilespmem:$0x1AA00] =	vst v63  }
0x9d: {  	_ =	swait.ge [sflag:s24], $0x4000  }
0x9e: {  	[sflag:s24] =	ssyncset.done $0x0  }
0x9f: {  	s21 =	rddreg [dreg:$0x6];
	[sflag:s24] =	ssyncadd.s32 $0xFFFFC000  }
0xa0: {  	[hbm4b:s21+s2] =	stream.linear.scatter [tilespmem:s23], [sflag:$0x2], $0x4000, $0x38;
	[tilespmem:$0x1AA00] =	vst v63  }
0xa1: {  	_ =	swait.ge [sflag:s24], $0x4000  }
0xa2: {  	[sflag:s24] =	ssyncset.done $0x0  }
0xa3: {  	[sflag:s24] =	ssyncadd.s32 $0xFFFFC000  }
0xa4: {  	[tilespmem:s23], [sflag:$0x2] =	stream.linear.gather [spmem:s8], $0x4000, $0x38;
	[tilespmem:$0x1AA00] =	vst v63  }
0xa5: {  	_ =	swait.ge [sflag:s24], $0x4000  }
0xa6: {  	[sflag:s24] =	ssyncset.done $0x0  }
0xa7: {  	[sflag:s24] =	ssyncadd.s32 $0xFFFFC000  }
0xa8: {  	[hbm4b:s15+s2] =	stream.linear.scatter [tilespmem:s23], [sflag:$0x2], $0x4000, $0x38;
	[tilespmem:$0x1AA00] =	vst v63  }
0xa9: {  	_ =	swait.ge [sflag:s24], $0x4000  }
0xaa: {  	[sflag:s24] =	ssyncset.done $0x0  }
0xab: {  	[sflag:s24] =	ssyncadd.s32 $0xFFFFC000  }
0xac: {  	[tilespmem:s23], [sflag:$0x2] =	stream.linear.gather [spmem:s9], $0x4000, $0x38;
	[tilespmem:$0x1AA00] =	vst v63  }
0xad: {  	_ =	swait.ge [sflag:s24], $0x4000  }
0xae: {  	[sflag:s24] =	ssyncset.done $0x0  }
0xaf: {  	[sflag:s24] =	ssyncadd.s32 $0xFFFFC000  }
0xb0: {  	[hbm4b:s16+s2] =	stream.linear.scatter [tilespmem:s23], [sflag:$0x2], $0x4000, $0x38;
	[tilespmem:$0x1AA00] =	vst v63  }
0xb1: {  	_ =	swait.ge [sflag:s24], $0x4000  }
0xb2: {  	[sflag:s24] =	ssyncset.done $0x0  }
0xb3: {  	[sflag:s24] =	ssyncadd.s32 $0xFFFFC000  }
0xb4: {  	[tilespmem:s23], [sflag:$0x2] =	stream.linear.gather [spmem:s10], $0x4000, $0x38;
	[tilespmem:$0x1AA00] =	vst v63  }
0xb5: {  	s0 =	sadd.s32 $0x1, s0;
	_ =	swait.ge [sflag:s24], $0x4000  }
0xb6: {  	p0 =	sne.s32 s0, s18;
	[sflag:s24] =	ssyncset.done $0x0  }
.Ltmp2:
0xb7: {  	[sflag:s24] =	ssyncadd.s32 $0xFFFFC000;
	(pc) =	sbr.rel @p0 .LBB2_1-.Ltmp2, $4  }
0xb8: {  	[hbm4b:s17+s2] =	stream.linear.scatter [tilespmem:s23], [sflag:$0x2], $0x4000, $0x38;
	[tilespmem:$0x1AA00] =	vst v63  }
0xb9: {  	_ =	swait.ge [sflag:s24], $0x4000  }
0xba: {  	[sflag:s24] =	ssyncset.done $0x0  }
0xbb: {  	[sflag:s24] =	ssyncadd.s32 $0xFFFFC000  }
0xbc: {  	_ =	sfence.sel $0x180000  }
0xbd: {  	[bflag:$0x0] =	sbarrier.arrive $0xFFFF  }
0xbe: {  	_ =	strace $0x90000053  }
0xbf: {  	s0 =	stileid.u32;
	[bflag:$0x2] =	sbarrier.arrive $0xFFFF  }
0xc0: {  	p0 =	sne.s32 s0, $0x0;
	s0 =	rddreg [dreg:$0x2]  }
0xc1: {  	s0 =	sadd.s32 @!p0 $0x100000, s0  }
0xc2: {  	[sflag:s0] =	ssyncadd.tile.s32 @!p0 $0x1;
	_ =	shalt  }
.Lfunc_end2:
_tile_overlayer_lowered:
.L_overlay_start_2:
0xc3: {  	(tag) =	ssettag $0x2  }
0xc4: {  	s0 =	rddreg [dreg:$0x0];
	s2 =	stileid.u32  }
0xc5: {  	s1 =	rddreg [dreg:$0x1];
	p0 =	sne.s32 s2, $0x0  }
0xc6: {  	s3 =	rddreg [dreg:$0x2];
	[bflag:$0x3] =	sbarrier.arrive $0xFFFF;
	s2 =	simm.s32 @!p0 $0x1C02  }
0xc7: {  	[timem:s3], [sflag:s2] =	dma.local @!p0 [hbm:s0], s1  }
0xc8: {  	s0 =	simm.s32 @!p0 $0x2  }
0xc9: {  	_ =	swait.ge @!p0 [sflag:s0], s1  }
0xca: {  	s1 =	ssub.s32 @!p0 $0x0, s1;
	[sflag:s0] =	ssyncset.done @!p0 $0x0  }
0xcb: {  	[sflag:s0] =	ssyncadd.s32 @!p0 s1  }
0xcc: {  	[bflag:$0x3] =	sbarrier.arrive $0xFFFF  }
0xcd: {  	_ =	shalt  }

// kernel: kernel.25.cloned.1.call-start
scs
__scs_entry_jumppad:
0x0: {  	(pc) =	sbr.rel $0x88, $3  }
0x1: {  	(tag) =	ssettag $0x0;
	lr =	simm.s32 $0x1  }
0x2: {  	[smem:$0x3F8F] =	sst lr;
	_ =	strace $0xD0000000  }
0x3: {  	_ = 	snop  }
0x4: {  	_ = 	snop  }
0x5: {  	_ = 	snop  }
0x6: {  	_ = 	snop  }
0x7: {  	_ = 	snop  }
__scs_overlays_trampoline_lowered:
0x8: {  	[smem:$0x3F9E] =	sst s0  }
0x9: {  	[smem:$0x3F9F] =	sst s1  }
0xa: {  	[smem:$0x3FA0] =	sst s2  }
0xb: {  	[smem:$0x3FA1] =	sst s3  }
0xc: {  	[smem:$0x3FA2] =	sst s4  }
0xd: {  	[smem:$0x3FA3] =	sst s5  }
0xe: {  	[smem:$0x3FA4] =	sst s6  }
0xf: {  	[smem:$0x3FA5] =	sst s7  }
0x10: {  	[smem:$0x3FA6] =	sst s8  }
0x11: {  	[smem:$0x3FA7] =	sst s9;
	s0 =	simm.s32 @!p0 $0x0  }
0x12: {  	s1 =	sld [smem:$0x3F8D];
	s0 =	simm.s32 @p0 $0x1  }
0x13: {  	[smem:$0x3FA8] =	sst s0;
	s0 =	simm.s32 @!p1 $0x0  }
0x14: {  	s2 =	sld [smem:$0x3F8C];
	s0 =	simm.s32 @p1 $0x1  }
0x15: {  	[smem:$0x3FA9] =	sst s0;
	s0 =	simm.s32 @!p2 $0x0  }
0x16: {  	s3 =	sld [smem:$0x3FDB];
	s0 =	simm.s32 @p2 $0x1  }
0x17: {  	s4 =	simm.s32 $0x1BF5;
	[smem:$0x3FAB] =	sst s0  }
0x18: {  	s0 =	sld [smem:$0x3F8E];
	_ =	swait.ge [sflag:s4], $0x0  }
0x19: {  	s7 =	sld [smem:$0x3F8F]  }
0x1a: {  	s8 =	sadd.s32 $0xFFFFE003, lr  }
0x1b: {  	s9 =	sadd.s32 $0xFFFFFEF7, lr;
	s5 =	simm.s32 $0xFFFFFFFF;
	p2 =	slt.u32 s8, $0xFFFFF086  }
0x1c: {  	p1 =	slt.u32 s9, $0xF7A;
	s5 =	simm.s32 @!p2 $0x0  }
0x1d: {  	s5 =	simm.s32 @p1 $0x1;
	p0 =	seq.s32 s7, s2  }
0x1e: {  	s7 =	smul.u32 @!p0 $0xF7A, s2;
	p2 =	seq.s32 @!p0 s5, $0x0  }
0x1f: {  	s9 =	smul.u32 $0xF7A, s1;
	s8 =	simm.s32 @!p0 $0x1BF5;
	p2 =	por !p2, p0  }
0x20: {  	[sflag:s8] =	ssyncset.s32 @!p0 $0xFFFFF086;
	s6 =	sadd.s32 @!p0 s3, s7;
	s7 =	simm.s32 @!p0 $0x108  }
0x21: {  	s3 =	sadd.s32 s3, s9;
	s6 =	sadd.s32 @!p0 $0x88, s6;
	s7 =	simm.s32 @p2 $0x1082  }
0x22: {  	[simem:s7], [sflag:s8] =	dma.local @!p0 [hbm:s6], $0xF7A  }
0x23: {  	s9 =	sor.u32 $0xD0000000, s2;
	s6 =	simm.s32 $0x108;
	_ =	swait.ge @!p0 [sflag:s8], $0x0  }
0x24: {  	s3 =	sadd.s32 $0x88, s3;
	s6 =	simm.s32 @!p1 $0x1082;
	[sflag:s4] =	ssyncset.s32 $0xFFFFF086  }
0x25: {  	[simem:s6], [sflag:s4] =	dma.local [hbm:s3], $0xF7A  }
0x26: {  	[smem:$0x3F8F] =	sst s1;
	(tag) =	ssettag s2;
	_ =	strace s9  }
0x27: {  	s1 =	sld [smem:$0x3F9F]  }
0x28: {  	s2 =	sld [smem:$0x3FA0]  }
0x29: {  	s4 =	sld [smem:$0x3FA2]  }
0x2a: {  	p0 =	seq.s32 s5, $0x0;
	s5 =	sld [smem:$0x3FA3]  }
0x2b: {  	s6 =	sld [smem:$0x3FA4]  }
0x2c: {  	s7 =	sld [smem:$0x3FA5]  }
0x2d: {  	s3 =	simm.s32 $0x108;
	s8 =	sld [smem:$0x3FA6]  }
0x2e: {  	s3 =	simm.s32 @!p0 $0x1082;
	s9 =	sld [smem:$0x3FA7]  }
0x2f: {  	lr =	sadd.s32 s0, s3;
	s0 =	sld [smem:$0x3F9E]  }
0x30: {  	s3 =	sld [smem:$0x3FA1]  }
0x31: {  	[smem:$0x3FAA] =	sst s10  }
0x32: {  	s10 =	sld [smem:$0x3FA8];
	_ =	sdelay $0x3  }
0x33: {  	p0 =	seq.s32 s10, $0x1;
	s10 =	sld [smem:$0x3FAA];
	_ =	sdelay $0x3  }
0x34: {  	[smem:$0x3FAA] =	sst s10  }
0x35: {  	s10 =	sld [smem:$0x3FA9];
	_ =	sdelay $0x3  }
0x36: {  	p1 =	seq.s32 s10, $0x1;
	s10 =	sld [smem:$0x3FAA];
	_ =	sdelay $0x3  }
0x37: {  	[smem:$0x3FAA] =	sst s10  }
0x38: {  	s10 =	sld [smem:$0x3FAB]  }
0x39: {  	_ = 	snop;
	(pc) =	sbr.ind lr, $3  }
0x3a: {  	_ = 	snop  }
0x3b: {  	_ = 	snop  }
0x3c: {  	p2 =	seq.s32 s10, $0x1;
	s10 =	sld [smem:$0x3FAA]  }
0x3d: {  	_ =	shalt  }
0x3e: {  	_ =	shalt  }
0x3f: {  	_ =	shalt  }
0x40: {  	_ =	shalt  }
0x41: {  	_ =	shalt  }
0x42: {  	_ =	shalt  }
0x43: {  	_ =	shalt  }
0x44: {  	_ =	shalt  }
0x45: {  	_ =	shalt  }
0x46: {  	_ =	shalt  }
0x47: {  	_ =	shalt  }
0x48: {  	_ =	shalt  }
0x49: {  	_ =	shalt  }
0x4a: {  	_ =	shalt  }
0x4b: {  	_ =	shalt  }
0x4c: {  	_ =	shalt  }
0x4d: {  	_ =	shalt  }
0x4e: {  	_ =	shalt  }
0x4f: {  	_ =	shalt  }
0x50: {  	_ =	shalt  }
0x51: {  	_ =	shalt  }
0x52: {  	_ =	shalt  }
0x53: {  	_ =	shalt  }
0x54: {  	_ =	shalt  }
0x55: {  	_ =	shalt  }
0x56: {  	_ =	shalt  }
0x57: {  	_ =	shalt  }
0x58: {  	_ =	shalt  }
0x59: {  	_ =	shalt  }
0x5a: {  	_ =	shalt  }
0x5b: {  	_ =	shalt  }
0x5c: {  	_ =	shalt  }
0x5d: {  	_ =	shalt  }
0x5e: {  	_ =	shalt  }
0x5f: {  	_ =	shalt  }
0x60: {  	_ =	shalt  }
0x61: {  	_ =	shalt  }
0x62: {  	_ =	shalt  }
0x63: {  	_ =	shalt  }
0x64: {  	_ =	shalt  }
0x65: {  	_ =	shalt  }
0x66: {  	_ =	shalt  }
0x67: {  	_ =	shalt  }
0x68: {  	_ =	shalt  }
0x69: {  	_ =	shalt  }
0x6a: {  	_ =	shalt  }
0x6b: {  	_ =	shalt  }
0x6c: {  	_ =	shalt  }
0x6d: {  	_ =	shalt  }
0x6e: {  	_ =	shalt  }
0x6f: {  	_ =	shalt  }
0x70: {  	_ =	shalt  }
0x71: {  	_ =	shalt  }
0x72: {  	_ =	shalt  }
0x73: {  	_ =	shalt  }
0x74: {  	_ =	shalt  }
0x75: {  	_ =	shalt  }
0x76: {  	_ =	shalt  }
0x77: {  	_ =	shalt  }
0x78: {  	_ =	shalt  }
0x79: {  	_ =	shalt  }
0x7a: {  	_ =	shalt  }
0x7b: {  	_ =	shalt  }
0x7c: {  	_ =	shalt  }
0x7d: {  	_ =	shalt  }
0x7e: {  	_ =	shalt  }
0x7f: {  	_ =	shalt  }
0x80: {  	_ =	shalt  }
0x81: {  	_ =	shalt  }
0x82: {  	_ =	shalt  }
0x83: {  	_ =	shalt  }
0x84: {  	_ =	shalt  }
0x85: {  	_ =	shalt  }
0x86: {  	_ =	shalt  }
0x87: {  	_ =	shalt  }
.Lfunc_end0:
.L_simem_size_0:
called_computation.4_lowered:
.L_overlay_start_0:
0x88: {  	s2 =	sld [smem:$0x3FD9]  }
0x89: {  	s3 =	sld [smem:$0x3FFE];
	_ =	sdelay $0x1  }
0x8a: {  	s1 =	srdreg.scid  }
0x8b: {  	s0 =	sand.u32 $0x1, s1  }
0x8c: {  	s17 =	sshll.u32 s0, $0xA;
	s2 =	sadd.s32 s3, s2  }
0x8d: {  	s2 =	sadd.s32 s2, s17  }
0x8e: {  	[smem:$0x3FB6] =	sst s2  }
0x8f: {  	_ = 	snop  }
0x90: {  	(tm) =	ssettm $0x1  }
0x91: {  	s18 =	sld [smem:$0x3FFB];
	_ =	sdelay $0x3  }
0x92: {  	_ =	strace s18  }
0x93: {  	s2 =	sld [smem:$0x3FFC];
	_ =	sdelay $0x3  }
0x94: {  	_ =	strace s2  }
0x95: {  	s2 =	sld [smem:$0x3FFD];
	_ =	sdelay $0x3  }
0x96: {  	_ =	strace s2  }
0x97: {  	_ =	strace $0x8FFFFFFF  }
0x98: {  	s19 =	sld [smem:$0x3FDB];
	_ =	sdelay $0x1  }
0x99: {  	s20 =	simm.s32 $_scs_section_size  }
0x9a: {  	s4 =	simm.s32 $_size__tile_overlayer_lowered;
	s5 =	simm.s32 $_tile_overlayer_lowered  }
0x9b: {  	s6 =	simm.s32 $0x1BFF;
	s21 =	sshll.u32 s5, $0x1;
	s3 =	sadd.s32 s20, s19  }
0x9c: {  	s22 =	simm.s32 $0x0;
	s4 =	sshll.u32 s4, $0x1;
	s5 =	sadd.s32 s21, s3  }
0x9d: {  	[timem:s22], [sflag:s6] =	dma.local [hbm:s5], s4  }
0x9e: {  	_ =	swait.ge [sflag:s6], s4  }
0x9f: {  	s4 =	ssub.s32 $0x0, s4;
	[sflag:s6] =	ssyncset.done $0x0  }
0xa0: {  	[sflag:s6] =	ssyncadd.s32 s4;
	_ =	sdelay $0x1  }
0xa1: {  	s23 =	simm.s32 $0x1B8B  }
0xa2: {  	_ =	swait.ge [sflag:s23], $0x1  }
0xa3: {  	[sflag:s23] =	ssyncset.done $0x0  }
0xa4: {  	[sflag:s23] =	ssyncadd.s32 $0xFFFFFFFF  }
0xa5: {  	s4 =	sld [smem:$0x0]  }
0xa6: {  	s5 =	sand.u32 $0xFFFFFFFE, s1  }
0xa7: {  	p0 =	sne.s32 s1, s5  }
0xa8: {  	s5 =	sshll.u32 @p0 s5, $0xE  }
0xa9: {  	s5 =	sadd.s32 @p0 $0x11B8D, s5;
	s6 =	sshll.u32 @p0 s4, $0x11  }
0xaa: {  	s5 =	sor.u32 @p0 s6, s5  }
0xab: {  	[sflag:s5] =	ssyncadd.remote.s32 @p0 $0x1;
	_ =	sdelay $0x1  }
0xac: {  	s5 =	simm.s32 @p0 $0x1B8D  }
0xad: {  	_ =	swait.eq @p0 [sflag:s5], $0x1  }
0xae: {  	[sflag:s5] =	ssyncadd.s32 @p0 $0xFFFFFFFF  }
0xaf: {  	s6 =	sshll.u32 @!p0 s1, $0xE  }
0xb0: {  	s6 =	sor.u32 @!p0 $0x4000, s6;
	s5 =	simm.s32 @!p0 $0x1B8D  }
0xb1: {  	s4 =	sshll.u32 @!p0 s4, $0x11;
	s6 =	sadd.s32 @!p0 $0x11B8D, s6;
	_ =	swait.eq @!p0 [sflag:s5], $0x1  }
0xb2: {  	s4 =	sor.u32 @!p0 s4, s6;
	[sflag:s5] =	ssyncadd.s32 @!p0 $0xFFFFFFFF  }
0xb3: {  	s25 =	simm.s32 $0x1B8E;
	s24 =	sld [smem:$0x3FFE];
	[sflag:s4] =	ssyncadd.remote.s32 @!p0 $0x1  }
0xb4: {  	s26 =	simm.s32 $execute0_lowered;
	[smem:$0x3FD2] =	sst s25  }
0xb5: {  	s5 =	sshll.u32 s26, $0x1;
	_ =	strace $0x8000004F;
	[dreg:$0x1] =	wrdreg $0xFFFFFFFF  }
0xb6: {  	s28 =	simm.s32 $_size_execute0_lowered;
	s3 =	sadd.s32 s3, s5;
	[dreg:$0x0] =	wrdreg $0x0  }
0xb7: {  	s5 =	sshll.u32 s28, $0x1;
	[dreg:$0x2] =	wrdreg s3  }
0xb8: {  	[dreg:$0x3] =	wrdreg s5  }
0xb9: {  	[dreg:$0x4] =	wrdreg $0xC0  }
0xba: {  	_ =	task [dreg:s22], $0x5FFFF  }
0xbb: {  	[dreg:$0x1] =	wrdreg $0xFFFFFFFF  }
0xbc: {  	[dreg:$0x0] =	wrdreg $0x60  }
0xbd: {  	[dreg:$0x2] =	wrdreg s24  }
0xbe: {  	[dreg:$0x3] =	wrdreg $0x6A000  }
0xbf: {  	[dreg:$0x4] =	wrdreg $0xA  }
0xc0: {  	_ =	task.clear_ibuf [dreg:s22], $0x5FFFF;
	_ =	strace $0x9000004F  }
0xc1: {  	s29 =	simm.s32 $0xA;
	_ =	strace $0x80000051  }
0xc2: {  	_ =	swait.ge [sflag:s29], $0x1  }
0xc3: {  	[sflag:s29] =	ssyncadd.s32 $0xFFFFFFFF  }
0xc4: {  	_ =	strace $0x90000051  }
0xc5: {  	_ =	sfence  }
0xc6: {  	s30 =	sld [smem:$0x0];
	_ =	sdelay $0x2  }
0xc7: {  	s31 =	sshll.u32 s1, $0xD;
	s1 =	sshrl.u32 s1, $0x2  }
0xc8: {  	s4 =	sand.u32 $0x4000, s31;
	s1 =	sadd.s32 s1, s30  }
0xc9: {  	s0 =	sor.u32 s4, s0;
	s1 =	sshll.u32 s1, $0x11  }
0xca: {  	s0 =	sor.u32 s1, s0  }
0xcb: {  	s0 =	sadd.s32 $0x8F2B, s0  }
0xcc: {  	[sflag:s0] =	ssyncadd.remote.s32 $0x1  }
0xcd: {  	_ =	sfence.sel $0xFFFF  }
0xce: {  	[dreg:$0x0] =	wrdreg $0xFFFFFFFF;
	(pc) =	sbr.abs _section_cstart, $3  }
0xcf: {  	[dreg:$0x1] =	wrdreg $0xFFFFFFFF  }
0xd0: {  	_ =	task.clear_ibuf [dreg:s22], $0x2FFFF;
	_ =	strace $0x9FFFFFFF  }
0xd1: {  	(tm) =	ssettm $0x7FFFFFFF  }
tec
execute0_lowered:
.L_overlay_start_1:
0x0: {  	(tag) =	ssettag $0x1  }
0x1: {  	s0 =	rddreg [dreg:$0x0]  }
0x2: {  	s1 =	rddreg [dreg:$0x1]  }
0x3: {  	s2 =	simm.s32 $0x0;
	s3 =	srdreg.scid;
	s21 =	stileid.u32  }
0x4: {  	s28 =	simm.s32 $0x100;
	s29 =	simm.s32 $0x80;
	s30 =	simm.s32 $0x1  }
0x5: {  	s31 =	simm.s32 $0x180;
	[smem:$0x7FF] =	sst s2;
	s4 =	sadd.s32 $0x42400, s0  }
0x6: {  	s5 =	sadd.s32 $0x7600, s0;
	s3 =	sand.u32 $0x1, s3;
	s7 =	smul.u32 $0x50000, s21  }
0x7: {  	s12 =	sadd.s32 $0x11400, s0;
	s0 =	sadd.s32 $0x90800, s0;
	s11 =	smul.u32 $0x14000, s21  }
0x8: {  	s23 =	sshll.u32 s21, $0x1;
	s26 =	smul.u32 $0x4E20, s21;
	_ =	strace $0x80000050  }
0x9: {  	s6 =	ssub.s32 $0x2, s3;
	s24 =	sor.u32 s3, s23;
	s17 =	smul.u32 $0x140000, s3  }
0xa: {  	s3 =	smul.u32 $0x2710, s3;
	s8 =	sshrl.u32 s6, $0x1;
	s7 =	sshrl.u32 s7, $0x2  }
0xb: {  	s13 =	sadd.s32 $0x4000, s11;
	s14 =	sadd.s32 $0x8000, s11;
	s10 =	smul.u32 $0x2710, s24  }
0xc: {  	s16 =	sadd.s32 $0xC000, s11;
	s19 =	sadd.s32 $0x10000, s11;
	s18 =	ssub.s32 s6, s8  }
0xd: {  	s6 =	sadd.s32 s7, s1;
	s7 =	sadd.s32 s13, s1;
	s8 =	sadd.s32 s14, s1  }
0xe: {  	s9 =	sadd.s32 s16, s1;
	s11 =	sadd.s32 s11, s17;
	s13 =	sadd.s32 s17, s13  }
0xf: {  	s14 =	sadd.s32 s17, s14;
	s22 =	sadd.s32 s17, s16;
	s23 =	sadd.s32 s17, s19  }
0x10: {  	s3 =	sadd.s32 s3, s26;
	s15 =	sshrl.u32 s10, $0x3;
	s10 =	sadd.s32 s19, s1  }
0x11: {  	s11 =	sshrl.u32 s11, $0x3;
	s13 =	sshrl.u32 s13, $0x3;
	s14 =	sshrl.u32 s14, $0x3  }
0x12: {  	s17 =	sshrl.u32 s23, $0x3;
	s24 =	sadd.s32 $0x50, s3;
	s18 =	smax.u32 s18, $0x1  }
0x13: {  	s26 =	sshrl.u32 s3, $0x3;
	s20 =	sadd.s32 s12, s15;
	s15 =	sadd.s32 s5, s15  }
0x14: {  	s23 =	simm.s32 $0x2A00;
	s11 =	sadd.s32 s0, s11;
	[dreg:$0x3] =	wrdreg s15  }
0x15: {  	s17 =	sadd.s32 s0, s17;
	s25 =	sadd.s32 $0x4D8, s20;
	[dreg:$0x5] =	wrdreg s11  }
0x16: {  	s15 =	sadd.s32 s0, s13;
	s11 =	sshrl.u32 s22, $0x3;
	[dreg:$0x4] =	wrdreg s25  }
0x17: {  	s22 =	sadd.s32 s26, s12;
	s26 =	simm.s32 $0x200;
	[dreg:$0x6] =	wrdreg s15  }
0x18: {  	s15 =	sadd.s32 s0, s14;
	s16 =	sadd.s32 s0, s11;
	s25 =	sshrl.u32 s24, $0x3  }
0x19: {  	s11 =	sadd.s32 $0xA0, s3;
	s24 =	simm.s32 $0x2;
	s0 =	simm.s32 $0x0  }
0x1a: {  	v0 =	vimm.f32 $0.0e+00;
	s19 =	sadd.s32 s25, s12;
	s20 =	sadd.s32 s25, s5;
	s25 =	simm.s32 $0x50  }
.LBB2_1:
0x1b: {  	s3 =	simm.s32 $0x0  }
0x1c: {  	s12 =	sand.u32 $0xFFFFFF80, s3  }
0x1d: {  	s12 =	ssub.s32 $0x0, s12  }
0x1e: {  	s3 =	sand.u32 $0x3FFFFF80, s3;
	s12 =	sand.u32 $0xFFFFFF80, s12  }
0x1f: {  	s21 =	sand.u32 $0x70, s2;
	s12 =	sadd.s32 s12, s3  }
0x20: {  	s3 =	simm.s32 $0x1;
	s12 =	sor.u32 s21, s12;
	s21 =	simm.s32 $0x0  }
.LBB2_2:
0x21: {  	s13 =	sshll.u32 s3, $0x4;
	p0 =	sne.s32 s3, $0x3FF;
	s3 =	sadd.s32 $0x1, s3;
	[tilespmem:s12+$0x2A00] =	vst v0  }
.Ltmp0:
0x22: {  	s21 =	sadd.s32 $0x10, s21;
	s12 =	sand.u32 $0xFFFFFF80, s13;
	(pc) =	sbr.rel @p0 .LBB2_2-.Ltmp0, $4  }
0x23: {  	s12 =	ssub.s32 s21, s12  }
0x24: {  	s13 =	sand.u32 $0x3FFFFF80, s13;
	s12 =	sand.u32 $0xFFFFFF80, s12  }
0x25: {  	s14 =	sand.u32 $0x70, s21;
	s12 =	sadd.s32 s12, s13  }
0x26: {  	s12 =	sor.u32 s14, s12  }
0x27: {  	[tilespmem:s12+$0x2A00] =	vst v0  }
0x28: {  	[spmem:s6] =	stream.linear.scatter [tilespmem:s23], [sflag:$0x2], $0x4000, $0x38;
	[tilespmem:$0x1AA00] =	vst v63  }
0x29: {  	_ =	swait.ge [sflag:s24], $0x4000  }
0x2a: {  	[sflag:s24] =	ssyncset.done $0x0  }
0x2b: {  	[sflag:s24] =	ssyncadd.s32 $0xFFFFC000  }
0x2c: {  	[spmem:s7] =	stream.linear.scatter [tilespmem:s23], [sflag:$0x2], $0x4000, $0x38;
	[tilespmem:$0x1AA00] =	vst v63  }
0x2d: {  	_ =	swait.ge [sflag:s24], $0x4000  }
0x2e: {  	[sflag:s24] =	ssyncset.done $0x0  }
0x2f: {  	[sflag:s24] =	ssyncadd.s32 $0xFFFFC000  }
0x30: {  	[spmem:s8] =	stream.linear.scatter [tilespmem:s23], [sflag:$0x2], $0x4000, $0x38;
	[tilespmem:$0x1AA00] =	vst v63  }
0x31: {  	_ =	swait.ge [sflag:s24], $0x4000  }
0x32: {  	[sflag:s24] =	ssyncset.done $0x0  }
0x33: {  	[sflag:s24] =	ssyncadd.s32 $0xFFFFC000  }
0x34: {  	[spmem:s9] =	stream.linear.scatter [tilespmem:s23], [sflag:$0x2], $0x4000, $0x38;
	[tilespmem:$0x1AA00] =	vst v63  }
0x35: {  	_ =	swait.ge [sflag:s24], $0x4000  }
0x36: {  	[sflag:s24] =	ssyncset.done $0x0  }
0x37: {  	[sflag:s24] =	ssyncadd.s32 $0xFFFFC000  }
0x38: {  	[spmem:s10] =	stream.linear.scatter [tilespmem:s23], [sflag:$0x2], $0x4000, $0x38;
	[tilespmem:$0x1AA00] =	vst v63  }
0x39: {  	_ =	swait.ge [sflag:s24], $0x4000  }
0x3a: {  	[sflag:s24] =	ssyncset.done $0x0  }
0x3b: {  	[sflag:s24] =	ssyncadd.s32 $0xFFFFC000  }
0x3c: {  	[bflag:$0x0] =	sbarrier.arrive $0xFFFF  }
0x3d: {  	s3 =	simm.s32 $0x0;
	s21 =	rddreg [dreg:$0x3]  }
0x3e: {  	[tilespmem:s3], [sflag:$0x2] =	stream.linear.gather [hbm4b:s21+s3], $0x50, $0x38;
	[tilespmem:$0x1AA00] =	vst v63  }
0x3f: {  	_ =	swait.ge [sflag:s24], $0x50  }
0x40: {  	[sflag:s24] =	ssyncset.done $0x0  }
0x41: {  	[sflag:s24] =	ssyncadd.s32 $0xFFFFFFB0  }
0x42: {  	[tilespmem:s26], [sflag:$0x1] =	stream.indirect.gather [hbm4b:s4+s25], $0x80, s2, s25, $0xb8;
	[tilespmem:$0x1AA00] =	vst v63  }
0x43: {  	s12 =	sadd.s32 $0x0, s22  }
0x44: {  	[tilespmem:s28], [sflag:$0x2] =	stream.linear.gather [hbm4b:s12+s2], $0x50, $0x38;
	[tilespmem:$0x1AA00] =	vst v63  }
0x45: {  	_ =	swait.ge [sflag:s24], $0x50  }
0x46: {  	[sflag:s24] =	ssyncset.done $0x0  }
0x47: {  	s13 =	sadd.s32 $0x0, s20;
	[sflag:s24] =	ssyncadd.s32 $0xFFFFFFB0  }
0x48: {  	[tilespmem:s29], [sflag:$0x2] =	stream.linear.gather [hbm4b:s13+s2], $0x50, $0x38;
	[tilespmem:$0x1AA00] =	vst v63  }
0x49: {  	_ =	swait.ge [sflag:s24], $0x50  }
0x4a: {  	[sflag:s24] =	ssyncset.done $0x0  }
0x4b: {  	[sflag:s24] =	ssyncadd.s32 $0xFFFFFFB0  }
0x4c: {  	_ =	swait.ge [sflag:s30], $0x2800  }
0x4d: {  	[sflag:s30] =	ssyncset.done $0x0  }
0x4e: {  	[sflag:s30] =	ssyncadd.s32 $0xFFFFD800  }
0x4f: {  	[spmem:s1] =	stream.indirect.scatter.add.f32 [tilespmem:s26], [sflag:$0x2], $0x80, s28, s25, $0xb8;
	[tilespmem:$0x1AA00] =	vst v63  }
0x50: {  	_ =	swait.ge [sflag:s24], $0x2800  }
0x51: {  	[sflag:s24] =	ssyncset.done $0x0  }
0x52: {  	[sflag:s24] =	ssyncadd.s32 $0xFFFFD800  }
0x53: {  	[tilespmem:s26], [sflag:$0x1] =	stream.indirect.gather [hbm4b:s4+s25], $0x80, s29, s25, $0xb8;
	[tilespmem:$0x1AA00] =	vst v63  }
0x54: {  	s14 =	sadd.s32 $0x0, s19  }
0x55: {  	[tilespmem:s31], [sflag:$0x2] =	stream.linear.gather [hbm4b:s14+s2], $0x50, $0x38;
	[tilespmem:$0x1AA00] =	vst v63  }
0x56: {  	_ =	swait.ge [sflag:s24], $0x50  }
0x57: {  	s21 =	sshrl.u32 s11, $0x3;
	[sflag:s24] =	ssyncset.done $0x0  }
0x58: {  	s3 =	sadd.s32 s5, s21;
	[sflag:s24] =	ssyncadd.s32 $0xFFFFFFB0  }
0x59: {  	[tilespmem:s2], [sflag:$0x2] =	stream.linear.gather [hbm4b:s3+s2], $0x50, $0x38;
	[tilespmem:$0x1AA00] =	vst v63  }
0x5a: {  	_ =	swait.ge [sflag:s24], $0x50  }
0x5b: {  	[sflag:s24] =	ssyncset.done $0x0  }
0x5c: {  	[sflag:s24] =	ssyncadd.s32 $0xFFFFFFB0  }
0x5d: {  	_ =	swait.ge [sflag:s30], $0x2800  }
0x5e: {  	[sflag:s30] =	ssyncset.done $0x0  }
0x5f: {  	[sflag:s30] =	ssyncadd.s32 $0xFFFFD800  }
0x60: {  	[spmem:s1] =	stream.indirect.scatter.add.f32 [tilespmem:s26], [sflag:$0x2], $0x80, s31, s25, $0xb8;
	[tilespmem:$0x1AA00] =	vst v63  }
0x61: {  	_ =	swait.ge [sflag:s24], $0x2800  }
0x62: {  	s21 =	smov.u32 s11;
	s3 =	simm.s32 $0x14;
	[sflag:s24] =	ssyncset.done $0x0  }
.LBB2_4:
0x63: {  	p0 =	sne.s32 s3, $0x4C4;
	[sflag:s24] =	ssyncadd.s32 $0xFFFFD800;
	s21 =	sadd.s32 $0xA0, s21  }
0x64: {  	[tilespmem:s26], [sflag:$0x1] =	stream.indirect.gather [hbm4b:s4+s25], $0x80, s2, s25, $0xb8;
	[tilespmem:$0x1AA00] =	vst v63  }
0x65: {  	s12 =	sadd.s32 s3, s22;
	s13 =	smov.u32 s3;
	s3 =	sadd.s32 $0x14, s3  }
0x66: {  	[tilespmem:s28], [sflag:$0x2] =	stream.linear.gather [hbm4b:s12+s2], $0x50, $0x38;
	[tilespmem:$0x1AA00] =	vst v63  }
0x67: {  	_ =	swait.ge [sflag:s24], $0x50  }
0x68: {  	[sflag:s24] =	ssyncset.done $0x0  }
0x69: {  	s12 =	sadd.s32 s13, s20;
	[sflag:s24] =	ssyncadd.s32 $0xFFFFFFB0  }
0x6a: {  	[tilespmem:s29], [sflag:$0x2] =	stream.linear.gather [hbm4b:s12+s2], $0x50, $0x38;
	[tilespmem:$0x1AA00] =	vst v63  }
0x6b: {  	_ =	swait.ge [sflag:s24], $0x50  }
0x6c: {  	[sflag:s24] =	ssyncset.done $0x0  }
0x6d: {  	[sflag:s24] =	ssyncadd.s32 $0xFFFFFFB0  }
0x6e: {  	_ =	swait.ge [sflag:s30], $0x2800  }
0x6f: {  	[sflag:s30] =	ssyncset.done $0x0  }
0x70: {  	[sflag:s30] =	ssyncadd.s32 $0xFFFFD800  }
0x71: {  	[spmem:s1] =	stream.indirect.scatter.add.f32 [tilespmem:s26], [sflag:$0x2], $0x80, s28, s25, $0xb8;
	[tilespmem:$0x1AA00] =	vst v63  }
0x72: {  	_ =	swait.ge [sflag:s24], $0x2800  }
0x73: {  	[sflag:s24] =	ssyncset.done $0x0  }
0x74: {  	[sflag:s24] =	ssyncadd.s32 $0xFFFFD800  }
0x75: {  	[tilespmem:s26], [sflag:$0x1] =	stream.indirect.gather [hbm4b:s4+s25], $0x80, s29, s25, $0xb8;
	[tilespmem:$0x1AA00] =	vst v63  }
0x76: {  	s12 =	sadd.s32 s13, s19  }
0x77: {  	[tilespmem:s31], [sflag:$0x2] =	stream.linear.gather [hbm4b:s12+s2], $0x50, $0x38;
	[tilespmem:$0x1AA00] =	vst v63  }
0x78: {  	_ =	swait.ge [sflag:s24], $0x50  }
0x79: {  	s12 =	sshrl.u32 s21, $0x3;
	[sflag:s24] =	ssyncset.done $0x0  }
0x7a: {  	s12 =	sadd.s32 s5, s12;
	[sflag:s24] =	ssyncadd.s32 $0xFFFFFFB0  }
0x7b: {  	[tilespmem:s2], [sflag:$0x2] =	stream.linear.gather [hbm4b:s12+s2], $0x50, $0x38;
	[tilespmem:$0x1AA00] =	vst v63  }
0x7c: {  	_ =	swait.ge [sflag:s24], $0x50  }
0x7d: {  	[sflag:s24] =	ssyncset.done $0x0  }
0x7e: {  	[sflag:s24] =	ssyncadd.s32 $0xFFFFFFB0  }
0x7f: {  	_ =	swait.ge [sflag:s30], $0x2800  }
.Ltmp1:
0x80: {  	[sflag:s30] =	ssyncset.done $0x0;
	(pc) =	sbr.rel @p0 .LBB2_4-.Ltmp1, $4  }
0x81: {  	[sflag:s30] =	ssyncadd.s32 $0xFFFFD800  }
0x82: {  	[spmem:s1] =	stream.indirect.scatter.add.f32 [tilespmem:s26], [sflag:$0x2], $0x80, s31, s25, $0xb8;
	[tilespmem:$0x1AA00] =	vst v63  }
0x83: {  	_ =	swait.ge [sflag:s24], $0x2800  }
0x84: {  	[sflag:s24] =	ssyncset.done $0x0  }
0x85: {  	[sflag:s24] =	ssyncadd.s32 $0xFFFFD800  }
0x86: {  	[tilespmem:s26], [sflag:$0x1] =	stream.indirect.gather [hbm4b:s4+s25], $0x80, s2, s25, $0xb8;
	[tilespmem:$0x1AA00] =	vst v63  }
0x87: {  	s3 =	rddreg [dreg:$0x4]  }
0x88: {  	[tilespmem:s28], [sflag:$0x2] =	stream.linear.gather [hbm4b:s3+s2], $0x50, $0x38;
	[tilespmem:$0x1AA00] =	vst v63  }
0x89: {  	_ =	swait.ge [sflag:s24], $0x50  }
0x8a: {  	[sflag:s24] =	ssyncset.done $0x0  }
0x8b: {  	[sflag:s24] =	ssyncadd.s32 $0xFFFFFFB0  }
0x8c: {  	_ =	swait.ge [sflag:s30], $0x2800  }
0x8d: {  	[sflag:s30] =	ssyncset.done $0x0  }
0x8e: {  	[sflag:s30] =	ssyncadd.s32 $0xFFFFD800  }
0x8f: {  	[spmem:s1] =	stream.indirect.scatter.add.f32 [tilespmem:s26], [sflag:$0x2], $0x80, s28, s25, $0xb8;
	[tilespmem:$0x1AA00] =	vst v63  }
0x90: {  	_ =	swait.ge [sflag:s24], $0x2800  }
0x91: {  	[sflag:s24] =	ssyncset.done $0x0  }
0x92: {  	[sflag:s24] =	ssyncadd.s32 $0xFFFFD800  }
0x93: {  	[bflag:$0x0] =	sbarrier.arrive $0xFFFF  }
0x94: {  	[tilespmem:s23], [sflag:$0x2] =	stream.linear.gather [spmem:s6], $0x4000, $0x38;
	[tilespmem:$0x1AA00] =	vst v63  }
0x95: {  	_ =	swait.ge [sflag:s24], $0x4000  }
0x96: {  	[sflag:s24] =	ssyncset.done $0x0  }
0x97: {  	s14 =	rddreg [dreg:$0x5];
	[sflag:s24] =	ssyncadd.s32 $0xFFFFC000  }
0x98: {  	[hbm4b:s14+s2] =	stream.linear.scatter [tilespmem:s23], [sflag:$0x2], $0x4000, $0x38;
	[tilespmem:$0x1AA00] =	vst v63  }
0x99: {  	_ =	swait.ge [sflag:s24], $0x4000  }
0x9a: {  	[sflag:s24] =	ssyncset.done $0x0  }
0x9b: {  	[sflag:s24] =	ssyncadd.s32 $0xFFFFC000  }
0x9c: {  	[tilespmem:s23], [sflag:$0x2] =	stream.linear.gather [spmem:s7], $0x4000, $0x38;
	[tilespmem:$0x1AA00] =	vst v63  }
0x9d: {  	_ =	swait.ge [sflag:s24], $0x4000  }
0x9e: {  	[sflag:s24] =	ssyncset.done $0x0  }
0x9f: {  	s21 =	rddreg [dreg:$0x6];
	[sflag:s24] =	ssyncadd.s32 $0xFFFFC000  }
0xa0: {  	[hbm4b:s21+s2] =	stream.linear.scatter [tilespmem:s23], [sflag:$0x2], $0x4000, $0x38;
	[tilespmem:$0x1AA00] =	vst v63  }
0xa1: {  	_ =	swait.ge [sflag:s24], $0x4000  }
0xa2: {  	[sflag:s24] =	ssyncset.done $0x0  }
0xa3: {  	[sflag:s24] =	ssyncadd.s32 $0xFFFFC000  }
0xa4: {  	[tilespmem:s23], [sflag:$0x2] =	stream.linear.gather [spmem:s8], $0x4000, $0x38;
	[tilespmem:$0x1AA00] =	vst v63  }
0xa5: {  	_ =	swait.ge [sflag:s24], $0x4000  }
0xa6: {  	[sflag:s24] =	ssyncset.done $0x0  }
0xa7: {  	[sflag:s24] =	ssyncadd.s32 $0xFFFFC000  }
0xa8: {  	[hbm4b:s15+s2] =	stream.linear.scatter [tilespmem:s23], [sflag:$0x2], $0x4000, $0x38;
	[tilespmem:$0x1AA00] =	vst v63  }
0xa9: {  	_ =	swait.ge [sflag:s24], $0x4000  }
0xaa: {  	[sflag:s24] =	ssyncset.done $0x0  }
0xab: {  	[sflag:s24] =	ssyncadd.s32 $0xFFFFC000  }
0xac: {  	[tilespmem:s23], [sflag:$0x2] =	stream.linear.gather [spmem:s9], $0x4000, $0x38;
	[tilespmem:$0x1AA00] =	vst v63  }
0xad: {  	_ =	swait.ge [sflag:s24], $0x4000  }
0xae: {  	[sflag:s24] =	ssyncset.done $0x0  }
0xaf: {  	[sflag:s24] =	ssyncadd.s32 $0xFFFFC000  }
0xb0: {  	[hbm4b:s16+s2] =	stream.linear.scatter [tilespmem:s23], [sflag:$0x2], $0x4000, $0x38;
	[tilespmem:$0x1AA00] =	vst v63  }
0xb1: {  	_ =	swait.ge [sflag:s24], $0x4000  }
0xb2: {  	[sflag:s24] =	ssyncset.done $0x0  }
0xb3: {  	[sflag:s24] =	ssyncadd.s32 $0xFFFFC000  }
0xb4: {  	[tilespmem:s23], [sflag:$0x2] =	stream.linear.gather [spmem:s10], $0x4000, $0x38;
	[tilespmem:$0x1AA00] =	vst v63  }
0xb5: {  	s0 =	sadd.s32 $0x1, s0;
	_ =	swait.ge [sflag:s24], $0x4000  }
0xb6: {  	p0 =	sne.s32 s0, s18;
	[sflag:s24] =	ssyncset.done $0x0  }
.Ltmp2:
0xb7: {  	[sflag:s24] =	ssyncadd.s32 $0xFFFFC000;
	(pc) =	sbr.rel @p0 .LBB2_1-.Ltmp2, $4  }
0xb8: {  	[hbm4b:s17+s2] =	stream.linear.scatter [tilespmem:s23], [sflag:$0x2], $0x4000, $0x38;
	[tilespmem:$0x1AA00] =	vst v63  }
0xb9: {  	_ =	swait.ge [sflag:s24], $0x4000  }
0xba: {  	[sflag:s24] =	ssyncset.done $0x0  }
0xbb: {  	[sflag:s24] =	ssyncadd.s32 $0xFFFFC000  }
0xbc: {  	_ =	sfence.sel $0x180000  }
0xbd: {  	[bflag:$0x0] =	sbarrier.arrive $0xFFFF  }
0xbe: {  	_ =	strace $0x90000050  }
0xbf: {  	s0 =	stileid.u32;
	[bflag:$0x2] =	sbarrier.arrive $0xFFFF  }
0xc0: {  	p0 =	sne.s32 s0, $0x0;
	s0 =	rddreg [dreg:$0x2]  }
0xc1: {  	s0 =	sadd.s32 @!p0 $0x100000, s0  }
0xc2: {  	[sflag:s0] =	ssyncadd.tile.s32 @!p0 $0x1;
	_ =	shalt  }
.Lfunc_end2:
_tile_overlayer_lowered:
.L_overlay_start_2:
0xc3: {  	(tag) =	ssettag $0x2  }
0xc4: {  	s0 =	rddreg [dreg:$0x0];
	s2 =	stileid.u32  }
0xc5: {  	s1 =	rddreg [dreg:$0x1];
	p0 =	sne.s32 s2, $0x0  }
0xc6: {  	s3 =	rddreg [dreg:$0x2];
	[bflag:$0x3] =	sbarrier.arrive $0xFFFF;
	s2 =	simm.s32 @!p0 $0x1C02  }
0xc7: {  	[timem:s3], [sflag:s2] =	dma.local @!p0 [hbm:s0], s1  }
0xc8: {  	s0 =	simm.s32 @!p0 $0x2  }
0xc9: {  	_ =	swait.ge @!p0 [sflag:s0], s1  }
0xca: {  	s1 =	ssub.s32 @!p0 $0x0, s1;
	[sflag:s0] =	ssyncset.done @!p0 $0x0  }
0xcb: {  	[sflag:s0] =	ssyncadd.s32 @!p0 s1  }
0xcc: {  	[bflag:$0x3] =	sbarrier.arrive $0xFFFF  }
0xcd: {  	_ =	shalt  }

</sc_bundles>
